<compile_context>
chip_gen: v7x
topology: tpu7x:2x2x1
jax: 0.10.2.dev20260603
libtpu: 0.0.44.dev20260713+nightly
codegen_flags: <defaults>
</compile_context>

<pallas_src>
import functools

import jax
import jax.numpy as jnp
from jax import lax
from jax.experimental import pallas as pl
from jax.experimental.pallas import tpu as pltpu
from jax.experimental.pallas import tpu_sc as plsc

B = 1024
L = 200
D = 128
V = 73

NC = 2
NS = 16
NW = NC * NS
TPW = (B * L) // NW
CHUNK = 128
NCHUNK = TPW // CHUNK
NBUF = 6
IDX_ROWS = TPW // 128


def _positional_encoding():
    even_i = jnp.arange(0, D, 2, dtype=jnp.float32)
    denominator = jnp.power(10000.0, even_i / D)
    position = jnp.arange(L, dtype=jnp.float32).reshape(L, 1)
    even_pe = jnp.sin(position / denominator)
    odd_pe = jnp.cos(position / denominator)
    stacked = jnp.stack([even_pe, odd_pe], axis=2)
    return stacked.reshape(L, -1)


def _fuse_kernel(emb_ref, pos_ref, f_ref):
    f_ref[...] = emb_ref[...][None, :, :] + pos_ref[...][:, None, :]


def _build_fused_table(emb, pos):
    return pl.pallas_call(
        _fuse_kernel,
        out_shape=jax.ShapeDtypeStruct((L, V, D), jnp.float32),
    )(emb, pos)


def _sc_body(f_hbm, tok_hbm, off_hbm, out_hbm,
             tok_v, off_v, idx_v, bufs, sem_g, sem_w):
    wid = lax.axis_index("s") * NC + lax.axis_index("c")
    base = wid * TPW

    pltpu.sync_copy(tok_hbm.at[pl.ds(base, TPW)], tok_v)
    pltpu.sync_copy(off_hbm, off_v)

    def idx_row(r, _):
        for k in range(8):
            s = r * 128 + k * 16
            idx_v[r, pl.ds(k * 16, 16)] = (
                tok_v[pl.ds(s, 16)] + off_v[pl.ds(s, 16)]
            )
        return 0

    lax.fori_loop(0, IDX_ROWS, idx_row, 0)

    def gather(c):
        return pltpu.async_copy(f_hbm.at[idx_v.at[c]],
                                bufs.at[c % NBUF], sem_g.at[c % NBUF])

    gs = [None] * NCHUNK
    writes = [None] * NCHUNK
    for c in range(NBUF - 1):
        gs[c] = gather(c)
    for c in range(NCHUNK):
        gs[c].wait()
        writes[c] = pltpu.async_copy(
            bufs.at[c % NBUF], out_hbm.at[pl.ds(base + c * CHUNK, CHUNK)],
            sem_w.at[c % NBUF])
        if c + NBUF - 1 < NCHUNK:
            if c >= 1:
                writes[c - 1].wait()
            gs[c + NBUF - 1] = gather(c + NBUF - 1)
    for c in range(NCHUNK - NBUF, NCHUNK):
        writes[c].wait()


@functools.partial(jax.jit, donate_argnums=())
def _run(tokens_flat, f_flat, off):
    mesh = plsc.VectorSubcoreMesh(core_axis_name="c", subcore_axis_name="s")
    gather = functools.partial(
        pl.kernel,
        mesh=mesh,
        out_type=jax.ShapeDtypeStruct((B * L, D), jnp.float32),
        scratch_types=[
            pltpu.VMEM((TPW,), jnp.int32),
            pltpu.VMEM((TPW,), jnp.int32),
            pltpu.VMEM((IDX_ROWS, 128), jnp.int32),
            pltpu.VMEM((NBUF, CHUNK, D), jnp.float32),
            pltpu.SemaphoreType.DMA((NBUF,)),
            pltpu.SemaphoreType.DMA((NBUF,)),
        ],
    )(_sc_body)
    return gather(f_flat, tokens_flat, off)


def kernel(tokens, emb_table):
    pos = _positional_encoding()
    f = _build_fused_table(emb_table, pos).reshape(L * V, D)
    tokens_flat = tokens.reshape(-1).astype(jnp.int32)
    off = (jnp.arange(TPW, dtype=jnp.int32) % L) * V
    out = _run(tokens_flat, f, off)
    return out.reshape(B, L, D)

# --- scband reference (transcript-rebuilt; emitter-appended) ---
"""Pipeline reference for scband-sentence-embedding-12146167513263 (READ-ONLY COPY).

The authoritative reference and input builder live on the scoring server;
editing this copy changes nothing except your own understanding.
"""

import jax, jax.numpy as jnp
import numpy as np

BATCH = 1024
MAX_SEQ = 200
D_MODEL = 128
VOCAB = 73  # len(language_to_ix)


def positional_encoding(d_model, max_sequence_length):
    even_i = jnp.arange(0, d_model, 2, dtype=jnp.float32)
    denominator = jnp.power(10000.0, even_i / d_model)
    position = jnp.arange(max_sequence_length, dtype=jnp.float32).reshape(max_sequence_length, 1)
    even_PE = jnp.sin(position / denominator)
    odd_PE = jnp.cos(position / denominator)
    stacked = jnp.stack([even_PE, odd_PE], axis=2)
    PE = stacked.reshape(max_sequence_length, -1)
    return PE


def setup_inputs(seed: int = 0) -> dict:
    key = jax.random.key(seed)
    k1, k2 = jax.random.split(key)
    # batch_tokenize in the original converts strings -> int token ids padded to
    # max_sequence_length; we model its output directly as pre-tokenized indices.
    tokens = jax.random.randint(k1, (BATCH, MAX_SEQ), 0, VOCAB, dtype=jnp.int64 if jax.config.jax_enable_x64 else jnp.int32)
    emb_table = jax.random.normal(k2, (VOCAB, D_MODEL), dtype=jnp.float32) * 0.02
    return {"tokens": tokens, "emb_table": emb_table}


def reference(tokens, emb_table):
    # Embedding lookup (gather)
    x = jnp.take(emb_table, tokens, axis=0)  # [B, L, d_model]
    # Positional encoding, broadcast-added over batch
    pos = positional_encoding(emb_table.shape[1], tokens.shape[1])  # [L, d_model]
    out = x + pos[None, :, :]
    # Dropout(0.1) is identity at inference time
    return out

if __name__ == "__main__":
    import jax
    _d = setup_inputs()
    print(jax.jit(kernel)(*tuple(_d.values())))

</pallas_src>

<mosaic_0001>
#map = affine_map<(d0, d1) -> (0, 0)>
#map1 = affine_map<(d0, d1) -> (0)>
module attributes {stable_mosaic.version = 14 : i64} {
  func.func @_sc_body(%arg0: i32, %arg1: i32, %arg2: memref<14600x128xf32, #tpu.memory_space<hbm>>, %arg3: memref<204800xi32, #tpu.memory_space<hbm>>, %arg4: memref<6400xi32, #tpu.memory_space<hbm>>, %arg5: memref<204800x128xf32, #tpu.memory_space<hbm>>, %arg6: memref<6400xi32, #tpu.memory_space<vmem>>, %arg7: memref<6400xi32, #tpu.memory_space<vmem>>, %arg8: memref<50x128xi32, #tpu.memory_space<vmem>>, %arg9: memref<6x128x128xf32, #tpu.memory_space<vmem>>, %arg10: memref<6x!tpu.dma_semaphore, #tpu.memory_space<semaphore_mem>>, %arg11: memref<6x!tpu.dma_semaphore, #tpu.memory_space<semaphore_mem>>) attributes {dimension_semantics = [#tpu.dimension_semantics<core_parallel>, #tpu.dimension_semantics<subcore_parallel>], iteration_bounds = array<i64: 2, 16>, scalar_prefetch = 0 : i64, scratch_operands = 6 : i64, tpu.core_type = #tpu.core_type<sc_vector_subcore>, window_params = [{transform_indices = #map}, {transform_indices = #map1}, {transform_indices = #map1}, {transform_indices = #map}]} {
    %mul3A = arith.constant 2 : i32
    %mul3A_0 = arith.muli %arg1, %mul3A : i32
    %add3A = arith.addi %mul3A_0, %arg0 : i32
    %mul3A_1 = arith.constant 6400 : i32
    %mul3A_2 = arith.muli %add3A, %mul3A_1 : i32
    "tpu.region"() ({
      %run_scoped3A = tpu.sem_alloc : memref<!tpu.dma_semaphore, #tpu.memory_space<semaphore_mem>>
      %dma_start3A_3207 = tpu.memref_slice %arg3[%mul3A_2] : memref<204800xi32, #tpu.memory_space<hbm>> -> memref<6400xi32, #tpu.memory_space<hbm>>
      %dma_start3A_3208 = tpu.memref_slice %arg3[%mul3A_2] : memref<204800xi32, #tpu.memory_space<hbm>> -> memref<6400xi32, #tpu.memory_space<hbm>>
      tpu.enqueue_dma source(%dma_start3A_3208 : memref<6400xi32, #tpu.memory_space<hbm>>) target(%arg6 : memref<6400xi32, #tpu.memory_space<vmem>>) target_semaphore(%run_scoped3A : memref<!tpu.dma_semaphore, #tpu.memory_space<semaphore_mem>>)
      %dma_wait3A_3209 = tpu.memref_slice %arg3[%mul3A_2] : memref<204800xi32, #tpu.memory_space<hbm>> -> memref<6400xi32, #tpu.memory_space<hbm>>
      %dma_wait3A_3210 = tpu.memref_slice %arg3[%mul3A_2] : memref<204800xi32, #tpu.memory_space<hbm>> -> memref<6400xi32, #tpu.memory_space<hbm>>
      tpu.wait_dma2 semaphore(%run_scoped3A : memref<!tpu.dma_semaphore, #tpu.memory_space<semaphore_mem>>) src(%dma_wait3A_3210 : memref<6400xi32, #tpu.memory_space<hbm>>) dst(%arg6 : memref<6400xi32, #tpu.memory_space<vmem>>)
      tpu.yield
    }) : () -> ()
    "tpu.region"() ({
      %run_scoped3A = tpu.sem_alloc : memref<!tpu.dma_semaphore, #tpu.memory_space<semaphore_mem>>
      tpu.enqueue_dma source(%arg4 : memref<6400xi32, #tpu.memory_space<hbm>>) target(%arg7 : memref<6400xi32, #tpu.memory_space<vmem>>) target_semaphore(%run_scoped3A : memref<!tpu.dma_semaphore, #tpu.memory_space<semaphore_mem>>)
      tpu.wait_dma2 semaphore(%run_scoped3A : memref<!tpu.dma_semaphore, #tpu.memory_space<semaphore_mem>>) src(%arg4 : memref<6400xi32, #tpu.memory_space<hbm>>) dst(%arg7 : memref<6400xi32, #tpu.memory_space<vmem>>)
      tpu.yield
    }) : () -> ()
    %scan3A = arith.constant 0 : i32
    %scan3A_3 = arith.constant 0 : i32
    %scan3A_4 = arith.constant 50 : i32
    %scan3A_5 = arith.addi %scan3A_3, %scan3A_4 : i32
    %scan3A_6 = arith.constant 1 : i32
    %scan3A_7 = scf.for %scan3A_3207 = %scan3A_3 to %scan3A_5 step %scan3A_6 iter_args(%scan3A_3208 = %scan3A) -> (i32)  : i32 {
      %mul3A_3209 = arith.constant 128 : i32
      %mul3A_3210 = arith.muli %scan3A_3207, %mul3A_3209 : i32
      %add3A_3211 = arith.constant 0 : i32
      %add3A_3212 = arith.addi %mul3A_3210, %add3A_3211 : i32
      %get3A = arith.index_cast %add3A_3212 : i32 to index
      %get3A_3213 = tpu.vector_load %arg6[%get3A] {strides = array<i32>} : memref<6400xi32, #tpu.memory_space<vmem>>, vector<16xi32>,
      %get3A_3214 = vector.shape_cast %get3A_3213 : vector<16xi32> to vector<16xi32>
      %get3A_3215 = arith.index_cast %add3A_3212 : i32 to index
      %get3A_3216 = tpu.vector_load %arg7[%get3A_3215] {strides = array<i32>} : memref<6400xi32, #tpu.memory_space<vmem>>, vector<16xi32>,
      %get3A_3217 = vector.shape_cast %get3A_3216 : vector<16xi32> to vector<16xi32>
      %add3A_3218 = arith.addi %get3A_3214, %get3A_3217 : vector<16xi32>
      %swap3A = arith.index_cast %scan3A_3207 : i32 to index
      %swap3A_3219 = arith.constant 0 : index
      %swap3A_3220 = tpu.vector_load %arg8[%swap3A, %swap3A_3219] {strides = array<i32>} : memref<50x128xi32, #tpu.memory_space<vmem>>, vector<1x16xi32>,
      %swap3A_3221 = vector.shape_cast %swap3A_3220 : vector<1x16xi32> to vector<16xi32>
      %swap3A_3222 = vector.shape_cast %add3A_3218 : vector<16xi32> to vector<1x16xi32>
      tpu.vector_store %arg8[%swap3A, %swap3A_3219], %swap3A_3222 {strides = array<i32>} : memref<50x128xi32, #tpu.memory_space<vmem>>, vector<1x16xi32>,
      %mul3A_3223 = arith.constant 128 : i32
      %mul3A_3224 = arith.muli %scan3A_3207, %mul3A_3223 : i32
      %add3A_3225 = arith.constant 16 : i32
      %add3A_3226 = arith.addi %mul3A_3224, %add3A_3225 : i32
      %get3A_3227 = arith.index_cast %add3A_3226 : i32 to index
      %get3A_3228 = tpu.vector_load %arg6[%get3A_3227] {strides = array<i32>} : memref<6400xi32, #tpu.memory_space<vmem>>, vector<16xi32>,
      %get3A_3229 = vector.shape_cast %get3A_3228 : vector<16xi32> to vector<16xi32>
      %get3A_3230 = arith.index_cast %add3A_3226 : i32 to index
      %get3A_3231 = tpu.vector_load %arg7[%get3A_3230] {strides = array<i32>} : memref<6400xi32, #tpu.memory_space<vmem>>, vector<16xi32>,
      %get3A_3232 = vector.shape_cast %get3A_3231 : vector<16xi32> to vector<16xi32>
      %add3A_3233 = arith.addi %get3A_3229, %get3A_3232 : vector<16xi32>
      %swap3A_3234 = arith.index_cast %scan3A_3207 : i32 to index
      %swap3A_3235 = arith.constant 16 : index
      %swap3A_3236 = tpu.vector_load %arg8[%swap3A_3234, %swap3A_3235] {strides = array<i32>} : memref<50x128xi32, #tpu.memory_space<vmem>>, vector<1x16xi32>,
      %swap3A_3237 = vector.shape_cast %swap3A_3236 : vector<1x16xi32> to vector<16xi32>
      %swap3A_3238 = vector.shape_cast %add3A_3233 : vector<16xi32> to vector<1x16xi32>
      tpu.vector_store %arg8[%swap3A_3234, %swap3A_3235], %swap3A_3238 {strides = array<i32>} : memref<50x128xi32, #tpu.memory_space<vmem>>, vector<1x16xi32>,
      %mul3A_3239 = arith.constant 128 : i32
      %mul3A_3240 = arith.muli %scan3A_3207, %mul3A_3239 : i32
      %add3A_3241 = arith.constant 32 : i32
      %add3A_3242 = arith.addi %mul3A_3240, %add3A_3241 : i32
      %get3A_3243 = arith.index_cast %add3A_3242 : i32 to index
      %get3A_3244 = tpu.vector_load %arg6[%get3A_3243] {strides = array<i32>} : memref<6400xi32, #tpu.memory_space<vmem>>, vector<16xi32>,
      %get3A_3245 = vector.shape_cast %get3A_3244 : vector<16xi32> to vector<16xi32>
      %get3A_3246 = arith.index_cast %add3A_3242 : i32 to index
      %get3A_3247 = tpu.vector_load %arg7[%get3A_3246] {strides = array<i32>} : memref<6400xi32, #tpu.memory_space<vmem>>, vector<16xi32>,
      %get3A_3248 = vector.shape_cast %get3A_3247 : vector<16xi32> to vector<16xi32>
      %add3A_3249 = arith.addi %get3A_3245, %get3A_3248 : vector<16xi32>
      %swap3A_3250 = arith.index_cast %scan3A_3207 : i32 to index
      %swap3A_3251 = arith.constant 32 : index
      %swap3A_3252 = tpu.vector_load %arg8[%swap3A_3250, %swap3A_3251] {strides = array<i32>} : memref<50x128xi32, #tpu.memory_space<vmem>>, vector<1x16xi32>,
      %swap3A_3253 = vector.shape_cast %swap3A_3252 : vector<1x16xi32> to vector<16xi32>
      %swap3A_3254 = vector.shape_cast %add3A_3249 : vector<16xi32> to vector<1x16xi32>
      tpu.vector_store %arg8[%swap3A_3250, %swap3A_3251], %swap3A_3254 {strides = array<i32>} : memref<50x128xi32, #tpu.memory_space<vmem>>, vector<1x16xi32>,
      %mul3A_3255 = arith.constant 128 : i32
      %mul3A_3256 = arith.muli %scan3A_3207, %mul3A_3255 : i32
      %add3A_3257 = arith.constant 48 : i32
      %add3A_3258 = arith.addi %mul3A_3256, %add3A_3257 : i32
      %get3A_3259 = arith.index_cast %add3A_3258 : i32 to index
      %get3A_3260 = tpu.vector_load %arg6[%get3A_3259] {strides = array<i32>} : memref<6400xi32, #tpu.memory_space<vmem>>, vector<16xi32>,
      %get3A_3261 = vector.shape_cast %get3A_3260 : vector<16xi32> to vector<16xi32>
      %get3A_3262 = arith.index_cast %add3A_3258 : i32 to index
      %get3A_3263 = tpu.vector_load %arg7[%get3A_3262] {strides = array<i32>} : memref<6400xi32, #tpu.memory_space<vmem>>, vector<16xi32>,
      %get3A_3264 = vector.shape_cast %get3A_3263 : vector<16xi32> to vector<16xi32>
      %add3A_3265 = arith.addi %get3A_3261, %get3A_3264 : vector<16xi32>
      %swap3A_3266 = arith.index_cast %scan3A_3207 : i32 to index
      %swap3A_3267 = arith.constant 48 : index
      %swap3A_3268 = tpu.vector_load %arg8[%swap3A_3266, %swap3A_3267] {strides = array<i32>} : memref<50x128xi32, #tpu.memory_space<vmem>>, vector<1x16xi32>,
      %swap3A_3269 = vector.shape_cast %swap3A_3268 : vector<1x16xi32> to vector<16xi32>
      %swap3A_3270 = vector.shape_cast %add3A_3265 : vector<16xi32> to vector<1x16xi32>
      tpu.vector_store %arg8[%swap3A_3266, %swap3A_3267], %swap3A_3270 {strides = array<i32>} : memref<50x128xi32, #tpu.memory_space<vmem>>, vector<1x16xi32>,
      %mul3A_3271 = arith.constant 128 : i32
      %mul3A_3272 = arith.muli %scan3A_3207, %mul3A_3271 : i32
      %add3A_3273 = arith.constant 64 : i32
      %add3A_3274 = arith.addi %mul3A_3272, %add3A_3273 : i32
      %get3A_3275 = arith.index_cast %add3A_3274 : i32 to index
      %get3A_3276 = tpu.vector_load %arg6[%get3A_3275] {strides = array<i32>} : memref<6400xi32, #tpu.memory_space<vmem>>, vector<16xi32>,
      %get3A_3277 = vector.shape_cast %get3A_3276 : vector<16xi32> to vector<16xi32>
      %get3A_3278 = arith.index_cast %add3A_3274 : i32 to index
      %get3A_3279 = tpu.vector_load %arg7[%get3A_3278] {strides = array<i32>} : memref<6400xi32, #tpu.memory_space<vmem>>, vector<16xi32>,
      %get3A_3280 = vector.shape_cast %get3A_3279 : vector<16xi32> to vector<16xi32>
      %add3A_3281 = arith.addi %get3A_3277, %get3A_3280 : vector<16xi32>
      %swap3A_3282 = arith.index_cast %scan3A_3207 : i32 to index
      %swap3A_3283 = arith.constant 64 : index
      %swap3A_3284 = tpu.vector_load %arg8[%swap3A_3282, %swap3A_3283] {strides = array<i32>} : memref<50x128xi32, #tpu.memory_space<vmem>>, vector<1x16xi32>,
      %swap3A_3285 = vector.shape_cast %swap3A_3284 : vector<1x16xi32> to vector<16xi32>
      %swap3A_3286 = vector.shape_cast %add3A_3281 : vector<16xi32> to vector<1x16xi32>
      tpu.vector_store %arg8[%swap3A_3282, %swap3A_3283], %swap3A_3286 {strides = array<i32>} : memref<50x128xi32, #tpu.memory_space<vmem>>, vector<1x16xi32>,
      %mul3A_3287 = arith.constant 128 : i32
      %mul3A_3288 = arith.muli %scan3A_3207, %mul3A_3287 : i32
      %add3A_3289 = arith.constant 80 : i32
      %add3A_3290 = arith.addi %mul3A_3288, %add3A_3289 : i32
      %get3A_3291 = arith.index_cast %add3A_3290 : i32 to index
      %get3A_3292 = tpu.vector_load %arg6[%get3A_3291] {strides = array<i32>} : memref<6400xi32, #tpu.memory_space<vmem>>, vector<16xi32>,
      %get3A_3293 = vector.shape_cast %get3A_3292 : vector<16xi32> to vector<16xi32>
      %get3A_3294 = arith.index_cast %add3A_3290 : i32 to index
      %get3A_3295 = tpu.vector_load %arg7[%get3A_3294] {strides = array<i32>} : memref<6400xi32, #tpu.memory_space<vmem>>, vector<16xi32>,
      %get3A_3296 = vector.shape_cast %get3A_3295 : vector<16xi32> to vector<16xi32>
      %add3A_3297 = arith.addi %get3A_3293, %get3A_3296 : vector<16xi32>
      %swap3A_3298 = arith.index_cast %scan3A_3207 : i32 to index
      %swap3A_3299 = arith.constant 80 : index
      %swap3A_3300 = tpu.vector_load %arg8[%swap3A_3298, %swap3A_3299] {strides = array<i32>} : memref<50x128xi32, #tpu.memory_space<vmem>>, vector<1x16xi32>,
      %swap3A_3301 = vector.shape_cast %swap3A_3300 : vector<1x16xi32> to vector<16xi32>
      %swap3A_3302 = vector.shape_cast %add3A_3297 : vector<16xi32> to vector<1x16xi32>
      tpu.vector_store %arg8[%swap3A_3298, %swap3A_3299], %swap3A_3302 {strides = array<i32>} : memref<50x128xi32, #tpu.memory_space<vmem>>, vector<1x16xi32>,
      %mul3A_3303 = arith.constant 128 : i32
      %mul3A_3304 = arith.muli %scan3A_3207, %mul3A_3303 : i32
      %add3A_3305 = arith.constant 96 : i32
      %add3A_3306 = arith.addi %mul3A_3304, %add3A_3305 : i32
      %get3A_3307 = arith.index_cast %add3A_3306 : i32 to index
      %get3A_3308 = tpu.vector_load %arg6[%get3A_3307] {strides = array<i32>} : memref<6400xi32, #tpu.memory_space<vmem>>, vector<16xi32>,
      %get3A_3309 = vector.shape_cast %get3A_3308 : vector<16xi32> to vector<16xi32>
      %get3A_3310 = arith.index_cast %add3A_3306 : i32 to index
      %get3A_3311 = tpu.vector_load %arg7[%get3A_3310] {strides = array<i32>} : memref<6400xi32, #tpu.memory_space<vmem>>, vector<16xi32>,
      %get3A_3312 = vector.shape_cast %get3A_3311 : vector<16xi32> to vector<16xi32>
      %add3A_3313 = arith.addi %get3A_3309, %get3A_3312 : vector<16xi32>
      %swap3A_3314 = arith.index_cast %scan3A_3207 : i32 to index
      %swap3A_3315 = arith.constant 96 : index
      %swap3A_3316 = tpu.vector_load %arg8[%swap3A_3314, %swap3A_3315] {strides = array<i32>} : memref<50x128xi32, #tpu.memory_space<vmem>>, vector<1x16xi32>,
      %swap3A_3317 = vector.shape_cast %swap3A_3316 : vector<1x16xi32> to vector<16xi32>
      %swap3A_3318 = vector.shape_cast %add3A_3313 : vector<16xi32> to vector<1x16xi32>
      tpu.vector_store %arg8[%swap3A_3314, %swap3A_3315], %swap3A_3318 {strides = array<i32>} : memref<50x128xi32, #tpu.memory_space<vmem>>, vector<1x16xi32>,
      %mul3A_3319 = arith.constant 128 : i32
      %mul3A_3320 = arith.muli %scan3A_3207, %mul3A_3319 : i32
      %add3A_3321 = arith.constant 112 : i32
      %add3A_3322 = arith.addi %mul3A_3320, %add3A_3321 : i32
      %get3A_3323 = arith.index_cast %add3A_3322 : i32 to index
      %get3A_3324 = tpu.vector_load %arg6[%get3A_3323] {strides = array<i32>} : memref<6400xi32, #tpu.memory_space<vmem>>, vector<16xi32>,
      %get3A_3325 = vector.shape_cast %get3A_3324 : vector<16xi32> to vector<16xi32>
      %get3A_3326 = arith.index_cast %add3A_3322 : i32 to index
      %get3A_3327 = tpu.vector_load %arg7[%get3A_3326] {strides = array<i32>} : memref<6400xi32, #tpu.memory_space<vmem>>, vector<16xi32>,
      %get3A_3328 = vector.shape_cast %get3A_3327 : vector<16xi32> to vector<16xi32>
      %add3A_3329 = arith.addi %get3A_3325, %get3A_3328 : vector<16xi32>
      %swap3A_3330 = arith.index_cast %scan3A_3207 : i32 to index
      %swap3A_3331 = arith.constant 112 : index
      %swap3A_3332 = tpu.vector_load %arg8[%swap3A_3330, %swap3A_3331] {strides = array<i32>} : memref<50x128xi32, #tpu.memory_space<vmem>>, vector<1x16xi32>,
      %swap3A_3333 = vector.shape_cast %swap3A_3332 : vector<1x16xi32> to vector<16xi32>
      %swap3A_3334 = vector.shape_cast %add3A_3329 : vector<16xi32> to vector<1x16xi32>
      tpu.vector_store %arg8[%swap3A_3330, %swap3A_3331], %swap3A_3334 {strides = array<i32>} : memref<50x128xi32, #tpu.memory_space<vmem>>, vector<1x16xi32>,
      %scan3A_3335 = arith.constant 0 : i32
      scf.yield %scan3A_3335 : i32
    }
    %scan3A_8 = arith.constant 50 : i32
    %dma_start3A = arith.constant 0 : i32
    %dma_start3A_9 = arith.constant 0 : i32
    %dma_start3A_10 = arith.constant 0 : i32
    %dma_start3A_11 = arith.constant 0 : i32
    %dma_start3A_12 = arith.constant 0 : i32
    %dma_start3A_13 = tpu.memref_slice %arg9[%dma_start3A_9, %dma_start3A_11, %dma_start3A_12] : memref<6x128x128xf32, #tpu.memory_space<vmem>> -> memref<1x128x128xf32, #tpu.memory_space<vmem>>
    %dma_start3A_14 = tpu.memref_squeeze %dma_start3A_13 : memref<1x128x128xf32, #tpu.memory_space<vmem>> -> memref<128x128xf32, #tpu.memory_space<vmem>>
    %dma_start3A_15 = arith.constant 0 : i32
    %dma_start3A_16 = tpu.memref_slice %arg8[%dma_start3A, %dma_start3A_15] : memref<50x128xi32, #tpu.memory_space<vmem>> -> memref<1x128xi32, #tpu.memory_space<vmem>>
    %dma_start3A_17 = tpu.memref_squeeze %dma_start3A_16 : memref<1x128xi32, #tpu.memory_space<vmem>> -> memref<128xi32, #tpu.memory_space<vmem>>
    %dma_start3A_18 = arith.constant 0 : i32
    %dma_start3A_19 = arith.constant 0 : i32
    %dma_start3A_20 = tpu.memref_slice %arg2[%dma_start3A_18, %dma_start3A_19] : memref<14600x128xf32, #tpu.memory_space<hbm>> -> memref<14600x128xf32, #tpu.memory_space<hbm>>
    %dma_start3A_21 = tpu.memref_slice %arg10[%dma_start3A_10] : memref<6x!tpu.dma_semaphore, #tpu.memory_space<semaphore_mem>> -> memref<1x!tpu.dma_semaphore, #tpu.memory_space<semaphore_mem>>
    %dma_start3A_22 = tpu.memref_squeeze %dma_start3A_21 : memref<1x!tpu.dma_semaphore, #tpu.memory_space<semaphore_mem>> -> memref<!tpu.dma_semaphore, #tpu.memory_space<semaphore_mem>>
    tpu.enqueue_indirect_dma source(%dma_start3A_20 : memref<14600x128xf32, #tpu.memory_space<hbm>>) target(%dma_start3A_14 : memref<128x128xf32, #tpu.memory_space<vmem>>) offsets(%dma_start3A_17 : memref<128xi32, #tpu.memory_space<vmem>>) semaphore(%dma_start3A_22 : memref<!tpu.dma_semaphore, #tpu.memory_space<semaphore_mem>>)
    %dma_start3A_23 = arith.constant 1 : i32
    %dma_start3A_24 = arith.constant 1 : i32
    %dma_start3A_25 = arith.constant 1 : i32
    %dma_start3A_26 = arith.constant 0 : i32
    %dma_start3A_27 = arith.constant 0 : i32
    %dma_start3A_28 = tpu.memref_slice %arg9[%dma_start3A_24, %dma_start3A_26, %dma_start3A_27] : memref<6x128x128xf32, #tpu.memory_space<vmem>> -> memref<1x128x128xf32, #tpu.memory_space<vmem>>
    %dma_start3A_29 = tpu.memref_squeeze %dma_start3A_28 : memref<1x128x128xf32, #tpu.memory_space<vmem>> -> memref<128x128xf32, #tpu.memory_space<vmem>>
    %dma_start3A_30 = arith.constant 0 : i32
    %dma_start3A_31 = tpu.memref_slice %arg8[%dma_start3A_23, %dma_start3A_30] : memref<50x128xi32, #tpu.memory_space<vmem>> -> memref<1x128xi32, #tpu.memory_space<vmem>>
    %dma_start3A_32 = tpu.memref_squeeze %dma_start3A_31 : memref<1x128xi32, #tpu.memory_space<vmem>> -> memref<128xi32, #tpu.memory_space<vmem>>
    %dma_start3A_33 = arith.constant 0 : i32
    %dma_start3A_34 = arith.constant 0 : i32
    %dma_start3A_35 = tpu.memref_slice %arg2[%dma_start3A_33, %dma_start3A_34] : memref<14600x128xf32, #tpu.memory_space<hbm>> -> memref<14600x128xf32, #tpu.memory_space<hbm>>
    %dma_start3A_36 = tpu.memref_slice %arg10[%dma_start3A_25] : memref<6x!tpu.dma_semaphore, #tpu.memory_space<semaphore_mem>> -> memref<1x!tpu.dma_semaphore, #tpu.memory_space<semaphore_mem>>
    %dma_start3A_37 = tpu.memref_squeeze %dma_start3A_36 : memref<1x!tpu.dma_semaphore, #tpu.memory_space<semaphore_mem>> -> memref<!tpu.dma_semaphore, #tpu.memory_space<semaphore_mem>>
    tpu.enqueue_indirect_dma source(%dma_start3A_35 : memref<14600x128xf32, #tpu.memory_space<hbm>>) target(%dma_start3A_29 : memref<128x128xf32, #tpu.memory_space<vmem>>) offsets(%dma_start3A_32 : memref<128xi32, #tpu.memory_space<vmem>>) semaphore(%dma_start3A_37 : memref<!tpu.dma_semaphore, #tpu.memory_space<semaphore_mem>>)
    %dma_start3A_38 = arith.constant 2 : i32
    %dma_start3A_39 = arith.constant 2 : i32
    %dma_start3A_40 = arith.constant 2 : i32
    %dma_start3A_41 = arith.constant 0 : i32
    %dma_start3A_42 = arith.constant 0 : i32
    %dma_start3A_43 = tpu.memref_slice %arg9[%dma_start3A_39, %dma_start3A_41, %dma_start3A_42] : memref<6x128x128xf32, #tpu.memory_space<vmem>> -> memref<1x128x128xf32, #tpu.memory_space<vmem>>
    %dma_start3A_44 = tpu.memref_squeeze %dma_start3A_43 : memref<1x128x128xf32, #tpu.memory_space<vmem>> -> memref<128x128xf32, #tpu.memory_space<vmem>>
    %dma_start3A_45 = arith.constant 0 : i32
    %dma_start3A_46 = tpu.memref_slice %arg8[%dma_start3A_38, %dma_start3A_45] : memref<50x128xi32, #tpu.memory_space<vmem>> -> memref<1x128xi32, #tpu.memory_space<vmem>>
    %dma_start3A_47 = tpu.memref_squeeze %dma_start3A_46 : memref<1x128xi32, #tpu.memory_space<vmem>> -> memref<128xi32, #tpu.memory_space<vmem>>
    %dma_start3A_48 = arith.constant 0 : i32
    %dma_start3A_49 = arith.constant 0 : i32
    %dma_start3A_50 = tpu.memref_slice %arg2[%dma_start3A_48, %dma_start3A_49] : memref<14600x128xf32, #tpu.memory_space<hbm>> -> memref<14600x128xf32, #tpu.memory_space<hbm>>
    %dma_start3A_51 = tpu.memref_slice %arg10[%dma_start3A_40] : memref<6x!tpu.dma_semaphore, #tpu.memory_space<semaphore_mem>> -> memref<1x!tpu.dma_semaphore, #tpu.memory_space<semaphore_mem>>
    %dma_start3A_52 = tpu.memref_squeeze %dma_start3A_51 : memref<1x!tpu.dma_semaphore, #tpu.memory_space<semaphore_mem>> -> memref<!tpu.dma_semaphore, #tpu.memory_space<semaphore_mem>>
    tpu.enqueue_indirect_dma source(%dma_start3A_50 : memref<14600x128xf32, #tpu.memory_space<hbm>>) target(%dma_start3A_44 : memref<128x128xf32, #tpu.memory_space<vmem>>) offsets(%dma_start3A_47 : memref<128xi32, #tpu.memory_space<vmem>>) semaphore(%dma_start3A_52 : memref<!tpu.dma_semaphore, #tpu.memory_space<semaphore_mem>>)
    %dma_start3A_53 = arith.constant 3 : i32
    %dma_start3A_54 = arith.constant 3 : i32
    %dma_start3A_55 = arith.constant 3 : i32
    %dma_start3A_56 = arith.constant 0 : i32
    %dma_start3A_57 = arith.constant 0 : i32
    %dma_start3A_58 = tpu.memref_slice %arg9[%dma_start3A_54, %dma_start3A_56, %dma_start3A_57] : memref<6x128x128xf32, #tpu.memory_space<vmem>> -> memref<1x128x128xf32, #tpu.memory_space<vmem>>
    %dma_start3A_59 = tpu.memref_squeeze %dma_start3A_58 : memref<1x128x128xf32, #tpu.memory_space<vmem>> -> memref<128x128xf32, #tpu.memory_space<vmem>>
    %dma_start3A_60 = arith.constant 0 : i32
    %dma_start3A_61 = tpu.memref_slice %arg8[%dma_start3A_53, %dma_start3A_60] : memref<50x128xi32, #tpu.memory_space<vmem>> -> memref<1x128xi32, #tpu.memory_space<vmem>>
    %dma_start3A_62 = tpu.memref_squeeze %dma_start3A_61 : memref<1x128xi32, #tpu.memory_space<vmem>> -> memref<128xi32, #tpu.memory_space<vmem>>
    %dma_start3A_63 = arith.constant 0 : i32
    %dma_start3A_64 = arith.constant 0 : i32
    %dma_start3A_65 = tpu.memref_slice %arg2[%dma_start3A_63, %dma_start3A_64] : memref<14600x128xf32, #tpu.memory_space<hbm>> -> memref<14600x128xf32, #tpu.memory_space<hbm>>
    %dma_start3A_66 = tpu.memref_slice %arg10[%dma_start3A_55] : memref<6x!tpu.dma_semaphore, #tpu.memory_space<semaphore_mem>> -> memref<1x!tpu.dma_semaphore, #tpu.memory_space<semaphore_mem>>
    %dma_start3A_67 = tpu.memref_squeeze %dma_start3A_66 : memref<1x!tpu.dma_semaphore, #tpu.memory_space<semaphore_mem>> -> memref<!tpu.dma_semaphore, #tpu.memory_space<semaphore_mem>>
    tpu.enqueue_indirect_dma source(%dma_start3A_65 : memref<14600x128xf32, #tpu.memory_space<hbm>>) target(%dma_start3A_59 : memref<128x128xf32, #tpu.memory_space<vmem>>) offsets(%dma_start3A_62 : memref<128xi32, #tpu.memory_space<vmem>>) semaphore(%dma_start3A_67 : memref<!tpu.dma_semaphore, #tpu.memory_space<semaphore_mem>>)
    %dma_start3A_68 = arith.constant 4 : i32
    %dma_start3A_69 = arith.constant 4 : i32
    %dma_start3A_70 = arith.constant 4 : i32
    %dma_start3A_71 = arith.constant 0 : i32
    %dma_start3A_72 = arith.constant 0 : i32
    %dma_start3A_73 = tpu.memref_slice %arg9[%dma_start3A_69, %dma_start3A_71, %dma_start3A_72] : memref<6x128x128xf32, #tpu.memory_space<vmem>> -> memref<1x128x128xf32, #tpu.memory_space<vmem>>
    %dma_start3A_74 = tpu.memref_squeeze %dma_start3A_73 : memref<1x128x128xf32, #tpu.memory_space<vmem>> -> memref<128x128xf32, #tpu.memory_space<vmem>>
    %dma_start3A_75 = arith.constant 0 : i32
    %dma_start3A_76 = tpu.memref_slice %arg8[%dma_start3A_68, %dma_start3A_75] : memref<50x128xi32, #tpu.memory_space<vmem>> -> memref<1x128xi32, #tpu.memory_space<vmem>>
    %dma_start3A_77 = tpu.memref_squeeze %dma_start3A_76 : memref<1x128xi32, #tpu.memory_space<vmem>> -> memref<128xi32, #tpu.memory_space<vmem>>
    %dma_start3A_78 = arith.constant 0 : i32
    %dma_start3A_79 = arith.constant 0 : i32
    %dma_start3A_80 = tpu.memref_slice %arg2[%dma_start3A_78, %dma_start3A_79] : memref<14600x128xf32, #tpu.memory_space<hbm>> -> memref<14600x128xf32, #tpu.memory_space<hbm>>
    %dma_start3A_81 = tpu.memref_slice %arg10[%dma_start3A_70] : memref<6x!tpu.dma_semaphore, #tpu.memory_space<semaphore_mem>> -> memref<1x!tpu.dma_semaphore, #tpu.memory_space<semaphore_mem>>
    %dma_start3A_82 = tpu.memref_squeeze %dma_start3A_81 : memref<1x!tpu.dma_semaphore, #tpu.memory_space<semaphore_mem>> -> memref<!tpu.dma_semaphore, #tpu.memory_space<semaphore_mem>>
    tpu.enqueue_indirect_dma source(%dma_start3A_80 : memref<14600x128xf32, #tpu.memory_space<hbm>>) target(%dma_start3A_74 : memref<128x128xf32, #tpu.memory_space<vmem>>) offsets(%dma_start3A_77 : memref<128xi32, #tpu.memory_space<vmem>>) semaphore(%dma_start3A_82 : memref<!tpu.dma_semaphore, #tpu.memory_space<semaphore_mem>>)
    %dma_wait3A = arith.constant 0 : i32
    %dma_wait3A_83 = arith.constant 0 : i32
    %dma_wait3A_84 = arith.constant 0 : i32
    %dma_wait3A_85 = arith.constant 0 : i32
    %dma_wait3A_86 = arith.constant 0 : i32
    %dma_wait3A_87 = tpu.memref_slice %arg9[%dma_wait3A_83, %dma_wait3A_85, %dma_wait3A_86] : memref<6x128x128xf32, #tpu.memory_space<vmem>> -> memref<1x128x128xf32, #tpu.memory_space<vmem>>
    %dma_wait3A_88 = tpu.memref_squeeze %dma_wait3A_87 : memref<1x128x128xf32, #tpu.memory_space<vmem>> -> memref<128x128xf32, #tpu.memory_space<vmem>>
    %dma_wait3A_89 = arith.constant 0 : i32
    %dma_wait3A_90 = tpu.memref_slice %arg8[%dma_wait3A, %dma_wait3A_89] : memref<50x128xi32, #tpu.memory_space<vmem>> -> memref<1x128xi32, #tpu.memory_space<vmem>>
    %dma_wait3A_91 = tpu.memref_squeeze %dma_wait3A_90 : memref<1x128xi32, #tpu.memory_space<vmem>> -> memref<128xi32, #tpu.memory_space<vmem>>
    %dma_wait3A_92 = arith.constant 0 : i32
    %dma_wait3A_93 = arith.constant 0 : i32
    %dma_wait3A_94 = tpu.memref_slice %arg2[%dma_wait3A_92, %dma_wait3A_93] : memref<14600x128xf32, #tpu.memory_space<hbm>> -> memref<14600x128xf32, #tpu.memory_space<hbm>>
    %dma_wait3A_95 = tpu.memref_slice %arg10[%dma_wait3A_84] : memref<6x!tpu.dma_semaphore, #tpu.memory_space<semaphore_mem>> -> memref<1x!tpu.dma_semaphore, #tpu.memory_space<semaphore_mem>>
    %dma_wait3A_96 = tpu.memref_squeeze %dma_wait3A_95 : memref<1x!tpu.dma_semaphore, #tpu.memory_space<semaphore_mem>> -> memref<!tpu.dma_semaphore, #tpu.memory_space<semaphore_mem>>
    tpu.wait_indirect_dma semaphore(%dma_wait3A_96 : memref<!tpu.dma_semaphore, #tpu.memory_space<semaphore_mem>>) src(%dma_wait3A_94 : memref<14600x128xf32, #tpu.memory_space<hbm>>) dst(%dma_wait3A_88 : memref<128x128xf32, #tpu.memory_space<vmem>>)
    %add3A_97 = arith.constant 0 : i32
    %add3A_98 = arith.addi %mul3A_2, %add3A_97 : i32
    %dma_start3A_99 = arith.constant 0 : i32
    %dma_start3A_100 = arith.constant 0 : i32
    %dma_start3A_101 = arith.constant 0 : i32
    %dma_start3A_102 = arith.constant 0 : i32
    %dma_start3A_103 = tpu.memref_slice %arg9[%dma_start3A_99, %dma_start3A_101, %dma_start3A_102] : memref<6x128x128xf32, #tpu.memory_space<vmem>> -> memref<1x128x128xf32, #tpu.memory_space<vmem>>
    %dma_start3A_104 = tpu.memref_squeeze %dma_start3A_103 : memref<1x128x128xf32, #tpu.memory_space<vmem>> -> memref<128x128xf32, #tpu.memory_space<vmem>>
    %dma_start3A_105 = arith.constant 0 : i32
    %dma_start3A_106 = tpu.memref_slice %arg5[%add3A_98, %dma_start3A_105] : memref<204800x128xf32, #tpu.memory_space<hbm>> -> memref<128x128xf32, #tpu.memory_space<hbm>>
    %dma_start3A_107 = tpu.memref_slice %arg11[%dma_start3A_100] : memref<6x!tpu.dma_semaphore, #tpu.memory_space<semaphore_mem>> -> memref<1x!tpu.dma_semaphore, #tpu.memory_space<semaphore_mem>>
    %dma_start3A_108 = tpu.memref_squeeze %dma_start3A_107 : memref<1x!tpu.dma_semaphore, #tpu.memory_space<semaphore_mem>> -> memref<!tpu.dma_semaphore, #tpu.memory_space<semaphore_mem>>
    %dma_start3A_109 = arith.constant 0 : i32
    %dma_start3A_110 = tpu.memref_slice %arg5[%add3A_98, %dma_start3A_109] : memref<204800x128xf32, #tpu.memory_space<hbm>> -> memref<128x128xf32, #tpu.memory_space<hbm>>
    %dma_start3A_111 = arith.constant 0 : i32
    %dma_start3A_112 = arith.constant 0 : i32
    %dma_start3A_113 = tpu.memref_slice %arg9[%dma_start3A_99, %dma_start3A_111, %dma_start3A_112] : memref<6x128x128xf32, #tpu.memory_space<vmem>> -> memref<1x128x128xf32, #tpu.memory_space<vmem>>
    %dma_start3A_114 = tpu.memref_squeeze %dma_start3A_113 : memref<1x128x128xf32, #tpu.memory_space<vmem>> -> memref<128x128xf32, #tpu.memory_space<vmem>>
    tpu.enqueue_dma source(%dma_start3A_114 : memref<128x128xf32, #tpu.memory_space<vmem>>) target(%dma_start3A_110 : memref<128x128xf32, #tpu.memory_space<hbm>>) target_semaphore(%dma_start3A_108 : memref<!tpu.dma_semaphore, #tpu.memory_space<semaphore_mem>>)
    %dma_start3A_115 = arith.constant 5 : i32
    %dma_start3A_116 = arith.constant 5 : i32
    %dma_start3A_117 = arith.constant 5 : i32
    %dma_start3A_118 = arith.constant 0 : i32
    %dma_start3A_119 = arith.constant 0 : i32
    %dma_start3A_120 = tpu.memref_slice %arg9[%dma_start3A_116, %dma_start3A_118, %dma_start3A_119] : memref<6x128x128xf32, #tpu.memory_space<vmem>> -> memref<1x128x128xf32, #tpu.memory_space<vmem>>
    %dma_start3A_121 = tpu.memref_squeeze %dma_start3A_120 : memref<1x128x128xf32, #tpu.memory_space<vmem>> -> memref<128x128xf32, #tpu.memory_space<vmem>>
    %dma_start3A_122 = arith.constant 0 : i32
    %dma_start3A_123 = tpu.memref_slice %arg8[%dma_start3A_115, %dma_start3A_122] : memref<50x128xi32, #tpu.memory_space<vmem>> -> memref<1x128xi32, #tpu.memory_space<vmem>>
    %dma_start3A_124 = tpu.memref_squeeze %dma_start3A_123 : memref<1x128xi32, #tpu.memory_space<vmem>> -> memref<128xi32, #tpu.memory_space<vmem>>
    %dma_start3A_125 = arith.constant 0 : i32
    %dma_start3A_126 = arith.constant 0 : i32
    %dma_start3A_127 = tpu.memref_slice %arg2[%dma_start3A_125, %dma_start3A_126] : memref<14600x128xf32, #tpu.memory_space<hbm>> -> memref<14600x128xf32, #tpu.memory_space<hbm>>
    %dma_start3A_128 = tpu.memref_slice %arg10[%dma_start3A_117] : memref<6x!tpu.dma_semaphore, #tpu.memory_space<semaphore_mem>> -> memref<1x!tpu.dma_semaphore, #tpu.memory_space<semaphore_mem>>
    %dma_start3A_129 = tpu.memref_squeeze %dma_start3A_128 : memref<1x!tpu.dma_semaphore, #tpu.memory_space<semaphore_mem>> -> memref<!tpu.dma_semaphore, #tpu.memory_space<semaphore_mem>>
    tpu.enqueue_indirect_dma source(%dma_start3A_127 : memref<14600x128xf32, #tpu.memory_space<hbm>>) target(%dma_start3A_121 : memref<128x128xf32, #tpu.memory_space<vmem>>) offsets(%dma_start3A_124 : memref<128xi32, #tpu.memory_space<vmem>>) semaphore(%dma_start3A_129 : memref<!tpu.dma_semaphore, #tpu.memory_space<semaphore_mem>>)
    %dma_wait3A_130 = arith.constant 1 : i32
    %dma_wait3A_131 = arith.constant 1 : i32
    %dma_wait3A_132 = arith.constant 1 : i32
    %dma_wait3A_133 = arith.constant 0 : i32
    %dma_wait3A_134 = arith.constant 0 : i32
    %dma_wait3A_135 = tpu.memref_slice %arg9[%dma_wait3A_131, %dma_wait3A_133, %dma_wait3A_134] : memref<6x128x128xf32, #tpu.memory_space<vmem>> -> memref<1x128x128xf32, #tpu.memory_space<vmem>>
    %dma_wait3A_136 = tpu.memref_squeeze %dma_wait3A_135 : memref<1x128x128xf32, #tpu.memory_space<vmem>> -> memref<128x128xf32, #tpu.memory_space<vmem>>
    %dma_wait3A_137 = arith.constant 0 : i32
    %dma_wait3A_138 = tpu.memref_slice %arg8[%dma_wait3A_130, %dma_wait3A_137] : memref<50x128xi32, #tpu.memory_space<vmem>> -> memref<1x128xi32, #tpu.memory_space<vmem>>
    %dma_wait3A_139 = tpu.memref_squeeze %dma_wait3A_138 : memref<1x128xi32, #tpu.memory_space<vmem>> -> memref<128xi32, #tpu.memory_space<vmem>>
    %dma_wait3A_140 = arith.constant 0 : i32
    %dma_wait3A_141 = arith.constant 0 : i32
    %dma_wait3A_142 = tpu.memref_slice %arg2[%dma_wait3A_140, %dma_wait3A_141] : memref<14600x128xf32, #tpu.memory_space<hbm>> -> memref<14600x128xf32, #tpu.memory_space<hbm>>
    %dma_wait3A_143 = tpu.memref_slice %arg10[%dma_wait3A_132] : memref<6x!tpu.dma_semaphore, #tpu.memory_space<semaphore_mem>> -> memref<1x!tpu.dma_semaphore, #tpu.memory_space<semaphore_mem>>
    %dma_wait3A_144 = tpu.memref_squeeze %dma_wait3A_143 : memref<1x!tpu.dma_semaphore, #tpu.memory_space<semaphore_mem>> -> memref<!tpu.dma_semaphore, #tpu.memory_space<semaphore_mem>>
    tpu.wait_indirect_dma semaphore(%dma_wait3A_144 : memref<!tpu.dma_semaphore, #tpu.memory_space<semaphore_mem>>) src(%dma_wait3A_142 : memref<14600x128xf32, #tpu.memory_space<hbm>>) dst(%dma_wait3A_136 : memref<128x128xf32, #tpu.memory_space<vmem>>)
    %add3A_145 = arith.constant 128 : i32
    %add3A_146 = arith.addi %mul3A_2, %add3A_145 : i32
    %dma_start3A_147 = arith.constant 1 : i32
    %dma_start3A_148 = arith.constant 1 : i32
    %dma_start3A_149 = arith.constant 0 : i32
    %dma_start3A_150 = arith.constant 0 : i32
    %dma_start3A_151 = tpu.memref_slice %arg9[%dma_start3A_147, %dma_start3A_149, %dma_start3A_150] : memref<6x128x128xf32, #tpu.memory_space<vmem>> -> memref<1x128x128xf32, #tpu.memory_space<vmem>>
    %dma_start3A_152 = tpu.memref_squeeze %dma_start3A_151 : memref<1x128x128xf32, #tpu.memory_space<vmem>> -> memref<128x128xf32, #tpu.memory_space<vmem>>
    %dma_start3A_153 = arith.constant 0 : i32
    %dma_start3A_154 = tpu.memref_slice %arg5[%add3A_146, %dma_start3A_153] : memref<204800x128xf32, #tpu.memory_space<hbm>> -> memref<128x128xf32, #tpu.memory_space<hbm>>
    %dma_start3A_155 = tpu.memref_slice %arg11[%dma_start3A_148] : memref<6x!tpu.dma_semaphore, #tpu.memory_space<semaphore_mem>> -> memref<1x!tpu.dma_semaphore, #tpu.memory_space<semaphore_mem>>
    %dma_start3A_156 = tpu.memref_squeeze %dma_start3A_155 : memref<1x!tpu.dma_semaphore, #tpu.memory_space<semaphore_mem>> -> memref<!tpu.dma_semaphore, #tpu.memory_space<semaphore_mem>>
    %dma_start3A_157 = arith.constant 0 : i32
    %dma_start3A_158 = tpu.memref_slice %arg5[%add3A_146, %dma_start3A_157] : memref<204800x128xf32, #tpu.memory_space<hbm>> -> memref<128x128xf32, #tpu.memory_space<hbm>>
    %dma_start3A_159 = arith.constant 0 : i32
    %dma_start3A_160 = arith.constant 0 : i32
    %dma_start3A_161 = tpu.memref_slice %arg9[%dma_start3A_147, %dma_start3A_159, %dma_start3A_160] : memref<6x128x128xf32, #tpu.memory_space<vmem>> -> memref<1x128x128xf32, #tpu.memory_space<vmem>>
    %dma_start3A_162 = tpu.memref_squeeze %dma_start3A_161 : memref<1x128x128xf32, #tpu.memory_space<vmem>> -> memref<128x128xf32, #tpu.memory_space<vmem>>
    tpu.enqueue_dma source(%dma_start3A_162 : memref<128x128xf32, #tpu.memory_space<vmem>>) target(%dma_start3A_158 : memref<128x128xf32, #tpu.memory_space<hbm>>) target_semaphore(%dma_start3A_156 : memref<!tpu.dma_semaphore, #tpu.memory_space<semaphore_mem>>)
    %dma_wait3A_163 = arith.constant 0 : i32
    %dma_wait3A_164 = arith.constant 0 : i32
    %dma_wait3A_165 = arith.constant 0 : i32
    %dma_wait3A_166 = arith.constant 0 : i32
    %dma_wait3A_167 = tpu.memref_slice %arg9[%dma_wait3A_163, %dma_wait3A_165, %dma_wait3A_166] : memref<6x128x128xf32, #tpu.memory_space<vmem>> -> memref<1x128x128xf32, #tpu.memory_space<vmem>>
    %dma_wait3A_168 = tpu.memref_squeeze %dma_wait3A_167 : memref<1x128x128xf32, #tpu.memory_space<vmem>> -> memref<128x128xf32, #tpu.memory_space<vmem>>
    %dma_wait3A_169 = arith.constant 0 : i32
    %dma_wait3A_170 = tpu.memref_slice %arg5[%add3A_98, %dma_wait3A_169] : memref<204800x128xf32, #tpu.memory_space<hbm>> -> memref<128x128xf32, #tpu.memory_space<hbm>>
    %dma_wait3A_171 = tpu.memref_slice %arg11[%dma_wait3A_164] : memref<6x!tpu.dma_semaphore, #tpu.memory_space<semaphore_mem>> -> memref<1x!tpu.dma_semaphore, #tpu.memory_space<semaphore_mem>>
    %dma_wait3A_172 = tpu.memref_squeeze %dma_wait3A_171 : memref<1x!tpu.dma_semaphore, #tpu.memory_space<semaphore_mem>> -> memref<!tpu.dma_semaphore, #tpu.memory_space<semaphore_mem>>
    %dma_wait3A_173 = arith.constant 0 : i32
    %dma_wait3A_174 = tpu.memref_slice %arg5[%add3A_98, %dma_wait3A_173] : memref<204800x128xf32, #tpu.memory_space<hbm>> -> memref<128x128xf32, #tpu.memory_space<hbm>>
    %dma_wait3A_175 = arith.constant 0 : i32
    %dma_wait3A_176 = arith.constant 0 : i32
    %dma_wait3A_177 = tpu.memref_slice %arg9[%dma_wait3A_163, %dma_wait3A_175, %dma_wait3A_176] : memref<6x128x128xf32, #tpu.memory_space<vmem>> -> memref<1x128x128xf32, #tpu.memory_space<vmem>>
    %dma_wait3A_178 = tpu.memref_squeeze %dma_wait3A_177 : memref<1x128x128xf32, #tpu.memory_space<vmem>> -> memref<128x128xf32, #tpu.memory_space<vmem>>
    tpu.wait_dma2 semaphore(%dma_wait3A_172 : memref<!tpu.dma_semaphore, #tpu.memory_space<semaphore_mem>>) src(%dma_wait3A_178 : memref<128x128xf32, #tpu.memory_space<vmem>>) dst(%dma_wait3A_174 : memref<128x128xf32, #tpu.memory_space<hbm>>)
    %dma_start3A_179 = arith.constant 6 : i32
    %dma_start3A_180 = arith.constant 0 : i32
    %dma_start3A_181 = arith.constant 0 : i32
    %dma_start3A_182 = arith.constant 0 : i32
    %dma_start3A_183 = arith.constant 0 : i32
    %dma_start3A_184 = tpu.memref_slice %arg9[%dma_start3A_180, %dma_start3A_182, %dma_start3A_183] : memref<6x128x128xf32, #tpu.memory_space<vmem>> -> memref<1x128x128xf32, #tpu.memory_space<vmem>>
    %dma_start3A_185 = tpu.memref_squeeze %dma_start3A_184 : memref<1x128x128xf32, #tpu.memory_space<vmem>> -> memref<128x128xf32, #tpu.memory_space<vmem>>
    %dma_start3A_186 = arith.constant 0 : i32
    %dma_start3A_187 = tpu.memref_slice %arg8[%dma_start3A_179, %dma_start3A_186] : memref<50x128xi32, #tpu.memory_space<vmem>> -> memref<1x128xi32, #tpu.memory_space<vmem>>
    %dma_start3A_188 = tpu.memref_squeeze %dma_start3A_187 : memref<1x128xi32, #tpu.memory_space<vmem>> -> memref<128xi32, #tpu.memory_space<vmem>>
    %dma_start3A_189 = arith.constant 0 : i32
    %dma_start3A_190 = arith.constant 0 : i32
    %dma_start3A_191 = tpu.memref_slice %arg2[%dma_start3A_189, %dma_start3A_190] : memref<14600x128xf32, #tpu.memory_space<hbm>> -> memref<14600x128xf32, #tpu.memory_space<hbm>>
    %dma_start3A_192 = tpu.memref_slice %arg10[%dma_start3A_181] : memref<6x!tpu.dma_semaphore, #tpu.memory_space<semaphore_mem>> -> memref<1x!tpu.dma_semaphore, #tpu.memory_space<semaphore_mem>>
    %dma_start3A_193 = tpu.memref_squeeze %dma_start3A_192 : memref<1x!tpu.dma_semaphore, #tpu.memory_space<semaphore_mem>> -> memref<!tpu.dma_semaphore, #tpu.memory_space<semaphore_mem>>
    tpu.enqueue_indirect_dma source(%dma_start3A_191 : memref<14600x128xf32, #tpu.memory_space<hbm>>) target(%dma_start3A_185 : memref<128x128xf32, #tpu.memory_space<vmem>>) offsets(%dma_start3A_188 : memref<128xi32, #tpu.memory_space<vmem>>) semaphore(%dma_start3A_193 : memref<!tpu.dma_semaphore, #tpu.memory_space<semaphore_mem>>)
    %dma_wait3A_194 = arith.constant 2 : i32
    %dma_wait3A_195 = arith.constant 2 : i32
    %dma_wait3A_196 = arith.constant 2 : i32
    %dma_wait3A_197 = arith.constant 0 : i32
    %dma_wait3A_198 = arith.constant 0 : i32
    %dma_wait3A_199 = tpu.memref_slice %arg9[%dma_wait3A_195, %dma_wait3A_197, %dma_wait3A_198] : memref<6x128x128xf32, #tpu.memory_space<vmem>> -> memref<1x128x128xf32, #tpu.memory_space<vmem>>
    %dma_wait3A_200 = tpu.memref_squeeze %dma_wait3A_199 : memref<1x128x128xf32, #tpu.memory_space<vmem>> -> memref<128x128xf32, #tpu.memory_space<vmem>>
    %dma_wait3A_201 = arith.constant 0 : i32
    %dma_wait3A_202 = tpu.memref_slice %arg8[%dma_wait3A_194, %dma_wait3A_201] : memref<50x128xi32, #tpu.memory_space<vmem>> -> memref<1x128xi32, #tpu.memory_space<vmem>>
    %dma_wait3A_203 = tpu.memref_squeeze %dma_wait3A_202 : memref<1x128xi32, #tpu.memory_space<vmem>> -> memref<128xi32, #tpu.memory_space<vmem>>
    %dma_wait3A_204 = arith.constant 0 : i32
    %dma_wait3A_205 = arith.constant 0 : i32
    %dma_wait3A_206 = tpu.memref_slice %arg2[%dma_wait3A_204, %dma_wait3A_205] : memref<14600x128xf32, #tpu.memory_space<hbm>> -> memref<14600x128xf32, #tpu.memory_space<hbm>>
    %dma_wait3A_207 = tpu.memref_slice %arg10[%dma_wait3A_196] : memref<6x!tpu.dma_semaphore, #tpu.memory_space<semaphore_mem>> -> memref<1x!tpu.dma_semaphore, #tpu.memory_space<semaphore_mem>>
    %dma_wait3A_208 = tpu.memref_squeeze %dma_wait3A_207 : memref<1x!tpu.dma_semaphore, #tpu.memory_space<semaphore_mem>> -> memref<!tpu.dma_semaphore, #tpu.memory_space<semaphore_mem>>
    tpu.wait_indirect_dma semaphore(%dma_wait3A_208 : memref<!tpu.dma_semaphore, #tpu.memory_space<semaphore_mem>>) src(%dma_wait3A_206 : memref<14600x128xf32, #tpu.memory_space<hbm>>) dst(%dma_wait3A_200 : memref<128x128xf32, #tpu.memory_space<vmem>>)
    %add3A_209 = arith.constant 256 : i32
    %add3A_210 = arith.addi %mul3A_2, %add3A_209 : i32
    %dma_start3A_211 = arith.constant 2 : i32
    %dma_start3A_212 = arith.constant 2 : i32
    %dma_start3A_213 = arith.constant 0 : i32
    %dma_start3A_214 = arith.constant 0 : i32
    %dma_start3A_215 = tpu.memref_slice %arg9[%dma_start3A_211, %dma_start3A_213, %dma_start3A_214] : memref<6x128x128xf32, #tpu.memory_space<vmem>> -> memref<1x128x128xf32, #tpu.memory_space<vmem>>
    %dma_start3A_216 = tpu.memref_squeeze %dma_start3A_215 : memref<1x128x128xf32, #tpu.memory_space<vmem>> -> memref<128x128xf32, #tpu.memory_space<vmem>>
    %dma_start3A_217 = arith.constant 0 : i32
    %dma_start3A_218 = tpu.memref_slice %arg5[%add3A_210, %dma_start3A_217] : memref<204800x128xf32, #tpu.memory_space<hbm>> -> memref<128x128xf32, #tpu.memory_space<hbm>>
    %dma_start3A_219 = tpu.memref_slice %arg11[%dma_start3A_212] : memref<6x!tpu.dma_semaphore, #tpu.memory_space<semaphore_mem>> -> memref<1x!tpu.dma_semaphore, #tpu.memory_space<semaphore_mem>>
    %dma_start3A_220 = tpu.memref_squeeze %dma_start3A_219 : memref<1x!tpu.dma_semaphore, #tpu.memory_space<semaphore_mem>> -> memref<!tpu.dma_semaphore, #tpu.memory_space<semaphore_mem>>
    %dma_start3A_221 = arith.constant 0 : i32
    %dma_start3A_222 = tpu.memref_slice %arg5[%add3A_210, %dma_start3A_221] : memref<204800x128xf32, #tpu.memory_space<hbm>> -> memref<128x128xf32, #tpu.memory_space<hbm>>
    %dma_start3A_223 = arith.constant 0 : i32
    %dma_start3A_224 = arith.constant 0 : i32
    %dma_start3A_225 = tpu.memref_slice %arg9[%dma_start3A_211, %dma_start3A_223, %dma_start3A_224] : memref<6x128x128xf32, #tpu.memory_space<vmem>> -> memref<1x128x128xf32, #tpu.memory_space<vmem>>
    %dma_start3A_226 = tpu.memref_squeeze %dma_start3A_225 : memref<1x128x128xf32, #tpu.memory_space<vmem>> -> memref<128x128xf32, #tpu.memory_space<vmem>>
    tpu.enqueue_dma source(%dma_start3A_226 : memref<128x128xf32, #tpu.memory_space<vmem>>) target(%dma_start3A_222 : memref<128x128xf32, #tpu.memory_space<hbm>>) target_semaphore(%dma_start3A_220 : memref<!tpu.dma_semaphore, #tpu.memory_space<semaphore_mem>>)
    %dma_wait3A_227 = arith.constant 1 : i32
    %dma_wait3A_228 = arith.constant 1 : i32
    %dma_wait3A_229 = arith.constant 0 : i32
    %dma_wait3A_230 = arith.constant 0 : i32
    %dma_wait3A_231 = tpu.memref_slice %arg9[%dma_wait3A_227, %dma_wait3A_229, %dma_wait3A_230] : memref<6x128x128xf32, #tpu.memory_space<vmem>> -> memref<1x128x128xf32, #tpu.memory_space<vmem>>
    %dma_wait3A_232 = tpu.memref_squeeze %dma_wait3A_231 : memref<1x128x128xf32, #tpu.memory_space<vmem>> -> memref<128x128xf32, #tpu.memory_space<vmem>>
    %dma_wait3A_233 = arith.constant 0 : i32
    %dma_wait3A_234 = tpu.memref_slice %arg5[%add3A_146, %dma_wait3A_233] : memref<204800x128xf32, #tpu.memory_space<hbm>> -> memref<128x128xf32, #tpu.memory_space<hbm>>
    %dma_wait3A_235 = tpu.memref_slice %arg11[%dma_wait3A_228] : memref<6x!tpu.dma_semaphore, #tpu.memory_space<semaphore_mem>> -> memref<1x!tpu.dma_semaphore, #tpu.memory_space<semaphore_mem>>
    %dma_wait3A_236 = tpu.memref_squeeze %dma_wait3A_235 : memref<1x!tpu.dma_semaphore, #tpu.memory_space<semaphore_mem>> -> memref<!tpu.dma_semaphore, #tpu.memory_space<semaphore_mem>>
    %dma_wait3A_237 = arith.constant 0 : i32
    %dma_wait3A_238 = tpu.memref_slice %arg5[%add3A_146, %dma_wait3A_237] : memref<204800x128xf32, #tpu.memory_space<hbm>> -> memref<128x128xf32, #tpu.memory_space<hbm>>
    %dma_wait3A_239 = arith.constant 0 : i32
    %dma_wait3A_240 = arith.constant 0 : i32
    %dma_wait3A_241 = tpu.memref_slice %arg9[%dma_wait3A_227, %dma_wait3A_239, %dma_wait3A_240] : memref<6x128x128xf32, #tpu.memory_space<vmem>> -> memref<1x128x128xf32, #tpu.memory_space<vmem>>
    %dma_wait3A_242 = tpu.memref_squeeze %dma_wait3A_241 : memref<1x128x128xf32, #tpu.memory_space<vmem>> -> memref<128x128xf32, #tpu.memory_space<vmem>>
    tpu.wait_dma2 semaphore(%dma_wait3A_236 : memref<!tpu.dma_semaphore, #tpu.memory_space<semaphore_mem>>) src(%dma_wait3A_242 : memref<128x128xf32, #tpu.memory_space<vmem>>) dst(%dma_wait3A_238 : memref<128x128xf32, #tpu.memory_space<hbm>>)
    %dma_start3A_243 = arith.constant 7 : i32
    %dma_start3A_244 = arith.constant 1 : i32
    %dma_start3A_245 = arith.constant 1 : i32
    %dma_start3A_246 = arith.constant 0 : i32
    %dma_start3A_247 = arith.constant 0 : i32
    %dma_start3A_248 = tpu.memref_slice %arg9[%dma_start3A_244, %dma_start3A_246, %dma_start3A_247] : memref<6x128x128xf32, #tpu.memory_space<vmem>> -> memref<1x128x128xf32, #tpu.memory_space<vmem>>
    %dma_start3A_249 = tpu.memref_squeeze %dma_start3A_248 : memref<1x128x128xf32, #tpu.memory_space<vmem>> -> memref<128x128xf32, #tpu.memory_space<vmem>>
    %dma_start3A_250 = arith.constant 0 : i32
    %dma_start3A_251 = tpu.memref_slice %arg8[%dma_start3A_243, %dma_start3A_250] : memref<50x128xi32, #tpu.memory_space<vmem>> -> memref<1x128xi32, #tpu.memory_space<vmem>>
    %dma_start3A_252 = tpu.memref_squeeze %dma_start3A_251 : memref<1x128xi32, #tpu.memory_space<vmem>> -> memref<128xi32, #tpu.memory_space<vmem>>
    %dma_start3A_253 = arith.constant 0 : i32
    %dma_start3A_254 = arith.constant 0 : i32
    %dma_start3A_255 = tpu.memref_slice %arg2[%dma_start3A_253, %dma_start3A_254] : memref<14600x128xf32, #tpu.memory_space<hbm>> -> memref<14600x128xf32, #tpu.memory_space<hbm>>
    %dma_start3A_256 = tpu.memref_slice %arg10[%dma_start3A_245] : memref<6x!tpu.dma_semaphore, #tpu.memory_space<semaphore_mem>> -> memref<1x!tpu.dma_semaphore, #tpu.memory_space<semaphore_mem>>
    %dma_start3A_257 = tpu.memref_squeeze %dma_start3A_256 : memref<1x!tpu.dma_semaphore, #tpu.memory_space<semaphore_mem>> -> memref<!tpu.dma_semaphore, #tpu.memory_space<semaphore_mem>>
    tpu.enqueue_indirect_dma source(%dma_start3A_255 : memref<14600x128xf32, #tpu.memory_space<hbm>>) target(%dma_start3A_249 : memref<128x128xf32, #tpu.memory_space<vmem>>) offsets(%dma_start3A_252 : memref<128xi32, #tpu.memory_space<vmem>>) semaphore(%dma_start3A_257 : memref<!tpu.dma_semaphore, #tpu.memory_space<semaphore_mem>>)
    %dma_wait3A_258 = arith.constant 3 : i32
    %dma_wait3A_259 = arith.constant 3 : i32
    %dma_wait3A_260 = arith.constant 3 : i32
    %dma_wait3A_261 = arith.constant 0 : i32
    %dma_wait3A_262 = arith.constant 0 : i32
    %dma_wait3A_263 = tpu.memref_slice %arg9[%dma_wait3A_259, %dma_wait3A_261, %dma_wait3A_262] : memref<6x128x128xf32, #tpu.memory_space<vmem>> -> memref<1x128x128xf32, #tpu.memory_space<vmem>>
    %dma_wait3A_264 = tpu.memref_squeeze %dma_wait3A_263 : memref<1x128x128xf32, #tpu.memory_space<vmem>> -> memref<128x128xf32, #tpu.memory_space<vmem>>
    %dma_wait3A_265 = arith.constant 0 : i32
    %dma_wait3A_266 = tpu.memref_slice %arg8[%dma_wait3A_258, %dma_wait3A_265] : memref<50x128xi32, #tpu.memory_space<vmem>> -> memref<1x128xi32, #tpu.memory_space<vmem>>
    %dma_wait3A_267 = tpu.memref_squeeze %dma_wait3A_266 : memref<1x128xi32, #tpu.memory_space<vmem>> -> memref<128xi32, #tpu.memory_space<vmem>>
    %dma_wait3A_268 = arith.constant 0 : i32
    %dma_wait3A_269 = arith.constant 0 : i32
    %dma_wait3A_270 = tpu.memref_slice %arg2[%dma_wait3A_268, %dma_wait3A_269] : memref<14600x128xf32, #tpu.memory_space<hbm>> -> memref<14600x128xf32, #tpu.memory_space<hbm>>
    %dma_wait3A_271 = tpu.memref_slice %arg10[%dma_wait3A_260] : memref<6x!tpu.dma_semaphore, #tpu.memory_space<semaphore_mem>> -> memref<1x!tpu.dma_semaphore, #tpu.memory_space<semaphore_mem>>
    %dma_wait3A_272 = tpu.memref_squeeze %dma_wait3A_271 : memref<1x!tpu.dma_semaphore, #tpu.memory_space<semaphore_mem>> -> memref<!tpu.dma_semaphore, #tpu.memory_space<semaphore_mem>>
    tpu.wait_indirect_dma semaphore(%dma_wait3A_272 : memref<!tpu.dma_semaphore, #tpu.memory_space<semaphore_mem>>) src(%dma_wait3A_270 : memref<14600x128xf32, #tpu.memory_space<hbm>>) dst(%dma_wait3A_264 : memref<128x128xf32, #tpu.memory_space<vmem>>)
    %add3A_273 = arith.constant 384 : i32
    %add3A_274 = arith.addi %mul3A_2, %add3A_273 : i32
    %dma_start3A_275 = arith.constant 3 : i32
    %dma_start3A_276 = arith.constant 3 : i32
    %dma_start3A_277 = arith.constant 0 : i32
    %dma_start3A_278 = arith.constant 0 : i32
    %dma_start3A_279 = tpu.memref_slice %arg9[%dma_start3A_275, %dma_start3A_277, %dma_start3A_278] : memref<6x128x128xf32, #tpu.memory_space<vmem>> -> memref<1x128x128xf32, #tpu.memory_space<vmem>>
    %dma_start3A_280 = tpu.memref_squeeze %dma_start3A_279 : memref<1x128x128xf32, #tpu.memory_space<vmem>> -> memref<128x128xf32, #tpu.memory_space<vmem>>
    %dma_start3A_281 = arith.constant 0 : i32
    %dma_start3A_282 = tpu.memref_slice %arg5[%add3A_274, %dma_start3A_281] : memref<204800x128xf32, #tpu.memory_space<hbm>> -> memref<128x128xf32, #tpu.memory_space<hbm>>
    %dma_start3A_283 = tpu.memref_slice %arg11[%dma_start3A_276] : memref<6x!tpu.dma_semaphore, #tpu.memory_space<semaphore_mem>> -> memref<1x!tpu.dma_semaphore, #tpu.memory_space<semaphore_mem>>
    %dma_start3A_284 = tpu.memref_squeeze %dma_start3A_283 : memref<1x!tpu.dma_semaphore, #tpu.memory_space<semaphore_mem>> -> memref<!tpu.dma_semaphore, #tpu.memory_space<semaphore_mem>>
    %dma_start3A_285 = arith.constant 0 : i32
    %dma_start3A_286 = tpu.memref_slice %arg5[%add3A_274, %dma_start3A_285] : memref<204800x128xf32, #tpu.memory_space<hbm>> -> memref<128x128xf32, #tpu.memory_space<hbm>>
    %dma_start3A_287 = arith.constant 0 : i32
    %dma_start3A_288 = arith.constant 0 : i32
    %dma_start3A_289 = tpu.memref_slice %arg9[%dma_start3A_275, %dma_start3A_287, %dma_start3A_288] : memref<6x128x128xf32, #tpu.memory_space<vmem>> -> memref<1x128x128xf32, #tpu.memory_space<vmem>>
    %dma_start3A_290 = tpu.memref_squeeze %dma_start3A_289 : memref<1x128x128xf32, #tpu.memory_space<vmem>> -> memref<128x128xf32, #tpu.memory_space<vmem>>
    tpu.enqueue_dma source(%dma_start3A_290 : memref<128x128xf32, #tpu.memory_space<vmem>>) target(%dma_start3A_286 : memref<128x128xf32, #tpu.memory_space<hbm>>) target_semaphore(%dma_start3A_284 : memref<!tpu.dma_semaphore, #tpu.memory_space<semaphore_mem>>)
    %dma_wait3A_291 = arith.constant 2 : i32
    %dma_wait3A_292 = arith.constant 2 : i32
    %dma_wait3A_293 = arith.constant 0 : i32
    %dma_wait3A_294 = arith.constant 0 : i32
    %dma_wait3A_295 = tpu.memref_slice %arg9[%dma_wait3A_291, %dma_wait3A_293, %dma_wait3A_294] : memref<6x128x128xf32, #tpu.memory_space<vmem>> -> memref<1x128x128xf32, #tpu.memory_space<vmem>>
    %dma_wait3A_296 = tpu.memref_squeeze %dma_wait3A_295 : memref<1x128x128xf32, #tpu.memory_space<vmem>> -> memref<128x128xf32, #tpu.memory_space<vmem>>
    %dma_wait3A_297 = arith.constant 0 : i32
    %dma_wait3A_298 = tpu.memref_slice %arg5[%add3A_210, %dma_wait3A_297] : memref<204800x128xf32, #tpu.memory_space<hbm>> -> memref<128x128xf32, #tpu.memory_space<hbm>>
    %dma_wait3A_299 = tpu.memref_slice %arg11[%dma_wait3A_292] : memref<6x!tpu.dma_semaphore, #tpu.memory_space<semaphore_mem>> -> memref<1x!tpu.dma_semaphore, #tpu.memory_space<semaphore_mem>>
    %dma_wait3A_300 = tpu.memref_squeeze %dma_wait3A_299 : memref<1x!tpu.dma_semaphore, #tpu.memory_space<semaphore_mem>> -> memref<!tpu.dma_semaphore, #tpu.memory_space<semaphore_mem>>
    %dma_wait3A_301 = arith.constant 0 : i32
    %dma_wait3A_302 = tpu.memref_slice %arg5[%add3A_210, %dma_wait3A_301] : memref<204800x128xf32, #tpu.memory_space<hbm>> -> memref<128x128xf32, #tpu.memory_space<hbm>>
    %dma_wait3A_303 = arith.constant 0 : i32
    %dma_wait3A_304 = arith.constant 0 : i32
    %dma_wait3A_305 = tpu.memref_slice %arg9[%dma_wait3A_291, %dma_wait3A_303, %dma_wait3A_304] : memref<6x128x128xf32, #tpu.memory_space<vmem>> -> memref<1x128x128xf32, #tpu.memory_space<vmem>>
    %dma_wait3A_306 = tpu.memref_squeeze %dma_wait3A_305 : memref<1x128x128xf32, #tpu.memory_space<vmem>> -> memref<128x128xf32, #tpu.memory_space<vmem>>
    tpu.wait_dma2 semaphore(%dma_wait3A_300 : memref<!tpu.dma_semaphore, #tpu.memory_space<semaphore_mem>>) src(%dma_wait3A_306 : memref<128x128xf32, #tpu.memory_space<vmem>>) dst(%dma_wait3A_302 : memref<128x128xf32, #tpu.memory_space<hbm>>)
    %dma_start3A_307 = arith.constant 8 : i32
    %dma_start3A_308 = arith.constant 2 : i32
    %dma_start3A_309 = arith.constant 2 : i32
    %dma_start3A_310 = arith.constant 0 : i32
    %dma_start3A_311 = arith.constant 0 : i32
    %dma_start3A_312 = tpu.memref_slice %arg9[%dma_start3A_308, %dma_start3A_310, %dma_start3A_311] : memref<6x128x128xf32, #tpu.memory_space<vmem>> -> memref<1x128x128xf32, #tpu.memory_space<vmem>>
    %dma_start3A_313 = tpu.memref_squeeze %dma_start3A_312 : memref<1x128x128xf32, #tpu.memory_space<vmem>> -> memref<128x128xf32, #tpu.memory_space<vmem>>
    %dma_start3A_314 = arith.constant 0 : i32
    %dma_start3A_315 = tpu.memref_slice %arg8[%dma_start3A_307, %dma_start3A_314] : memref<50x128xi32, #tpu.memory_space<vmem>> -> memref<1x128xi32, #tpu.memory_space<vmem>>
    %dma_start3A_316 = tpu.memref_squeeze %dma_start3A_315 : memref<1x128xi32, #tpu.memory_space<vmem>> -> memref<128xi32, #tpu.memory_space<vmem>>
    %dma_start3A_317 = arith.constant 0 : i32
    %dma_start3A_318 = arith.constant 0 : i32
    %dma_start3A_319 = tpu.memref_slice %arg2[%dma_start3A_317, %dma_start3A_318] : memref<14600x128xf32, #tpu.memory_space<hbm>> -> memref<14600x128xf32, #tpu.memory_space<hbm>>
    %dma_start3A_320 = tpu.memref_slice %arg10[%dma_start3A_309] : memref<6x!tpu.dma_semaphore, #tpu.memory_space<semaphore_mem>> -> memref<1x!tpu.dma_semaphore, #tpu.memory_space<semaphore_mem>>
    %dma_start3A_321 = tpu.memref_squeeze %dma_start3A_320 : memref<1x!tpu.dma_semaphore, #tpu.memory_space<semaphore_mem>> -> memref<!tpu.dma_semaphore, #tpu.memory_space<semaphore_mem>>
    tpu.enqueue_indirect_dma source(%dma_start3A_319 : memref<14600x128xf32, #tpu.memory_space<hbm>>) target(%dma_start3A_313 : memref<128x128xf32, #tpu.memory_space<vmem>>) offsets(%dma_start3A_316 : memref<128xi32, #tpu.memory_space<vmem>>) semaphore(%dma_start3A_321 : memref<!tpu.dma_semaphore, #tpu.memory_space<semaphore_mem>>)
    %dma_wait3A_322 = arith.constant 4 : i32
    %dma_wait3A_323 = arith.constant 4 : i32
    %dma_wait3A_324 = arith.constant 4 : i32
    %dma_wait3A_325 = arith.constant 0 : i32
    %dma_wait3A_326 = arith.constant 0 : i32
    %dma_wait3A_327 = tpu.memref_slice %arg9[%dma_wait3A_323, %dma_wait3A_325, %dma_wait3A_326] : memref<6x128x128xf32, #tpu.memory_space<vmem>> -> memref<1x128x128xf32, #tpu.memory_space<vmem>>
    %dma_wait3A_328 = tpu.memref_squeeze %dma_wait3A_327 : memref<1x128x128xf32, #tpu.memory_space<vmem>> -> memref<128x128xf32, #tpu.memory_space<vmem>>
    %dma_wait3A_329 = arith.constant 0 : i32
    %dma_wait3A_330 = tpu.memref_slice %arg8[%dma_wait3A_322, %dma_wait3A_329] : memref<50x128xi32, #tpu.memory_space<vmem>> -> memref<1x128xi32, #tpu.memory_space<vmem>>
    %dma_wait3A_331 = tpu.memref_squeeze %dma_wait3A_330 : memref<1x128xi32, #tpu.memory_space<vmem>> -> memref<128xi32, #tpu.memory_space<vmem>>
    %dma_wait3A_332 = arith.constant 0 : i32
    %dma_wait3A_333 = arith.constant 0 : i32
    %dma_wait3A_334 = tpu.memref_slice %arg2[%dma_wait3A_332, %dma_wait3A_333] : memref<14600x128xf32, #tpu.memory_space<hbm>> -> memref<14600x128xf32, #tpu.memory_space<hbm>>
    %dma_wait3A_335 = tpu.memref_slice %arg10[%dma_wait3A_324] : memref<6x!tpu.dma_semaphore, #tpu.memory_space<semaphore_mem>> -> memref<1x!tpu.dma_semaphore, #tpu.memory_space<semaphore_mem>>
    %dma_wait3A_336 = tpu.memref_squeeze %dma_wait3A_335 : memref<1x!tpu.dma_semaphore, #tpu.memory_space<semaphore_mem>> -> memref<!tpu.dma_semaphore, #tpu.memory_space<semaphore_mem>>
    tpu.wait_indirect_dma semaphore(%dma_wait3A_336 : memref<!tpu.dma_semaphore, #tpu.memory_space<semaphore_mem>>) src(%dma_wait3A_334 : memref<14600x128xf32, #tpu.memory_space<hbm>>) dst(%dma_wait3A_328 : memref<128x128xf32, #tpu.memory_space<vmem>>)
    %add3A_337 = arith.constant 512 : i32
    %add3A_338 = arith.addi %mul3A_2, %add3A_337 : i32
    %dma_start3A_339 = arith.constant 4 : i32
    %dma_start3A_340 = arith.constant 4 : i32
    %dma_start3A_341 = arith.constant 0 : i32
    %dma_start3A_342 = arith.constant 0 : i32
    %dma_start3A_343 = tpu.memref_slice %arg9[%dma_start3A_339, %dma_start3A_341, %dma_start3A_342] : memref<6x128x128xf32, #tpu.memory_space<vmem>> -> memref<1x128x128xf32, #tpu.memory_space<vmem>>
    %dma_start3A_344 = tpu.memref_squeeze %dma_start3A_343 : memref<1x128x128xf32, #tpu.memory_space<vmem>> -> memref<128x128xf32, #tpu.memory_space<vmem>>
    %dma_start3A_345 = arith.constant 0 : i32
    %dma_start3A_346 = tpu.memref_slice %arg5[%add3A_338, %dma_start3A_345] : memref<204800x128xf32, #tpu.memory_space<hbm>> -> memref<128x128xf32, #tpu.memory_space<hbm>>
    %dma_start3A_347 = tpu.memref_slice %arg11[%dma_start3A_340] : memref<6x!tpu.dma_semaphore, #tpu.memory_space<semaphore_mem>> -> memref<1x!tpu.dma_semaphore, #tpu.memory_space<semaphore_mem>>
    %dma_start3A_348 = tpu.memref_squeeze %dma_start3A_347 : memref<1x!tpu.dma_semaphore, #tpu.memory_space<semaphore_mem>> -> memref<!tpu.dma_semaphore, #tpu.memory_space<semaphore_mem>>
    %dma_start3A_349 = arith.constant 0 : i32
    %dma_start3A_350 = tpu.memref_slice %arg5[%add3A_338, %dma_start3A_349] : memref<204800x128xf32, #tpu.memory_space<hbm>> -> memref<128x128xf32, #tpu.memory_space<hbm>>
    %dma_start3A_351 = arith.constant 0 : i32
    %dma_start3A_352 = arith.constant 0 : i32
    %dma_start3A_353 = tpu.memref_slice %arg9[%dma_start3A_339, %dma_start3A_351, %dma_start3A_352] : memref<6x128x128xf32, #tpu.memory_space<vmem>> -> memref<1x128x128xf32, #tpu.memory_space<vmem>>
    %dma_start3A_354 = tpu.memref_squeeze %dma_start3A_353 : memref<1x128x128xf32, #tpu.memory_space<vmem>> -> memref<128x128xf32, #tpu.memory_space<vmem>>
    tpu.enqueue_dma source(%dma_start3A_354 : memref<128x128xf32, #tpu.memory_space<vmem>>) target(%dma_start3A_350 : memref<128x128xf32, #tpu.memory_space<hbm>>) target_semaphore(%dma_start3A_348 : memref<!tpu.dma_semaphore, #tpu.memory_space<semaphore_mem>>)
    %dma_wait3A_355 = arith.constant 3 : i32
    %dma_wait3A_356 = arith.constant 3 : i32
    %dma_wait3A_357 = arith.constant 0 : i32
    %dma_wait3A_358 = arith.constant 0 : i32
    %dma_wait3A_359 = tpu.memref_slice %arg9[%dma_wait3A_355, %dma_wait3A_357, %dma_wait3A_358] : memref<6x128x128xf32, #tpu.memory_space<vmem>> -> memref<1x128x128xf32, #tpu.memory_space<vmem>>
    %dma_wait3A_360 = tpu.memref_squeeze %dma_wait3A_359 : memref<1x128x128xf32, #tpu.memory_space<vmem>> -> memref<128x128xf32, #tpu.memory_space<vmem>>
    %dma_wait3A_361 = arith.constant 0 : i32
    %dma_wait3A_362 = tpu.memref_slice %arg5[%add3A_274, %dma_wait3A_361] : memref<204800x128xf32, #tpu.memory_space<hbm>> -> memref<128x128xf32, #tpu.memory_space<hbm>>
    %dma_wait3A_363 = tpu.memref_slice %arg11[%dma_wait3A_356] : memref<6x!tpu.dma_semaphore, #tpu.memory_space<semaphore_mem>> -> memref<1x!tpu.dma_semaphore, #tpu.memory_space<semaphore_mem>>
    %dma_wait3A_364 = tpu.memref_squeeze %dma_wait3A_363 : memref<1x!tpu.dma_semaphore, #tpu.memory_space<semaphore_mem>> -> memref<!tpu.dma_semaphore, #tpu.memory_space<semaphore_mem>>
    %dma_wait3A_365 = arith.constant 0 : i32
    %dma_wait3A_366 = tpu.memref_slice %arg5[%add3A_274, %dma_wait3A_365] : memref<204800x128xf32, #tpu.memory_space<hbm>> -> memref<128x128xf32, #tpu.memory_space<hbm>>
    %dma_wait3A_367 = arith.constant 0 : i32
    %dma_wait3A_368 = arith.constant 0 : i32
    %dma_wait3A_369 = tpu.memref_slice %arg9[%dma_wait3A_355, %dma_wait3A_367, %dma_wait3A_368] : memref<6x128x128xf32, #tpu.memory_space<vmem>> -> memref<1x128x128xf32, #tpu.memory_space<vmem>>
    %dma_wait3A_370 = tpu.memref_squeeze %dma_wait3A_369 : memref<1x128x128xf32, #tpu.memory_space<vmem>> -> memref<128x128xf32, #tpu.memory_space<vmem>>
    tpu.wait_dma2 semaphore(%dma_wait3A_364 : memref<!tpu.dma_semaphore, #tpu.memory_space<semaphore_mem>>) src(%dma_wait3A_370 : memref<128x128xf32, #tpu.memory_space<vmem>>) dst(%dma_wait3A_366 : memref<128x128xf32, #tpu.memory_space<hbm>>)
    %dma_start3A_371 = arith.constant 9 : i32
    %dma_start3A_372 = arith.constant 3 : i32
    %dma_start3A_373 = arith.constant 3 : i32
    %dma_start3A_374 = arith.constant 0 : i32
    %dma_start3A_375 = arith.constant 0 : i32
    %dma_start3A_376 = tpu.memref_slice %arg9[%dma_start3A_372, %dma_start3A_374, %dma_start3A_375] : memref<6x128x128xf32, #tpu.memory_space<vmem>> -> memref<1x128x128xf32, #tpu.memory_space<vmem>>
    %dma_start3A_377 = tpu.memref_squeeze %dma_start3A_376 : memref<1x128x128xf32, #tpu.memory_space<vmem>> -> memref<128x128xf32, #tpu.memory_space<vmem>>
    %dma_start3A_378 = arith.constant 0 : i32
    %dma_start3A_379 = tpu.memref_slice %arg8[%dma_start3A_371, %dma_start3A_378] : memref<50x128xi32, #tpu.memory_space<vmem>> -> memref<1x128xi32, #tpu.memory_space<vmem>>
    %dma_start3A_380 = tpu.memref_squeeze %dma_start3A_379 : memref<1x128xi32, #tpu.memory_space<vmem>> -> memref<128xi32, #tpu.memory_space<vmem>>
    %dma_start3A_381 = arith.constant 0 : i32
    %dma_start3A_382 = arith.constant 0 : i32
    %dma_start3A_383 = tpu.memref_slice %arg2[%dma_start3A_381, %dma_start3A_382] : memref<14600x128xf32, #tpu.memory_space<hbm>> -> memref<14600x128xf32, #tpu.memory_space<hbm>>
    %dma_start3A_384 = tpu.memref_slice %arg10[%dma_start3A_373] : memref<6x!tpu.dma_semaphore, #tpu.memory_space<semaphore_mem>> -> memref<1x!tpu.dma_semaphore, #tpu.memory_space<semaphore_mem>>
    %dma_start3A_385 = tpu.memref_squeeze %dma_start3A_384 : memref<1x!tpu.dma_semaphore, #tpu.memory_space<semaphore_mem>> -> memref<!tpu.dma_semaphore, #tpu.memory_space<semaphore_mem>>
    tpu.enqueue_indirect_dma source(%dma_start3A_383 : memref<14600x128xf32, #tpu.memory_space<hbm>>) target(%dma_start3A_377 : memref<128x128xf32, #tpu.memory_space<vmem>>) offsets(%dma_start3A_380 : memref<128xi32, #tpu.memory_space<vmem>>) semaphore(%dma_start3A_385 : memref<!tpu.dma_semaphore, #tpu.memory_space<semaphore_mem>>)
    %dma_wait3A_386 = arith.constant 5 : i32
    %dma_wait3A_387 = arith.constant 5 : i32
    %dma_wait3A_388 = arith.constant 5 : i32
    %dma_wait3A_389 = arith.constant 0 : i32
    %dma_wait3A_390 = arith.constant 0 : i32
    %dma_wait3A_391 = tpu.memref_slice %arg9[%dma_wait3A_387, %dma_wait3A_389, %dma_wait3A_390] : memref<6x128x128xf32, #tpu.memory_space<vmem>> -> memref<1x128x128xf32, #tpu.memory_space<vmem>>
    %dma_wait3A_392 = tpu.memref_squeeze %dma_wait3A_391 : memref<1x128x128xf32, #tpu.memory_space<vmem>> -> memref<128x128xf32, #tpu.memory_space<vmem>>
    %dma_wait3A_393 = arith.constant 0 : i32
    %dma_wait3A_394 = tpu.memref_slice %arg8[%dma_wait3A_386, %dma_wait3A_393] : memref<50x128xi32, #tpu.memory_space<vmem>> -> memref<1x128xi32, #tpu.memory_space<vmem>>
    %dma_wait3A_395 = tpu.memref_squeeze %dma_wait3A_394 : memref<1x128xi32, #tpu.memory_space<vmem>> -> memref<128xi32, #tpu.memory_space<vmem>>
    %dma_wait3A_396 = arith.constant 0 : i32
    %dma_wait3A_397 = arith.constant 0 : i32
    %dma_wait3A_398 = tpu.memref_slice %arg2[%dma_wait3A_396, %dma_wait3A_397] : memref<14600x128xf32, #tpu.memory_space<hbm>> -> memref<14600x128xf32, #tpu.memory_space<hbm>>
    %dma_wait3A_399 = tpu.memref_slice %arg10[%dma_wait3A_388] : memref<6x!tpu.dma_semaphore, #tpu.memory_space<semaphore_mem>> -> memref<1x!tpu.dma_semaphore, #tpu.memory_space<semaphore_mem>>
    %dma_wait3A_400 = tpu.memref_squeeze %dma_wait3A_399 : memref<1x!tpu.dma_semaphore, #tpu.memory_space<semaphore_mem>> -> memref<!tpu.dma_semaphore, #tpu.memory_space<semaphore_mem>>
    tpu.wait_indirect_dma semaphore(%dma_wait3A_400 : memref<!tpu.dma_semaphore, #tpu.memory_space<semaphore_mem>>) src(%dma_wait3A_398 : memref<14600x128xf32, #tpu.memory_space<hbm>>) dst(%dma_wait3A_392 : memref<128x128xf32, #tpu.memory_space<vmem>>)
    %add3A_401 = arith.constant 640 : i32
    %add3A_402 = arith.addi %mul3A_2, %add3A_401 : i32
    %dma_start3A_403 = arith.constant 5 : i32
    %dma_start3A_404 = arith.constant 5 : i32
    %dma_start3A_405 = arith.constant 0 : i32
    %dma_start3A_406 = arith.constant 0 : i32
    %dma_start3A_407 = tpu.memref_slice %arg9[%dma_start3A_403, %dma_start3A_405, %dma_start3A_406] : memref<6x128x128xf32, #tpu.memory_space<vmem>> -> memref<1x128x128xf32, #tpu.memory_space<vmem>>
    %dma_start3A_408 = tpu.memref_squeeze %dma_start3A_407 : memref<1x128x128xf32, #tpu.memory_space<vmem>> -> memref<128x128xf32, #tpu.memory_space<vmem>>
    %dma_start3A_409 = arith.constant 0 : i32
    %dma_start3A_410 = tpu.memref_slice %arg5[%add3A_402, %dma_start3A_409] : memref<204800x128xf32, #tpu.memory_space<hbm>> -> memref<128x128xf32, #tpu.memory_space<hbm>>
    %dma_start3A_411 = tpu.memref_slice %arg11[%dma_start3A_404] : memref<6x!tpu.dma_semaphore, #tpu.memory_space<semaphore_mem>> -> memref<1x!tpu.dma_semaphore, #tpu.memory_space<semaphore_mem>>
    %dma_start3A_412 = tpu.memref_squeeze %dma_start3A_411 : memref<1x!tpu.dma_semaphore, #tpu.memory_space<semaphore_mem>> -> memref<!tpu.dma_semaphore, #tpu.memory_space<semaphore_mem>>
    %dma_start3A_413 = arith.constant 0 : i32
    %dma_start3A_414 = tpu.memref_slice %arg5[%add3A_402, %dma_start3A_413] : memref<204800x128xf32, #tpu.memory_space<hbm>> -> memref<128x128xf32, #tpu.memory_space<hbm>>
    %dma_start3A_415 = arith.constant 0 : i32
    %dma_start3A_416 = arith.constant 0 : i32
    %dma_start3A_417 = tpu.memref_slice %arg9[%dma_start3A_403, %dma_start3A_415, %dma_start3A_416] : memref<6x128x128xf32, #tpu.memory_space<vmem>> -> memref<1x128x128xf32, #tpu.memory_space<vmem>>
    %dma_start3A_418 = tpu.memref_squeeze %dma_start3A_417 : memref<1x128x128xf32, #tpu.memory_space<vmem>> -> memref<128x128xf32, #tpu.memory_space<vmem>>
    tpu.enqueue_dma source(%dma_start3A_418 : memref<128x128xf32, #tpu.memory_space<vmem>>) target(%dma_start3A_414 : memref<128x128xf32, #tpu.memory_space<hbm>>) target_semaphore(%dma_start3A_412 : memref<!tpu.dma_semaphore, #tpu.memory_space<semaphore_mem>>)
    %dma_wait3A_419 = arith.constant 4 : i32
    %dma_wait3A_420 = arith.constant 4 : i32
    %dma_wait3A_421 = arith.constant 0 : i32
    %dma_wait3A_422 = arith.constant 0 : i32
    %dma_wait3A_423 = tpu.memref_slice %arg9[%dma_wait3A_419, %dma_wait3A_421, %dma_wait3A_422] : memref<6x128x128xf32, #tpu.memory_space<vmem>> -> memref<1x128x128xf32, #tpu.memory_space<vmem>>
    %dma_wait3A_424 = tpu.memref_squeeze %dma_wait3A_423 : memref<1x128x128xf32, #tpu.memory_space<vmem>> -> memref<128x128xf32, #tpu.memory_space<vmem>>
    %dma_wait3A_425 = arith.constant 0 : i32
    %dma_wait3A_426 = tpu.memref_slice %arg5[%add3A_338, %dma_wait3A_425] : memref<204800x128xf32, #tpu.memory_space<hbm>> -> memref<128x128xf32, #tpu.memory_space<hbm>>
    %dma_wait3A_427 = tpu.memref_slice %arg11[%dma_wait3A_420] : memref<6x!tpu.dma_semaphore, #tpu.memory_space<semaphore_mem>> -> memref<1x!tpu.dma_semaphore, #tpu.memory_space<semaphore_mem>>
    %dma_wait3A_428 = tpu.memref_squeeze %dma_wait3A_427 : memref<1x!tpu.dma_semaphore, #tpu.memory_space<semaphore_mem>> -> memref<!tpu.dma_semaphore, #tpu.memory_space<semaphore_mem>>
    %dma_wait3A_429 = arith.constant 0 : i32
    %dma_wait3A_430 = tpu.memref_slice %arg5[%add3A_338, %dma_wait3A_429] : memref<204800x128xf32, #tpu.memory_space<hbm>> -> memref<128x128xf32, #tpu.memory_space<hbm>>
    %dma_wait3A_431 = arith.constant 0 : i32
    %dma_wait3A_432 = arith.constant 0 : i32
    %dma_wait3A_433 = tpu.memref_slice %arg9[%dma_wait3A_419, %dma_wait3A_431, %dma_wait3A_432] : memref<6x128x128xf32, #tpu.memory_space<vmem>> -> memref<1x128x128xf32, #tpu.memory_space<vmem>>
    %dma_wait3A_434 = tpu.memref_squeeze %dma_wait3A_433 : memref<1x128x128xf32, #tpu.memory_space<vmem>> -> memref<128x128xf32, #tpu.memory_space<vmem>>
    tpu.wait_dma2 semaphore(%dma_wait3A_428 : memref<!tpu.dma_semaphore, #tpu.memory_space<semaphore_mem>>) src(%dma_wait3A_434 : memref<128x128xf32, #tpu.memory_space<vmem>>) dst(%dma_wait3A_430 : memref<128x128xf32, #tpu.memory_space<hbm>>)
    %dma_start3A_435 = arith.constant 10 : i32
    %dma_start3A_436 = arith.constant 4 : i32
    %dma_start3A_437 = arith.constant 4 : i32
    %dma_start3A_438 = arith.constant 0 : i32
    %dma_start3A_439 = arith.constant 0 : i32
    %dma_start3A_440 = tpu.memref_slice %arg9[%dma_start3A_436, %dma_start3A_438, %dma_start3A_439] : memref<6x128x128xf32, #tpu.memory_space<vmem>> -> memref<1x128x128xf32, #tpu.memory_space<vmem>>
    %dma_start3A_441 = tpu.memref_squeeze %dma_start3A_440 : memref<1x128x128xf32, #tpu.memory_space<vmem>> -> memref<128x128xf32, #tpu.memory_space<vmem>>
    %dma_start3A_442 = arith.constant 0 : i32
    %dma_start3A_443 = tpu.memref_slice %arg8[%dma_start3A_435, %dma_start3A_442] : memref<50x128xi32, #tpu.memory_space<vmem>> -> memref<1x128xi32, #tpu.memory_space<vmem>>
    %dma_start3A_444 = tpu.memref_squeeze %dma_start3A_443 : memref<1x128xi32, #tpu.memory_space<vmem>> -> memref<128xi32, #tpu.memory_space<vmem>>
    %dma_start3A_445 = arith.constant 0 : i32
    %dma_start3A_446 = arith.constant 0 : i32
    %dma_start3A_447 = tpu.memref_slice %arg2[%dma_start3A_445, %dma_start3A_446] : memref<14600x128xf32, #tpu.memory_space<hbm>> -> memref<14600x128xf32, #tpu.memory_space<hbm>>
    %dma_start3A_448 = tpu.memref_slice %arg10[%dma_start3A_437] : memref<6x!tpu.dma_semaphore, #tpu.memory_space<semaphore_mem>> -> memref<1x!tpu.dma_semaphore, #tpu.memory_space<semaphore_mem>>
    %dma_start3A_449 = tpu.memref_squeeze %dma_start3A_448 : memref<1x!tpu.dma_semaphore, #tpu.memory_space<semaphore_mem>> -> memref<!tpu.dma_semaphore, #tpu.memory_space<semaphore_mem>>
    tpu.enqueue_indirect_dma source(%dma_start3A_447 : memref<14600x128xf32, #tpu.memory_space<hbm>>) target(%dma_start3A_441 : memref<128x128xf32, #tpu.memory_space<vmem>>) offsets(%dma_start3A_444 : memref<128xi32, #tpu.memory_space<vmem>>) semaphore(%dma_start3A_449 : memref<!tpu.dma_semaphore, #tpu.memory_space<semaphore_mem>>)
    %dma_wait3A_450 = arith.constant 6 : i32
    %dma_wait3A_451 = arith.constant 0 : i32
    %dma_wait3A_452 = arith.constant 0 : i32
    %dma_wait3A_453 = arith.constant 0 : i32
    %dma_wait3A_454 = arith.constant 0 : i32
    %dma_wait3A_455 = tpu.memref_slice %arg9[%dma_wait3A_451, %dma_wait3A_453, %dma_wait3A_454] : memref<6x128x128xf32, #tpu.memory_space<vmem>> -> memref<1x128x128xf32, #tpu.memory_space<vmem>>
    %dma_wait3A_456 = tpu.memref_squeeze %dma_wait3A_455 : memref<1x128x128xf32, #tpu.memory_space<vmem>> -> memref<128x128xf32, #tpu.memory_space<vmem>>
    %dma_wait3A_457 = arith.constant 0 : i32
    %dma_wait3A_458 = tpu.memref_slice %arg8[%dma_wait3A_450, %dma_wait3A_457] : memref<50x128xi32, #tpu.memory_space<vmem>> -> memref<1x128xi32, #tpu.memory_space<vmem>>
    %dma_wait3A_459 = tpu.memref_squeeze %dma_wait3A_458 : memref<1x128xi32, #tpu.memory_space<vmem>> -> memref<128xi32, #tpu.memory_space<vmem>>
    %dma_wait3A_460 = arith.constant 0 : i32
    %dma_wait3A_461 = arith.constant 0 : i32
    %dma_wait3A_462 = tpu.memref_slice %arg2[%dma_wait3A_460, %dma_wait3A_461] : memref<14600x128xf32, #tpu.memory_space<hbm>> -> memref<14600x128xf32, #tpu.memory_space<hbm>>
    %dma_wait3A_463 = tpu.memref_slice %arg10[%dma_wait3A_452] : memref<6x!tpu.dma_semaphore, #tpu.memory_space<semaphore_mem>> -> memref<1x!tpu.dma_semaphore, #tpu.memory_space<semaphore_mem>>
    %dma_wait3A_464 = tpu.memref_squeeze %dma_wait3A_463 : memref<1x!tpu.dma_semaphore, #tpu.memory_space<semaphore_mem>> -> memref<!tpu.dma_semaphore, #tpu.memory_space<semaphore_mem>>
    tpu.wait_indirect_dma semaphore(%dma_wait3A_464 : memref<!tpu.dma_semaphore, #tpu.memory_space<semaphore_mem>>) src(%dma_wait3A_462 : memref<14600x128xf32, #tpu.memory_space<hbm>>) dst(%dma_wait3A_456 : memref<128x128xf32, #tpu.memory_space<vmem>>)
    %add3A_465 = arith.constant 768 : i32
    %add3A_466 = arith.addi %mul3A_2, %add3A_465 : i32
    %dma_start3A_467 = arith.constant 0 : i32
    %dma_start3A_468 = arith.constant 0 : i32
    %dma_start3A_469 = arith.constant 0 : i32
    %dma_start3A_470 = arith.constant 0 : i32
    %dma_start3A_471 = tpu.memref_slice %arg9[%dma_start3A_467, %dma_start3A_469, %dma_start3A_470] : memref<6x128x128xf32, #tpu.memory_space<vmem>> -> memref<1x128x128xf32, #tpu.memory_space<vmem>>
    %dma_start3A_472 = tpu.memref_squeeze %dma_start3A_471 : memref<1x128x128xf32, #tpu.memory_space<vmem>> -> memref<128x128xf32, #tpu.memory_space<vmem>>
    %dma_start3A_473 = arith.constant 0 : i32
    %dma_start3A_474 = tpu.memref_slice %arg5[%add3A_466, %dma_start3A_473] : memref<204800x128xf32, #tpu.memory_space<hbm>> -> memref<128x128xf32, #tpu.memory_space<hbm>>
    %dma_start3A_475 = tpu.memref_slice %arg11[%dma_start3A_468] : memref<6x!tpu.dma_semaphore, #tpu.memory_space<semaphore_mem>> -> memref<1x!tpu.dma_semaphore, #tpu.memory_space<semaphore_mem>>
    %dma_start3A_476 = tpu.memref_squeeze %dma_start3A_475 : memref<1x!tpu.dma_semaphore, #tpu.memory_space<semaphore_mem>> -> memref<!tpu.dma_semaphore, #tpu.memory_space<semaphore_mem>>
    %dma_start3A_477 = arith.constant 0 : i32
    %dma_start3A_478 = tpu.memref_slice %arg5[%add3A_466, %dma_start3A_477] : memref<204800x128xf32, #tpu.memory_space<hbm>> -> memref<128x128xf32, #tpu.memory_space<hbm>>
    %dma_start3A_479 = arith.constant 0 : i32
    %dma_start3A_480 = arith.constant 0 : i32
    %dma_start3A_481 = tpu.memref_slice %arg9[%dma_start3A_467, %dma_start3A_479, %dma_start3A_480] : memref<6x128x128xf32, #tpu.memory_space<vmem>> -> memref<1x128x128xf32, #tpu.memory_space<vmem>>
    %dma_start3A_482 = tpu.memref_squeeze %dma_start3A_481 : memref<1x128x128xf32, #tpu.memory_space<vmem>> -> memref<128x128xf32, #tpu.memory_space<vmem>>
    tpu.enqueue_dma source(%dma_start3A_482 : memref<128x128xf32, #tpu.memory_space<vmem>>) target(%dma_start3A_478 : memref<128x128xf32, #tpu.memory_space<hbm>>) target_semaphore(%dma_start3A_476 : memref<!tpu.dma_semaphore, #tpu.memory_space<semaphore_mem>>)
    %dma_wait3A_483 = arith.constant 5 : i32
    %dma_wait3A_484 = arith.constant 5 : i32
    %dma_wait3A_485 = arith.constant 0 : i32
    %dma_wait3A_486 = arith.constant 0 : i32
    %dma_wait3A_487 = tpu.memref_slice %arg9[%dma_wait3A_483, %dma_wait3A_485, %dma_wait3A_486] : memref<6x128x128xf32, #tpu.memory_space<vmem>> -> memref<1x128x128xf32, #tpu.memory_space<vmem>>
    %dma_wait3A_488 = tpu.memref_squeeze %dma_wait3A_487 : memref<1x128x128xf32, #tpu.memory_space<vmem>> -> memref<128x128xf32, #tpu.memory_space<vmem>>
    %dma_wait3A_489 = arith.constant 0 : i32
    %dma_wait3A_490 = tpu.memref_slice %arg5[%add3A_402, %dma_wait3A_489] : memref<204800x128xf32, #tpu.memory_space<hbm>> -> memref<128x128xf32, #tpu.memory_space<hbm>>
    %dma_wait3A_491 = tpu.memref_slice %arg11[%dma_wait3A_484] : memref<6x!tpu.dma_semaphore, #tpu.memory_space<semaphore_mem>> -> memref<1x!tpu.dma_semaphore, #tpu.memory_space<semaphore_mem>>
    %dma_wait3A_492 = tpu.memref_squeeze %dma_wait3A_491 : memref<1x!tpu.dma_semaphore, #tpu.memory_space<semaphore_mem>> -> memref<!tpu.dma_semaphore, #tpu.memory_space<semaphore_mem>>
    %dma_wait3A_493 = arith.constant 0 : i32
    %dma_wait3A_494 = tpu.memref_slice %arg5[%add3A_402, %dma_wait3A_493] : memref<204800x128xf32, #tpu.memory_space<hbm>> -> memref<128x128xf32, #tpu.memory_space<hbm>>
    %dma_wait3A_495 = arith.constant 0 : i32
    %dma_wait3A_496 = arith.constant 0 : i32
    %dma_wait3A_497 = tpu.memref_slice %arg9[%dma_wait3A_483, %dma_wait3A_495, %dma_wait3A_496] : memref<6x128x128xf32, #tpu.memory_space<vmem>> -> memref<1x128x128xf32, #tpu.memory_space<vmem>>
    %dma_wait3A_498 = tpu.memref_squeeze %dma_wait3A_497 : memref<1x128x128xf32, #tpu.memory_space<vmem>> -> memref<128x128xf32, #tpu.memory_space<vmem>>
    tpu.wait_dma2 semaphore(%dma_wait3A_492 : memref<!tpu.dma_semaphore, #tpu.memory_space<semaphore_mem>>) src(%dma_wait3A_498 : memref<128x128xf32, #tpu.memory_space<vmem>>) dst(%dma_wait3A_494 : memref<128x128xf32, #tpu.memory_space<hbm>>)
    %dma_start3A_499 = arith.constant 11 : i32
    %dma_start3A_500 = arith.constant 5 : i32
    %dma_start3A_501 = arith.constant 5 : i32
    %dma_start3A_502 = arith.constant 0 : i32
    %dma_start3A_503 = arith.constant 0 : i32
    %dma_start3A_504 = tpu.memref_slice %arg9[%dma_start3A_500, %dma_start3A_502, %dma_start3A_503] : memref<6x128x128xf32, #tpu.memory_space<vmem>> -> memref<1x128x128xf32, #tpu.memory_space<vmem>>
    %dma_start3A_505 = tpu.memref_squeeze %dma_start3A_504 : memref<1x128x128xf32, #tpu.memory_space<vmem>> -> memref<128x128xf32, #tpu.memory_space<vmem>>
    %dma_start3A_506 = arith.constant 0 : i32
    %dma_start3A_507 = tpu.memref_slice %arg8[%dma_start3A_499, %dma_start3A_506] : memref<50x128xi32, #tpu.memory_space<vmem>> -> memref<1x128xi32, #tpu.memory_space<vmem>>
    %dma_start3A_508 = tpu.memref_squeeze %dma_start3A_507 : memref<1x128xi32, #tpu.memory_space<vmem>> -> memref<128xi32, #tpu.memory_space<vmem>>
    %dma_start3A_509 = arith.constant 0 : i32
    %dma_start3A_510 = arith.constant 0 : i32
    %dma_start3A_511 = tpu.memref_slice %arg2[%dma_start3A_509, %dma_start3A_510] : memref<14600x128xf32, #tpu.memory_space<hbm>> -> memref<14600x128xf32, #tpu.memory_space<hbm>>
    %dma_start3A_512 = tpu.memref_slice %arg10[%dma_start3A_501] : memref<6x!tpu.dma_semaphore, #tpu.memory_space<semaphore_mem>> -> memref<1x!tpu.dma_semaphore, #tpu.memory_space<semaphore_mem>>
    %dma_start3A_513 = tpu.memref_squeeze %dma_start3A_512 : memref<1x!tpu.dma_semaphore, #tpu.memory_space<semaphore_mem>> -> memref<!tpu.dma_semaphore, #tpu.memory_space<semaphore_mem>>
    tpu.enqueue_indirect_dma source(%dma_start3A_511 : memref<14600x128xf32, #tpu.memory_space<hbm>>) target(%dma_start3A_505 : memref<128x128xf32, #tpu.memory_space<vmem>>) offsets(%dma_start3A_508 : memref<128xi32, #tpu.memory_space<vmem>>) semaphore(%dma_start3A_513 : memref<!tpu.dma_semaphore, #tpu.memory_space<semaphore_mem>>)
    %dma_wait3A_514 = arith.constant 7 : i32
    %dma_wait3A_515 = arith.constant 1 : i32
    %dma_wait3A_516 = arith.constant 1 : i32
    %dma_wait3A_517 = arith.constant 0 : i32
    %dma_wait3A_518 = arith.constant 0 : i32
    %dma_wait3A_519 = tpu.memref_slice %arg9[%dma_wait3A_515, %dma_wait3A_517, %dma_wait3A_518] : memref<6x128x128xf32, #tpu.memory_space<vmem>> -> memref<1x128x128xf32, #tpu.memory_space<vmem>>
    %dma_wait3A_520 = tpu.memref_squeeze %dma_wait3A_519 : memref<1x128x128xf32, #tpu.memory_space<vmem>> -> memref<128x128xf32, #tpu.memory_space<vmem>>
    %dma_wait3A_521 = arith.constant 0 : i32
    %dma_wait3A_522 = tpu.memref_slice %arg8[%dma_wait3A_514, %dma_wait3A_521] : memref<50x128xi32, #tpu.memory_space<vmem>> -> memref<1x128xi32, #tpu.memory_space<vmem>>
    %dma_wait3A_523 = tpu.memref_squeeze %dma_wait3A_522 : memref<1x128xi32, #tpu.memory_space<vmem>> -> memref<128xi32, #tpu.memory_space<vmem>>
    %dma_wait3A_524 = arith.constant 0 : i32
    %dma_wait3A_525 = arith.constant 0 : i32
    %dma_wait3A_526 = tpu.memref_slice %arg2[%dma_wait3A_524, %dma_wait3A_525] : memref<14600x128xf32, #tpu.memory_space<hbm>> -> memref<14600x128xf32, #tpu.memory_space<hbm>>
    %dma_wait3A_527 = tpu.memref_slice %arg10[%dma_wait3A_516] : memref<6x!tpu.dma_semaphore, #tpu.memory_space<semaphore_mem>> -> memref<1x!tpu.dma_semaphore, #tpu.memory_space<semaphore_mem>>
    %dma_wait3A_528 = tpu.memref_squeeze %dma_wait3A_527 : memref<1x!tpu.dma_semaphore, #tpu.memory_space<semaphore_mem>> -> memref<!tpu.dma_semaphore, #tpu.memory_space<semaphore_mem>>
    tpu.wait_indirect_dma semaphore(%dma_wait3A_528 : memref<!tpu.dma_semaphore, #tpu.memory_space<semaphore_mem>>) src(%dma_wait3A_526 : memref<14600x128xf32, #tpu.memory_space<hbm>>) dst(%dma_wait3A_520 : memref<128x128xf32, #tpu.memory_space<vmem>>)
    %add3A_529 = arith.constant 896 : i32
    %add3A_530 = arith.addi %mul3A_2, %add3A_529 : i32
    %dma_start3A_531 = arith.constant 1 : i32
    %dma_start3A_532 = arith.constant 1 : i32
    %dma_start3A_533 = arith.constant 0 : i32
    %dma_start3A_534 = arith.constant 0 : i32
    %dma_start3A_535 = tpu.memref_slice %arg9[%dma_start3A_531, %dma_start3A_533, %dma_start3A_534] : memref<6x128x128xf32, #tpu.memory_space<vmem>> -> memref<1x128x128xf32, #tpu.memory_space<vmem>>
    %dma_start3A_536 = tpu.memref_squeeze %dma_start3A_535 : memref<1x128x128xf32, #tpu.memory_space<vmem>> -> memref<128x128xf32, #tpu.memory_space<vmem>>
    %dma_start3A_537 = arith.constant 0 : i32
    %dma_start3A_538 = tpu.memref_slice %arg5[%add3A_530, %dma_start3A_537] : memref<204800x128xf32, #tpu.memory_space<hbm>> -> memref<128x128xf32, #tpu.memory_space<hbm>>
    %dma_start3A_539 = tpu.memref_slice %arg11[%dma_start3A_532] : memref<6x!tpu.dma_semaphore, #tpu.memory_space<semaphore_mem>> -> memref<1x!tpu.dma_semaphore, #tpu.memory_space<semaphore_mem>>
    %dma_start3A_540 = tpu.memref_squeeze %dma_start3A_539 : memref<1x!tpu.dma_semaphore, #tpu.memory_space<semaphore_mem>> -> memref<!tpu.dma_semaphore, #tpu.memory_space<semaphore_mem>>
    %dma_start3A_541 = arith.constant 0 : i32
    %dma_start3A_542 = tpu.memref_slice %arg5[%add3A_530, %dma_start3A_541] : memref<204800x128xf32, #tpu.memory_space<hbm>> -> memref<128x128xf32, #tpu.memory_space<hbm>>
    %dma_start3A_543 = arith.constant 0 : i32
    %dma_start3A_544 = arith.constant 0 : i32
    %dma_start3A_545 = tpu.memref_slice %arg9[%dma_start3A_531, %dma_start3A_543, %dma_start3A_544] : memref<6x128x128xf32, #tpu.memory_space<vmem>> -> memref<1x128x128xf32, #tpu.memory_space<vmem>>
    %dma_start3A_546 = tpu.memref_squeeze %dma_start3A_545 : memref<1x128x128xf32, #tpu.memory_space<vmem>> -> memref<128x128xf32, #tpu.memory_space<vmem>>
    tpu.enqueue_dma source(%dma_start3A_546 : memref<128x128xf32, #tpu.memory_space<vmem>>) target(%dma_start3A_542 : memref<128x128xf32, #tpu.memory_space<hbm>>) target_semaphore(%dma_start3A_540 : memref<!tpu.dma_semaphore, #tpu.memory_space<semaphore_mem>>)
    %dma_wait3A_547 = arith.constant 0 : i32
    %dma_wait3A_548 = arith.constant 0 : i32
    %dma_wait3A_549 = arith.constant 0 : i32
    %dma_wait3A_550 = arith.constant 0 : i32
    %dma_wait3A_551 = tpu.memref_slice %arg9[%dma_wait3A_547, %dma_wait3A_549, %dma_wait3A_550] : memref<6x128x128xf32, #tpu.memory_space<vmem>> -> memref<1x128x128xf32, #tpu.memory_space<vmem>>
    %dma_wait3A_552 = tpu.memref_squeeze %dma_wait3A_551 : memref<1x128x128xf32, #tpu.memory_space<vmem>> -> memref<128x128xf32, #tpu.memory_space<vmem>>
    %dma_wait3A_553 = arith.constant 0 : i32
    %dma_wait3A_554 = tpu.memref_slice %arg5[%add3A_466, %dma_wait3A_553] : memref<204800x128xf32, #tpu.memory_space<hbm>> -> memref<128x128xf32, #tpu.memory_space<hbm>>
    %dma_wait3A_555 = tpu.memref_slice %arg11[%dma_wait3A_548] : memref<6x!tpu.dma_semaphore, #tpu.memory_space<semaphore_mem>> -> memref<1x!tpu.dma_semaphore, #tpu.memory_space<semaphore_mem>>
    %dma_wait3A_556 = tpu.memref_squeeze %dma_wait3A_555 : memref<1x!tpu.dma_semaphore, #tpu.memory_space<semaphore_mem>> -> memref<!tpu.dma_semaphore, #tpu.memory_space<semaphore_mem>>
    %dma_wait3A_557 = arith.constant 0 : i32
    %dma_wait3A_558 = tpu.memref_slice %arg5[%add3A_466, %dma_wait3A_557] : memref<204800x128xf32, #tpu.memory_space<hbm>> -> memref<128x128xf32, #tpu.memory_space<hbm>>
    %dma_wait3A_559 = arith.constant 0 : i32
    %dma_wait3A_560 = arith.constant 0 : i32
    %dma_wait3A_561 = tpu.memref_slice %arg9[%dma_wait3A_547, %dma_wait3A_559, %dma_wait3A_560] : memref<6x128x128xf32, #tpu.memory_space<vmem>> -> memref<1x128x128xf32, #tpu.memory_space<vmem>>
    %dma_wait3A_562 = tpu.memref_squeeze %dma_wait3A_561 : memref<1x128x128xf32, #tpu.memory_space<vmem>> -> memref<128x128xf32, #tpu.memory_space<vmem>>
    tpu.wait_dma2 semaphore(%dma_wait3A_556 : memref<!tpu.dma_semaphore, #tpu.memory_space<semaphore_mem>>) src(%dma_wait3A_562 : memref<128x128xf32, #tpu.memory_space<vmem>>) dst(%dma_wait3A_558 : memref<128x128xf32, #tpu.memory_space<hbm>>)
    %dma_start3A_563 = arith.constant 12 : i32
    %dma_start3A_564 = arith.constant 0 : i32
    %dma_start3A_565 = arith.constant 0 : i32
    %dma_start3A_566 = arith.constant 0 : i32
    %dma_start3A_567 = arith.constant 0 : i32
    %dma_start3A_568 = tpu.memref_slice %arg9[%dma_start3A_564, %dma_start3A_566, %dma_start3A_567] : memref<6x128x128xf32, #tpu.memory_space<vmem>> -> memref<1x128x128xf32, #tpu.memory_space<vmem>>
    %dma_start3A_569 = tpu.memref_squeeze %dma_start3A_568 : memref<1x128x128xf32, #tpu.memory_space<vmem>> -> memref<128x128xf32, #tpu.memory_space<vmem>>
    %dma_start3A_570 = arith.constant 0 : i32
    %dma_start3A_571 = tpu.memref_slice %arg8[%dma_start3A_563, %dma_start3A_570] : memref<50x128xi32, #tpu.memory_space<vmem>> -> memref<1x128xi32, #tpu.memory_space<vmem>>
    %dma_start3A_572 = tpu.memref_squeeze %dma_start3A_571 : memref<1x128xi32, #tpu.memory_space<vmem>> -> memref<128xi32, #tpu.memory_space<vmem>>
    %dma_start3A_573 = arith.constant 0 : i32
    %dma_start3A_574 = arith.constant 0 : i32
    %dma_start3A_575 = tpu.memref_slice %arg2[%dma_start3A_573, %dma_start3A_574] : memref<14600x128xf32, #tpu.memory_space<hbm>> -> memref<14600x128xf32, #tpu.memory_space<hbm>>
    %dma_start3A_576 = tpu.memref_slice %arg10[%dma_start3A_565] : memref<6x!tpu.dma_semaphore, #tpu.memory_space<semaphore_mem>> -> memref<1x!tpu.dma_semaphore, #tpu.memory_space<semaphore_mem>>
    %dma_start3A_577 = tpu.memref_squeeze %dma_start3A_576 : memref<1x!tpu.dma_semaphore, #tpu.memory_space<semaphore_mem>> -> memref<!tpu.dma_semaphore, #tpu.memory_space<semaphore_mem>>
    tpu.enqueue_indirect_dma source(%dma_start3A_575 : memref<14600x128xf32, #tpu.memory_space<hbm>>) target(%dma_start3A_569 : memref<128x128xf32, #tpu.memory_space<vmem>>) offsets(%dma_start3A_572 : memref<128xi32, #tpu.memory_space<vmem>>) semaphore(%dma_start3A_577 : memref<!tpu.dma_semaphore, #tpu.memory_space<semaphore_mem>>)
    %dma_wait3A_578 = arith.constant 8 : i32
    %dma_wait3A_579 = arith.constant 2 : i32
    %dma_wait3A_580 = arith.constant 2 : i32
    %dma_wait3A_581 = arith.constant 0 : i32
    %dma_wait3A_582 = arith.constant 0 : i32
    %dma_wait3A_583 = tpu.memref_slice %arg9[%dma_wait3A_579, %dma_wait3A_581, %dma_wait3A_582] : memref<6x128x128xf32, #tpu.memory_space<vmem>> -> memref<1x128x128xf32, #tpu.memory_space<vmem>>
    %dma_wait3A_584 = tpu.memref_squeeze %dma_wait3A_583 : memref<1x128x128xf32, #tpu.memory_space<vmem>> -> memref<128x128xf32, #tpu.memory_space<vmem>>
    %dma_wait3A_585 = arith.constant 0 : i32
    %dma_wait3A_586 = tpu.memref_slice %arg8[%dma_wait3A_578, %dma_wait3A_585] : memref<50x128xi32, #tpu.memory_space<vmem>> -> memref<1x128xi32, #tpu.memory_space<vmem>>
    %dma_wait3A_587 = tpu.memref_squeeze %dma_wait3A_586 : memref<1x128xi32, #tpu.memory_space<vmem>> -> memref<128xi32, #tpu.memory_space<vmem>>
    %dma_wait3A_588 = arith.constant 0 : i32
    %dma_wait3A_589 = arith.constant 0 : i32
    %dma_wait3A_590 = tpu.memref_slice %arg2[%dma_wait3A_588, %dma_wait3A_589] : memref<14600x128xf32, #tpu.memory_space<hbm>> -> memref<14600x128xf32, #tpu.memory_space<hbm>>
    %dma_wait3A_591 = tpu.memref_slice %arg10[%dma_wait3A_580] : memref<6x!tpu.dma_semaphore, #tpu.memory_space<semaphore_mem>> -> memref<1x!tpu.dma_semaphore, #tpu.memory_space<semaphore_mem>>
    %dma_wait3A_592 = tpu.memref_squeeze %dma_wait3A_591 : memref<1x!tpu.dma_semaphore, #tpu.memory_space<semaphore_mem>> -> memref<!tpu.dma_semaphore, #tpu.memory_space<semaphore_mem>>
    tpu.wait_indirect_dma semaphore(%dma_wait3A_592 : memref<!tpu.dma_semaphore, #tpu.memory_space<semaphore_mem>>) src(%dma_wait3A_590 : memref<14600x128xf32, #tpu.memory_space<hbm>>) dst(%dma_wait3A_584 : memref<128x128xf32, #tpu.memory_space<vmem>>)
    %add3A_593 = arith.constant 1024 : i32
    %add3A_594 = arith.addi %mul3A_2, %add3A_593 : i32
    %dma_start3A_595 = arith.constant 2 : i32
    %dma_start3A_596 = arith.constant 2 : i32
    %dma_start3A_597 = arith.constant 0 : i32
    %dma_start3A_598 = arith.constant 0 : i32
    %dma_start3A_599 = tpu.memref_slice %arg9[%dma_start3A_595, %dma_start3A_597, %dma_start3A_598] : memref<6x128x128xf32, #tpu.memory_space<vmem>> -> memref<1x128x128xf32, #tpu.memory_space<vmem>>
    %dma_start3A_600 = tpu.memref_squeeze %dma_start3A_599 : memref<1x128x128xf32, #tpu.memory_space<vmem>> -> memref<128x128xf32, #tpu.memory_space<vmem>>
    %dma_start3A_601 = arith.constant 0 : i32
    %dma_start3A_602 = tpu.memref_slice %arg5[%add3A_594, %dma_start3A_601] : memref<204800x128xf32, #tpu.memory_space<hbm>> -> memref<128x128xf32, #tpu.memory_space<hbm>>
    %dma_start3A_603 = tpu.memref_slice %arg11[%dma_start3A_596] : memref<6x!tpu.dma_semaphore, #tpu.memory_space<semaphore_mem>> -> memref<1x!tpu.dma_semaphore, #tpu.memory_space<semaphore_mem>>
    %dma_start3A_604 = tpu.memref_squeeze %dma_start3A_603 : memref<1x!tpu.dma_semaphore, #tpu.memory_space<semaphore_mem>> -> memref<!tpu.dma_semaphore, #tpu.memory_space<semaphore_mem>>
    %dma_start3A_605 = arith.constant 0 : i32
    %dma_start3A_606 = tpu.memref_slice %arg5[%add3A_594, %dma_start3A_605] : memref<204800x128xf32, #tpu.memory_space<hbm>> -> memref<128x128xf32, #tpu.memory_space<hbm>>
    %dma_start3A_607 = arith.constant 0 : i32
    %dma_start3A_608 = arith.constant 0 : i32
    %dma_start3A_609 = tpu.memref_slice %arg9[%dma_start3A_595, %dma_start3A_607, %dma_start3A_608] : memref<6x128x128xf32, #tpu.memory_space<vmem>> -> memref<1x128x128xf32, #tpu.memory_space<vmem>>
    %dma_start3A_610 = tpu.memref_squeeze %dma_start3A_609 : memref<1x128x128xf32, #tpu.memory_space<vmem>> -> memref<128x128xf32, #tpu.memory_space<vmem>>
    tpu.enqueue_dma source(%dma_start3A_610 : memref<128x128xf32, #tpu.memory_space<vmem>>) target(%dma_start3A_606 : memref<128x128xf32, #tpu.memory_space<hbm>>) target_semaphore(%dma_start3A_604 : memref<!tpu.dma_semaphore, #tpu.memory_space<semaphore_mem>>)
    %dma_wait3A_611 = arith.constant 1 : i32
    %dma_wait3A_612 = arith.constant 1 : i32
    %dma_wait3A_613 = arith.constant 0 : i32
    %dma_wait3A_614 = arith.constant 0 : i32
    %dma_wait3A_615 = tpu.memref_slice %arg9[%dma_wait3A_611, %dma_wait3A_613, %dma_wait3A_614] : memref<6x128x128xf32, #tpu.memory_space<vmem>> -> memref<1x128x128xf32, #tpu.memory_space<vmem>>
    %dma_wait3A_616 = tpu.memref_squeeze %dma_wait3A_615 : memref<1x128x128xf32, #tpu.memory_space<vmem>> -> memref<128x128xf32, #tpu.memory_space<vmem>>
    %dma_wait3A_617 = arith.constant 0 : i32
    %dma_wait3A_618 = tpu.memref_slice %arg5[%add3A_530, %dma_wait3A_617] : memref<204800x128xf32, #tpu.memory_space<hbm>> -> memref<128x128xf32, #tpu.memory_space<hbm>>
    %dma_wait3A_619 = tpu.memref_slice %arg11[%dma_wait3A_612] : memref<6x!tpu.dma_semaphore, #tpu.memory_space<semaphore_mem>> -> memref<1x!tpu.dma_semaphore, #tpu.memory_space<semaphore_mem>>
    %dma_wait3A_620 = tpu.memref_squeeze %dma_wait3A_619 : memref<1x!tpu.dma_semaphore, #tpu.memory_space<semaphore_mem>> -> memref<!tpu.dma_semaphore, #tpu.memory_space<semaphore_mem>>
    %dma_wait3A_621 = arith.constant 0 : i32
    %dma_wait3A_622 = tpu.memref_slice %arg5[%add3A_530, %dma_wait3A_621] : memref<204800x128xf32, #tpu.memory_space<hbm>> -> memref<128x128xf32, #tpu.memory_space<hbm>>
    %dma_wait3A_623 = arith.constant 0 : i32
    %dma_wait3A_624 = arith.constant 0 : i32
    %dma_wait3A_625 = tpu.memref_slice %arg9[%dma_wait3A_611, %dma_wait3A_623, %dma_wait3A_624] : memref<6x128x128xf32, #tpu.memory_space<vmem>> -> memref<1x128x128xf32, #tpu.memory_space<vmem>>
    %dma_wait3A_626 = tpu.memref_squeeze %dma_wait3A_625 : memref<1x128x128xf32, #tpu.memory_space<vmem>> -> memref<128x128xf32, #tpu.memory_space<vmem>>
    tpu.wait_dma2 semaphore(%dma_wait3A_620 : memref<!tpu.dma_semaphore, #tpu.memory_space<semaphore_mem>>) src(%dma_wait3A_626 : memref<128x128xf32, #tpu.memory_space<vmem>>) dst(%dma_wait3A_622 : memref<128x128xf32, #tpu.memory_space<hbm>>)
    %dma_start3A_627 = arith.constant 13 : i32
    %dma_start3A_628 = arith.constant 1 : i32
    %dma_start3A_629 = arith.constant 1 : i32
    %dma_start3A_630 = arith.constant 0 : i32
    %dma_start3A_631 = arith.constant 0 : i32
    %dma_start3A_632 = tpu.memref_slice %arg9[%dma_start3A_628, %dma_start3A_630, %dma_start3A_631] : memref<6x128x128xf32, #tpu.memory_space<vmem>> -> memref<1x128x128xf32, #tpu.memory_space<vmem>>
    %dma_start3A_633 = tpu.memref_squeeze %dma_start3A_632 : memref<1x128x128xf32, #tpu.memory_space<vmem>> -> memref<128x128xf32, #tpu.memory_space<vmem>>
    %dma_start3A_634 = arith.constant 0 : i32
    %dma_start3A_635 = tpu.memref_slice %arg8[%dma_start3A_627, %dma_start3A_634] : memref<50x128xi32, #tpu.memory_space<vmem>> -> memref<1x128xi32, #tpu.memory_space<vmem>>
    %dma_start3A_636 = tpu.memref_squeeze %dma_start3A_635 : memref<1x128xi32, #tpu.memory_space<vmem>> -> memref<128xi32, #tpu.memory_space<vmem>>
    %dma_start3A_637 = arith.constant 0 : i32
    %dma_start3A_638 = arith.constant 0 : i32
    %dma_start3A_639 = tpu.memref_slice %arg2[%dma_start3A_637, %dma_start3A_638] : memref<14600x128xf32, #tpu.memory_space<hbm>> -> memref<14600x128xf32, #tpu.memory_space<hbm>>
    %dma_start3A_640 = tpu.memref_slice %arg10[%dma_start3A_629] : memref<6x!tpu.dma_semaphore, #tpu.memory_space<semaphore_mem>> -> memref<1x!tpu.dma_semaphore, #tpu.memory_space<semaphore_mem>>
    %dma_start3A_641 = tpu.memref_squeeze %dma_start3A_640 : memref<1x!tpu.dma_semaphore, #tpu.memory_space<semaphore_mem>> -> memref<!tpu.dma_semaphore, #tpu.memory_space<semaphore_mem>>
    tpu.enqueue_indirect_dma source(%dma_start3A_639 : memref<14600x128xf32, #tpu.memory_space<hbm>>) target(%dma_start3A_633 : memref<128x128xf32, #tpu.memory_space<vmem>>) offsets(%dma_start3A_636 : memref<128xi32, #tpu.memory_space<vmem>>) semaphore(%dma_start3A_641 : memref<!tpu.dma_semaphore, #tpu.memory_space<semaphore_mem>>)
    %dma_wait3A_642 = arith.constant 9 : i32
    %dma_wait3A_643 = arith.constant 3 : i32
    %dma_wait3A_644 = arith.constant 3 : i32
    %dma_wait3A_645 = arith.constant 0 : i32
    %dma_wait3A_646 = arith.constant 0 : i32
    %dma_wait3A_647 = tpu.memref_slice %arg9[%dma_wait3A_643, %dma_wait3A_645, %dma_wait3A_646] : memref<6x128x128xf32, #tpu.memory_space<vmem>> -> memref<1x128x128xf32, #tpu.memory_space<vmem>>
    %dma_wait3A_648 = tpu.memref_squeeze %dma_wait3A_647 : memref<1x128x128xf32, #tpu.memory_space<vmem>> -> memref<128x128xf32, #tpu.memory_space<vmem>>
    %dma_wait3A_649 = arith.constant 0 : i32
    %dma_wait3A_650 = tpu.memref_slice %arg8[%dma_wait3A_642, %dma_wait3A_649] : memref<50x128xi32, #tpu.memory_space<vmem>> -> memref<1x128xi32, #tpu.memory_space<vmem>>
    %dma_wait3A_651 = tpu.memref_squeeze %dma_wait3A_650 : memref<1x128xi32, #tpu.memory_space<vmem>> -> memref<128xi32, #tpu.memory_space<vmem>>
    %dma_wait3A_652 = arith.constant 0 : i32
    %dma_wait3A_653 = arith.constant 0 : i32
    %dma_wait3A_654 = tpu.memref_slice %arg2[%dma_wait3A_652, %dma_wait3A_653] : memref<14600x128xf32, #tpu.memory_space<hbm>> -> memref<14600x128xf32, #tpu.memory_space<hbm>>
    %dma_wait3A_655 = tpu.memref_slice %arg10[%dma_wait3A_644] : memref<6x!tpu.dma_semaphore, #tpu.memory_space<semaphore_mem>> -> memref<1x!tpu.dma_semaphore, #tpu.memory_space<semaphore_mem>>
    %dma_wait3A_656 = tpu.memref_squeeze %dma_wait3A_655 : memref<1x!tpu.dma_semaphore, #tpu.memory_space<semaphore_mem>> -> memref<!tpu.dma_semaphore, #tpu.memory_space<semaphore_mem>>
    tpu.wait_indirect_dma semaphore(%dma_wait3A_656 : memref<!tpu.dma_semaphore, #tpu.memory_space<semaphore_mem>>) src(%dma_wait3A_654 : memref<14600x128xf32, #tpu.memory_space<hbm>>) dst(%dma_wait3A_648 : memref<128x128xf32, #tpu.memory_space<vmem>>)
    %add3A_657 = arith.constant 1152 : i32
    %add3A_658 = arith.addi %mul3A_2, %add3A_657 : i32
    %dma_start3A_659 = arith.constant 3 : i32
    %dma_start3A_660 = arith.constant 3 : i32
    %dma_start3A_661 = arith.constant 0 : i32
    %dma_start3A_662 = arith.constant 0 : i32
    %dma_start3A_663 = tpu.memref_slice %arg9[%dma_start3A_659, %dma_start3A_661, %dma_start3A_662] : memref<6x128x128xf32, #tpu.memory_space<vmem>> -> memref<1x128x128xf32, #tpu.memory_space<vmem>>
    %dma_start3A_664 = tpu.memref_squeeze %dma_start3A_663 : memref<1x128x128xf32, #tpu.memory_space<vmem>> -> memref<128x128xf32, #tpu.memory_space<vmem>>
    %dma_start3A_665 = arith.constant 0 : i32
    %dma_start3A_666 = tpu.memref_slice %arg5[%add3A_658, %dma_start3A_665] : memref<204800x128xf32, #tpu.memory_space<hbm>> -> memref<128x128xf32, #tpu.memory_space<hbm>>
    %dma_start3A_667 = tpu.memref_slice %arg11[%dma_start3A_660] : memref<6x!tpu.dma_semaphore, #tpu.memory_space<semaphore_mem>> -> memref<1x!tpu.dma_semaphore, #tpu.memory_space<semaphore_mem>>
    %dma_start3A_668 = tpu.memref_squeeze %dma_start3A_667 : memref<1x!tpu.dma_semaphore, #tpu.memory_space<semaphore_mem>> -> memref<!tpu.dma_semaphore, #tpu.memory_space<semaphore_mem>>
    %dma_start3A_669 = arith.constant 0 : i32
    %dma_start3A_670 = tpu.memref_slice %arg5[%add3A_658, %dma_start3A_669] : memref<204800x128xf32, #tpu.memory_space<hbm>> -> memref<128x128xf32, #tpu.memory_space<hbm>>
    %dma_start3A_671 = arith.constant 0 : i32
    %dma_start3A_672 = arith.constant 0 : i32
    %dma_start3A_673 = tpu.memref_slice %arg9[%dma_start3A_659, %dma_start3A_671, %dma_start3A_672] : memref<6x128x128xf32, #tpu.memory_space<vmem>> -> memref<1x128x128xf32, #tpu.memory_space<vmem>>
    %dma_start3A_674 = tpu.memref_squeeze %dma_start3A_673 : memref<1x128x128xf32, #tpu.memory_space<vmem>> -> memref<128x128xf32, #tpu.memory_space<vmem>>
    tpu.enqueue_dma source(%dma_start3A_674 : memref<128x128xf32, #tpu.memory_space<vmem>>) target(%dma_start3A_670 : memref<128x128xf32, #tpu.memory_space<hbm>>) target_semaphore(%dma_start3A_668 : memref<!tpu.dma_semaphore, #tpu.memory_space<semaphore_mem>>)
    %dma_wait3A_675 = arith.constant 2 : i32
    %dma_wait3A_676 = arith.constant 2 : i32
    %dma_wait3A_677 = arith.constant 0 : i32
    %dma_wait3A_678 = arith.constant 0 : i32
    %dma_wait3A_679 = tpu.memref_slice %arg9[%dma_wait3A_675, %dma_wait3A_677, %dma_wait3A_678] : memref<6x128x128xf32, #tpu.memory_space<vmem>> -> memref<1x128x128xf32, #tpu.memory_space<vmem>>
    %dma_wait3A_680 = tpu.memref_squeeze %dma_wait3A_679 : memref<1x128x128xf32, #tpu.memory_space<vmem>> -> memref<128x128xf32, #tpu.memory_space<vmem>>
    %dma_wait3A_681 = arith.constant 0 : i32
    %dma_wait3A_682 = tpu.memref_slice %arg5[%add3A_594, %dma_wait3A_681] : memref<204800x128xf32, #tpu.memory_space<hbm>> -> memref<128x128xf32, #tpu.memory_space<hbm>>
    %dma_wait3A_683 = tpu.memref_slice %arg11[%dma_wait3A_676] : memref<6x!tpu.dma_semaphore, #tpu.memory_space<semaphore_mem>> -> memref<1x!tpu.dma_semaphore, #tpu.memory_space<semaphore_mem>>
    %dma_wait3A_684 = tpu.memref_squeeze %dma_wait3A_683 : memref<1x!tpu.dma_semaphore, #tpu.memory_space<semaphore_mem>> -> memref<!tpu.dma_semaphore, #tpu.memory_space<semaphore_mem>>
    %dma_wait3A_685 = arith.constant 0 : i32
    %dma_wait3A_686 = tpu.memref_slice %arg5[%add3A_594, %dma_wait3A_685] : memref<204800x128xf32, #tpu.memory_space<hbm>> -> memref<128x128xf32, #tpu.memory_space<hbm>>
    %dma_wait3A_687 = arith.constant 0 : i32
    %dma_wait3A_688 = arith.constant 0 : i32
    %dma_wait3A_689 = tpu.memref_slice %arg9[%dma_wait3A_675, %dma_wait3A_687, %dma_wait3A_688] : memref<6x128x128xf32, #tpu.memory_space<vmem>> -> memref<1x128x128xf32, #tpu.memory_space<vmem>>
    %dma_wait3A_690 = tpu.memref_squeeze %dma_wait3A_689 : memref<1x128x128xf32, #tpu.memory_space<vmem>> -> memref<128x128xf32, #tpu.memory_space<vmem>>
    tpu.wait_dma2 semaphore(%dma_wait3A_684 : memref<!tpu.dma_semaphore, #tpu.memory_space<semaphore_mem>>) src(%dma_wait3A_690 : memref<128x128xf32, #tpu.memory_space<vmem>>) dst(%dma_wait3A_686 : memref<128x128xf32, #tpu.memory_space<hbm>>)
    %dma_start3A_691 = arith.constant 14 : i32
    %dma_start3A_692 = arith.constant 2 : i32
    %dma_start3A_693 = arith.constant 2 : i32
    %dma_start3A_694 = arith.constant 0 : i32
    %dma_start3A_695 = arith.constant 0 : i32
    %dma_start3A_696 = tpu.memref_slice %arg9[%dma_start3A_692, %dma_start3A_694, %dma_start3A_695] : memref<6x128x128xf32, #tpu.memory_space<vmem>> -> memref<1x128x128xf32, #tpu.memory_space<vmem>>
    %dma_start3A_697 = tpu.memref_squeeze %dma_start3A_696 : memref<1x128x128xf32, #tpu.memory_space<vmem>> -> memref<128x128xf32, #tpu.memory_space<vmem>>
    %dma_start3A_698 = arith.constant 0 : i32
    %dma_start3A_699 = tpu.memref_slice %arg8[%dma_start3A_691, %dma_start3A_698] : memref<50x128xi32, #tpu.memory_space<vmem>> -> memref<1x128xi32, #tpu.memory_space<vmem>>
    %dma_start3A_700 = tpu.memref_squeeze %dma_start3A_699 : memref<1x128xi32, #tpu.memory_space<vmem>> -> memref<128xi32, #tpu.memory_space<vmem>>
    %dma_start3A_701 = arith.constant 0 : i32
    %dma_start3A_702 = arith.constant 0 : i32
    %dma_start3A_703 = tpu.memref_slice %arg2[%dma_start3A_701, %dma_start3A_702] : memref<14600x128xf32, #tpu.memory_space<hbm>> -> memref<14600x128xf32, #tpu.memory_space<hbm>>
    %dma_start3A_704 = tpu.memref_slice %arg10[%dma_start3A_693] : memref<6x!tpu.dma_semaphore, #tpu.memory_space<semaphore_mem>> -> memref<1x!tpu.dma_semaphore, #tpu.memory_space<semaphore_mem>>
    %dma_start3A_705 = tpu.memref_squeeze %dma_start3A_704 : memref<1x!tpu.dma_semaphore, #tpu.memory_space<semaphore_mem>> -> memref<!tpu.dma_semaphore, #tpu.memory_space<semaphore_mem>>
    tpu.enqueue_indirect_dma source(%dma_start3A_703 : memref<14600x128xf32, #tpu.memory_space<hbm>>) target(%dma_start3A_697 : memref<128x128xf32, #tpu.memory_space<vmem>>) offsets(%dma_start3A_700 : memref<128xi32, #tpu.memory_space<vmem>>) semaphore(%dma_start3A_705 : memref<!tpu.dma_semaphore, #tpu.memory_space<semaphore_mem>>)
    %dma_wait3A_706 = arith.constant 10 : i32
    %dma_wait3A_707 = arith.constant 4 : i32
    %dma_wait3A_708 = arith.constant 4 : i32
    %dma_wait3A_709 = arith.constant 0 : i32
    %dma_wait3A_710 = arith.constant 0 : i32
    %dma_wait3A_711 = tpu.memref_slice %arg9[%dma_wait3A_707, %dma_wait3A_709, %dma_wait3A_710] : memref<6x128x128xf32, #tpu.memory_space<vmem>> -> memref<1x128x128xf32, #tpu.memory_space<vmem>>
    %dma_wait3A_712 = tpu.memref_squeeze %dma_wait3A_711 : memref<1x128x128xf32, #tpu.memory_space<vmem>> -> memref<128x128xf32, #tpu.memory_space<vmem>>
    %dma_wait3A_713 = arith.constant 0 : i32
    %dma_wait3A_714 = tpu.memref_slice %arg8[%dma_wait3A_706, %dma_wait3A_713] : memref<50x128xi32, #tpu.memory_space<vmem>> -> memref<1x128xi32, #tpu.memory_space<vmem>>
    %dma_wait3A_715 = tpu.memref_squeeze %dma_wait3A_714 : memref<1x128xi32, #tpu.memory_space<vmem>> -> memref<128xi32, #tpu.memory_space<vmem>>
    %dma_wait3A_716 = arith.constant 0 : i32
    %dma_wait3A_717 = arith.constant 0 : i32
    %dma_wait3A_718 = tpu.memref_slice %arg2[%dma_wait3A_716, %dma_wait3A_717] : memref<14600x128xf32, #tpu.memory_space<hbm>> -> memref<14600x128xf32, #tpu.memory_space<hbm>>
    %dma_wait3A_719 = tpu.memref_slice %arg10[%dma_wait3A_708] : memref<6x!tpu.dma_semaphore, #tpu.memory_space<semaphore_mem>> -> memref<1x!tpu.dma_semaphore, #tpu.memory_space<semaphore_mem>>
    %dma_wait3A_720 = tpu.memref_squeeze %dma_wait3A_719 : memref<1x!tpu.dma_semaphore, #tpu.memory_space<semaphore_mem>> -> memref<!tpu.dma_semaphore, #tpu.memory_space<semaphore_mem>>
    tpu.wait_indirect_dma semaphore(%dma_wait3A_720 : memref<!tpu.dma_semaphore, #tpu.memory_space<semaphore_mem>>) src(%dma_wait3A_718 : memref<14600x128xf32, #tpu.memory_space<hbm>>) dst(%dma_wait3A_712 : memref<128x128xf32, #tpu.memory_space<vmem>>)
    %add3A_721 = arith.constant 1280 : i32
    %add3A_722 = arith.addi %mul3A_2, %add3A_721 : i32
    %dma_start3A_723 = arith.constant 4 : i32
    %dma_start3A_724 = arith.constant 4 : i32
    %dma_start3A_725 = arith.constant 0 : i32
    %dma_start3A_726 = arith.constant 0 : i32
    %dma_start3A_727 = tpu.memref_slice %arg9[%dma_start3A_723, %dma_start3A_725, %dma_start3A_726] : memref<6x128x128xf32, #tpu.memory_space<vmem>> -> memref<1x128x128xf32, #tpu.memory_space<vmem>>
    %dma_start3A_728 = tpu.memref_squeeze %dma_start3A_727 : memref<1x128x128xf32, #tpu.memory_space<vmem>> -> memref<128x128xf32, #tpu.memory_space<vmem>>
    %dma_start3A_729 = arith.constant 0 : i32
    %dma_start3A_730 = tpu.memref_slice %arg5[%add3A_722, %dma_start3A_729] : memref<204800x128xf32, #tpu.memory_space<hbm>> -> memref<128x128xf32, #tpu.memory_space<hbm>>
    %dma_start3A_731 = tpu.memref_slice %arg11[%dma_start3A_724] : memref<6x!tpu.dma_semaphore, #tpu.memory_space<semaphore_mem>> -> memref<1x!tpu.dma_semaphore, #tpu.memory_space<semaphore_mem>>
    %dma_start3A_732 = tpu.memref_squeeze %dma_start3A_731 : memref<1x!tpu.dma_semaphore, #tpu.memory_space<semaphore_mem>> -> memref<!tpu.dma_semaphore, #tpu.memory_space<semaphore_mem>>
    %dma_start3A_733 = arith.constant 0 : i32
    %dma_start3A_734 = tpu.memref_slice %arg5[%add3A_722, %dma_start3A_733] : memref<204800x128xf32, #tpu.memory_space<hbm>> -> memref<128x128xf32, #tpu.memory_space<hbm>>
    %dma_start3A_735 = arith.constant 0 : i32
    %dma_start3A_736 = arith.constant 0 : i32
    %dma_start3A_737 = tpu.memref_slice %arg9[%dma_start3A_723, %dma_start3A_735, %dma_start3A_736] : memref<6x128x128xf32, #tpu.memory_space<vmem>> -> memref<1x128x128xf32, #tpu.memory_space<vmem>>
    %dma_start3A_738 = tpu.memref_squeeze %dma_start3A_737 : memref<1x128x128xf32, #tpu.memory_space<vmem>> -> memref<128x128xf32, #tpu.memory_space<vmem>>
    tpu.enqueue_dma source(%dma_start3A_738 : memref<128x128xf32, #tpu.memory_space<vmem>>) target(%dma_start3A_734 : memref<128x128xf32, #tpu.memory_space<hbm>>) target_semaphore(%dma_start3A_732 : memref<!tpu.dma_semaphore, #tpu.memory_space<semaphore_mem>>)
    %dma_wait3A_739 = arith.constant 3 : i32
    %dma_wait3A_740 = arith.constant 3 : i32
    %dma_wait3A_741 = arith.constant 0 : i32
    %dma_wait3A_742 = arith.constant 0 : i32
    %dma_wait3A_743 = tpu.memref_slice %arg9[%dma_wait3A_739, %dma_wait3A_741, %dma_wait3A_742] : memref<6x128x128xf32, #tpu.memory_space<vmem>> -> memref<1x128x128xf32, #tpu.memory_space<vmem>>
    %dma_wait3A_744 = tpu.memref_squeeze %dma_wait3A_743 : memref<1x128x128xf32, #tpu.memory_space<vmem>> -> memref<128x128xf32, #tpu.memory_space<vmem>>
    %dma_wait3A_745 = arith.constant 0 : i32
    %dma_wait3A_746 = tpu.memref_slice %arg5[%add3A_658, %dma_wait3A_745] : memref<204800x128xf32, #tpu.memory_space<hbm>> -> memref<128x128xf32, #tpu.memory_space<hbm>>
    %dma_wait3A_747 = tpu.memref_slice %arg11[%dma_wait3A_740] : memref<6x!tpu.dma_semaphore, #tpu.memory_space<semaphore_mem>> -> memref<1x!tpu.dma_semaphore, #tpu.memory_space<semaphore_mem>>
    %dma_wait3A_748 = tpu.memref_squeeze %dma_wait3A_747 : memref<1x!tpu.dma_semaphore, #tpu.memory_space<semaphore_mem>> -> memref<!tpu.dma_semaphore, #tpu.memory_space<semaphore_mem>>
    %dma_wait3A_749 = arith.constant 0 : i32
    %dma_wait3A_750 = tpu.memref_slice %arg5[%add3A_658, %dma_wait3A_749] : memref<204800x128xf32, #tpu.memory_space<hbm>> -> memref<128x128xf32, #tpu.memory_space<hbm>>
    %dma_wait3A_751 = arith.constant 0 : i32
    %dma_wait3A_752 = arith.constant 0 : i32
    %dma_wait3A_753 = tpu.memref_slice %arg9[%dma_wait3A_739, %dma_wait3A_751, %dma_wait3A_752] : memref<6x128x128xf32, #tpu.memory_space<vmem>> -> memref<1x128x128xf32, #tpu.memory_space<vmem>>
    %dma_wait3A_754 = tpu.memref_squeeze %dma_wait3A_753 : memref<1x128x128xf32, #tpu.memory_space<vmem>> -> memref<128x128xf32, #tpu.memory_space<vmem>>
    tpu.wait_dma2 semaphore(%dma_wait3A_748 : memref<!tpu.dma_semaphore, #tpu.memory_space<semaphore_mem>>) src(%dma_wait3A_754 : memref<128x128xf32, #tpu.memory_space<vmem>>) dst(%dma_wait3A_750 : memref<128x128xf32, #tpu.memory_space<hbm>>)
    %dma_start3A_755 = arith.constant 15 : i32
    %dma_start3A_756 = arith.constant 3 : i32
    %dma_start3A_757 = arith.constant 3 : i32
    %dma_start3A_758 = arith.constant 0 : i32
    %dma_start3A_759 = arith.constant 0 : i32
    %dma_start3A_760 = tpu.memref_slice %arg9[%dma_start3A_756, %dma_start3A_758, %dma_start3A_759] : memref<6x128x128xf32, #tpu.memory_space<vmem>> -> memref<1x128x128xf32, #tpu.memory_space<vmem>>
    %dma_start3A_761 = tpu.memref_squeeze %dma_start3A_760 : memref<1x128x128xf32, #tpu.memory_space<vmem>> -> memref<128x128xf32, #tpu.memory_space<vmem>>
    %dma_start3A_762 = arith.constant 0 : i32
    %dma_start3A_763 = tpu.memref_slice %arg8[%dma_start3A_755, %dma_start3A_762] : memref<50x128xi32, #tpu.memory_space<vmem>> -> memref<1x128xi32, #tpu.memory_space<vmem>>
    %dma_start3A_764 = tpu.memref_squeeze %dma_start3A_763 : memref<1x128xi32, #tpu.memory_space<vmem>> -> memref<128xi32, #tpu.memory_space<vmem>>
    %dma_start3A_765 = arith.constant 0 : i32
    %dma_start3A_766 = arith.constant 0 : i32
    %dma_start3A_767 = tpu.memref_slice %arg2[%dma_start3A_765, %dma_start3A_766] : memref<14600x128xf32, #tpu.memory_space<hbm>> -> memref<14600x128xf32, #tpu.memory_space<hbm>>
    %dma_start3A_768 = tpu.memref_slice %arg10[%dma_start3A_757] : memref<6x!tpu.dma_semaphore, #tpu.memory_space<semaphore_mem>> -> memref<1x!tpu.dma_semaphore, #tpu.memory_space<semaphore_mem>>
    %dma_start3A_769 = tpu.memref_squeeze %dma_start3A_768 : memref<1x!tpu.dma_semaphore, #tpu.memory_space<semaphore_mem>> -> memref<!tpu.dma_semaphore, #tpu.memory_space<semaphore_mem>>
    tpu.enqueue_indirect_dma source(%dma_start3A_767 : memref<14600x128xf32, #tpu.memory_space<hbm>>) target(%dma_start3A_761 : memref<128x128xf32, #tpu.memory_space<vmem>>) offsets(%dma_start3A_764 : memref<128xi32, #tpu.memory_space<vmem>>) semaphore(%dma_start3A_769 : memref<!tpu.dma_semaphore, #tpu.memory_space<semaphore_mem>>)
    %dma_wait3A_770 = arith.constant 11 : i32
    %dma_wait3A_771 = arith.constant 5 : i32
    %dma_wait3A_772 = arith.constant 5 : i32
    %dma_wait3A_773 = arith.constant 0 : i32
    %dma_wait3A_774 = arith.constant 0 : i32
    %dma_wait3A_775 = tpu.memref_slice %arg9[%dma_wait3A_771, %dma_wait3A_773, %dma_wait3A_774] : memref<6x128x128xf32, #tpu.memory_space<vmem>> -> memref<1x128x128xf32, #tpu.memory_space<vmem>>
    %dma_wait3A_776 = tpu.memref_squeeze %dma_wait3A_775 : memref<1x128x128xf32, #tpu.memory_space<vmem>> -> memref<128x128xf32, #tpu.memory_space<vmem>>
    %dma_wait3A_777 = arith.constant 0 : i32
    %dma_wait3A_778 = tpu.memref_slice %arg8[%dma_wait3A_770, %dma_wait3A_777] : memref<50x128xi32, #tpu.memory_space<vmem>> -> memref<1x128xi32, #tpu.memory_space<vmem>>
    %dma_wait3A_779 = tpu.memref_squeeze %dma_wait3A_778 : memref<1x128xi32, #tpu.memory_space<vmem>> -> memref<128xi32, #tpu.memory_space<vmem>>
    %dma_wait3A_780 = arith.constant 0 : i32
    %dma_wait3A_781 = arith.constant 0 : i32
    %dma_wait3A_782 = tpu.memref_slice %arg2[%dma_wait3A_780, %dma_wait3A_781] : memref<14600x128xf32, #tpu.memory_space<hbm>> -> memref<14600x128xf32, #tpu.memory_space<hbm>>
    %dma_wait3A_783 = tpu.memref_slice %arg10[%dma_wait3A_772] : memref<6x!tpu.dma_semaphore, #tpu.memory_space<semaphore_mem>> -> memref<1x!tpu.dma_semaphore, #tpu.memory_space<semaphore_mem>>
    %dma_wait3A_784 = tpu.memref_squeeze %dma_wait3A_783 : memref<1x!tpu.dma_semaphore, #tpu.memory_space<semaphore_mem>> -> memref<!tpu.dma_semaphore, #tpu.memory_space<semaphore_mem>>
    tpu.wait_indirect_dma semaphore(%dma_wait3A_784 : memref<!tpu.dma_semaphore, #tpu.memory_space<semaphore_mem>>) src(%dma_wait3A_782 : memref<14600x128xf32, #tpu.memory_space<hbm>>) dst(%dma_wait3A_776 : memref<128x128xf32, #tpu.memory_space<vmem>>)
    %add3A_785 = arith.constant 1408 : i32
    %add3A_786 = arith.addi %mul3A_2, %add3A_785 : i32
    %dma_start3A_787 = arith.constant 5 : i32
    %dma_start3A_788 = arith.constant 5 : i32
    %dma_start3A_789 = arith.constant 0 : i32
    %dma_start3A_790 = arith.constant 0 : i32
    %dma_start3A_791 = tpu.memref_slice %arg9[%dma_start3A_787, %dma_start3A_789, %dma_start3A_790] : memref<6x128x128xf32, #tpu.memory_space<vmem>> -> memref<1x128x128xf32, #tpu.memory_space<vmem>>
    %dma_start3A_792 = tpu.memref_squeeze %dma_start3A_791 : memref<1x128x128xf32, #tpu.memory_space<vmem>> -> memref<128x128xf32, #tpu.memory_space<vmem>>
    %dma_start3A_793 = arith.constant 0 : i32
    %dma_start3A_794 = tpu.memref_slice %arg5[%add3A_786, %dma_start3A_793] : memref<204800x128xf32, #tpu.memory_space<hbm>> -> memref<128x128xf32, #tpu.memory_space<hbm>>
    %dma_start3A_795 = tpu.memref_slice %arg11[%dma_start3A_788] : memref<6x!tpu.dma_semaphore, #tpu.memory_space<semaphore_mem>> -> memref<1x!tpu.dma_semaphore, #tpu.memory_space<semaphore_mem>>
    %dma_start3A_796 = tpu.memref_squeeze %dma_start3A_795 : memref<1x!tpu.dma_semaphore, #tpu.memory_space<semaphore_mem>> -> memref<!tpu.dma_semaphore, #tpu.memory_space<semaphore_mem>>
    %dma_start3A_797 = arith.constant 0 : i32
    %dma_start3A_798 = tpu.memref_slice %arg5[%add3A_786, %dma_start3A_797] : memref<204800x128xf32, #tpu.memory_space<hbm>> -> memref<128x128xf32, #tpu.memory_space<hbm>>
    %dma_start3A_799 = arith.constant 0 : i32
    %dma_start3A_800 = arith.constant 0 : i32
    %dma_start3A_801 = tpu.memref_slice %arg9[%dma_start3A_787, %dma_start3A_799, %dma_start3A_800] : memref<6x128x128xf32, #tpu.memory_space<vmem>> -> memref<1x128x128xf32, #tpu.memory_space<vmem>>
    %dma_start3A_802 = tpu.memref_squeeze %dma_start3A_801 : memref<1x128x128xf32, #tpu.memory_space<vmem>> -> memref<128x128xf32, #tpu.memory_space<vmem>>
    tpu.enqueue_dma source(%dma_start3A_802 : memref<128x128xf32, #tpu.memory_space<vmem>>) target(%dma_start3A_798 : memref<128x128xf32, #tpu.memory_space<hbm>>) target_semaphore(%dma_start3A_796 : memref<!tpu.dma_semaphore, #tpu.memory_space<semaphore_mem>>)
    %dma_wait3A_803 = arith.constant 4 : i32
    %dma_wait3A_804 = arith.constant 4 : i32
    %dma_wait3A_805 = arith.constant 0 : i32
    %dma_wait3A_806 = arith.constant 0 : i32
    %dma_wait3A_807 = tpu.memref_slice %arg9[%dma_wait3A_803, %dma_wait3A_805, %dma_wait3A_806] : memref<6x128x128xf32, #tpu.memory_space<vmem>> -> memref<1x128x128xf32, #tpu.memory_space<vmem>>
    %dma_wait3A_808 = tpu.memref_squeeze %dma_wait3A_807 : memref<1x128x128xf32, #tpu.memory_space<vmem>> -> memref<128x128xf32, #tpu.memory_space<vmem>>
    %dma_wait3A_809 = arith.constant 0 : i32
    %dma_wait3A_810 = tpu.memref_slice %arg5[%add3A_722, %dma_wait3A_809] : memref<204800x128xf32, #tpu.memory_space<hbm>> -> memref<128x128xf32, #tpu.memory_space<hbm>>
    %dma_wait3A_811 = tpu.memref_slice %arg11[%dma_wait3A_804] : memref<6x!tpu.dma_semaphore, #tpu.memory_space<semaphore_mem>> -> memref<1x!tpu.dma_semaphore, #tpu.memory_space<semaphore_mem>>
    %dma_wait3A_812 = tpu.memref_squeeze %dma_wait3A_811 : memref<1x!tpu.dma_semaphore, #tpu.memory_space<semaphore_mem>> -> memref<!tpu.dma_semaphore, #tpu.memory_space<semaphore_mem>>
    %dma_wait3A_813 = arith.constant 0 : i32
    %dma_wait3A_814 = tpu.memref_slice %arg5[%add3A_722, %dma_wait3A_813] : memref<204800x128xf32, #tpu.memory_space<hbm>> -> memref<128x128xf32, #tpu.memory_space<hbm>>
    %dma_wait3A_815 = arith.constant 0 : i32
    %dma_wait3A_816 = arith.constant 0 : i32
    %dma_wait3A_817 = tpu.memref_slice %arg9[%dma_wait3A_803, %dma_wait3A_815, %dma_wait3A_816] : memref<6x128x128xf32, #tpu.memory_space<vmem>> -> memref<1x128x128xf32, #tpu.memory_space<vmem>>
    %dma_wait3A_818 = tpu.memref_squeeze %dma_wait3A_817 : memref<1x128x128xf32, #tpu.memory_space<vmem>> -> memref<128x128xf32, #tpu.memory_space<vmem>>
    tpu.wait_dma2 semaphore(%dma_wait3A_812 : memref<!tpu.dma_semaphore, #tpu.memory_space<semaphore_mem>>) src(%dma_wait3A_818 : memref<128x128xf32, #tpu.memory_space<vmem>>) dst(%dma_wait3A_814 : memref<128x128xf32, #tpu.memory_space<hbm>>)
    %dma_start3A_819 = arith.constant 16 : i32
    %dma_start3A_820 = arith.constant 4 : i32
    %dma_start3A_821 = arith.constant 4 : i32
    %dma_start3A_822 = arith.constant 0 : i32
    %dma_start3A_823 = arith.constant 0 : i32
    %dma_start3A_824 = tpu.memref_slice %arg9[%dma_start3A_820, %dma_start3A_822, %dma_start3A_823] : memref<6x128x128xf32, #tpu.memory_space<vmem>> -> memref<1x128x128xf32, #tpu.memory_space<vmem>>
    %dma_start3A_825 = tpu.memref_squeeze %dma_start3A_824 : memref<1x128x128xf32, #tpu.memory_space<vmem>> -> memref<128x128xf32, #tpu.memory_space<vmem>>
    %dma_start3A_826 = arith.constant 0 : i32
    %dma_start3A_827 = tpu.memref_slice %arg8[%dma_start3A_819, %dma_start3A_826] : memref<50x128xi32, #tpu.memory_space<vmem>> -> memref<1x128xi32, #tpu.memory_space<vmem>>
    %dma_start3A_828 = tpu.memref_squeeze %dma_start3A_827 : memref<1x128xi32, #tpu.memory_space<vmem>> -> memref<128xi32, #tpu.memory_space<vmem>>
    %dma_start3A_829 = arith.constant 0 : i32
    %dma_start3A_830 = arith.constant 0 : i32
    %dma_start3A_831 = tpu.memref_slice %arg2[%dma_start3A_829, %dma_start3A_830] : memref<14600x128xf32, #tpu.memory_space<hbm>> -> memref<14600x128xf32, #tpu.memory_space<hbm>>
    %dma_start3A_832 = tpu.memref_slice %arg10[%dma_start3A_821] : memref<6x!tpu.dma_semaphore, #tpu.memory_space<semaphore_mem>> -> memref<1x!tpu.dma_semaphore, #tpu.memory_space<semaphore_mem>>
    %dma_start3A_833 = tpu.memref_squeeze %dma_start3A_832 : memref<1x!tpu.dma_semaphore, #tpu.memory_space<semaphore_mem>> -> memref<!tpu.dma_semaphore, #tpu.memory_space<semaphore_mem>>
    tpu.enqueue_indirect_dma source(%dma_start3A_831 : memref<14600x128xf32, #tpu.memory_space<hbm>>) target(%dma_start3A_825 : memref<128x128xf32, #tpu.memory_space<vmem>>) offsets(%dma_start3A_828 : memref<128xi32, #tpu.memory_space<vmem>>) semaphore(%dma_start3A_833 : memref<!tpu.dma_semaphore, #tpu.memory_space<semaphore_mem>>)
    %dma_wait3A_834 = arith.constant 12 : i32
    %dma_wait3A_835 = arith.constant 0 : i32
    %dma_wait3A_836 = arith.constant 0 : i32
    %dma_wait3A_837 = arith.constant 0 : i32
    %dma_wait3A_838 = arith.constant 0 : i32
    %dma_wait3A_839 = tpu.memref_slice %arg9[%dma_wait3A_835, %dma_wait3A_837, %dma_wait3A_838] : memref<6x128x128xf32, #tpu.memory_space<vmem>> -> memref<1x128x128xf32, #tpu.memory_space<vmem>>
    %dma_wait3A_840 = tpu.memref_squeeze %dma_wait3A_839 : memref<1x128x128xf32, #tpu.memory_space<vmem>> -> memref<128x128xf32, #tpu.memory_space<vmem>>
    %dma_wait3A_841 = arith.constant 0 : i32
    %dma_wait3A_842 = tpu.memref_slice %arg8[%dma_wait3A_834, %dma_wait3A_841] : memref<50x128xi32, #tpu.memory_space<vmem>> -> memref<1x128xi32, #tpu.memory_space<vmem>>
    %dma_wait3A_843 = tpu.memref_squeeze %dma_wait3A_842 : memref<1x128xi32, #tpu.memory_space<vmem>> -> memref<128xi32, #tpu.memory_space<vmem>>
    %dma_wait3A_844 = arith.constant 0 : i32
    %dma_wait3A_845 = arith.constant 0 : i32
    %dma_wait3A_846 = tpu.memref_slice %arg2[%dma_wait3A_844, %dma_wait3A_845] : memref<14600x128xf32, #tpu.memory_space<hbm>> -> memref<14600x128xf32, #tpu.memory_space<hbm>>
    %dma_wait3A_847 = tpu.memref_slice %arg10[%dma_wait3A_836] : memref<6x!tpu.dma_semaphore, #tpu.memory_space<semaphore_mem>> -> memref<1x!tpu.dma_semaphore, #tpu.memory_space<semaphore_mem>>
    %dma_wait3A_848 = tpu.memref_squeeze %dma_wait3A_847 : memref<1x!tpu.dma_semaphore, #tpu.memory_space<semaphore_mem>> -> memref<!tpu.dma_semaphore, #tpu.memory_space<semaphore_mem>>
    tpu.wait_indirect_dma semaphore(%dma_wait3A_848 : memref<!tpu.dma_semaphore, #tpu.memory_space<semaphore_mem>>) src(%dma_wait3A_846 : memref<14600x128xf32, #tpu.memory_space<hbm>>) dst(%dma_wait3A_840 : memref<128x128xf32, #tpu.memory_space<vmem>>)
    %add3A_849 = arith.constant 1536 : i32
    %add3A_850 = arith.addi %mul3A_2, %add3A_849 : i32
    %dma_start3A_851 = arith.constant 0 : i32
    %dma_start3A_852 = arith.constant 0 : i32
    %dma_start3A_853 = arith.constant 0 : i32
    %dma_start3A_854 = arith.constant 0 : i32
    %dma_start3A_855 = tpu.memref_slice %arg9[%dma_start3A_851, %dma_start3A_853, %dma_start3A_854] : memref<6x128x128xf32, #tpu.memory_space<vmem>> -> memref<1x128x128xf32, #tpu.memory_space<vmem>>
    %dma_start3A_856 = tpu.memref_squeeze %dma_start3A_855 : memref<1x128x128xf32, #tpu.memory_space<vmem>> -> memref<128x128xf32, #tpu.memory_space<vmem>>
    %dma_start3A_857 = arith.constant 0 : i32
    %dma_start3A_858 = tpu.memref_slice %arg5[%add3A_850, %dma_start3A_857] : memref<204800x128xf32, #tpu.memory_space<hbm>> -> memref<128x128xf32, #tpu.memory_space<hbm>>
    %dma_start3A_859 = tpu.memref_slice %arg11[%dma_start3A_852] : memref<6x!tpu.dma_semaphore, #tpu.memory_space<semaphore_mem>> -> memref<1x!tpu.dma_semaphore, #tpu.memory_space<semaphore_mem>>
    %dma_start3A_860 = tpu.memref_squeeze %dma_start3A_859 : memref<1x!tpu.dma_semaphore, #tpu.memory_space<semaphore_mem>> -> memref<!tpu.dma_semaphore, #tpu.memory_space<semaphore_mem>>
    %dma_start3A_861 = arith.constant 0 : i32
    %dma_start3A_862 = tpu.memref_slice %arg5[%add3A_850, %dma_start3A_861] : memref<204800x128xf32, #tpu.memory_space<hbm>> -> memref<128x128xf32, #tpu.memory_space<hbm>>
    %dma_start3A_863 = arith.constant 0 : i32
    %dma_start3A_864 = arith.constant 0 : i32
    %dma_start3A_865 = tpu.memref_slice %arg9[%dma_start3A_851, %dma_start3A_863, %dma_start3A_864] : memref<6x128x128xf32, #tpu.memory_space<vmem>> -> memref<1x128x128xf32, #tpu.memory_space<vmem>>
    %dma_start3A_866 = tpu.memref_squeeze %dma_start3A_865 : memref<1x128x128xf32, #tpu.memory_space<vmem>> -> memref<128x128xf32, #tpu.memory_space<vmem>>
    tpu.enqueue_dma source(%dma_start3A_866 : memref<128x128xf32, #tpu.memory_space<vmem>>) target(%dma_start3A_862 : memref<128x128xf32, #tpu.memory_space<hbm>>) target_semaphore(%dma_start3A_860 : memref<!tpu.dma_semaphore, #tpu.memory_space<semaphore_mem>>)
    %dma_wait3A_867 = arith.constant 5 : i32
    %dma_wait3A_868 = arith.constant 5 : i32
    %dma_wait3A_869 = arith.constant 0 : i32
    %dma_wait3A_870 = arith.constant 0 : i32
    %dma_wait3A_871 = tpu.memref_slice %arg9[%dma_wait3A_867, %dma_wait3A_869, %dma_wait3A_870] : memref<6x128x128xf32, #tpu.memory_space<vmem>> -> memref<1x128x128xf32, #tpu.memory_space<vmem>>
    %dma_wait3A_872 = tpu.memref_squeeze %dma_wait3A_871 : memref<1x128x128xf32, #tpu.memory_space<vmem>> -> memref<128x128xf32, #tpu.memory_space<vmem>>
    %dma_wait3A_873 = arith.constant 0 : i32
    %dma_wait3A_874 = tpu.memref_slice %arg5[%add3A_786, %dma_wait3A_873] : memref<204800x128xf32, #tpu.memory_space<hbm>> -> memref<128x128xf32, #tpu.memory_space<hbm>>
    %dma_wait3A_875 = tpu.memref_slice %arg11[%dma_wait3A_868] : memref<6x!tpu.dma_semaphore, #tpu.memory_space<semaphore_mem>> -> memref<1x!tpu.dma_semaphore, #tpu.memory_space<semaphore_mem>>
    %dma_wait3A_876 = tpu.memref_squeeze %dma_wait3A_875 : memref<1x!tpu.dma_semaphore, #tpu.memory_space<semaphore_mem>> -> memref<!tpu.dma_semaphore, #tpu.memory_space<semaphore_mem>>
    %dma_wait3A_877 = arith.constant 0 : i32
    %dma_wait3A_878 = tpu.memref_slice %arg5[%add3A_786, %dma_wait3A_877] : memref<204800x128xf32, #tpu.memory_space<hbm>> -> memref<128x128xf32, #tpu.memory_space<hbm>>
    %dma_wait3A_879 = arith.constant 0 : i32
    %dma_wait3A_880 = arith.constant 0 : i32
    %dma_wait3A_881 = tpu.memref_slice %arg9[%dma_wait3A_867, %dma_wait3A_879, %dma_wait3A_880] : memref<6x128x128xf32, #tpu.memory_space<vmem>> -> memref<1x128x128xf32, #tpu.memory_space<vmem>>
    %dma_wait3A_882 = tpu.memref_squeeze %dma_wait3A_881 : memref<1x128x128xf32, #tpu.memory_space<vmem>> -> memref<128x128xf32, #tpu.memory_space<vmem>>
    tpu.wait_dma2 semaphore(%dma_wait3A_876 : memref<!tpu.dma_semaphore, #tpu.memory_space<semaphore_mem>>) src(%dma_wait3A_882 : memref<128x128xf32, #tpu.memory_space<vmem>>) dst(%dma_wait3A_878 : memref<128x128xf32, #tpu.memory_space<hbm>>)
    %dma_start3A_883 = arith.constant 17 : i32
    %dma_start3A_884 = arith.constant 5 : i32
    %dma_start3A_885 = arith.constant 5 : i32
    %dma_start3A_886 = arith.constant 0 : i32
    %dma_start3A_887 = arith.constant 0 : i32
    %dma_start3A_888 = tpu.memref_slice %arg9[%dma_start3A_884, %dma_start3A_886, %dma_start3A_887] : memref<6x128x128xf32, #tpu.memory_space<vmem>> -> memref<1x128x128xf32, #tpu.memory_space<vmem>>
    %dma_start3A_889 = tpu.memref_squeeze %dma_start3A_888 : memref<1x128x128xf32, #tpu.memory_space<vmem>> -> memref<128x128xf32, #tpu.memory_space<vmem>>
    %dma_start3A_890 = arith.constant 0 : i32
    %dma_start3A_891 = tpu.memref_slice %arg8[%dma_start3A_883, %dma_start3A_890] : memref<50x128xi32, #tpu.memory_space<vmem>> -> memref<1x128xi32, #tpu.memory_space<vmem>>
    %dma_start3A_892 = tpu.memref_squeeze %dma_start3A_891 : memref<1x128xi32, #tpu.memory_space<vmem>> -> memref<128xi32, #tpu.memory_space<vmem>>
    %dma_start3A_893 = arith.constant 0 : i32
    %dma_start3A_894 = arith.constant 0 : i32
    %dma_start3A_895 = tpu.memref_slice %arg2[%dma_start3A_893, %dma_start3A_894] : memref<14600x128xf32, #tpu.memory_space<hbm>> -> memref<14600x128xf32, #tpu.memory_space<hbm>>
    %dma_start3A_896 = tpu.memref_slice %arg10[%dma_start3A_885] : memref<6x!tpu.dma_semaphore, #tpu.memory_space<semaphore_mem>> -> memref<1x!tpu.dma_semaphore, #tpu.memory_space<semaphore_mem>>
    %dma_start3A_897 = tpu.memref_squeeze %dma_start3A_896 : memref<1x!tpu.dma_semaphore, #tpu.memory_space<semaphore_mem>> -> memref<!tpu.dma_semaphore, #tpu.memory_space<semaphore_mem>>
    tpu.enqueue_indirect_dma source(%dma_start3A_895 : memref<14600x128xf32, #tpu.memory_space<hbm>>) target(%dma_start3A_889 : memref<128x128xf32, #tpu.memory_space<vmem>>) offsets(%dma_start3A_892 : memref<128xi32, #tpu.memory_space<vmem>>) semaphore(%dma_start3A_897 : memref<!tpu.dma_semaphore, #tpu.memory_space<semaphore_mem>>)
    %dma_wait3A_898 = arith.constant 13 : i32
    %dma_wait3A_899 = arith.constant 1 : i32
    %dma_wait3A_900 = arith.constant 1 : i32
    %dma_wait3A_901 = arith.constant 0 : i32
    %dma_wait3A_902 = arith.constant 0 : i32
    %dma_wait3A_903 = tpu.memref_slice %arg9[%dma_wait3A_899, %dma_wait3A_901, %dma_wait3A_902] : memref<6x128x128xf32, #tpu.memory_space<vmem>> -> memref<1x128x128xf32, #tpu.memory_space<vmem>>
    %dma_wait3A_904 = tpu.memref_squeeze %dma_wait3A_903 : memref<1x128x128xf32, #tpu.memory_space<vmem>> -> memref<128x128xf32, #tpu.memory_space<vmem>>
    %dma_wait3A_905 = arith.constant 0 : i32
    %dma_wait3A_906 = tpu.memref_slice %arg8[%dma_wait3A_898, %dma_wait3A_905] : memref<50x128xi32, #tpu.memory_space<vmem>> -> memref<1x128xi32, #tpu.memory_space<vmem>>
    %dma_wait3A_907 = tpu.memref_squeeze %dma_wait3A_906 : memref<1x128xi32, #tpu.memory_space<vmem>> -> memref<128xi32, #tpu.memory_space<vmem>>
    %dma_wait3A_908 = arith.constant 0 : i32
    %dma_wait3A_909 = arith.constant 0 : i32
    %dma_wait3A_910 = tpu.memref_slice %arg2[%dma_wait3A_908, %dma_wait3A_909] : memref<14600x128xf32, #tpu.memory_space<hbm>> -> memref<14600x128xf32, #tpu.memory_space<hbm>>
    %dma_wait3A_911 = tpu.memref_slice %arg10[%dma_wait3A_900] : memref<6x!tpu.dma_semaphore, #tpu.memory_space<semaphore_mem>> -> memref<1x!tpu.dma_semaphore, #tpu.memory_space<semaphore_mem>>
    %dma_wait3A_912 = tpu.memref_squeeze %dma_wait3A_911 : memref<1x!tpu.dma_semaphore, #tpu.memory_space<semaphore_mem>> -> memref<!tpu.dma_semaphore, #tpu.memory_space<semaphore_mem>>
    tpu.wait_indirect_dma semaphore(%dma_wait3A_912 : memref<!tpu.dma_semaphore, #tpu.memory_space<semaphore_mem>>) src(%dma_wait3A_910 : memref<14600x128xf32, #tpu.memory_space<hbm>>) dst(%dma_wait3A_904 : memref<128x128xf32, #tpu.memory_space<vmem>>)
    %add3A_913 = arith.constant 1664 : i32
    %add3A_914 = arith.addi %mul3A_2, %add3A_913 : i32
    %dma_start3A_915 = arith.constant 1 : i32
    %dma_start3A_916 = arith.constant 1 : i32
    %dma_start3A_917 = arith.constant 0 : i32
    %dma_start3A_918 = arith.constant 0 : i32
    %dma_start3A_919 = tpu.memref_slice %arg9[%dma_start3A_915, %dma_start3A_917, %dma_start3A_918] : memref<6x128x128xf32, #tpu.memory_space<vmem>> -> memref<1x128x128xf32, #tpu.memory_space<vmem>>
    %dma_start3A_920 = tpu.memref_squeeze %dma_start3A_919 : memref<1x128x128xf32, #tpu.memory_space<vmem>> -> memref<128x128xf32, #tpu.memory_space<vmem>>
    %dma_start3A_921 = arith.constant 0 : i32
    %dma_start3A_922 = tpu.memref_slice %arg5[%add3A_914, %dma_start3A_921] : memref<204800x128xf32, #tpu.memory_space<hbm>> -> memref<128x128xf32, #tpu.memory_space<hbm>>
    %dma_start3A_923 = tpu.memref_slice %arg11[%dma_start3A_916] : memref<6x!tpu.dma_semaphore, #tpu.memory_space<semaphore_mem>> -> memref<1x!tpu.dma_semaphore, #tpu.memory_space<semaphore_mem>>
    %dma_start3A_924 = tpu.memref_squeeze %dma_start3A_923 : memref<1x!tpu.dma_semaphore, #tpu.memory_space<semaphore_mem>> -> memref<!tpu.dma_semaphore, #tpu.memory_space<semaphore_mem>>
    %dma_start3A_925 = arith.constant 0 : i32
    %dma_start3A_926 = tpu.memref_slice %arg5[%add3A_914, %dma_start3A_925] : memref<204800x128xf32, #tpu.memory_space<hbm>> -> memref<128x128xf32, #tpu.memory_space<hbm>>
    %dma_start3A_927 = arith.constant 0 : i32
    %dma_start3A_928 = arith.constant 0 : i32
    %dma_start3A_929 = tpu.memref_slice %arg9[%dma_start3A_915, %dma_start3A_927, %dma_start3A_928] : memref<6x128x128xf32, #tpu.memory_space<vmem>> -> memref<1x128x128xf32, #tpu.memory_space<vmem>>
    %dma_start3A_930 = tpu.memref_squeeze %dma_start3A_929 : memref<1x128x128xf32, #tpu.memory_space<vmem>> -> memref<128x128xf32, #tpu.memory_space<vmem>>
    tpu.enqueue_dma source(%dma_start3A_930 : memref<128x128xf32, #tpu.memory_space<vmem>>) target(%dma_start3A_926 : memref<128x128xf32, #tpu.memory_space<hbm>>) target_semaphore(%dma_start3A_924 : memref<!tpu.dma_semaphore, #tpu.memory_space<semaphore_mem>>)
    %dma_wait3A_931 = arith.constant 0 : i32
    %dma_wait3A_932 = arith.constant 0 : i32
    %dma_wait3A_933 = arith.constant 0 : i32
    %dma_wait3A_934 = arith.constant 0 : i32
    %dma_wait3A_935 = tpu.memref_slice %arg9[%dma_wait3A_931, %dma_wait3A_933, %dma_wait3A_934] : memref<6x128x128xf32, #tpu.memory_space<vmem>> -> memref<1x128x128xf32, #tpu.memory_space<vmem>>
    %dma_wait3A_936 = tpu.memref_squeeze %dma_wait3A_935 : memref<1x128x128xf32, #tpu.memory_space<vmem>> -> memref<128x128xf32, #tpu.memory_space<vmem>>
    %dma_wait3A_937 = arith.constant 0 : i32
    %dma_wait3A_938 = tpu.memref_slice %arg5[%add3A_850, %dma_wait3A_937] : memref<204800x128xf32, #tpu.memory_space<hbm>> -> memref<128x128xf32, #tpu.memory_space<hbm>>
    %dma_wait3A_939 = tpu.memref_slice %arg11[%dma_wait3A_932] : memref<6x!tpu.dma_semaphore, #tpu.memory_space<semaphore_mem>> -> memref<1x!tpu.dma_semaphore, #tpu.memory_space<semaphore_mem>>
    %dma_wait3A_940 = tpu.memref_squeeze %dma_wait3A_939 : memref<1x!tpu.dma_semaphore, #tpu.memory_space<semaphore_mem>> -> memref<!tpu.dma_semaphore, #tpu.memory_space<semaphore_mem>>
    %dma_wait3A_941 = arith.constant 0 : i32
    %dma_wait3A_942 = tpu.memref_slice %arg5[%add3A_850, %dma_wait3A_941] : memref<204800x128xf32, #tpu.memory_space<hbm>> -> memref<128x128xf32, #tpu.memory_space<hbm>>
    %dma_wait3A_943 = arith.constant 0 : i32
    %dma_wait3A_944 = arith.constant 0 : i32
    %dma_wait3A_945 = tpu.memref_slice %arg9[%dma_wait3A_931, %dma_wait3A_943, %dma_wait3A_944] : memref<6x128x128xf32, #tpu.memory_space<vmem>> -> memref<1x128x128xf32, #tpu.memory_space<vmem>>
    %dma_wait3A_946 = tpu.memref_squeeze %dma_wait3A_945 : memref<1x128x128xf32, #tpu.memory_space<vmem>> -> memref<128x128xf32, #tpu.memory_space<vmem>>
    tpu.wait_dma2 semaphore(%dma_wait3A_940 : memref<!tpu.dma_semaphore, #tpu.memory_space<semaphore_mem>>) src(%dma_wait3A_946 : memref<128x128xf32, #tpu.memory_space<vmem>>) dst(%dma_wait3A_942 : memref<128x128xf32, #tpu.memory_space<hbm>>)
    %dma_start3A_947 = arith.constant 18 : i32
    %dma_start3A_948 = arith.constant 0 : i32
    %dma_start3A_949 = arith.constant 0 : i32
    %dma_start3A_950 = arith.constant 0 : i32
    %dma_start3A_951 = arith.constant 0 : i32
    %dma_start3A_952 = tpu.memref_slice %arg9[%dma_start3A_948, %dma_start3A_950, %dma_start3A_951] : memref<6x128x128xf32, #tpu.memory_space<vmem>> -> memref<1x128x128xf32, #tpu.memory_space<vmem>>
    %dma_start3A_953 = tpu.memref_squeeze %dma_start3A_952 : memref<1x128x128xf32, #tpu.memory_space<vmem>> -> memref<128x128xf32, #tpu.memory_space<vmem>>
    %dma_start3A_954 = arith.constant 0 : i32
    %dma_start3A_955 = tpu.memref_slice %arg8[%dma_start3A_947, %dma_start3A_954] : memref<50x128xi32, #tpu.memory_space<vmem>> -> memref<1x128xi32, #tpu.memory_space<vmem>>
    %dma_start3A_956 = tpu.memref_squeeze %dma_start3A_955 : memref<1x128xi32, #tpu.memory_space<vmem>> -> memref<128xi32, #tpu.memory_space<vmem>>
    %dma_start3A_957 = arith.constant 0 : i32
    %dma_start3A_958 = arith.constant 0 : i32
    %dma_start3A_959 = tpu.memref_slice %arg2[%dma_start3A_957, %dma_start3A_958] : memref<14600x128xf32, #tpu.memory_space<hbm>> -> memref<14600x128xf32, #tpu.memory_space<hbm>>
    %dma_start3A_960 = tpu.memref_slice %arg10[%dma_start3A_949] : memref<6x!tpu.dma_semaphore, #tpu.memory_space<semaphore_mem>> -> memref<1x!tpu.dma_semaphore, #tpu.memory_space<semaphore_mem>>
    %dma_start3A_961 = tpu.memref_squeeze %dma_start3A_960 : memref<1x!tpu.dma_semaphore, #tpu.memory_space<semaphore_mem>> -> memref<!tpu.dma_semaphore, #tpu.memory_space<semaphore_mem>>
    tpu.enqueue_indirect_dma source(%dma_start3A_959 : memref<14600x128xf32, #tpu.memory_space<hbm>>) target(%dma_start3A_953 : memref<128x128xf32, #tpu.memory_space<vmem>>) offsets(%dma_start3A_956 : memref<128xi32, #tpu.memory_space<vmem>>) semaphore(%dma_start3A_961 : memref<!tpu.dma_semaphore, #tpu.memory_space<semaphore_mem>>)
    %dma_wait3A_962 = arith.constant 14 : i32
    %dma_wait3A_963 = arith.constant 2 : i32
    %dma_wait3A_964 = arith.constant 2 : i32
    %dma_wait3A_965 = arith.constant 0 : i32
    %dma_wait3A_966 = arith.constant 0 : i32
    %dma_wait3A_967 = tpu.memref_slice %arg9[%dma_wait3A_963, %dma_wait3A_965, %dma_wait3A_966] : memref<6x128x128xf32, #tpu.memory_space<vmem>> -> memref<1x128x128xf32, #tpu.memory_space<vmem>>
    %dma_wait3A_968 = tpu.memref_squeeze %dma_wait3A_967 : memref<1x128x128xf32, #tpu.memory_space<vmem>> -> memref<128x128xf32, #tpu.memory_space<vmem>>
    %dma_wait3A_969 = arith.constant 0 : i32
    %dma_wait3A_970 = tpu.memref_slice %arg8[%dma_wait3A_962, %dma_wait3A_969] : memref<50x128xi32, #tpu.memory_space<vmem>> -> memref<1x128xi32, #tpu.memory_space<vmem>>
    %dma_wait3A_971 = tpu.memref_squeeze %dma_wait3A_970 : memref<1x128xi32, #tpu.memory_space<vmem>> -> memref<128xi32, #tpu.memory_space<vmem>>
    %dma_wait3A_972 = arith.constant 0 : i32
    %dma_wait3A_973 = arith.constant 0 : i32
    %dma_wait3A_974 = tpu.memref_slice %arg2[%dma_wait3A_972, %dma_wait3A_973] : memref<14600x128xf32, #tpu.memory_space<hbm>> -> memref<14600x128xf32, #tpu.memory_space<hbm>>
    %dma_wait3A_975 = tpu.memref_slice %arg10[%dma_wait3A_964] : memref<6x!tpu.dma_semaphore, #tpu.memory_space<semaphore_mem>> -> memref<1x!tpu.dma_semaphore, #tpu.memory_space<semaphore_mem>>
    %dma_wait3A_976 = tpu.memref_squeeze %dma_wait3A_975 : memref<1x!tpu.dma_semaphore, #tpu.memory_space<semaphore_mem>> -> memref<!tpu.dma_semaphore, #tpu.memory_space<semaphore_mem>>
    tpu.wait_indirect_dma semaphore(%dma_wait3A_976 : memref<!tpu.dma_semaphore, #tpu.memory_space<semaphore_mem>>) src(%dma_wait3A_974 : memref<14600x128xf32, #tpu.memory_space<hbm>>) dst(%dma_wait3A_968 : memref<128x128xf32, #tpu.memory_space<vmem>>)
    %add3A_977 = arith.constant 1792 : i32
    %add3A_978 = arith.addi %mul3A_2, %add3A_977 : i32
    %dma_start3A_979 = arith.constant 2 : i32
    %dma_start3A_980 = arith.constant 2 : i32
    %dma_start3A_981 = arith.constant 0 : i32
    %dma_start3A_982 = arith.constant 0 : i32
    %dma_start3A_983 = tpu.memref_slice %arg9[%dma_start3A_979, %dma_start3A_981, %dma_start3A_982] : memref<6x128x128xf32, #tpu.memory_space<vmem>> -> memref<1x128x128xf32, #tpu.memory_space<vmem>>
    %dma_start3A_984 = tpu.memref_squeeze %dma_start3A_983 : memref<1x128x128xf32, #tpu.memory_space<vmem>> -> memref<128x128xf32, #tpu.memory_space<vmem>>
    %dma_start3A_985 = arith.constant 0 : i32
    %dma_start3A_986 = tpu.memref_slice %arg5[%add3A_978, %dma_start3A_985] : memref<204800x128xf32, #tpu.memory_space<hbm>> -> memref<128x128xf32, #tpu.memory_space<hbm>>
    %dma_start3A_987 = tpu.memref_slice %arg11[%dma_start3A_980] : memref<6x!tpu.dma_semaphore, #tpu.memory_space<semaphore_mem>> -> memref<1x!tpu.dma_semaphore, #tpu.memory_space<semaphore_mem>>
    %dma_start3A_988 = tpu.memref_squeeze %dma_start3A_987 : memref<1x!tpu.dma_semaphore, #tpu.memory_space<semaphore_mem>> -> memref<!tpu.dma_semaphore, #tpu.memory_space<semaphore_mem>>
    %dma_start3A_989 = arith.constant 0 : i32
    %dma_start3A_990 = tpu.memref_slice %arg5[%add3A_978, %dma_start3A_989] : memref<204800x128xf32, #tpu.memory_space<hbm>> -> memref<128x128xf32, #tpu.memory_space<hbm>>
    %dma_start3A_991 = arith.constant 0 : i32
    %dma_start3A_992 = arith.constant 0 : i32
    %dma_start3A_993 = tpu.memref_slice %arg9[%dma_start3A_979, %dma_start3A_991, %dma_start3A_992] : memref<6x128x128xf32, #tpu.memory_space<vmem>> -> memref<1x128x128xf32, #tpu.memory_space<vmem>>
    %dma_start3A_994 = tpu.memref_squeeze %dma_start3A_993 : memref<1x128x128xf32, #tpu.memory_space<vmem>> -> memref<128x128xf32, #tpu.memory_space<vmem>>
    tpu.enqueue_dma source(%dma_start3A_994 : memref<128x128xf32, #tpu.memory_space<vmem>>) target(%dma_start3A_990 : memref<128x128xf32, #tpu.memory_space<hbm>>) target_semaphore(%dma_start3A_988 : memref<!tpu.dma_semaphore, #tpu.memory_space<semaphore_mem>>)
    %dma_wait3A_995 = arith.constant 1 : i32
    %dma_wait3A_996 = arith.constant 1 : i32
    %dma_wait3A_997 = arith.constant 0 : i32
    %dma_wait3A_998 = arith.constant 0 : i32
    %dma_wait3A_999 = tpu.memref_slice %arg9[%dma_wait3A_995, %dma_wait3A_997, %dma_wait3A_998] : memref<6x128x128xf32, #tpu.memory_space<vmem>> -> memref<1x128x128xf32, #tpu.memory_space<vmem>>
    %dma_wait3A_1000 = tpu.memref_squeeze %dma_wait3A_999 : memref<1x128x128xf32, #tpu.memory_space<vmem>> -> memref<128x128xf32, #tpu.memory_space<vmem>>
    %dma_wait3A_1001 = arith.constant 0 : i32
    %dma_wait3A_1002 = tpu.memref_slice %arg5[%add3A_914, %dma_wait3A_1001] : memref<204800x128xf32, #tpu.memory_space<hbm>> -> memref<128x128xf32, #tpu.memory_space<hbm>>
    %dma_wait3A_1003 = tpu.memref_slice %arg11[%dma_wait3A_996] : memref<6x!tpu.dma_semaphore, #tpu.memory_space<semaphore_mem>> -> memref<1x!tpu.dma_semaphore, #tpu.memory_space<semaphore_mem>>
    %dma_wait3A_1004 = tpu.memref_squeeze %dma_wait3A_1003 : memref<1x!tpu.dma_semaphore, #tpu.memory_space<semaphore_mem>> -> memref<!tpu.dma_semaphore, #tpu.memory_space<semaphore_mem>>
    %dma_wait3A_1005 = arith.constant 0 : i32
    %dma_wait3A_1006 = tpu.memref_slice %arg5[%add3A_914, %dma_wait3A_1005] : memref<204800x128xf32, #tpu.memory_space<hbm>> -> memref<128x128xf32, #tpu.memory_space<hbm>>
    %dma_wait3A_1007 = arith.constant 0 : i32
    %dma_wait3A_1008 = arith.constant 0 : i32
    %dma_wait3A_1009 = tpu.memref_slice %arg9[%dma_wait3A_995, %dma_wait3A_1007, %dma_wait3A_1008] : memref<6x128x128xf32, #tpu.memory_space<vmem>> -> memref<1x128x128xf32, #tpu.memory_space<vmem>>
    %dma_wait3A_1010 = tpu.memref_squeeze %dma_wait3A_1009 : memref<1x128x128xf32, #tpu.memory_space<vmem>> -> memref<128x128xf32, #tpu.memory_space<vmem>>
    tpu.wait_dma2 semaphore(%dma_wait3A_1004 : memref<!tpu.dma_semaphore, #tpu.memory_space<semaphore_mem>>) src(%dma_wait3A_1010 : memref<128x128xf32, #tpu.memory_space<vmem>>) dst(%dma_wait3A_1006 : memref<128x128xf32, #tpu.memory_space<hbm>>)
    %dma_start3A_1011 = arith.constant 19 : i32
    %dma_start3A_1012 = arith.constant 1 : i32
    %dma_start3A_1013 = arith.constant 1 : i32
    %dma_start3A_1014 = arith.constant 0 : i32
    %dma_start3A_1015 = arith.constant 0 : i32
    %dma_start3A_1016 = tpu.memref_slice %arg9[%dma_start3A_1012, %dma_start3A_1014, %dma_start3A_1015] : memref<6x128x128xf32, #tpu.memory_space<vmem>> -> memref<1x128x128xf32, #tpu.memory_space<vmem>>
    %dma_start3A_1017 = tpu.memref_squeeze %dma_start3A_1016 : memref<1x128x128xf32, #tpu.memory_space<vmem>> -> memref<128x128xf32, #tpu.memory_space<vmem>>
    %dma_start3A_1018 = arith.constant 0 : i32
    %dma_start3A_1019 = tpu.memref_slice %arg8[%dma_start3A_1011, %dma_start3A_1018] : memref<50x128xi32, #tpu.memory_space<vmem>> -> memref<1x128xi32, #tpu.memory_space<vmem>>
    %dma_start3A_1020 = tpu.memref_squeeze %dma_start3A_1019 : memref<1x128xi32, #tpu.memory_space<vmem>> -> memref<128xi32, #tpu.memory_space<vmem>>
    %dma_start3A_1021 = arith.constant 0 : i32
    %dma_start3A_1022 = arith.constant 0 : i32
    %dma_start3A_1023 = tpu.memref_slice %arg2[%dma_start3A_1021, %dma_start3A_1022] : memref<14600x128xf32, #tpu.memory_space<hbm>> -> memref<14600x128xf32, #tpu.memory_space<hbm>>
    %dma_start3A_1024 = tpu.memref_slice %arg10[%dma_start3A_1013] : memref<6x!tpu.dma_semaphore, #tpu.memory_space<semaphore_mem>> -> memref<1x!tpu.dma_semaphore, #tpu.memory_space<semaphore_mem>>
    %dma_start3A_1025 = tpu.memref_squeeze %dma_start3A_1024 : memref<1x!tpu.dma_semaphore, #tpu.memory_space<semaphore_mem>> -> memref<!tpu.dma_semaphore, #tpu.memory_space<semaphore_mem>>
    tpu.enqueue_indirect_dma source(%dma_start3A_1023 : memref<14600x128xf32, #tpu.memory_space<hbm>>) target(%dma_start3A_1017 : memref<128x128xf32, #tpu.memory_space<vmem>>) offsets(%dma_start3A_1020 : memref<128xi32, #tpu.memory_space<vmem>>) semaphore(%dma_start3A_1025 : memref<!tpu.dma_semaphore, #tpu.memory_space<semaphore_mem>>)
    %dma_wait3A_1026 = arith.constant 15 : i32
    %dma_wait3A_1027 = arith.constant 3 : i32
    %dma_wait3A_1028 = arith.constant 3 : i32
    %dma_wait3A_1029 = arith.constant 0 : i32
    %dma_wait3A_1030 = arith.constant 0 : i32
    %dma_wait3A_1031 = tpu.memref_slice %arg9[%dma_wait3A_1027, %dma_wait3A_1029, %dma_wait3A_1030] : memref<6x128x128xf32, #tpu.memory_space<vmem>> -> memref<1x128x128xf32, #tpu.memory_space<vmem>>
    %dma_wait3A_1032 = tpu.memref_squeeze %dma_wait3A_1031 : memref<1x128x128xf32, #tpu.memory_space<vmem>> -> memref<128x128xf32, #tpu.memory_space<vmem>>
    %dma_wait3A_1033 = arith.constant 0 : i32
    %dma_wait3A_1034 = tpu.memref_slice %arg8[%dma_wait3A_1026, %dma_wait3A_1033] : memref<50x128xi32, #tpu.memory_space<vmem>> -> memref<1x128xi32, #tpu.memory_space<vmem>>
    %dma_wait3A_1035 = tpu.memref_squeeze %dma_wait3A_1034 : memref<1x128xi32, #tpu.memory_space<vmem>> -> memref<128xi32, #tpu.memory_space<vmem>>
    %dma_wait3A_1036 = arith.constant 0 : i32
    %dma_wait3A_1037 = arith.constant 0 : i32
    %dma_wait3A_1038 = tpu.memref_slice %arg2[%dma_wait3A_1036, %dma_wait3A_1037] : memref<14600x128xf32, #tpu.memory_space<hbm>> -> memref<14600x128xf32, #tpu.memory_space<hbm>>
    %dma_wait3A_1039 = tpu.memref_slice %arg10[%dma_wait3A_1028] : memref<6x!tpu.dma_semaphore, #tpu.memory_space<semaphore_mem>> -> memref<1x!tpu.dma_semaphore, #tpu.memory_space<semaphore_mem>>
    %dma_wait3A_1040 = tpu.memref_squeeze %dma_wait3A_1039 : memref<1x!tpu.dma_semaphore, #tpu.memory_space<semaphore_mem>> -> memref<!tpu.dma_semaphore, #tpu.memory_space<semaphore_mem>>
    tpu.wait_indirect_dma semaphore(%dma_wait3A_1040 : memref<!tpu.dma_semaphore, #tpu.memory_space<semaphore_mem>>) src(%dma_wait3A_1038 : memref<14600x128xf32, #tpu.memory_space<hbm>>) dst(%dma_wait3A_1032 : memref<128x128xf32, #tpu.memory_space<vmem>>)
    %add3A_1041 = arith.constant 1920 : i32
    %add3A_1042 = arith.addi %mul3A_2, %add3A_1041 : i32
    %dma_start3A_1043 = arith.constant 3 : i32
    %dma_start3A_1044 = arith.constant 3 : i32
    %dma_start3A_1045 = arith.constant 0 : i32
    %dma_start3A_1046 = arith.constant 0 : i32
    %dma_start3A_1047 = tpu.memref_slice %arg9[%dma_start3A_1043, %dma_start3A_1045, %dma_start3A_1046] : memref<6x128x128xf32, #tpu.memory_space<vmem>> -> memref<1x128x128xf32, #tpu.memory_space<vmem>>
    %dma_start3A_1048 = tpu.memref_squeeze %dma_start3A_1047 : memref<1x128x128xf32, #tpu.memory_space<vmem>> -> memref<128x128xf32, #tpu.memory_space<vmem>>
    %dma_start3A_1049 = arith.constant 0 : i32
    %dma_start3A_1050 = tpu.memref_slice %arg5[%add3A_1042, %dma_start3A_1049] : memref<204800x128xf32, #tpu.memory_space<hbm>> -> memref<128x128xf32, #tpu.memory_space<hbm>>
    %dma_start3A_1051 = tpu.memref_slice %arg11[%dma_start3A_1044] : memref<6x!tpu.dma_semaphore, #tpu.memory_space<semaphore_mem>> -> memref<1x!tpu.dma_semaphore, #tpu.memory_space<semaphore_mem>>
    %dma_start3A_1052 = tpu.memref_squeeze %dma_start3A_1051 : memref<1x!tpu.dma_semaphore, #tpu.memory_space<semaphore_mem>> -> memref<!tpu.dma_semaphore, #tpu.memory_space<semaphore_mem>>
    %dma_start3A_1053 = arith.constant 0 : i32
    %dma_start3A_1054 = tpu.memref_slice %arg5[%add3A_1042, %dma_start3A_1053] : memref<204800x128xf32, #tpu.memory_space<hbm>> -> memref<128x128xf32, #tpu.memory_space<hbm>>
    %dma_start3A_1055 = arith.constant 0 : i32
    %dma_start3A_1056 = arith.constant 0 : i32
    %dma_start3A_1057 = tpu.memref_slice %arg9[%dma_start3A_1043, %dma_start3A_1055, %dma_start3A_1056] : memref<6x128x128xf32, #tpu.memory_space<vmem>> -> memref<1x128x128xf32, #tpu.memory_space<vmem>>
    %dma_start3A_1058 = tpu.memref_squeeze %dma_start3A_1057 : memref<1x128x128xf32, #tpu.memory_space<vmem>> -> memref<128x128xf32, #tpu.memory_space<vmem>>
    tpu.enqueue_dma source(%dma_start3A_1058 : memref<128x128xf32, #tpu.memory_space<vmem>>) target(%dma_start3A_1054 : memref<128x128xf32, #tpu.memory_space<hbm>>) target_semaphore(%dma_start3A_1052 : memref<!tpu.dma_semaphore, #tpu.memory_space<semaphore_mem>>)
    %dma_wait3A_1059 = arith.constant 2 : i32
    %dma_wait3A_1060 = arith.constant 2 : i32
    %dma_wait3A_1061 = arith.constant 0 : i32
    %dma_wait3A_1062 = arith.constant 0 : i32
    %dma_wait3A_1063 = tpu.memref_slice %arg9[%dma_wait3A_1059, %dma_wait3A_1061, %dma_wait3A_1062] : memref<6x128x128xf32, #tpu.memory_space<vmem>> -> memref<1x128x128xf32, #tpu.memory_space<vmem>>
    %dma_wait3A_1064 = tpu.memref_squeeze %dma_wait3A_1063 : memref<1x128x128xf32, #tpu.memory_space<vmem>> -> memref<128x128xf32, #tpu.memory_space<vmem>>
    %dma_wait3A_1065 = arith.constant 0 : i32
    %dma_wait3A_1066 = tpu.memref_slice %arg5[%add3A_978, %dma_wait3A_1065] : memref<204800x128xf32, #tpu.memory_space<hbm>> -> memref<128x128xf32, #tpu.memory_space<hbm>>
    %dma_wait3A_1067 = tpu.memref_slice %arg11[%dma_wait3A_1060] : memref<6x!tpu.dma_semaphore, #tpu.memory_space<semaphore_mem>> -> memref<1x!tpu.dma_semaphore, #tpu.memory_space<semaphore_mem>>
    %dma_wait3A_1068 = tpu.memref_squeeze %dma_wait3A_1067 : memref<1x!tpu.dma_semaphore, #tpu.memory_space<semaphore_mem>> -> memref<!tpu.dma_semaphore, #tpu.memory_space<semaphore_mem>>
    %dma_wait3A_1069 = arith.constant 0 : i32
    %dma_wait3A_1070 = tpu.memref_slice %arg5[%add3A_978, %dma_wait3A_1069] : memref<204800x128xf32, #tpu.memory_space<hbm>> -> memref<128x128xf32, #tpu.memory_space<hbm>>
    %dma_wait3A_1071 = arith.constant 0 : i32
    %dma_wait3A_1072 = arith.constant 0 : i32
    %dma_wait3A_1073 = tpu.memref_slice %arg9[%dma_wait3A_1059, %dma_wait3A_1071, %dma_wait3A_1072] : memref<6x128x128xf32, #tpu.memory_space<vmem>> -> memref<1x128x128xf32, #tpu.memory_space<vmem>>
    %dma_wait3A_1074 = tpu.memref_squeeze %dma_wait3A_1073 : memref<1x128x128xf32, #tpu.memory_space<vmem>> -> memref<128x128xf32, #tpu.memory_space<vmem>>
    tpu.wait_dma2 semaphore(%dma_wait3A_1068 : memref<!tpu.dma_semaphore, #tpu.memory_space<semaphore_mem>>) src(%dma_wait3A_1074 : memref<128x128xf32, #tpu.memory_space<vmem>>) dst(%dma_wait3A_1070 : memref<128x128xf32, #tpu.memory_space<hbm>>)
    %dma_start3A_1075 = arith.constant 20 : i32
    %dma_start3A_1076 = arith.constant 2 : i32
    %dma_start3A_1077 = arith.constant 2 : i32
    %dma_start3A_1078 = arith.constant 0 : i32
    %dma_start3A_1079 = arith.constant 0 : i32
    %dma_start3A_1080 = tpu.memref_slice %arg9[%dma_start3A_1076, %dma_start3A_1078, %dma_start3A_1079] : memref<6x128x128xf32, #tpu.memory_space<vmem>> -> memref<1x128x128xf32, #tpu.memory_space<vmem>>
    %dma_start3A_1081 = tpu.memref_squeeze %dma_start3A_1080 : memref<1x128x128xf32, #tpu.memory_space<vmem>> -> memref<128x128xf32, #tpu.memory_space<vmem>>
    %dma_start3A_1082 = arith.constant 0 : i32
    %dma_start3A_1083 = tpu.memref_slice %arg8[%dma_start3A_1075, %dma_start3A_1082] : memref<50x128xi32, #tpu.memory_space<vmem>> -> memref<1x128xi32, #tpu.memory_space<vmem>>
    %dma_start3A_1084 = tpu.memref_squeeze %dma_start3A_1083 : memref<1x128xi32, #tpu.memory_space<vmem>> -> memref<128xi32, #tpu.memory_space<vmem>>
    %dma_start3A_1085 = arith.constant 0 : i32
    %dma_start3A_1086 = arith.constant 0 : i32
    %dma_start3A_1087 = tpu.memref_slice %arg2[%dma_start3A_1085, %dma_start3A_1086] : memref<14600x128xf32, #tpu.memory_space<hbm>> -> memref<14600x128xf32, #tpu.memory_space<hbm>>
    %dma_start3A_1088 = tpu.memref_slice %arg10[%dma_start3A_1077] : memref<6x!tpu.dma_semaphore, #tpu.memory_space<semaphore_mem>> -> memref<1x!tpu.dma_semaphore, #tpu.memory_space<semaphore_mem>>
    %dma_start3A_1089 = tpu.memref_squeeze %dma_start3A_1088 : memref<1x!tpu.dma_semaphore, #tpu.memory_space<semaphore_mem>> -> memref<!tpu.dma_semaphore, #tpu.memory_space<semaphore_mem>>
    tpu.enqueue_indirect_dma source(%dma_start3A_1087 : memref<14600x128xf32, #tpu.memory_space<hbm>>) target(%dma_start3A_1081 : memref<128x128xf32, #tpu.memory_space<vmem>>) offsets(%dma_start3A_1084 : memref<128xi32, #tpu.memory_space<vmem>>) semaphore(%dma_start3A_1089 : memref<!tpu.dma_semaphore, #tpu.memory_space<semaphore_mem>>)
    %dma_wait3A_1090 = arith.constant 16 : i32
    %dma_wait3A_1091 = arith.constant 4 : i32
    %dma_wait3A_1092 = arith.constant 4 : i32
    %dma_wait3A_1093 = arith.constant 0 : i32
    %dma_wait3A_1094 = arith.constant 0 : i32
    %dma_wait3A_1095 = tpu.memref_slice %arg9[%dma_wait3A_1091, %dma_wait3A_1093, %dma_wait3A_1094] : memref<6x128x128xf32, #tpu.memory_space<vmem>> -> memref<1x128x128xf32, #tpu.memory_space<vmem>>
    %dma_wait3A_1096 = tpu.memref_squeeze %dma_wait3A_1095 : memref<1x128x128xf32, #tpu.memory_space<vmem>> -> memref<128x128xf32, #tpu.memory_space<vmem>>
    %dma_wait3A_1097 = arith.constant 0 : i32
    %dma_wait3A_1098 = tpu.memref_slice %arg8[%dma_wait3A_1090, %dma_wait3A_1097] : memref<50x128xi32, #tpu.memory_space<vmem>> -> memref<1x128xi32, #tpu.memory_space<vmem>>
    %dma_wait3A_1099 = tpu.memref_squeeze %dma_wait3A_1098 : memref<1x128xi32, #tpu.memory_space<vmem>> -> memref<128xi32, #tpu.memory_space<vmem>>
    %dma_wait3A_1100 = arith.constant 0 : i32
    %dma_wait3A_1101 = arith.constant 0 : i32
    %dma_wait3A_1102 = tpu.memref_slice %arg2[%dma_wait3A_1100, %dma_wait3A_1101] : memref<14600x128xf32, #tpu.memory_space<hbm>> -> memref<14600x128xf32, #tpu.memory_space<hbm>>
    %dma_wait3A_1103 = tpu.memref_slice %arg10[%dma_wait3A_1092] : memref<6x!tpu.dma_semaphore, #tpu.memory_space<semaphore_mem>> -> memref<1x!tpu.dma_semaphore, #tpu.memory_space<semaphore_mem>>
    %dma_wait3A_1104 = tpu.memref_squeeze %dma_wait3A_1103 : memref<1x!tpu.dma_semaphore, #tpu.memory_space<semaphore_mem>> -> memref<!tpu.dma_semaphore, #tpu.memory_space<semaphore_mem>>
    tpu.wait_indirect_dma semaphore(%dma_wait3A_1104 : memref<!tpu.dma_semaphore, #tpu.memory_space<semaphore_mem>>) src(%dma_wait3A_1102 : memref<14600x128xf32, #tpu.memory_space<hbm>>) dst(%dma_wait3A_1096 : memref<128x128xf32, #tpu.memory_space<vmem>>)
    %add3A_1105 = arith.constant 2048 : i32
    %add3A_1106 = arith.addi %mul3A_2, %add3A_1105 : i32
    %dma_start3A_1107 = arith.constant 4 : i32
    %dma_start3A_1108 = arith.constant 4 : i32
    %dma_start3A_1109 = arith.constant 0 : i32
    %dma_start3A_1110 = arith.constant 0 : i32
    %dma_start3A_1111 = tpu.memref_slice %arg9[%dma_start3A_1107, %dma_start3A_1109, %dma_start3A_1110] : memref<6x128x128xf32, #tpu.memory_space<vmem>> -> memref<1x128x128xf32, #tpu.memory_space<vmem>>
    %dma_start3A_1112 = tpu.memref_squeeze %dma_start3A_1111 : memref<1x128x128xf32, #tpu.memory_space<vmem>> -> memref<128x128xf32, #tpu.memory_space<vmem>>
    %dma_start3A_1113 = arith.constant 0 : i32
    %dma_start3A_1114 = tpu.memref_slice %arg5[%add3A_1106, %dma_start3A_1113] : memref<204800x128xf32, #tpu.memory_space<hbm>> -> memref<128x128xf32, #tpu.memory_space<hbm>>
    %dma_start3A_1115 = tpu.memref_slice %arg11[%dma_start3A_1108] : memref<6x!tpu.dma_semaphore, #tpu.memory_space<semaphore_mem>> -> memref<1x!tpu.dma_semaphore, #tpu.memory_space<semaphore_mem>>
    %dma_start3A_1116 = tpu.memref_squeeze %dma_start3A_1115 : memref<1x!tpu.dma_semaphore, #tpu.memory_space<semaphore_mem>> -> memref<!tpu.dma_semaphore, #tpu.memory_space<semaphore_mem>>
    %dma_start3A_1117 = arith.constant 0 : i32
    %dma_start3A_1118 = tpu.memref_slice %arg5[%add3A_1106, %dma_start3A_1117] : memref<204800x128xf32, #tpu.memory_space<hbm>> -> memref<128x128xf32, #tpu.memory_space<hbm>>
    %dma_start3A_1119 = arith.constant 0 : i32
    %dma_start3A_1120 = arith.constant 0 : i32
    %dma_start3A_1121 = tpu.memref_slice %arg9[%dma_start3A_1107, %dma_start3A_1119, %dma_start3A_1120] : memref<6x128x128xf32, #tpu.memory_space<vmem>> -> memref<1x128x128xf32, #tpu.memory_space<vmem>>
    %dma_start3A_1122 = tpu.memref_squeeze %dma_start3A_1121 : memref<1x128x128xf32, #tpu.memory_space<vmem>> -> memref<128x128xf32, #tpu.memory_space<vmem>>
    tpu.enqueue_dma source(%dma_start3A_1122 : memref<128x128xf32, #tpu.memory_space<vmem>>) target(%dma_start3A_1118 : memref<128x128xf32, #tpu.memory_space<hbm>>) target_semaphore(%dma_start3A_1116 : memref<!tpu.dma_semaphore, #tpu.memory_space<semaphore_mem>>)
    %dma_wait3A_1123 = arith.constant 3 : i32
    %dma_wait3A_1124 = arith.constant 3 : i32
    %dma_wait3A_1125 = arith.constant 0 : i32
    %dma_wait3A_1126 = arith.constant 0 : i32
    %dma_wait3A_1127 = tpu.memref_slice %arg9[%dma_wait3A_1123, %dma_wait3A_1125, %dma_wait3A_1126] : memref<6x128x128xf32, #tpu.memory_space<vmem>> -> memref<1x128x128xf32, #tpu.memory_space<vmem>>
    %dma_wait3A_1128 = tpu.memref_squeeze %dma_wait3A_1127 : memref<1x128x128xf32, #tpu.memory_space<vmem>> -> memref<128x128xf32, #tpu.memory_space<vmem>>
    %dma_wait3A_1129 = arith.constant 0 : i32
    %dma_wait3A_1130 = tpu.memref_slice %arg5[%add3A_1042, %dma_wait3A_1129] : memref<204800x128xf32, #tpu.memory_space<hbm>> -> memref<128x128xf32, #tpu.memory_space<hbm>>
    %dma_wait3A_1131 = tpu.memref_slice %arg11[%dma_wait3A_1124] : memref<6x!tpu.dma_semaphore, #tpu.memory_space<semaphore_mem>> -> memref<1x!tpu.dma_semaphore, #tpu.memory_space<semaphore_mem>>
    %dma_wait3A_1132 = tpu.memref_squeeze %dma_wait3A_1131 : memref<1x!tpu.dma_semaphore, #tpu.memory_space<semaphore_mem>> -> memref<!tpu.dma_semaphore, #tpu.memory_space<semaphore_mem>>
    %dma_wait3A_1133 = arith.constant 0 : i32
    %dma_wait3A_1134 = tpu.memref_slice %arg5[%add3A_1042, %dma_wait3A_1133] : memref<204800x128xf32, #tpu.memory_space<hbm>> -> memref<128x128xf32, #tpu.memory_space<hbm>>
    %dma_wait3A_1135 = arith.constant 0 : i32
    %dma_wait3A_1136 = arith.constant 0 : i32
    %dma_wait3A_1137 = tpu.memref_slice %arg9[%dma_wait3A_1123, %dma_wait3A_1135, %dma_wait3A_1136] : memref<6x128x128xf32, #tpu.memory_space<vmem>> -> memref<1x128x128xf32, #tpu.memory_space<vmem>>
    %dma_wait3A_1138 = tpu.memref_squeeze %dma_wait3A_1137 : memref<1x128x128xf32, #tpu.memory_space<vmem>> -> memref<128x128xf32, #tpu.memory_space<vmem>>
    tpu.wait_dma2 semaphore(%dma_wait3A_1132 : memref<!tpu.dma_semaphore, #tpu.memory_space<semaphore_mem>>) src(%dma_wait3A_1138 : memref<128x128xf32, #tpu.memory_space<vmem>>) dst(%dma_wait3A_1134 : memref<128x128xf32, #tpu.memory_space<hbm>>)
    %dma_start3A_1139 = arith.constant 21 : i32
    %dma_start3A_1140 = arith.constant 3 : i32
    %dma_start3A_1141 = arith.constant 3 : i32
    %dma_start3A_1142 = arith.constant 0 : i32
    %dma_start3A_1143 = arith.constant 0 : i32
    %dma_start3A_1144 = tpu.memref_slice %arg9[%dma_start3A_1140, %dma_start3A_1142, %dma_start3A_1143] : memref<6x128x128xf32, #tpu.memory_space<vmem>> -> memref<1x128x128xf32, #tpu.memory_space<vmem>>
    %dma_start3A_1145 = tpu.memref_squeeze %dma_start3A_1144 : memref<1x128x128xf32, #tpu.memory_space<vmem>> -> memref<128x128xf32, #tpu.memory_space<vmem>>
    %dma_start3A_1146 = arith.constant 0 : i32
    %dma_start3A_1147 = tpu.memref_slice %arg8[%dma_start3A_1139, %dma_start3A_1146] : memref<50x128xi32, #tpu.memory_space<vmem>> -> memref<1x128xi32, #tpu.memory_space<vmem>>
    %dma_start3A_1148 = tpu.memref_squeeze %dma_start3A_1147 : memref<1x128xi32, #tpu.memory_space<vmem>> -> memref<128xi32, #tpu.memory_space<vmem>>
    %dma_start3A_1149 = arith.constant 0 : i32
    %dma_start3A_1150 = arith.constant 0 : i32
    %dma_start3A_1151 = tpu.memref_slice %arg2[%dma_start3A_1149, %dma_start3A_1150] : memref<14600x128xf32, #tpu.memory_space<hbm>> -> memref<14600x128xf32, #tpu.memory_space<hbm>>
    %dma_start3A_1152 = tpu.memref_slice %arg10[%dma_start3A_1141] : memref<6x!tpu.dma_semaphore, #tpu.memory_space<semaphore_mem>> -> memref<1x!tpu.dma_semaphore, #tpu.memory_space<semaphore_mem>>
    %dma_start3A_1153 = tpu.memref_squeeze %dma_start3A_1152 : memref<1x!tpu.dma_semaphore, #tpu.memory_space<semaphore_mem>> -> memref<!tpu.dma_semaphore, #tpu.memory_space<semaphore_mem>>
    tpu.enqueue_indirect_dma source(%dma_start3A_1151 : memref<14600x128xf32, #tpu.memory_space<hbm>>) target(%dma_start3A_1145 : memref<128x128xf32, #tpu.memory_space<vmem>>) offsets(%dma_start3A_1148 : memref<128xi32, #tpu.memory_space<vmem>>) semaphore(%dma_start3A_1153 : memref<!tpu.dma_semaphore, #tpu.memory_space<semaphore_mem>>)
    %dma_wait3A_1154 = arith.constant 17 : i32
    %dma_wait3A_1155 = arith.constant 5 : i32
    %dma_wait3A_1156 = arith.constant 5 : i32
    %dma_wait3A_1157 = arith.constant 0 : i32
    %dma_wait3A_1158 = arith.constant 0 : i32
    %dma_wait3A_1159 = tpu.memref_slice %arg9[%dma_wait3A_1155, %dma_wait3A_1157, %dma_wait3A_1158] : memref<6x128x128xf32, #tpu.memory_space<vmem>> -> memref<1x128x128xf32, #tpu.memory_space<vmem>>
    %dma_wait3A_1160 = tpu.memref_squeeze %dma_wait3A_1159 : memref<1x128x128xf32, #tpu.memory_space<vmem>> -> memref<128x128xf32, #tpu.memory_space<vmem>>
    %dma_wait3A_1161 = arith.constant 0 : i32
    %dma_wait3A_1162 = tpu.memref_slice %arg8[%dma_wait3A_1154, %dma_wait3A_1161] : memref<50x128xi32, #tpu.memory_space<vmem>> -> memref<1x128xi32, #tpu.memory_space<vmem>>
    %dma_wait3A_1163 = tpu.memref_squeeze %dma_wait3A_1162 : memref<1x128xi32, #tpu.memory_space<vmem>> -> memref<128xi32, #tpu.memory_space<vmem>>
    %dma_wait3A_1164 = arith.constant 0 : i32
    %dma_wait3A_1165 = arith.constant 0 : i32
    %dma_wait3A_1166 = tpu.memref_slice %arg2[%dma_wait3A_1164, %dma_wait3A_1165] : memref<14600x128xf32, #tpu.memory_space<hbm>> -> memref<14600x128xf32, #tpu.memory_space<hbm>>
    %dma_wait3A_1167 = tpu.memref_slice %arg10[%dma_wait3A_1156] : memref<6x!tpu.dma_semaphore, #tpu.memory_space<semaphore_mem>> -> memref<1x!tpu.dma_semaphore, #tpu.memory_space<semaphore_mem>>
    %dma_wait3A_1168 = tpu.memref_squeeze %dma_wait3A_1167 : memref<1x!tpu.dma_semaphore, #tpu.memory_space<semaphore_mem>> -> memref<!tpu.dma_semaphore, #tpu.memory_space<semaphore_mem>>
    tpu.wait_indirect_dma semaphore(%dma_wait3A_1168 : memref<!tpu.dma_semaphore, #tpu.memory_space<semaphore_mem>>) src(%dma_wait3A_1166 : memref<14600x128xf32, #tpu.memory_space<hbm>>) dst(%dma_wait3A_1160 : memref<128x128xf32, #tpu.memory_space<vmem>>)
    %add3A_1169 = arith.constant 2176 : i32
    %add3A_1170 = arith.addi %mul3A_2, %add3A_1169 : i32
    %dma_start3A_1171 = arith.constant 5 : i32
    %dma_start3A_1172 = arith.constant 5 : i32
    %dma_start3A_1173 = arith.constant 0 : i32
    %dma_start3A_1174 = arith.constant 0 : i32
    %dma_start3A_1175 = tpu.memref_slice %arg9[%dma_start3A_1171, %dma_start3A_1173, %dma_start3A_1174] : memref<6x128x128xf32, #tpu.memory_space<vmem>> -> memref<1x128x128xf32, #tpu.memory_space<vmem>>
    %dma_start3A_1176 = tpu.memref_squeeze %dma_start3A_1175 : memref<1x128x128xf32, #tpu.memory_space<vmem>> -> memref<128x128xf32, #tpu.memory_space<vmem>>
    %dma_start3A_1177 = arith.constant 0 : i32
    %dma_start3A_1178 = tpu.memref_slice %arg5[%add3A_1170, %dma_start3A_1177] : memref<204800x128xf32, #tpu.memory_space<hbm>> -> memref<128x128xf32, #tpu.memory_space<hbm>>
    %dma_start3A_1179 = tpu.memref_slice %arg11[%dma_start3A_1172] : memref<6x!tpu.dma_semaphore, #tpu.memory_space<semaphore_mem>> -> memref<1x!tpu.dma_semaphore, #tpu.memory_space<semaphore_mem>>
    %dma_start3A_1180 = tpu.memref_squeeze %dma_start3A_1179 : memref<1x!tpu.dma_semaphore, #tpu.memory_space<semaphore_mem>> -> memref<!tpu.dma_semaphore, #tpu.memory_space<semaphore_mem>>
    %dma_start3A_1181 = arith.constant 0 : i32
    %dma_start3A_1182 = tpu.memref_slice %arg5[%add3A_1170, %dma_start3A_1181] : memref<204800x128xf32, #tpu.memory_space<hbm>> -> memref<128x128xf32, #tpu.memory_space<hbm>>
    %dma_start3A_1183 = arith.constant 0 : i32
    %dma_start3A_1184 = arith.constant 0 : i32
    %dma_start3A_1185 = tpu.memref_slice %arg9[%dma_start3A_1171, %dma_start3A_1183, %dma_start3A_1184] : memref<6x128x128xf32, #tpu.memory_space<vmem>> -> memref<1x128x128xf32, #tpu.memory_space<vmem>>
    %dma_start3A_1186 = tpu.memref_squeeze %dma_start3A_1185 : memref<1x128x128xf32, #tpu.memory_space<vmem>> -> memref<128x128xf32, #tpu.memory_space<vmem>>
    tpu.enqueue_dma source(%dma_start3A_1186 : memref<128x128xf32, #tpu.memory_space<vmem>>) target(%dma_start3A_1182 : memref<128x128xf32, #tpu.memory_space<hbm>>) target_semaphore(%dma_start3A_1180 : memref<!tpu.dma_semaphore, #tpu.memory_space<semaphore_mem>>)
    %dma_wait3A_1187 = arith.constant 4 : i32
    %dma_wait3A_1188 = arith.constant 4 : i32
    %dma_wait3A_1189 = arith.constant 0 : i32
    %dma_wait3A_1190 = arith.constant 0 : i32
    %dma_wait3A_1191 = tpu.memref_slice %arg9[%dma_wait3A_1187, %dma_wait3A_1189, %dma_wait3A_1190] : memref<6x128x128xf32, #tpu.memory_space<vmem>> -> memref<1x128x128xf32, #tpu.memory_space<vmem>>
    %dma_wait3A_1192 = tpu.memref_squeeze %dma_wait3A_1191 : memref<1x128x128xf32, #tpu.memory_space<vmem>> -> memref<128x128xf32, #tpu.memory_space<vmem>>
    %dma_wait3A_1193 = arith.constant 0 : i32
    %dma_wait3A_1194 = tpu.memref_slice %arg5[%add3A_1106, %dma_wait3A_1193] : memref<204800x128xf32, #tpu.memory_space<hbm>> -> memref<128x128xf32, #tpu.memory_space<hbm>>
    %dma_wait3A_1195 = tpu.memref_slice %arg11[%dma_wait3A_1188] : memref<6x!tpu.dma_semaphore, #tpu.memory_space<semaphore_mem>> -> memref<1x!tpu.dma_semaphore, #tpu.memory_space<semaphore_mem>>
    %dma_wait3A_1196 = tpu.memref_squeeze %dma_wait3A_1195 : memref<1x!tpu.dma_semaphore, #tpu.memory_space<semaphore_mem>> -> memref<!tpu.dma_semaphore, #tpu.memory_space<semaphore_mem>>
    %dma_wait3A_1197 = arith.constant 0 : i32
    %dma_wait3A_1198 = tpu.memref_slice %arg5[%add3A_1106, %dma_wait3A_1197] : memref<204800x128xf32, #tpu.memory_space<hbm>> -> memref<128x128xf32, #tpu.memory_space<hbm>>
    %dma_wait3A_1199 = arith.constant 0 : i32
    %dma_wait3A_1200 = arith.constant 0 : i32
    %dma_wait3A_1201 = tpu.memref_slice %arg9[%dma_wait3A_1187, %dma_wait3A_1199, %dma_wait3A_1200] : memref<6x128x128xf32, #tpu.memory_space<vmem>> -> memref<1x128x128xf32, #tpu.memory_space<vmem>>
    %dma_wait3A_1202 = tpu.memref_squeeze %dma_wait3A_1201 : memref<1x128x128xf32, #tpu.memory_space<vmem>> -> memref<128x128xf32, #tpu.memory_space<vmem>>
    tpu.wait_dma2 semaphore(%dma_wait3A_1196 : memref<!tpu.dma_semaphore, #tpu.memory_space<semaphore_mem>>) src(%dma_wait3A_1202 : memref<128x128xf32, #tpu.memory_space<vmem>>) dst(%dma_wait3A_1198 : memref<128x128xf32, #tpu.memory_space<hbm>>)
    %dma_start3A_1203 = arith.constant 22 : i32
    %dma_start3A_1204 = arith.constant 4 : i32
    %dma_start3A_1205 = arith.constant 4 : i32
    %dma_start3A_1206 = arith.constant 0 : i32
    %dma_start3A_1207 = arith.constant 0 : i32
    %dma_start3A_1208 = tpu.memref_slice %arg9[%dma_start3A_1204, %dma_start3A_1206, %dma_start3A_1207] : memref<6x128x128xf32, #tpu.memory_space<vmem>> -> memref<1x128x128xf32, #tpu.memory_space<vmem>>
    %dma_start3A_1209 = tpu.memref_squeeze %dma_start3A_1208 : memref<1x128x128xf32, #tpu.memory_space<vmem>> -> memref<128x128xf32, #tpu.memory_space<vmem>>
    %dma_start3A_1210 = arith.constant 0 : i32
    %dma_start3A_1211 = tpu.memref_slice %arg8[%dma_start3A_1203, %dma_start3A_1210] : memref<50x128xi32, #tpu.memory_space<vmem>> -> memref<1x128xi32, #tpu.memory_space<vmem>>
    %dma_start3A_1212 = tpu.memref_squeeze %dma_start3A_1211 : memref<1x128xi32, #tpu.memory_space<vmem>> -> memref<128xi32, #tpu.memory_space<vmem>>
    %dma_start3A_1213 = arith.constant 0 : i32
    %dma_start3A_1214 = arith.constant 0 : i32
    %dma_start3A_1215 = tpu.memref_slice %arg2[%dma_start3A_1213, %dma_start3A_1214] : memref<14600x128xf32, #tpu.memory_space<hbm>> -> memref<14600x128xf32, #tpu.memory_space<hbm>>
    %dma_start3A_1216 = tpu.memref_slice %arg10[%dma_start3A_1205] : memref<6x!tpu.dma_semaphore, #tpu.memory_space<semaphore_mem>> -> memref<1x!tpu.dma_semaphore, #tpu.memory_space<semaphore_mem>>
    %dma_start3A_1217 = tpu.memref_squeeze %dma_start3A_1216 : memref<1x!tpu.dma_semaphore, #tpu.memory_space<semaphore_mem>> -> memref<!tpu.dma_semaphore, #tpu.memory_space<semaphore_mem>>
    tpu.enqueue_indirect_dma source(%dma_start3A_1215 : memref<14600x128xf32, #tpu.memory_space<hbm>>) target(%dma_start3A_1209 : memref<128x128xf32, #tpu.memory_space<vmem>>) offsets(%dma_start3A_1212 : memref<128xi32, #tpu.memory_space<vmem>>) semaphore(%dma_start3A_1217 : memref<!tpu.dma_semaphore, #tpu.memory_space<semaphore_mem>>)
    %dma_wait3A_1218 = arith.constant 18 : i32
    %dma_wait3A_1219 = arith.constant 0 : i32
    %dma_wait3A_1220 = arith.constant 0 : i32
    %dma_wait3A_1221 = arith.constant 0 : i32
    %dma_wait3A_1222 = arith.constant 0 : i32
    %dma_wait3A_1223 = tpu.memref_slice %arg9[%dma_wait3A_1219, %dma_wait3A_1221, %dma_wait3A_1222] : memref<6x128x128xf32, #tpu.memory_space<vmem>> -> memref<1x128x128xf32, #tpu.memory_space<vmem>>
    %dma_wait3A_1224 = tpu.memref_squeeze %dma_wait3A_1223 : memref<1x128x128xf32, #tpu.memory_space<vmem>> -> memref<128x128xf32, #tpu.memory_space<vmem>>
    %dma_wait3A_1225 = arith.constant 0 : i32
    %dma_wait3A_1226 = tpu.memref_slice %arg8[%dma_wait3A_1218, %dma_wait3A_1225] : memref<50x128xi32, #tpu.memory_space<vmem>> -> memref<1x128xi32, #tpu.memory_space<vmem>>
    %dma_wait3A_1227 = tpu.memref_squeeze %dma_wait3A_1226 : memref<1x128xi32, #tpu.memory_space<vmem>> -> memref<128xi32, #tpu.memory_space<vmem>>
    %dma_wait3A_1228 = arith.constant 0 : i32
    %dma_wait3A_1229 = arith.constant 0 : i32
    %dma_wait3A_1230 = tpu.memref_slice %arg2[%dma_wait3A_1228, %dma_wait3A_1229] : memref<14600x128xf32, #tpu.memory_space<hbm>> -> memref<14600x128xf32, #tpu.memory_space<hbm>>
    %dma_wait3A_1231 = tpu.memref_slice %arg10[%dma_wait3A_1220] : memref<6x!tpu.dma_semaphore, #tpu.memory_space<semaphore_mem>> -> memref<1x!tpu.dma_semaphore, #tpu.memory_space<semaphore_mem>>
    %dma_wait3A_1232 = tpu.memref_squeeze %dma_wait3A_1231 : memref<1x!tpu.dma_semaphore, #tpu.memory_space<semaphore_mem>> -> memref<!tpu.dma_semaphore, #tpu.memory_space<semaphore_mem>>
    tpu.wait_indirect_dma semaphore(%dma_wait3A_1232 : memref<!tpu.dma_semaphore, #tpu.memory_space<semaphore_mem>>) src(%dma_wait3A_1230 : memref<14600x128xf32, #tpu.memory_space<hbm>>) dst(%dma_wait3A_1224 : memref<128x128xf32, #tpu.memory_space<vmem>>)
    %add3A_1233 = arith.constant 2304 : i32
    %add3A_1234 = arith.addi %mul3A_2, %add3A_1233 : i32
    %dma_start3A_1235 = arith.constant 0 : i32
    %dma_start3A_1236 = arith.constant 0 : i32
    %dma_start3A_1237 = arith.constant 0 : i32
    %dma_start3A_1238 = arith.constant 0 : i32
    %dma_start3A_1239 = tpu.memref_slice %arg9[%dma_start3A_1235, %dma_start3A_1237, %dma_start3A_1238] : memref<6x128x128xf32, #tpu.memory_space<vmem>> -> memref<1x128x128xf32, #tpu.memory_space<vmem>>
    %dma_start3A_1240 = tpu.memref_squeeze %dma_start3A_1239 : memref<1x128x128xf32, #tpu.memory_space<vmem>> -> memref<128x128xf32, #tpu.memory_space<vmem>>
    %dma_start3A_1241 = arith.constant 0 : i32
    %dma_start3A_1242 = tpu.memref_slice %arg5[%add3A_1234, %dma_start3A_1241] : memref<204800x128xf32, #tpu.memory_space<hbm>> -> memref<128x128xf32, #tpu.memory_space<hbm>>
    %dma_start3A_1243 = tpu.memref_slice %arg11[%dma_start3A_1236] : memref<6x!tpu.dma_semaphore, #tpu.memory_space<semaphore_mem>> -> memref<1x!tpu.dma_semaphore, #tpu.memory_space<semaphore_mem>>
    %dma_start3A_1244 = tpu.memref_squeeze %dma_start3A_1243 : memref<1x!tpu.dma_semaphore, #tpu.memory_space<semaphore_mem>> -> memref<!tpu.dma_semaphore, #tpu.memory_space<semaphore_mem>>
    %dma_start3A_1245 = arith.constant 0 : i32
    %dma_start3A_1246 = tpu.memref_slice %arg5[%add3A_1234, %dma_start3A_1245] : memref<204800x128xf32, #tpu.memory_space<hbm>> -> memref<128x128xf32, #tpu.memory_space<hbm>>
    %dma_start3A_1247 = arith.constant 0 : i32
    %dma_start3A_1248 = arith.constant 0 : i32
    %dma_start3A_1249 = tpu.memref_slice %arg9[%dma_start3A_1235, %dma_start3A_1247, %dma_start3A_1248] : memref<6x128x128xf32, #tpu.memory_space<vmem>> -> memref<1x128x128xf32, #tpu.memory_space<vmem>>
    %dma_start3A_1250 = tpu.memref_squeeze %dma_start3A_1249 : memref<1x128x128xf32, #tpu.memory_space<vmem>> -> memref<128x128xf32, #tpu.memory_space<vmem>>
    tpu.enqueue_dma source(%dma_start3A_1250 : memref<128x128xf32, #tpu.memory_space<vmem>>) target(%dma_start3A_1246 : memref<128x128xf32, #tpu.memory_space<hbm>>) target_semaphore(%dma_start3A_1244 : memref<!tpu.dma_semaphore, #tpu.memory_space<semaphore_mem>>)
    %dma_wait3A_1251 = arith.constant 5 : i32
    %dma_wait3A_1252 = arith.constant 5 : i32
    %dma_wait3A_1253 = arith.constant 0 : i32
    %dma_wait3A_1254 = arith.constant 0 : i32
    %dma_wait3A_1255 = tpu.memref_slice %arg9[%dma_wait3A_1251, %dma_wait3A_1253, %dma_wait3A_1254] : memref<6x128x128xf32, #tpu.memory_space<vmem>> -> memref<1x128x128xf32, #tpu.memory_space<vmem>>
    %dma_wait3A_1256 = tpu.memref_squeeze %dma_wait3A_1255 : memref<1x128x128xf32, #tpu.memory_space<vmem>> -> memref<128x128xf32, #tpu.memory_space<vmem>>
    %dma_wait3A_1257 = arith.constant 0 : i32
    %dma_wait3A_1258 = tpu.memref_slice %arg5[%add3A_1170, %dma_wait3A_1257] : memref<204800x128xf32, #tpu.memory_space<hbm>> -> memref<128x128xf32, #tpu.memory_space<hbm>>
    %dma_wait3A_1259 = tpu.memref_slice %arg11[%dma_wait3A_1252] : memref<6x!tpu.dma_semaphore, #tpu.memory_space<semaphore_mem>> -> memref<1x!tpu.dma_semaphore, #tpu.memory_space<semaphore_mem>>
    %dma_wait3A_1260 = tpu.memref_squeeze %dma_wait3A_1259 : memref<1x!tpu.dma_semaphore, #tpu.memory_space<semaphore_mem>> -> memref<!tpu.dma_semaphore, #tpu.memory_space<semaphore_mem>>
    %dma_wait3A_1261 = arith.constant 0 : i32
    %dma_wait3A_1262 = tpu.memref_slice %arg5[%add3A_1170, %dma_wait3A_1261] : memref<204800x128xf32, #tpu.memory_space<hbm>> -> memref<128x128xf32, #tpu.memory_space<hbm>>
    %dma_wait3A_1263 = arith.constant 0 : i32
    %dma_wait3A_1264 = arith.constant 0 : i32
    %dma_wait3A_1265 = tpu.memref_slice %arg9[%dma_wait3A_1251, %dma_wait3A_1263, %dma_wait3A_1264] : memref<6x128x128xf32, #tpu.memory_space<vmem>> -> memref<1x128x128xf32, #tpu.memory_space<vmem>>
    %dma_wait3A_1266 = tpu.memref_squeeze %dma_wait3A_1265 : memref<1x128x128xf32, #tpu.memory_space<vmem>> -> memref<128x128xf32, #tpu.memory_space<vmem>>
    tpu.wait_dma2 semaphore(%dma_wait3A_1260 : memref<!tpu.dma_semaphore, #tpu.memory_space<semaphore_mem>>) src(%dma_wait3A_1266 : memref<128x128xf32, #tpu.memory_space<vmem>>) dst(%dma_wait3A_1262 : memref<128x128xf32, #tpu.memory_space<hbm>>)
    %dma_start3A_1267 = arith.constant 23 : i32
    %dma_start3A_1268 = arith.constant 5 : i32
    %dma_start3A_1269 = arith.constant 5 : i32
    %dma_start3A_1270 = arith.constant 0 : i32
    %dma_start3A_1271 = arith.constant 0 : i32
    %dma_start3A_1272 = tpu.memref_slice %arg9[%dma_start3A_1268, %dma_start3A_1270, %dma_start3A_1271] : memref<6x128x128xf32, #tpu.memory_space<vmem>> -> memref<1x128x128xf32, #tpu.memory_space<vmem>>
    %dma_start3A_1273 = tpu.memref_squeeze %dma_start3A_1272 : memref<1x128x128xf32, #tpu.memory_space<vmem>> -> memref<128x128xf32, #tpu.memory_space<vmem>>
    %dma_start3A_1274 = arith.constant 0 : i32
    %dma_start3A_1275 = tpu.memref_slice %arg8[%dma_start3A_1267, %dma_start3A_1274] : memref<50x128xi32, #tpu.memory_space<vmem>> -> memref<1x128xi32, #tpu.memory_space<vmem>>
    %dma_start3A_1276 = tpu.memref_squeeze %dma_start3A_1275 : memref<1x128xi32, #tpu.memory_space<vmem>> -> memref<128xi32, #tpu.memory_space<vmem>>
    %dma_start3A_1277 = arith.constant 0 : i32
    %dma_start3A_1278 = arith.constant 0 : i32
    %dma_start3A_1279 = tpu.memref_slice %arg2[%dma_start3A_1277, %dma_start3A_1278] : memref<14600x128xf32, #tpu.memory_space<hbm>> -> memref<14600x128xf32, #tpu.memory_space<hbm>>
    %dma_start3A_1280 = tpu.memref_slice %arg10[%dma_start3A_1269] : memref<6x!tpu.dma_semaphore, #tpu.memory_space<semaphore_mem>> -> memref<1x!tpu.dma_semaphore, #tpu.memory_space<semaphore_mem>>
    %dma_start3A_1281 = tpu.memref_squeeze %dma_start3A_1280 : memref<1x!tpu.dma_semaphore, #tpu.memory_space<semaphore_mem>> -> memref<!tpu.dma_semaphore, #tpu.memory_space<semaphore_mem>>
    tpu.enqueue_indirect_dma source(%dma_start3A_1279 : memref<14600x128xf32, #tpu.memory_space<hbm>>) target(%dma_start3A_1273 : memref<128x128xf32, #tpu.memory_space<vmem>>) offsets(%dma_start3A_1276 : memref<128xi32, #tpu.memory_space<vmem>>) semaphore(%dma_start3A_1281 : memref<!tpu.dma_semaphore, #tpu.memory_space<semaphore_mem>>)
    %dma_wait3A_1282 = arith.constant 19 : i32
    %dma_wait3A_1283 = arith.constant 1 : i32
    %dma_wait3A_1284 = arith.constant 1 : i32
    %dma_wait3A_1285 = arith.constant 0 : i32
    %dma_wait3A_1286 = arith.constant 0 : i32
    %dma_wait3A_1287 = tpu.memref_slice %arg9[%dma_wait3A_1283, %dma_wait3A_1285, %dma_wait3A_1286] : memref<6x128x128xf32, #tpu.memory_space<vmem>> -> memref<1x128x128xf32, #tpu.memory_space<vmem>>
    %dma_wait3A_1288 = tpu.memref_squeeze %dma_wait3A_1287 : memref<1x128x128xf32, #tpu.memory_space<vmem>> -> memref<128x128xf32, #tpu.memory_space<vmem>>
    %dma_wait3A_1289 = arith.constant 0 : i32
    %dma_wait3A_1290 = tpu.memref_slice %arg8[%dma_wait3A_1282, %dma_wait3A_1289] : memref<50x128xi32, #tpu.memory_space<vmem>> -> memref<1x128xi32, #tpu.memory_space<vmem>>
    %dma_wait3A_1291 = tpu.memref_squeeze %dma_wait3A_1290 : memref<1x128xi32, #tpu.memory_space<vmem>> -> memref<128xi32, #tpu.memory_space<vmem>>
    %dma_wait3A_1292 = arith.constant 0 : i32
    %dma_wait3A_1293 = arith.constant 0 : i32
    %dma_wait3A_1294 = tpu.memref_slice %arg2[%dma_wait3A_1292, %dma_wait3A_1293] : memref<14600x128xf32, #tpu.memory_space<hbm>> -> memref<14600x128xf32, #tpu.memory_space<hbm>>
    %dma_wait3A_1295 = tpu.memref_slice %arg10[%dma_wait3A_1284] : memref<6x!tpu.dma_semaphore, #tpu.memory_space<semaphore_mem>> -> memref<1x!tpu.dma_semaphore, #tpu.memory_space<semaphore_mem>>
    %dma_wait3A_1296 = tpu.memref_squeeze %dma_wait3A_1295 : memref<1x!tpu.dma_semaphore, #tpu.memory_space<semaphore_mem>> -> memref<!tpu.dma_semaphore, #tpu.memory_space<semaphore_mem>>
    tpu.wait_indirect_dma semaphore(%dma_wait3A_1296 : memref<!tpu.dma_semaphore, #tpu.memory_space<semaphore_mem>>) src(%dma_wait3A_1294 : memref<14600x128xf32, #tpu.memory_space<hbm>>) dst(%dma_wait3A_1288 : memref<128x128xf32, #tpu.memory_space<vmem>>)
    %add3A_1297 = arith.constant 2432 : i32
    %add3A_1298 = arith.addi %mul3A_2, %add3A_1297 : i32
    %dma_start3A_1299 = arith.constant 1 : i32
    %dma_start3A_1300 = arith.constant 1 : i32
    %dma_start3A_1301 = arith.constant 0 : i32
    %dma_start3A_1302 = arith.constant 0 : i32
    %dma_start3A_1303 = tpu.memref_slice %arg9[%dma_start3A_1299, %dma_start3A_1301, %dma_start3A_1302] : memref<6x128x128xf32, #tpu.memory_space<vmem>> -> memref<1x128x128xf32, #tpu.memory_space<vmem>>
    %dma_start3A_1304 = tpu.memref_squeeze %dma_start3A_1303 : memref<1x128x128xf32, #tpu.memory_space<vmem>> -> memref<128x128xf32, #tpu.memory_space<vmem>>
    %dma_start3A_1305 = arith.constant 0 : i32
    %dma_start3A_1306 = tpu.memref_slice %arg5[%add3A_1298, %dma_start3A_1305] : memref<204800x128xf32, #tpu.memory_space<hbm>> -> memref<128x128xf32, #tpu.memory_space<hbm>>
    %dma_start3A_1307 = tpu.memref_slice %arg11[%dma_start3A_1300] : memref<6x!tpu.dma_semaphore, #tpu.memory_space<semaphore_mem>> -> memref<1x!tpu.dma_semaphore, #tpu.memory_space<semaphore_mem>>
    %dma_start3A_1308 = tpu.memref_squeeze %dma_start3A_1307 : memref<1x!tpu.dma_semaphore, #tpu.memory_space<semaphore_mem>> -> memref<!tpu.dma_semaphore, #tpu.memory_space<semaphore_mem>>
    %dma_start3A_1309 = arith.constant 0 : i32
    %dma_start3A_1310 = tpu.memref_slice %arg5[%add3A_1298, %dma_start3A_1309] : memref<204800x128xf32, #tpu.memory_space<hbm>> -> memref<128x128xf32, #tpu.memory_space<hbm>>
    %dma_start3A_1311 = arith.constant 0 : i32
    %dma_start3A_1312 = arith.constant 0 : i32
    %dma_start3A_1313 = tpu.memref_slice %arg9[%dma_start3A_1299, %dma_start3A_1311, %dma_start3A_1312] : memref<6x128x128xf32, #tpu.memory_space<vmem>> -> memref<1x128x128xf32, #tpu.memory_space<vmem>>
    %dma_start3A_1314 = tpu.memref_squeeze %dma_start3A_1313 : memref<1x128x128xf32, #tpu.memory_space<vmem>> -> memref<128x128xf32, #tpu.memory_space<vmem>>
    tpu.enqueue_dma source(%dma_start3A_1314 : memref<128x128xf32, #tpu.memory_space<vmem>>) target(%dma_start3A_1310 : memref<128x128xf32, #tpu.memory_space<hbm>>) target_semaphore(%dma_start3A_1308 : memref<!tpu.dma_semaphore, #tpu.memory_space<semaphore_mem>>)
    %dma_wait3A_1315 = arith.constant 0 : i32
    %dma_wait3A_1316 = arith.constant 0 : i32
    %dma_wait3A_1317 = arith.constant 0 : i32
    %dma_wait3A_1318 = arith.constant 0 : i32
    %dma_wait3A_1319 = tpu.memref_slice %arg9[%dma_wait3A_1315, %dma_wait3A_1317, %dma_wait3A_1318] : memref<6x128x128xf32, #tpu.memory_space<vmem>> -> memref<1x128x128xf32, #tpu.memory_space<vmem>>
    %dma_wait3A_1320 = tpu.memref_squeeze %dma_wait3A_1319 : memref<1x128x128xf32, #tpu.memory_space<vmem>> -> memref<128x128xf32, #tpu.memory_space<vmem>>
    %dma_wait3A_1321 = arith.constant 0 : i32
    %dma_wait3A_1322 = tpu.memref_slice %arg5[%add3A_1234, %dma_wait3A_1321] : memref<204800x128xf32, #tpu.memory_space<hbm>> -> memref<128x128xf32, #tpu.memory_space<hbm>>
    %dma_wait3A_1323 = tpu.memref_slice %arg11[%dma_wait3A_1316] : memref<6x!tpu.dma_semaphore, #tpu.memory_space<semaphore_mem>> -> memref<1x!tpu.dma_semaphore, #tpu.memory_space<semaphore_mem>>
    %dma_wait3A_1324 = tpu.memref_squeeze %dma_wait3A_1323 : memref<1x!tpu.dma_semaphore, #tpu.memory_space<semaphore_mem>> -> memref<!tpu.dma_semaphore, #tpu.memory_space<semaphore_mem>>
    %dma_wait3A_1325 = arith.constant 0 : i32
    %dma_wait3A_1326 = tpu.memref_slice %arg5[%add3A_1234, %dma_wait3A_1325] : memref<204800x128xf32, #tpu.memory_space<hbm>> -> memref<128x128xf32, #tpu.memory_space<hbm>>
    %dma_wait3A_1327 = arith.constant 0 : i32
    %dma_wait3A_1328 = arith.constant 0 : i32
    %dma_wait3A_1329 = tpu.memref_slice %arg9[%dma_wait3A_1315, %dma_wait3A_1327, %dma_wait3A_1328] : memref<6x128x128xf32, #tpu.memory_space<vmem>> -> memref<1x128x128xf32, #tpu.memory_space<vmem>>
    %dma_wait3A_1330 = tpu.memref_squeeze %dma_wait3A_1329 : memref<1x128x128xf32, #tpu.memory_space<vmem>> -> memref<128x128xf32, #tpu.memory_space<vmem>>
    tpu.wait_dma2 semaphore(%dma_wait3A_1324 : memref<!tpu.dma_semaphore, #tpu.memory_space<semaphore_mem>>) src(%dma_wait3A_1330 : memref<128x128xf32, #tpu.memory_space<vmem>>) dst(%dma_wait3A_1326 : memref<128x128xf32, #tpu.memory_space<hbm>>)
    %dma_start3A_1331 = arith.constant 24 : i32
    %dma_start3A_1332 = arith.constant 0 : i32
    %dma_start3A_1333 = arith.constant 0 : i32
    %dma_start3A_1334 = arith.constant 0 : i32
    %dma_start3A_1335 = arith.constant 0 : i32
    %dma_start3A_1336 = tpu.memref_slice %arg9[%dma_start3A_1332, %dma_start3A_1334, %dma_start3A_1335] : memref<6x128x128xf32, #tpu.memory_space<vmem>> -> memref<1x128x128xf32, #tpu.memory_space<vmem>>
    %dma_start3A_1337 = tpu.memref_squeeze %dma_start3A_1336 : memref<1x128x128xf32, #tpu.memory_space<vmem>> -> memref<128x128xf32, #tpu.memory_space<vmem>>
    %dma_start3A_1338 = arith.constant 0 : i32
    %dma_start3A_1339 = tpu.memref_slice %arg8[%dma_start3A_1331, %dma_start3A_1338] : memref<50x128xi32, #tpu.memory_space<vmem>> -> memref<1x128xi32, #tpu.memory_space<vmem>>
    %dma_start3A_1340 = tpu.memref_squeeze %dma_start3A_1339 : memref<1x128xi32, #tpu.memory_space<vmem>> -> memref<128xi32, #tpu.memory_space<vmem>>
    %dma_start3A_1341 = arith.constant 0 : i32
    %dma_start3A_1342 = arith.constant 0 : i32
    %dma_start3A_1343 = tpu.memref_slice %arg2[%dma_start3A_1341, %dma_start3A_1342] : memref<14600x128xf32, #tpu.memory_space<hbm>> -> memref<14600x128xf32, #tpu.memory_space<hbm>>
    %dma_start3A_1344 = tpu.memref_slice %arg10[%dma_start3A_1333] : memref<6x!tpu.dma_semaphore, #tpu.memory_space<semaphore_mem>> -> memref<1x!tpu.dma_semaphore, #tpu.memory_space<semaphore_mem>>
    %dma_start3A_1345 = tpu.memref_squeeze %dma_start3A_1344 : memref<1x!tpu.dma_semaphore, #tpu.memory_space<semaphore_mem>> -> memref<!tpu.dma_semaphore, #tpu.memory_space<semaphore_mem>>
    tpu.enqueue_indirect_dma source(%dma_start3A_1343 : memref<14600x128xf32, #tpu.memory_space<hbm>>) target(%dma_start3A_1337 : memref<128x128xf32, #tpu.memory_space<vmem>>) offsets(%dma_start3A_1340 : memref<128xi32, #tpu.memory_space<vmem>>) semaphore(%dma_start3A_1345 : memref<!tpu.dma_semaphore, #tpu.memory_space<semaphore_mem>>)
    %dma_wait3A_1346 = arith.constant 20 : i32
    %dma_wait3A_1347 = arith.constant 2 : i32
    %dma_wait3A_1348 = arith.constant 2 : i32
    %dma_wait3A_1349 = arith.constant 0 : i32
    %dma_wait3A_1350 = arith.constant 0 : i32
    %dma_wait3A_1351 = tpu.memref_slice %arg9[%dma_wait3A_1347, %dma_wait3A_1349, %dma_wait3A_1350] : memref<6x128x128xf32, #tpu.memory_space<vmem>> -> memref<1x128x128xf32, #tpu.memory_space<vmem>>
    %dma_wait3A_1352 = tpu.memref_squeeze %dma_wait3A_1351 : memref<1x128x128xf32, #tpu.memory_space<vmem>> -> memref<128x128xf32, #tpu.memory_space<vmem>>
    %dma_wait3A_1353 = arith.constant 0 : i32
    %dma_wait3A_1354 = tpu.memref_slice %arg8[%dma_wait3A_1346, %dma_wait3A_1353] : memref<50x128xi32, #tpu.memory_space<vmem>> -> memref<1x128xi32, #tpu.memory_space<vmem>>
    %dma_wait3A_1355 = tpu.memref_squeeze %dma_wait3A_1354 : memref<1x128xi32, #tpu.memory_space<vmem>> -> memref<128xi32, #tpu.memory_space<vmem>>
    %dma_wait3A_1356 = arith.constant 0 : i32
    %dma_wait3A_1357 = arith.constant 0 : i32
    %dma_wait3A_1358 = tpu.memref_slice %arg2[%dma_wait3A_1356, %dma_wait3A_1357] : memref<14600x128xf32, #tpu.memory_space<hbm>> -> memref<14600x128xf32, #tpu.memory_space<hbm>>
    %dma_wait3A_1359 = tpu.memref_slice %arg10[%dma_wait3A_1348] : memref<6x!tpu.dma_semaphore, #tpu.memory_space<semaphore_mem>> -> memref<1x!tpu.dma_semaphore, #tpu.memory_space<semaphore_mem>>
    %dma_wait3A_1360 = tpu.memref_squeeze %dma_wait3A_1359 : memref<1x!tpu.dma_semaphore, #tpu.memory_space<semaphore_mem>> -> memref<!tpu.dma_semaphore, #tpu.memory_space<semaphore_mem>>
    tpu.wait_indirect_dma semaphore(%dma_wait3A_1360 : memref<!tpu.dma_semaphore, #tpu.memory_space<semaphore_mem>>) src(%dma_wait3A_1358 : memref<14600x128xf32, #tpu.memory_space<hbm>>) dst(%dma_wait3A_1352 : memref<128x128xf32, #tpu.memory_space<vmem>>)
    %add3A_1361 = arith.constant 2560 : i32
    %add3A_1362 = arith.addi %mul3A_2, %add3A_1361 : i32
    %dma_start3A_1363 = arith.constant 2 : i32
    %dma_start3A_1364 = arith.constant 2 : i32
    %dma_start3A_1365 = arith.constant 0 : i32
    %dma_start3A_1366 = arith.constant 0 : i32
    %dma_start3A_1367 = tpu.memref_slice %arg9[%dma_start3A_1363, %dma_start3A_1365, %dma_start3A_1366] : memref<6x128x128xf32, #tpu.memory_space<vmem>> -> memref<1x128x128xf32, #tpu.memory_space<vmem>>
    %dma_start3A_1368 = tpu.memref_squeeze %dma_start3A_1367 : memref<1x128x128xf32, #tpu.memory_space<vmem>> -> memref<128x128xf32, #tpu.memory_space<vmem>>
    %dma_start3A_1369 = arith.constant 0 : i32
    %dma_start3A_1370 = tpu.memref_slice %arg5[%add3A_1362, %dma_start3A_1369] : memref<204800x128xf32, #tpu.memory_space<hbm>> -> memref<128x128xf32, #tpu.memory_space<hbm>>
    %dma_start3A_1371 = tpu.memref_slice %arg11[%dma_start3A_1364] : memref<6x!tpu.dma_semaphore, #tpu.memory_space<semaphore_mem>> -> memref<1x!tpu.dma_semaphore, #tpu.memory_space<semaphore_mem>>
    %dma_start3A_1372 = tpu.memref_squeeze %dma_start3A_1371 : memref<1x!tpu.dma_semaphore, #tpu.memory_space<semaphore_mem>> -> memref<!tpu.dma_semaphore, #tpu.memory_space<semaphore_mem>>
    %dma_start3A_1373 = arith.constant 0 : i32
    %dma_start3A_1374 = tpu.memref_slice %arg5[%add3A_1362, %dma_start3A_1373] : memref<204800x128xf32, #tpu.memory_space<hbm>> -> memref<128x128xf32, #tpu.memory_space<hbm>>
    %dma_start3A_1375 = arith.constant 0 : i32
    %dma_start3A_1376 = arith.constant 0 : i32
    %dma_start3A_1377 = tpu.memref_slice %arg9[%dma_start3A_1363, %dma_start3A_1375, %dma_start3A_1376] : memref<6x128x128xf32, #tpu.memory_space<vmem>> -> memref<1x128x128xf32, #tpu.memory_space<vmem>>
    %dma_start3A_1378 = tpu.memref_squeeze %dma_start3A_1377 : memref<1x128x128xf32, #tpu.memory_space<vmem>> -> memref<128x128xf32, #tpu.memory_space<vmem>>
    tpu.enqueue_dma source(%dma_start3A_1378 : memref<128x128xf32, #tpu.memory_space<vmem>>) target(%dma_start3A_1374 : memref<128x128xf32, #tpu.memory_space<hbm>>) target_semaphore(%dma_start3A_1372 : memref<!tpu.dma_semaphore, #tpu.memory_space<semaphore_mem>>)
    %dma_wait3A_1379 = arith.constant 1 : i32
    %dma_wait3A_1380 = arith.constant 1 : i32
    %dma_wait3A_1381 = arith.constant 0 : i32
    %dma_wait3A_1382 = arith.constant 0 : i32
    %dma_wait3A_1383 = tpu.memref_slice %arg9[%dma_wait3A_1379, %dma_wait3A_1381, %dma_wait3A_1382] : memref<6x128x128xf32, #tpu.memory_space<vmem>> -> memref<1x128x128xf32, #tpu.memory_space<vmem>>
    %dma_wait3A_1384 = tpu.memref_squeeze %dma_wait3A_1383 : memref<1x128x128xf32, #tpu.memory_space<vmem>> -> memref<128x128xf32, #tpu.memory_space<vmem>>
    %dma_wait3A_1385 = arith.constant 0 : i32
    %dma_wait3A_1386 = tpu.memref_slice %arg5[%add3A_1298, %dma_wait3A_1385] : memref<204800x128xf32, #tpu.memory_space<hbm>> -> memref<128x128xf32, #tpu.memory_space<hbm>>
    %dma_wait3A_1387 = tpu.memref_slice %arg11[%dma_wait3A_1380] : memref<6x!tpu.dma_semaphore, #tpu.memory_space<semaphore_mem>> -> memref<1x!tpu.dma_semaphore, #tpu.memory_space<semaphore_mem>>
    %dma_wait3A_1388 = tpu.memref_squeeze %dma_wait3A_1387 : memref<1x!tpu.dma_semaphore, #tpu.memory_space<semaphore_mem>> -> memref<!tpu.dma_semaphore, #tpu.memory_space<semaphore_mem>>
    %dma_wait3A_1389 = arith.constant 0 : i32
    %dma_wait3A_1390 = tpu.memref_slice %arg5[%add3A_1298, %dma_wait3A_1389] : memref<204800x128xf32, #tpu.memory_space<hbm>> -> memref<128x128xf32, #tpu.memory_space<hbm>>
    %dma_wait3A_1391 = arith.constant 0 : i32
    %dma_wait3A_1392 = arith.constant 0 : i32
    %dma_wait3A_1393 = tpu.memref_slice %arg9[%dma_wait3A_1379, %dma_wait3A_1391, %dma_wait3A_1392] : memref<6x128x128xf32, #tpu.memory_space<vmem>> -> memref<1x128x128xf32, #tpu.memory_space<vmem>>
    %dma_wait3A_1394 = tpu.memref_squeeze %dma_wait3A_1393 : memref<1x128x128xf32, #tpu.memory_space<vmem>> -> memref<128x128xf32, #tpu.memory_space<vmem>>
    tpu.wait_dma2 semaphore(%dma_wait3A_1388 : memref<!tpu.dma_semaphore, #tpu.memory_space<semaphore_mem>>) src(%dma_wait3A_1394 : memref<128x128xf32, #tpu.memory_space<vmem>>) dst(%dma_wait3A_1390 : memref<128x128xf32, #tpu.memory_space<hbm>>)
    %dma_start3A_1395 = arith.constant 25 : i32
    %dma_start3A_1396 = arith.constant 1 : i32
    %dma_start3A_1397 = arith.constant 1 : i32
    %dma_start3A_1398 = arith.constant 0 : i32
    %dma_start3A_1399 = arith.constant 0 : i32
    %dma_start3A_1400 = tpu.memref_slice %arg9[%dma_start3A_1396, %dma_start3A_1398, %dma_start3A_1399] : memref<6x128x128xf32, #tpu.memory_space<vmem>> -> memref<1x128x128xf32, #tpu.memory_space<vmem>>
    %dma_start3A_1401 = tpu.memref_squeeze %dma_start3A_1400 : memref<1x128x128xf32, #tpu.memory_space<vmem>> -> memref<128x128xf32, #tpu.memory_space<vmem>>
    %dma_start3A_1402 = arith.constant 0 : i32
    %dma_start3A_1403 = tpu.memref_slice %arg8[%dma_start3A_1395, %dma_start3A_1402] : memref<50x128xi32, #tpu.memory_space<vmem>> -> memref<1x128xi32, #tpu.memory_space<vmem>>
    %dma_start3A_1404 = tpu.memref_squeeze %dma_start3A_1403 : memref<1x128xi32, #tpu.memory_space<vmem>> -> memref<128xi32, #tpu.memory_space<vmem>>
    %dma_start3A_1405 = arith.constant 0 : i32
    %dma_start3A_1406 = arith.constant 0 : i32
    %dma_start3A_1407 = tpu.memref_slice %arg2[%dma_start3A_1405, %dma_start3A_1406] : memref<14600x128xf32, #tpu.memory_space<hbm>> -> memref<14600x128xf32, #tpu.memory_space<hbm>>
    %dma_start3A_1408 = tpu.memref_slice %arg10[%dma_start3A_1397] : memref<6x!tpu.dma_semaphore, #tpu.memory_space<semaphore_mem>> -> memref<1x!tpu.dma_semaphore, #tpu.memory_space<semaphore_mem>>
    %dma_start3A_1409 = tpu.memref_squeeze %dma_start3A_1408 : memref<1x!tpu.dma_semaphore, #tpu.memory_space<semaphore_mem>> -> memref<!tpu.dma_semaphore, #tpu.memory_space<semaphore_mem>>
    tpu.enqueue_indirect_dma source(%dma_start3A_1407 : memref<14600x128xf32, #tpu.memory_space<hbm>>) target(%dma_start3A_1401 : memref<128x128xf32, #tpu.memory_space<vmem>>) offsets(%dma_start3A_1404 : memref<128xi32, #tpu.memory_space<vmem>>) semaphore(%dma_start3A_1409 : memref<!tpu.dma_semaphore, #tpu.memory_space<semaphore_mem>>)
    %dma_wait3A_1410 = arith.constant 21 : i32
    %dma_wait3A_1411 = arith.constant 3 : i32
    %dma_wait3A_1412 = arith.constant 3 : i32
    %dma_wait3A_1413 = arith.constant 0 : i32
    %dma_wait3A_1414 = arith.constant 0 : i32
    %dma_wait3A_1415 = tpu.memref_slice %arg9[%dma_wait3A_1411, %dma_wait3A_1413, %dma_wait3A_1414] : memref<6x128x128xf32, #tpu.memory_space<vmem>> -> memref<1x128x128xf32, #tpu.memory_space<vmem>>
    %dma_wait3A_1416 = tpu.memref_squeeze %dma_wait3A_1415 : memref<1x128x128xf32, #tpu.memory_space<vmem>> -> memref<128x128xf32, #tpu.memory_space<vmem>>
    %dma_wait3A_1417 = arith.constant 0 : i32
    %dma_wait3A_1418 = tpu.memref_slice %arg8[%dma_wait3A_1410, %dma_wait3A_1417] : memref<50x128xi32, #tpu.memory_space<vmem>> -> memref<1x128xi32, #tpu.memory_space<vmem>>
    %dma_wait3A_1419 = tpu.memref_squeeze %dma_wait3A_1418 : memref<1x128xi32, #tpu.memory_space<vmem>> -> memref<128xi32, #tpu.memory_space<vmem>>
    %dma_wait3A_1420 = arith.constant 0 : i32
    %dma_wait3A_1421 = arith.constant 0 : i32
    %dma_wait3A_1422 = tpu.memref_slice %arg2[%dma_wait3A_1420, %dma_wait3A_1421] : memref<14600x128xf32, #tpu.memory_space<hbm>> -> memref<14600x128xf32, #tpu.memory_space<hbm>>
    %dma_wait3A_1423 = tpu.memref_slice %arg10[%dma_wait3A_1412] : memref<6x!tpu.dma_semaphore, #tpu.memory_space<semaphore_mem>> -> memref<1x!tpu.dma_semaphore, #tpu.memory_space<semaphore_mem>>
    %dma_wait3A_1424 = tpu.memref_squeeze %dma_wait3A_1423 : memref<1x!tpu.dma_semaphore, #tpu.memory_space<semaphore_mem>> -> memref<!tpu.dma_semaphore, #tpu.memory_space<semaphore_mem>>
    tpu.wait_indirect_dma semaphore(%dma_wait3A_1424 : memref<!tpu.dma_semaphore, #tpu.memory_space<semaphore_mem>>) src(%dma_wait3A_1422 : memref<14600x128xf32, #tpu.memory_space<hbm>>) dst(%dma_wait3A_1416 : memref<128x128xf32, #tpu.memory_space<vmem>>)
    %add3A_1425 = arith.constant 2688 : i32
    %add3A_1426 = arith.addi %mul3A_2, %add3A_1425 : i32
    %dma_start3A_1427 = arith.constant 3 : i32
    %dma_start3A_1428 = arith.constant 3 : i32
    %dma_start3A_1429 = arith.constant 0 : i32
    %dma_start3A_1430 = arith.constant 0 : i32
    %dma_start3A_1431 = tpu.memref_slice %arg9[%dma_start3A_1427, %dma_start3A_1429, %dma_start3A_1430] : memref<6x128x128xf32, #tpu.memory_space<vmem>> -> memref<1x128x128xf32, #tpu.memory_space<vmem>>
    %dma_start3A_1432 = tpu.memref_squeeze %dma_start3A_1431 : memref<1x128x128xf32, #tpu.memory_space<vmem>> -> memref<128x128xf32, #tpu.memory_space<vmem>>
    %dma_start3A_1433 = arith.constant 0 : i32
    %dma_start3A_1434 = tpu.memref_slice %arg5[%add3A_1426, %dma_start3A_1433] : memref<204800x128xf32, #tpu.memory_space<hbm>> -> memref<128x128xf32, #tpu.memory_space<hbm>>
    %dma_start3A_1435 = tpu.memref_slice %arg11[%dma_start3A_1428] : memref<6x!tpu.dma_semaphore, #tpu.memory_space<semaphore_mem>> -> memref<1x!tpu.dma_semaphore, #tpu.memory_space<semaphore_mem>>
    %dma_start3A_1436 = tpu.memref_squeeze %dma_start3A_1435 : memref<1x!tpu.dma_semaphore, #tpu.memory_space<semaphore_mem>> -> memref<!tpu.dma_semaphore, #tpu.memory_space<semaphore_mem>>
    %dma_start3A_1437 = arith.constant 0 : i32
    %dma_start3A_1438 = tpu.memref_slice %arg5[%add3A_1426, %dma_start3A_1437] : memref<204800x128xf32, #tpu.memory_space<hbm>> -> memref<128x128xf32, #tpu.memory_space<hbm>>
    %dma_start3A_1439 = arith.constant 0 : i32
    %dma_start3A_1440 = arith.constant 0 : i32
    %dma_start3A_1441 = tpu.memref_slice %arg9[%dma_start3A_1427, %dma_start3A_1439, %dma_start3A_1440] : memref<6x128x128xf32, #tpu.memory_space<vmem>> -> memref<1x128x128xf32, #tpu.memory_space<vmem>>
    %dma_start3A_1442 = tpu.memref_squeeze %dma_start3A_1441 : memref<1x128x128xf32, #tpu.memory_space<vmem>> -> memref<128x128xf32, #tpu.memory_space<vmem>>
    tpu.enqueue_dma source(%dma_start3A_1442 : memref<128x128xf32, #tpu.memory_space<vmem>>) target(%dma_start3A_1438 : memref<128x128xf32, #tpu.memory_space<hbm>>) target_semaphore(%dma_start3A_1436 : memref<!tpu.dma_semaphore, #tpu.memory_space<semaphore_mem>>)
    %dma_wait3A_1443 = arith.constant 2 : i32
    %dma_wait3A_1444 = arith.constant 2 : i32
    %dma_wait3A_1445 = arith.constant 0 : i32
    %dma_wait3A_1446 = arith.constant 0 : i32
    %dma_wait3A_1447 = tpu.memref_slice %arg9[%dma_wait3A_1443, %dma_wait3A_1445, %dma_wait3A_1446] : memref<6x128x128xf32, #tpu.memory_space<vmem>> -> memref<1x128x128xf32, #tpu.memory_space<vmem>>
    %dma_wait3A_1448 = tpu.memref_squeeze %dma_wait3A_1447 : memref<1x128x128xf32, #tpu.memory_space<vmem>> -> memref<128x128xf32, #tpu.memory_space<vmem>>
    %dma_wait3A_1449 = arith.constant 0 : i32
    %dma_wait3A_1450 = tpu.memref_slice %arg5[%add3A_1362, %dma_wait3A_1449] : memref<204800x128xf32, #tpu.memory_space<hbm>> -> memref<128x128xf32, #tpu.memory_space<hbm>>
    %dma_wait3A_1451 = tpu.memref_slice %arg11[%dma_wait3A_1444] : memref<6x!tpu.dma_semaphore, #tpu.memory_space<semaphore_mem>> -> memref<1x!tpu.dma_semaphore, #tpu.memory_space<semaphore_mem>>
    %dma_wait3A_1452 = tpu.memref_squeeze %dma_wait3A_1451 : memref<1x!tpu.dma_semaphore, #tpu.memory_space<semaphore_mem>> -> memref<!tpu.dma_semaphore, #tpu.memory_space<semaphore_mem>>
    %dma_wait3A_1453 = arith.constant 0 : i32
    %dma_wait3A_1454 = tpu.memref_slice %arg5[%add3A_1362, %dma_wait3A_1453] : memref<204800x128xf32, #tpu.memory_space<hbm>> -> memref<128x128xf32, #tpu.memory_space<hbm>>
    %dma_wait3A_1455 = arith.constant 0 : i32
    %dma_wait3A_1456 = arith.constant 0 : i32
    %dma_wait3A_1457 = tpu.memref_slice %arg9[%dma_wait3A_1443, %dma_wait3A_1455, %dma_wait3A_1456] : memref<6x128x128xf32, #tpu.memory_space<vmem>> -> memref<1x128x128xf32, #tpu.memory_space<vmem>>
    %dma_wait3A_1458 = tpu.memref_squeeze %dma_wait3A_1457 : memref<1x128x128xf32, #tpu.memory_space<vmem>> -> memref<128x128xf32, #tpu.memory_space<vmem>>
    tpu.wait_dma2 semaphore(%dma_wait3A_1452 : memref<!tpu.dma_semaphore, #tpu.memory_space<semaphore_mem>>) src(%dma_wait3A_1458 : memref<128x128xf32, #tpu.memory_space<vmem>>) dst(%dma_wait3A_1454 : memref<128x128xf32, #tpu.memory_space<hbm>>)
    %dma_start3A_1459 = arith.constant 26 : i32
    %dma_start3A_1460 = arith.constant 2 : i32
    %dma_start3A_1461 = arith.constant 2 : i32
    %dma_start3A_1462 = arith.constant 0 : i32
    %dma_start3A_1463 = arith.constant 0 : i32
    %dma_start3A_1464 = tpu.memref_slice %arg9[%dma_start3A_1460, %dma_start3A_1462, %dma_start3A_1463] : memref<6x128x128xf32, #tpu.memory_space<vmem>> -> memref<1x128x128xf32, #tpu.memory_space<vmem>>
    %dma_start3A_1465 = tpu.memref_squeeze %dma_start3A_1464 : memref<1x128x128xf32, #tpu.memory_space<vmem>> -> memref<128x128xf32, #tpu.memory_space<vmem>>
    %dma_start3A_1466 = arith.constant 0 : i32
    %dma_start3A_1467 = tpu.memref_slice %arg8[%dma_start3A_1459, %dma_start3A_1466] : memref<50x128xi32, #tpu.memory_space<vmem>> -> memref<1x128xi32, #tpu.memory_space<vmem>>
    %dma_start3A_1468 = tpu.memref_squeeze %dma_start3A_1467 : memref<1x128xi32, #tpu.memory_space<vmem>> -> memref<128xi32, #tpu.memory_space<vmem>>
    %dma_start3A_1469 = arith.constant 0 : i32
    %dma_start3A_1470 = arith.constant 0 : i32
    %dma_start3A_1471 = tpu.memref_slice %arg2[%dma_start3A_1469, %dma_start3A_1470] : memref<14600x128xf32, #tpu.memory_space<hbm>> -> memref<14600x128xf32, #tpu.memory_space<hbm>>
    %dma_start3A_1472 = tpu.memref_slice %arg10[%dma_start3A_1461] : memref<6x!tpu.dma_semaphore, #tpu.memory_space<semaphore_mem>> -> memref<1x!tpu.dma_semaphore, #tpu.memory_space<semaphore_mem>>
    %dma_start3A_1473 = tpu.memref_squeeze %dma_start3A_1472 : memref<1x!tpu.dma_semaphore, #tpu.memory_space<semaphore_mem>> -> memref<!tpu.dma_semaphore, #tpu.memory_space<semaphore_mem>>
    tpu.enqueue_indirect_dma source(%dma_start3A_1471 : memref<14600x128xf32, #tpu.memory_space<hbm>>) target(%dma_start3A_1465 : memref<128x128xf32, #tpu.memory_space<vmem>>) offsets(%dma_start3A_1468 : memref<128xi32, #tpu.memory_space<vmem>>) semaphore(%dma_start3A_1473 : memref<!tpu.dma_semaphore, #tpu.memory_space<semaphore_mem>>)
    %dma_wait3A_1474 = arith.constant 22 : i32
    %dma_wait3A_1475 = arith.constant 4 : i32
    %dma_wait3A_1476 = arith.constant 4 : i32
    %dma_wait3A_1477 = arith.constant 0 : i32
    %dma_wait3A_1478 = arith.constant 0 : i32
    %dma_wait3A_1479 = tpu.memref_slice %arg9[%dma_wait3A_1475, %dma_wait3A_1477, %dma_wait3A_1478] : memref<6x128x128xf32, #tpu.memory_space<vmem>> -> memref<1x128x128xf32, #tpu.memory_space<vmem>>
    %dma_wait3A_1480 = tpu.memref_squeeze %dma_wait3A_1479 : memref<1x128x128xf32, #tpu.memory_space<vmem>> -> memref<128x128xf32, #tpu.memory_space<vmem>>
    %dma_wait3A_1481 = arith.constant 0 : i32
    %dma_wait3A_1482 = tpu.memref_slice %arg8[%dma_wait3A_1474, %dma_wait3A_1481] : memref<50x128xi32, #tpu.memory_space<vmem>> -> memref<1x128xi32, #tpu.memory_space<vmem>>
    %dma_wait3A_1483 = tpu.memref_squeeze %dma_wait3A_1482 : memref<1x128xi32, #tpu.memory_space<vmem>> -> memref<128xi32, #tpu.memory_space<vmem>>
    %dma_wait3A_1484 = arith.constant 0 : i32
    %dma_wait3A_1485 = arith.constant 0 : i32
    %dma_wait3A_1486 = tpu.memref_slice %arg2[%dma_wait3A_1484, %dma_wait3A_1485] : memref<14600x128xf32, #tpu.memory_space<hbm>> -> memref<14600x128xf32, #tpu.memory_space<hbm>>
    %dma_wait3A_1487 = tpu.memref_slice %arg10[%dma_wait3A_1476] : memref<6x!tpu.dma_semaphore, #tpu.memory_space<semaphore_mem>> -> memref<1x!tpu.dma_semaphore, #tpu.memory_space<semaphore_mem>>
    %dma_wait3A_1488 = tpu.memref_squeeze %dma_wait3A_1487 : memref<1x!tpu.dma_semaphore, #tpu.memory_space<semaphore_mem>> -> memref<!tpu.dma_semaphore, #tpu.memory_space<semaphore_mem>>
    tpu.wait_indirect_dma semaphore(%dma_wait3A_1488 : memref<!tpu.dma_semaphore, #tpu.memory_space<semaphore_mem>>) src(%dma_wait3A_1486 : memref<14600x128xf32, #tpu.memory_space<hbm>>) dst(%dma_wait3A_1480 : memref<128x128xf32, #tpu.memory_space<vmem>>)
    %add3A_1489 = arith.constant 2816 : i32
    %add3A_1490 = arith.addi %mul3A_2, %add3A_1489 : i32
    %dma_start3A_1491 = arith.constant 4 : i32
    %dma_start3A_1492 = arith.constant 4 : i32
    %dma_start3A_1493 = arith.constant 0 : i32
    %dma_start3A_1494 = arith.constant 0 : i32
    %dma_start3A_1495 = tpu.memref_slice %arg9[%dma_start3A_1491, %dma_start3A_1493, %dma_start3A_1494] : memref<6x128x128xf32, #tpu.memory_space<vmem>> -> memref<1x128x128xf32, #tpu.memory_space<vmem>>
    %dma_start3A_1496 = tpu.memref_squeeze %dma_start3A_1495 : memref<1x128x128xf32, #tpu.memory_space<vmem>> -> memref<128x128xf32, #tpu.memory_space<vmem>>
    %dma_start3A_1497 = arith.constant 0 : i32
    %dma_start3A_1498 = tpu.memref_slice %arg5[%add3A_1490, %dma_start3A_1497] : memref<204800x128xf32, #tpu.memory_space<hbm>> -> memref<128x128xf32, #tpu.memory_space<hbm>>
    %dma_start3A_1499 = tpu.memref_slice %arg11[%dma_start3A_1492] : memref<6x!tpu.dma_semaphore, #tpu.memory_space<semaphore_mem>> -> memref<1x!tpu.dma_semaphore, #tpu.memory_space<semaphore_mem>>
    %dma_start3A_1500 = tpu.memref_squeeze %dma_start3A_1499 : memref<1x!tpu.dma_semaphore, #tpu.memory_space<semaphore_mem>> -> memref<!tpu.dma_semaphore, #tpu.memory_space<semaphore_mem>>
    %dma_start3A_1501 = arith.constant 0 : i32
    %dma_start3A_1502 = tpu.memref_slice %arg5[%add3A_1490, %dma_start3A_1501] : memref<204800x128xf32, #tpu.memory_space<hbm>> -> memref<128x128xf32, #tpu.memory_space<hbm>>
    %dma_start3A_1503 = arith.constant 0 : i32
    %dma_start3A_1504 = arith.constant 0 : i32
    %dma_start3A_1505 = tpu.memref_slice %arg9[%dma_start3A_1491, %dma_start3A_1503, %dma_start3A_1504] : memref<6x128x128xf32, #tpu.memory_space<vmem>> -> memref<1x128x128xf32, #tpu.memory_space<vmem>>
    %dma_start3A_1506 = tpu.memref_squeeze %dma_start3A_1505 : memref<1x128x128xf32, #tpu.memory_space<vmem>> -> memref<128x128xf32, #tpu.memory_space<vmem>>
    tpu.enqueue_dma source(%dma_start3A_1506 : memref<128x128xf32, #tpu.memory_space<vmem>>) target(%dma_start3A_1502 : memref<128x128xf32, #tpu.memory_space<hbm>>) target_semaphore(%dma_start3A_1500 : memref<!tpu.dma_semaphore, #tpu.memory_space<semaphore_mem>>)
    %dma_wait3A_1507 = arith.constant 3 : i32
    %dma_wait3A_1508 = arith.constant 3 : i32
    %dma_wait3A_1509 = arith.constant 0 : i32
    %dma_wait3A_1510 = arith.constant 0 : i32
    %dma_wait3A_1511 = tpu.memref_slice %arg9[%dma_wait3A_1507, %dma_wait3A_1509, %dma_wait3A_1510] : memref<6x128x128xf32, #tpu.memory_space<vmem>> -> memref<1x128x128xf32, #tpu.memory_space<vmem>>
    %dma_wait3A_1512 = tpu.memref_squeeze %dma_wait3A_1511 : memref<1x128x128xf32, #tpu.memory_space<vmem>> -> memref<128x128xf32, #tpu.memory_space<vmem>>
    %dma_wait3A_1513 = arith.constant 0 : i32
    %dma_wait3A_1514 = tpu.memref_slice %arg5[%add3A_1426, %dma_wait3A_1513] : memref<204800x128xf32, #tpu.memory_space<hbm>> -> memref<128x128xf32, #tpu.memory_space<hbm>>
    %dma_wait3A_1515 = tpu.memref_slice %arg11[%dma_wait3A_1508] : memref<6x!tpu.dma_semaphore, #tpu.memory_space<semaphore_mem>> -> memref<1x!tpu.dma_semaphore, #tpu.memory_space<semaphore_mem>>
    %dma_wait3A_1516 = tpu.memref_squeeze %dma_wait3A_1515 : memref<1x!tpu.dma_semaphore, #tpu.memory_space<semaphore_mem>> -> memref<!tpu.dma_semaphore, #tpu.memory_space<semaphore_mem>>
    %dma_wait3A_1517 = arith.constant 0 : i32
    %dma_wait3A_1518 = tpu.memref_slice %arg5[%add3A_1426, %dma_wait3A_1517] : memref<204800x128xf32, #tpu.memory_space<hbm>> -> memref<128x128xf32, #tpu.memory_space<hbm>>
    %dma_wait3A_1519 = arith.constant 0 : i32
    %dma_wait3A_1520 = arith.constant 0 : i32
    %dma_wait3A_1521 = tpu.memref_slice %arg9[%dma_wait3A_1507, %dma_wait3A_1519, %dma_wait3A_1520] : memref<6x128x128xf32, #tpu.memory_space<vmem>> -> memref<1x128x128xf32, #tpu.memory_space<vmem>>
    %dma_wait3A_1522 = tpu.memref_squeeze %dma_wait3A_1521 : memref<1x128x128xf32, #tpu.memory_space<vmem>> -> memref<128x128xf32, #tpu.memory_space<vmem>>
    tpu.wait_dma2 semaphore(%dma_wait3A_1516 : memref<!tpu.dma_semaphore, #tpu.memory_space<semaphore_mem>>) src(%dma_wait3A_1522 : memref<128x128xf32, #tpu.memory_space<vmem>>) dst(%dma_wait3A_1518 : memref<128x128xf32, #tpu.memory_space<hbm>>)
    %dma_start3A_1523 = arith.constant 27 : i32
    %dma_start3A_1524 = arith.constant 3 : i32
    %dma_start3A_1525 = arith.constant 3 : i32
    %dma_start3A_1526 = arith.constant 0 : i32
    %dma_start3A_1527 = arith.constant 0 : i32
    %dma_start3A_1528 = tpu.memref_slice %arg9[%dma_start3A_1524, %dma_start3A_1526, %dma_start3A_1527] : memref<6x128x128xf32, #tpu.memory_space<vmem>> -> memref<1x128x128xf32, #tpu.memory_space<vmem>>
    %dma_start3A_1529 = tpu.memref_squeeze %dma_start3A_1528 : memref<1x128x128xf32, #tpu.memory_space<vmem>> -> memref<128x128xf32, #tpu.memory_space<vmem>>
    %dma_start3A_1530 = arith.constant 0 : i32
    %dma_start3A_1531 = tpu.memref_slice %arg8[%dma_start3A_1523, %dma_start3A_1530] : memref<50x128xi32, #tpu.memory_space<vmem>> -> memref<1x128xi32, #tpu.memory_space<vmem>>
    %dma_start3A_1532 = tpu.memref_squeeze %dma_start3A_1531 : memref<1x128xi32, #tpu.memory_space<vmem>> -> memref<128xi32, #tpu.memory_space<vmem>>
    %dma_start3A_1533 = arith.constant 0 : i32
    %dma_start3A_1534 = arith.constant 0 : i32
    %dma_start3A_1535 = tpu.memref_slice %arg2[%dma_start3A_1533, %dma_start3A_1534] : memref<14600x128xf32, #tpu.memory_space<hbm>> -> memref<14600x128xf32, #tpu.memory_space<hbm>>
    %dma_start3A_1536 = tpu.memref_slice %arg10[%dma_start3A_1525] : memref<6x!tpu.dma_semaphore, #tpu.memory_space<semaphore_mem>> -> memref<1x!tpu.dma_semaphore, #tpu.memory_space<semaphore_mem>>
    %dma_start3A_1537 = tpu.memref_squeeze %dma_start3A_1536 : memref<1x!tpu.dma_semaphore, #tpu.memory_space<semaphore_mem>> -> memref<!tpu.dma_semaphore, #tpu.memory_space<semaphore_mem>>
    tpu.enqueue_indirect_dma source(%dma_start3A_1535 : memref<14600x128xf32, #tpu.memory_space<hbm>>) target(%dma_start3A_1529 : memref<128x128xf32, #tpu.memory_space<vmem>>) offsets(%dma_start3A_1532 : memref<128xi32, #tpu.memory_space<vmem>>) semaphore(%dma_start3A_1537 : memref<!tpu.dma_semaphore, #tpu.memory_space<semaphore_mem>>)
    %dma_wait3A_1538 = arith.constant 23 : i32
    %dma_wait3A_1539 = arith.constant 5 : i32
    %dma_wait3A_1540 = arith.constant 5 : i32
    %dma_wait3A_1541 = arith.constant 0 : i32
    %dma_wait3A_1542 = arith.constant 0 : i32
    %dma_wait3A_1543 = tpu.memref_slice %arg9[%dma_wait3A_1539, %dma_wait3A_1541, %dma_wait3A_1542] : memref<6x128x128xf32, #tpu.memory_space<vmem>> -> memref<1x128x128xf32, #tpu.memory_space<vmem>>
    %dma_wait3A_1544 = tpu.memref_squeeze %dma_wait3A_1543 : memref<1x128x128xf32, #tpu.memory_space<vmem>> -> memref<128x128xf32, #tpu.memory_space<vmem>>
    %dma_wait3A_1545 = arith.constant 0 : i32
    %dma_wait3A_1546 = tpu.memref_slice %arg8[%dma_wait3A_1538, %dma_wait3A_1545] : memref<50x128xi32, #tpu.memory_space<vmem>> -> memref<1x128xi32, #tpu.memory_space<vmem>>
    %dma_wait3A_1547 = tpu.memref_squeeze %dma_wait3A_1546 : memref<1x128xi32, #tpu.memory_space<vmem>> -> memref<128xi32, #tpu.memory_space<vmem>>
    %dma_wait3A_1548 = arith.constant 0 : i32
    %dma_wait3A_1549 = arith.constant 0 : i32
    %dma_wait3A_1550 = tpu.memref_slice %arg2[%dma_wait3A_1548, %dma_wait3A_1549] : memref<14600x128xf32, #tpu.memory_space<hbm>> -> memref<14600x128xf32, #tpu.memory_space<hbm>>
    %dma_wait3A_1551 = tpu.memref_slice %arg10[%dma_wait3A_1540] : memref<6x!tpu.dma_semaphore, #tpu.memory_space<semaphore_mem>> -> memref<1x!tpu.dma_semaphore, #tpu.memory_space<semaphore_mem>>
    %dma_wait3A_1552 = tpu.memref_squeeze %dma_wait3A_1551 : memref<1x!tpu.dma_semaphore, #tpu.memory_space<semaphore_mem>> -> memref<!tpu.dma_semaphore, #tpu.memory_space<semaphore_mem>>
    tpu.wait_indirect_dma semaphore(%dma_wait3A_1552 : memref<!tpu.dma_semaphore, #tpu.memory_space<semaphore_mem>>) src(%dma_wait3A_1550 : memref<14600x128xf32, #tpu.memory_space<hbm>>) dst(%dma_wait3A_1544 : memref<128x128xf32, #tpu.memory_space<vmem>>)
    %add3A_1553 = arith.constant 2944 : i32
    %add3A_1554 = arith.addi %mul3A_2, %add3A_1553 : i32
    %dma_start3A_1555 = arith.constant 5 : i32
    %dma_start3A_1556 = arith.constant 5 : i32
    %dma_start3A_1557 = arith.constant 0 : i32
    %dma_start3A_1558 = arith.constant 0 : i32
    %dma_start3A_1559 = tpu.memref_slice %arg9[%dma_start3A_1555, %dma_start3A_1557, %dma_start3A_1558] : memref<6x128x128xf32, #tpu.memory_space<vmem>> -> memref<1x128x128xf32, #tpu.memory_space<vmem>>
    %dma_start3A_1560 = tpu.memref_squeeze %dma_start3A_1559 : memref<1x128x128xf32, #tpu.memory_space<vmem>> -> memref<128x128xf32, #tpu.memory_space<vmem>>
    %dma_start3A_1561 = arith.constant 0 : i32
    %dma_start3A_1562 = tpu.memref_slice %arg5[%add3A_1554, %dma_start3A_1561] : memref<204800x128xf32, #tpu.memory_space<hbm>> -> memref<128x128xf32, #tpu.memory_space<hbm>>
    %dma_start3A_1563 = tpu.memref_slice %arg11[%dma_start3A_1556] : memref<6x!tpu.dma_semaphore, #tpu.memory_space<semaphore_mem>> -> memref<1x!tpu.dma_semaphore, #tpu.memory_space<semaphore_mem>>
    %dma_start3A_1564 = tpu.memref_squeeze %dma_start3A_1563 : memref<1x!tpu.dma_semaphore, #tpu.memory_space<semaphore_mem>> -> memref<!tpu.dma_semaphore, #tpu.memory_space<semaphore_mem>>
    %dma_start3A_1565 = arith.constant 0 : i32
    %dma_start3A_1566 = tpu.memref_slice %arg5[%add3A_1554, %dma_start3A_1565] : memref<204800x128xf32, #tpu.memory_space<hbm>> -> memref<128x128xf32, #tpu.memory_space<hbm>>
    %dma_start3A_1567 = arith.constant 0 : i32
    %dma_start3A_1568 = arith.constant 0 : i32
    %dma_start3A_1569 = tpu.memref_slice %arg9[%dma_start3A_1555, %dma_start3A_1567, %dma_start3A_1568] : memref<6x128x128xf32, #tpu.memory_space<vmem>> -> memref<1x128x128xf32, #tpu.memory_space<vmem>>
    %dma_start3A_1570 = tpu.memref_squeeze %dma_start3A_1569 : memref<1x128x128xf32, #tpu.memory_space<vmem>> -> memref<128x128xf32, #tpu.memory_space<vmem>>
    tpu.enqueue_dma source(%dma_start3A_1570 : memref<128x128xf32, #tpu.memory_space<vmem>>) target(%dma_start3A_1566 : memref<128x128xf32, #tpu.memory_space<hbm>>) target_semaphore(%dma_start3A_1564 : memref<!tpu.dma_semaphore, #tpu.memory_space<semaphore_mem>>)
    %dma_wait3A_1571 = arith.constant 4 : i32
    %dma_wait3A_1572 = arith.constant 4 : i32
    %dma_wait3A_1573 = arith.constant 0 : i32
    %dma_wait3A_1574 = arith.constant 0 : i32
    %dma_wait3A_1575 = tpu.memref_slice %arg9[%dma_wait3A_1571, %dma_wait3A_1573, %dma_wait3A_1574] : memref<6x128x128xf32, #tpu.memory_space<vmem>> -> memref<1x128x128xf32, #tpu.memory_space<vmem>>
    %dma_wait3A_1576 = tpu.memref_squeeze %dma_wait3A_1575 : memref<1x128x128xf32, #tpu.memory_space<vmem>> -> memref<128x128xf32, #tpu.memory_space<vmem>>
    %dma_wait3A_1577 = arith.constant 0 : i32
    %dma_wait3A_1578 = tpu.memref_slice %arg5[%add3A_1490, %dma_wait3A_1577] : memref<204800x128xf32, #tpu.memory_space<hbm>> -> memref<128x128xf32, #tpu.memory_space<hbm>>
    %dma_wait3A_1579 = tpu.memref_slice %arg11[%dma_wait3A_1572] : memref<6x!tpu.dma_semaphore, #tpu.memory_space<semaphore_mem>> -> memref<1x!tpu.dma_semaphore, #tpu.memory_space<semaphore_mem>>
    %dma_wait3A_1580 = tpu.memref_squeeze %dma_wait3A_1579 : memref<1x!tpu.dma_semaphore, #tpu.memory_space<semaphore_mem>> -> memref<!tpu.dma_semaphore, #tpu.memory_space<semaphore_mem>>
    %dma_wait3A_1581 = arith.constant 0 : i32
    %dma_wait3A_1582 = tpu.memref_slice %arg5[%add3A_1490, %dma_wait3A_1581] : memref<204800x128xf32, #tpu.memory_space<hbm>> -> memref<128x128xf32, #tpu.memory_space<hbm>>
    %dma_wait3A_1583 = arith.constant 0 : i32
    %dma_wait3A_1584 = arith.constant 0 : i32
    %dma_wait3A_1585 = tpu.memref_slice %arg9[%dma_wait3A_1571, %dma_wait3A_1583, %dma_wait3A_1584] : memref<6x128x128xf32, #tpu.memory_space<vmem>> -> memref<1x128x128xf32, #tpu.memory_space<vmem>>
    %dma_wait3A_1586 = tpu.memref_squeeze %dma_wait3A_1585 : memref<1x128x128xf32, #tpu.memory_space<vmem>> -> memref<128x128xf32, #tpu.memory_space<vmem>>
    tpu.wait_dma2 semaphore(%dma_wait3A_1580 : memref<!tpu.dma_semaphore, #tpu.memory_space<semaphore_mem>>) src(%dma_wait3A_1586 : memref<128x128xf32, #tpu.memory_space<vmem>>) dst(%dma_wait3A_1582 : memref<128x128xf32, #tpu.memory_space<hbm>>)
    %dma_start3A_1587 = arith.constant 28 : i32
    %dma_start3A_1588 = arith.constant 4 : i32
    %dma_start3A_1589 = arith.constant 4 : i32
    %dma_start3A_1590 = arith.constant 0 : i32
    %dma_start3A_1591 = arith.constant 0 : i32
    %dma_start3A_1592 = tpu.memref_slice %arg9[%dma_start3A_1588, %dma_start3A_1590, %dma_start3A_1591] : memref<6x128x128xf32, #tpu.memory_space<vmem>> -> memref<1x128x128xf32, #tpu.memory_space<vmem>>
    %dma_start3A_1593 = tpu.memref_squeeze %dma_start3A_1592 : memref<1x128x128xf32, #tpu.memory_space<vmem>> -> memref<128x128xf32, #tpu.memory_space<vmem>>
    %dma_start3A_1594 = arith.constant 0 : i32
    %dma_start3A_1595 = tpu.memref_slice %arg8[%dma_start3A_1587, %dma_start3A_1594] : memref<50x128xi32, #tpu.memory_space<vmem>> -> memref<1x128xi32, #tpu.memory_space<vmem>>
    %dma_start3A_1596 = tpu.memref_squeeze %dma_start3A_1595 : memref<1x128xi32, #tpu.memory_space<vmem>> -> memref<128xi32, #tpu.memory_space<vmem>>
    %dma_start3A_1597 = arith.constant 0 : i32
    %dma_start3A_1598 = arith.constant 0 : i32
    %dma_start3A_1599 = tpu.memref_slice %arg2[%dma_start3A_1597, %dma_start3A_1598] : memref<14600x128xf32, #tpu.memory_space<hbm>> -> memref<14600x128xf32, #tpu.memory_space<hbm>>
    %dma_start3A_1600 = tpu.memref_slice %arg10[%dma_start3A_1589] : memref<6x!tpu.dma_semaphore, #tpu.memory_space<semaphore_mem>> -> memref<1x!tpu.dma_semaphore, #tpu.memory_space<semaphore_mem>>
    %dma_start3A_1601 = tpu.memref_squeeze %dma_start3A_1600 : memref<1x!tpu.dma_semaphore, #tpu.memory_space<semaphore_mem>> -> memref<!tpu.dma_semaphore, #tpu.memory_space<semaphore_mem>>
    tpu.enqueue_indirect_dma source(%dma_start3A_1599 : memref<14600x128xf32, #tpu.memory_space<hbm>>) target(%dma_start3A_1593 : memref<128x128xf32, #tpu.memory_space<vmem>>) offsets(%dma_start3A_1596 : memref<128xi32, #tpu.memory_space<vmem>>) semaphore(%dma_start3A_1601 : memref<!tpu.dma_semaphore, #tpu.memory_space<semaphore_mem>>)
    %dma_wait3A_1602 = arith.constant 24 : i32
    %dma_wait3A_1603 = arith.constant 0 : i32
    %dma_wait3A_1604 = arith.constant 0 : i32
    %dma_wait3A_1605 = arith.constant 0 : i32
    %dma_wait3A_1606 = arith.constant 0 : i32
    %dma_wait3A_1607 = tpu.memref_slice %arg9[%dma_wait3A_1603, %dma_wait3A_1605, %dma_wait3A_1606] : memref<6x128x128xf32, #tpu.memory_space<vmem>> -> memref<1x128x128xf32, #tpu.memory_space<vmem>>
    %dma_wait3A_1608 = tpu.memref_squeeze %dma_wait3A_1607 : memref<1x128x128xf32, #tpu.memory_space<vmem>> -> memref<128x128xf32, #tpu.memory_space<vmem>>
    %dma_wait3A_1609 = arith.constant 0 : i32
    %dma_wait3A_1610 = tpu.memref_slice %arg8[%dma_wait3A_1602, %dma_wait3A_1609] : memref<50x128xi32, #tpu.memory_space<vmem>> -> memref<1x128xi32, #tpu.memory_space<vmem>>
    %dma_wait3A_1611 = tpu.memref_squeeze %dma_wait3A_1610 : memref<1x128xi32, #tpu.memory_space<vmem>> -> memref<128xi32, #tpu.memory_space<vmem>>
    %dma_wait3A_1612 = arith.constant 0 : i32
    %dma_wait3A_1613 = arith.constant 0 : i32
    %dma_wait3A_1614 = tpu.memref_slice %arg2[%dma_wait3A_1612, %dma_wait3A_1613] : memref<14600x128xf32, #tpu.memory_space<hbm>> -> memref<14600x128xf32, #tpu.memory_space<hbm>>
    %dma_wait3A_1615 = tpu.memref_slice %arg10[%dma_wait3A_1604] : memref<6x!tpu.dma_semaphore, #tpu.memory_space<semaphore_mem>> -> memref<1x!tpu.dma_semaphore, #tpu.memory_space<semaphore_mem>>
    %dma_wait3A_1616 = tpu.memref_squeeze %dma_wait3A_1615 : memref<1x!tpu.dma_semaphore, #tpu.memory_space<semaphore_mem>> -> memref<!tpu.dma_semaphore, #tpu.memory_space<semaphore_mem>>
    tpu.wait_indirect_dma semaphore(%dma_wait3A_1616 : memref<!tpu.dma_semaphore, #tpu.memory_space<semaphore_mem>>) src(%dma_wait3A_1614 : memref<14600x128xf32, #tpu.memory_space<hbm>>) dst(%dma_wait3A_1608 : memref<128x128xf32, #tpu.memory_space<vmem>>)
    %add3A_1617 = arith.constant 3072 : i32
    %add3A_1618 = arith.addi %mul3A_2, %add3A_1617 : i32
    %dma_start3A_1619 = arith.constant 0 : i32
    %dma_start3A_1620 = arith.constant 0 : i32
    %dma_start3A_1621 = arith.constant 0 : i32
    %dma_start3A_1622 = arith.constant 0 : i32
    %dma_start3A_1623 = tpu.memref_slice %arg9[%dma_start3A_1619, %dma_start3A_1621, %dma_start3A_1622] : memref<6x128x128xf32, #tpu.memory_space<vmem>> -> memref<1x128x128xf32, #tpu.memory_space<vmem>>
    %dma_start3A_1624 = tpu.memref_squeeze %dma_start3A_1623 : memref<1x128x128xf32, #tpu.memory_space<vmem>> -> memref<128x128xf32, #tpu.memory_space<vmem>>
    %dma_start3A_1625 = arith.constant 0 : i32
    %dma_start3A_1626 = tpu.memref_slice %arg5[%add3A_1618, %dma_start3A_1625] : memref<204800x128xf32, #tpu.memory_space<hbm>> -> memref<128x128xf32, #tpu.memory_space<hbm>>
    %dma_start3A_1627 = tpu.memref_slice %arg11[%dma_start3A_1620] : memref<6x!tpu.dma_semaphore, #tpu.memory_space<semaphore_mem>> -> memref<1x!tpu.dma_semaphore, #tpu.memory_space<semaphore_mem>>
    %dma_start3A_1628 = tpu.memref_squeeze %dma_start3A_1627 : memref<1x!tpu.dma_semaphore, #tpu.memory_space<semaphore_mem>> -> memref<!tpu.dma_semaphore, #tpu.memory_space<semaphore_mem>>
    %dma_start3A_1629 = arith.constant 0 : i32
    %dma_start3A_1630 = tpu.memref_slice %arg5[%add3A_1618, %dma_start3A_1629] : memref<204800x128xf32, #tpu.memory_space<hbm>> -> memref<128x128xf32, #tpu.memory_space<hbm>>
    %dma_start3A_1631 = arith.constant 0 : i32
    %dma_start3A_1632 = arith.constant 0 : i32
    %dma_start3A_1633 = tpu.memref_slice %arg9[%dma_start3A_1619, %dma_start3A_1631, %dma_start3A_1632] : memref<6x128x128xf32, #tpu.memory_space<vmem>> -> memref<1x128x128xf32, #tpu.memory_space<vmem>>
    %dma_start3A_1634 = tpu.memref_squeeze %dma_start3A_1633 : memref<1x128x128xf32, #tpu.memory_space<vmem>> -> memref<128x128xf32, #tpu.memory_space<vmem>>
    tpu.enqueue_dma source(%dma_start3A_1634 : memref<128x128xf32, #tpu.memory_space<vmem>>) target(%dma_start3A_1630 : memref<128x128xf32, #tpu.memory_space<hbm>>) target_semaphore(%dma_start3A_1628 : memref<!tpu.dma_semaphore, #tpu.memory_space<semaphore_mem>>)
    %dma_wait3A_1635 = arith.constant 5 : i32
    %dma_wait3A_1636 = arith.constant 5 : i32
    %dma_wait3A_1637 = arith.constant 0 : i32
    %dma_wait3A_1638 = arith.constant 0 : i32
    %dma_wait3A_1639 = tpu.memref_slice %arg9[%dma_wait3A_1635, %dma_wait3A_1637, %dma_wait3A_1638] : memref<6x128x128xf32, #tpu.memory_space<vmem>> -> memref<1x128x128xf32, #tpu.memory_space<vmem>>
    %dma_wait3A_1640 = tpu.memref_squeeze %dma_wait3A_1639 : memref<1x128x128xf32, #tpu.memory_space<vmem>> -> memref<128x128xf32, #tpu.memory_space<vmem>>
    %dma_wait3A_1641 = arith.constant 0 : i32
    %dma_wait3A_1642 = tpu.memref_slice %arg5[%add3A_1554, %dma_wait3A_1641] : memref<204800x128xf32, #tpu.memory_space<hbm>> -> memref<128x128xf32, #tpu.memory_space<hbm>>
    %dma_wait3A_1643 = tpu.memref_slice %arg11[%dma_wait3A_1636] : memref<6x!tpu.dma_semaphore, #tpu.memory_space<semaphore_mem>> -> memref<1x!tpu.dma_semaphore, #tpu.memory_space<semaphore_mem>>
    %dma_wait3A_1644 = tpu.memref_squeeze %dma_wait3A_1643 : memref<1x!tpu.dma_semaphore, #tpu.memory_space<semaphore_mem>> -> memref<!tpu.dma_semaphore, #tpu.memory_space<semaphore_mem>>
    %dma_wait3A_1645 = arith.constant 0 : i32
    %dma_wait3A_1646 = tpu.memref_slice %arg5[%add3A_1554, %dma_wait3A_1645] : memref<204800x128xf32, #tpu.memory_space<hbm>> -> memref<128x128xf32, #tpu.memory_space<hbm>>
    %dma_wait3A_1647 = arith.constant 0 : i32
    %dma_wait3A_1648 = arith.constant 0 : i32
    %dma_wait3A_1649 = tpu.memref_slice %arg9[%dma_wait3A_1635, %dma_wait3A_1647, %dma_wait3A_1648] : memref<6x128x128xf32, #tpu.memory_space<vmem>> -> memref<1x128x128xf32, #tpu.memory_space<vmem>>
    %dma_wait3A_1650 = tpu.memref_squeeze %dma_wait3A_1649 : memref<1x128x128xf32, #tpu.memory_space<vmem>> -> memref<128x128xf32, #tpu.memory_space<vmem>>
    tpu.wait_dma2 semaphore(%dma_wait3A_1644 : memref<!tpu.dma_semaphore, #tpu.memory_space<semaphore_mem>>) src(%dma_wait3A_1650 : memref<128x128xf32, #tpu.memory_space<vmem>>) dst(%dma_wait3A_1646 : memref<128x128xf32, #tpu.memory_space<hbm>>)
    %dma_start3A_1651 = arith.constant 29 : i32
    %dma_start3A_1652 = arith.constant 5 : i32
    %dma_start3A_1653 = arith.constant 5 : i32
    %dma_start3A_1654 = arith.constant 0 : i32
    %dma_start3A_1655 = arith.constant 0 : i32
    %dma_start3A_1656 = tpu.memref_slice %arg9[%dma_start3A_1652, %dma_start3A_1654, %dma_start3A_1655] : memref<6x128x128xf32, #tpu.memory_space<vmem>> -> memref<1x128x128xf32, #tpu.memory_space<vmem>>
    %dma_start3A_1657 = tpu.memref_squeeze %dma_start3A_1656 : memref<1x128x128xf32, #tpu.memory_space<vmem>> -> memref<128x128xf32, #tpu.memory_space<vmem>>
    %dma_start3A_1658 = arith.constant 0 : i32
    %dma_start3A_1659 = tpu.memref_slice %arg8[%dma_start3A_1651, %dma_start3A_1658] : memref<50x128xi32, #tpu.memory_space<vmem>> -> memref<1x128xi32, #tpu.memory_space<vmem>>
    %dma_start3A_1660 = tpu.memref_squeeze %dma_start3A_1659 : memref<1x128xi32, #tpu.memory_space<vmem>> -> memref<128xi32, #tpu.memory_space<vmem>>
    %dma_start3A_1661 = arith.constant 0 : i32
    %dma_start3A_1662 = arith.constant 0 : i32
    %dma_start3A_1663 = tpu.memref_slice %arg2[%dma_start3A_1661, %dma_start3A_1662] : memref<14600x128xf32, #tpu.memory_space<hbm>> -> memref<14600x128xf32, #tpu.memory_space<hbm>>
    %dma_start3A_1664 = tpu.memref_slice %arg10[%dma_start3A_1653] : memref<6x!tpu.dma_semaphore, #tpu.memory_space<semaphore_mem>> -> memref<1x!tpu.dma_semaphore, #tpu.memory_space<semaphore_mem>>
    %dma_start3A_1665 = tpu.memref_squeeze %dma_start3A_1664 : memref<1x!tpu.dma_semaphore, #tpu.memory_space<semaphore_mem>> -> memref<!tpu.dma_semaphore, #tpu.memory_space<semaphore_mem>>
    tpu.enqueue_indirect_dma source(%dma_start3A_1663 : memref<14600x128xf32, #tpu.memory_space<hbm>>) target(%dma_start3A_1657 : memref<128x128xf32, #tpu.memory_space<vmem>>) offsets(%dma_start3A_1660 : memref<128xi32, #tpu.memory_space<vmem>>) semaphore(%dma_start3A_1665 : memref<!tpu.dma_semaphore, #tpu.memory_space<semaphore_mem>>)
    %dma_wait3A_1666 = arith.constant 25 : i32
    %dma_wait3A_1667 = arith.constant 1 : i32
    %dma_wait3A_1668 = arith.constant 1 : i32
    %dma_wait3A_1669 = arith.constant 0 : i32
    %dma_wait3A_1670 = arith.constant 0 : i32
    %dma_wait3A_1671 = tpu.memref_slice %arg9[%dma_wait3A_1667, %dma_wait3A_1669, %dma_wait3A_1670] : memref<6x128x128xf32, #tpu.memory_space<vmem>> -> memref<1x128x128xf32, #tpu.memory_space<vmem>>
    %dma_wait3A_1672 = tpu.memref_squeeze %dma_wait3A_1671 : memref<1x128x128xf32, #tpu.memory_space<vmem>> -> memref<128x128xf32, #tpu.memory_space<vmem>>
    %dma_wait3A_1673 = arith.constant 0 : i32
    %dma_wait3A_1674 = tpu.memref_slice %arg8[%dma_wait3A_1666, %dma_wait3A_1673] : memref<50x128xi32, #tpu.memory_space<vmem>> -> memref<1x128xi32, #tpu.memory_space<vmem>>
    %dma_wait3A_1675 = tpu.memref_squeeze %dma_wait3A_1674 : memref<1x128xi32, #tpu.memory_space<vmem>> -> memref<128xi32, #tpu.memory_space<vmem>>
    %dma_wait3A_1676 = arith.constant 0 : i32
    %dma_wait3A_1677 = arith.constant 0 : i32
    %dma_wait3A_1678 = tpu.memref_slice %arg2[%dma_wait3A_1676, %dma_wait3A_1677] : memref<14600x128xf32, #tpu.memory_space<hbm>> -> memref<14600x128xf32, #tpu.memory_space<hbm>>
    %dma_wait3A_1679 = tpu.memref_slice %arg10[%dma_wait3A_1668] : memref<6x!tpu.dma_semaphore, #tpu.memory_space<semaphore_mem>> -> memref<1x!tpu.dma_semaphore, #tpu.memory_space<semaphore_mem>>
    %dma_wait3A_1680 = tpu.memref_squeeze %dma_wait3A_1679 : memref<1x!tpu.dma_semaphore, #tpu.memory_space<semaphore_mem>> -> memref<!tpu.dma_semaphore, #tpu.memory_space<semaphore_mem>>
    tpu.wait_indirect_dma semaphore(%dma_wait3A_1680 : memref<!tpu.dma_semaphore, #tpu.memory_space<semaphore_mem>>) src(%dma_wait3A_1678 : memref<14600x128xf32, #tpu.memory_space<hbm>>) dst(%dma_wait3A_1672 : memref<128x128xf32, #tpu.memory_space<vmem>>)
    %add3A_1681 = arith.constant 3200 : i32
    %add3A_1682 = arith.addi %mul3A_2, %add3A_1681 : i32
    %dma_start3A_1683 = arith.constant 1 : i32
    %dma_start3A_1684 = arith.constant 1 : i32
    %dma_start3A_1685 = arith.constant 0 : i32
    %dma_start3A_1686 = arith.constant 0 : i32
    %dma_start3A_1687 = tpu.memref_slice %arg9[%dma_start3A_1683, %dma_start3A_1685, %dma_start3A_1686] : memref<6x128x128xf32, #tpu.memory_space<vmem>> -> memref<1x128x128xf32, #tpu.memory_space<vmem>>
    %dma_start3A_1688 = tpu.memref_squeeze %dma_start3A_1687 : memref<1x128x128xf32, #tpu.memory_space<vmem>> -> memref<128x128xf32, #tpu.memory_space<vmem>>
    %dma_start3A_1689 = arith.constant 0 : i32
    %dma_start3A_1690 = tpu.memref_slice %arg5[%add3A_1682, %dma_start3A_1689] : memref<204800x128xf32, #tpu.memory_space<hbm>> -> memref<128x128xf32, #tpu.memory_space<hbm>>
    %dma_start3A_1691 = tpu.memref_slice %arg11[%dma_start3A_1684] : memref<6x!tpu.dma_semaphore, #tpu.memory_space<semaphore_mem>> -> memref<1x!tpu.dma_semaphore, #tpu.memory_space<semaphore_mem>>
    %dma_start3A_1692 = tpu.memref_squeeze %dma_start3A_1691 : memref<1x!tpu.dma_semaphore, #tpu.memory_space<semaphore_mem>> -> memref<!tpu.dma_semaphore, #tpu.memory_space<semaphore_mem>>
    %dma_start3A_1693 = arith.constant 0 : i32
    %dma_start3A_1694 = tpu.memref_slice %arg5[%add3A_1682, %dma_start3A_1693] : memref<204800x128xf32, #tpu.memory_space<hbm>> -> memref<128x128xf32, #tpu.memory_space<hbm>>
    %dma_start3A_1695 = arith.constant 0 : i32
    %dma_start3A_1696 = arith.constant 0 : i32
    %dma_start3A_1697 = tpu.memref_slice %arg9[%dma_start3A_1683, %dma_start3A_1695, %dma_start3A_1696] : memref<6x128x128xf32, #tpu.memory_space<vmem>> -> memref<1x128x128xf32, #tpu.memory_space<vmem>>
    %dma_start3A_1698 = tpu.memref_squeeze %dma_start3A_1697 : memref<1x128x128xf32, #tpu.memory_space<vmem>> -> memref<128x128xf32, #tpu.memory_space<vmem>>
    tpu.enqueue_dma source(%dma_start3A_1698 : memref<128x128xf32, #tpu.memory_space<vmem>>) target(%dma_start3A_1694 : memref<128x128xf32, #tpu.memory_space<hbm>>) target_semaphore(%dma_start3A_1692 : memref<!tpu.dma_semaphore, #tpu.memory_space<semaphore_mem>>)
    %dma_wait3A_1699 = arith.constant 0 : i32
    %dma_wait3A_1700 = arith.constant 0 : i32
    %dma_wait3A_1701 = arith.constant 0 : i32
    %dma_wait3A_1702 = arith.constant 0 : i32
    %dma_wait3A_1703 = tpu.memref_slice %arg9[%dma_wait3A_1699, %dma_wait3A_1701, %dma_wait3A_1702] : memref<6x128x128xf32, #tpu.memory_space<vmem>> -> memref<1x128x128xf32, #tpu.memory_space<vmem>>
    %dma_wait3A_1704 = tpu.memref_squeeze %dma_wait3A_1703 : memref<1x128x128xf32, #tpu.memory_space<vmem>> -> memref<128x128xf32, #tpu.memory_space<vmem>>
    %dma_wait3A_1705 = arith.constant 0 : i32
    %dma_wait3A_1706 = tpu.memref_slice %arg5[%add3A_1618, %dma_wait3A_1705] : memref<204800x128xf32, #tpu.memory_space<hbm>> -> memref<128x128xf32, #tpu.memory_space<hbm>>
    %dma_wait3A_1707 = tpu.memref_slice %arg11[%dma_wait3A_1700] : memref<6x!tpu.dma_semaphore, #tpu.memory_space<semaphore_mem>> -> memref<1x!tpu.dma_semaphore, #tpu.memory_space<semaphore_mem>>
    %dma_wait3A_1708 = tpu.memref_squeeze %dma_wait3A_1707 : memref<1x!tpu.dma_semaphore, #tpu.memory_space<semaphore_mem>> -> memref<!tpu.dma_semaphore, #tpu.memory_space<semaphore_mem>>
    %dma_wait3A_1709 = arith.constant 0 : i32
    %dma_wait3A_1710 = tpu.memref_slice %arg5[%add3A_1618, %dma_wait3A_1709] : memref<204800x128xf32, #tpu.memory_space<hbm>> -> memref<128x128xf32, #tpu.memory_space<hbm>>
    %dma_wait3A_1711 = arith.constant 0 : i32
    %dma_wait3A_1712 = arith.constant 0 : i32
    %dma_wait3A_1713 = tpu.memref_slice %arg9[%dma_wait3A_1699, %dma_wait3A_1711, %dma_wait3A_1712] : memref<6x128x128xf32, #tpu.memory_space<vmem>> -> memref<1x128x128xf32, #tpu.memory_space<vmem>>
    %dma_wait3A_1714 = tpu.memref_squeeze %dma_wait3A_1713 : memref<1x128x128xf32, #tpu.memory_space<vmem>> -> memref<128x128xf32, #tpu.memory_space<vmem>>
    tpu.wait_dma2 semaphore(%dma_wait3A_1708 : memref<!tpu.dma_semaphore, #tpu.memory_space<semaphore_mem>>) src(%dma_wait3A_1714 : memref<128x128xf32, #tpu.memory_space<vmem>>) dst(%dma_wait3A_1710 : memref<128x128xf32, #tpu.memory_space<hbm>>)
    %dma_start3A_1715 = arith.constant 30 : i32
    %dma_start3A_1716 = arith.constant 0 : i32
    %dma_start3A_1717 = arith.constant 0 : i32
    %dma_start3A_1718 = arith.constant 0 : i32
    %dma_start3A_1719 = arith.constant 0 : i32
    %dma_start3A_1720 = tpu.memref_slice %arg9[%dma_start3A_1716, %dma_start3A_1718, %dma_start3A_1719] : memref<6x128x128xf32, #tpu.memory_space<vmem>> -> memref<1x128x128xf32, #tpu.memory_space<vmem>>
    %dma_start3A_1721 = tpu.memref_squeeze %dma_start3A_1720 : memref<1x128x128xf32, #tpu.memory_space<vmem>> -> memref<128x128xf32, #tpu.memory_space<vmem>>
    %dma_start3A_1722 = arith.constant 0 : i32
    %dma_start3A_1723 = tpu.memref_slice %arg8[%dma_start3A_1715, %dma_start3A_1722] : memref<50x128xi32, #tpu.memory_space<vmem>> -> memref<1x128xi32, #tpu.memory_space<vmem>>
    %dma_start3A_1724 = tpu.memref_squeeze %dma_start3A_1723 : memref<1x128xi32, #tpu.memory_space<vmem>> -> memref<128xi32, #tpu.memory_space<vmem>>
    %dma_start3A_1725 = arith.constant 0 : i32
    %dma_start3A_1726 = arith.constant 0 : i32
    %dma_start3A_1727 = tpu.memref_slice %arg2[%dma_start3A_1725, %dma_start3A_1726] : memref<14600x128xf32, #tpu.memory_space<hbm>> -> memref<14600x128xf32, #tpu.memory_space<hbm>>
    %dma_start3A_1728 = tpu.memref_slice %arg10[%dma_start3A_1717] : memref<6x!tpu.dma_semaphore, #tpu.memory_space<semaphore_mem>> -> memref<1x!tpu.dma_semaphore, #tpu.memory_space<semaphore_mem>>
    %dma_start3A_1729 = tpu.memref_squeeze %dma_start3A_1728 : memref<1x!tpu.dma_semaphore, #tpu.memory_space<semaphore_mem>> -> memref<!tpu.dma_semaphore, #tpu.memory_space<semaphore_mem>>
    tpu.enqueue_indirect_dma source(%dma_start3A_1727 : memref<14600x128xf32, #tpu.memory_space<hbm>>) target(%dma_start3A_1721 : memref<128x128xf32, #tpu.memory_space<vmem>>) offsets(%dma_start3A_1724 : memref<128xi32, #tpu.memory_space<vmem>>) semaphore(%dma_start3A_1729 : memref<!tpu.dma_semaphore, #tpu.memory_space<semaphore_mem>>)
    %dma_wait3A_1730 = arith.constant 26 : i32
    %dma_wait3A_1731 = arith.constant 2 : i32
    %dma_wait3A_1732 = arith.constant 2 : i32
    %dma_wait3A_1733 = arith.constant 0 : i32
    %dma_wait3A_1734 = arith.constant 0 : i32
    %dma_wait3A_1735 = tpu.memref_slice %arg9[%dma_wait3A_1731, %dma_wait3A_1733, %dma_wait3A_1734] : memref<6x128x128xf32, #tpu.memory_space<vmem>> -> memref<1x128x128xf32, #tpu.memory_space<vmem>>
    %dma_wait3A_1736 = tpu.memref_squeeze %dma_wait3A_1735 : memref<1x128x128xf32, #tpu.memory_space<vmem>> -> memref<128x128xf32, #tpu.memory_space<vmem>>
    %dma_wait3A_1737 = arith.constant 0 : i32
    %dma_wait3A_1738 = tpu.memref_slice %arg8[%dma_wait3A_1730, %dma_wait3A_1737] : memref<50x128xi32, #tpu.memory_space<vmem>> -> memref<1x128xi32, #tpu.memory_space<vmem>>
    %dma_wait3A_1739 = tpu.memref_squeeze %dma_wait3A_1738 : memref<1x128xi32, #tpu.memory_space<vmem>> -> memref<128xi32, #tpu.memory_space<vmem>>
    %dma_wait3A_1740 = arith.constant 0 : i32
    %dma_wait3A_1741 = arith.constant 0 : i32
    %dma_wait3A_1742 = tpu.memref_slice %arg2[%dma_wait3A_1740, %dma_wait3A_1741] : memref<14600x128xf32, #tpu.memory_space<hbm>> -> memref<14600x128xf32, #tpu.memory_space<hbm>>
    %dma_wait3A_1743 = tpu.memref_slice %arg10[%dma_wait3A_1732] : memref<6x!tpu.dma_semaphore, #tpu.memory_space<semaphore_mem>> -> memref<1x!tpu.dma_semaphore, #tpu.memory_space<semaphore_mem>>
    %dma_wait3A_1744 = tpu.memref_squeeze %dma_wait3A_1743 : memref<1x!tpu.dma_semaphore, #tpu.memory_space<semaphore_mem>> -> memref<!tpu.dma_semaphore, #tpu.memory_space<semaphore_mem>>
    tpu.wait_indirect_dma semaphore(%dma_wait3A_1744 : memref<!tpu.dma_semaphore, #tpu.memory_space<semaphore_mem>>) src(%dma_wait3A_1742 : memref<14600x128xf32, #tpu.memory_space<hbm>>) dst(%dma_wait3A_1736 : memref<128x128xf32, #tpu.memory_space<vmem>>)
    %add3A_1745 = arith.constant 3328 : i32
    %add3A_1746 = arith.addi %mul3A_2, %add3A_1745 : i32
    %dma_start3A_1747 = arith.constant 2 : i32
    %dma_start3A_1748 = arith.constant 2 : i32
    %dma_start3A_1749 = arith.constant 0 : i32
    %dma_start3A_1750 = arith.constant 0 : i32
    %dma_start3A_1751 = tpu.memref_slice %arg9[%dma_start3A_1747, %dma_start3A_1749, %dma_start3A_1750] : memref<6x128x128xf32, #tpu.memory_space<vmem>> -> memref<1x128x128xf32, #tpu.memory_space<vmem>>
    %dma_start3A_1752 = tpu.memref_squeeze %dma_start3A_1751 : memref<1x128x128xf32, #tpu.memory_space<vmem>> -> memref<128x128xf32, #tpu.memory_space<vmem>>
    %dma_start3A_1753 = arith.constant 0 : i32
    %dma_start3A_1754 = tpu.memref_slice %arg5[%add3A_1746, %dma_start3A_1753] : memref<204800x128xf32, #tpu.memory_space<hbm>> -> memref<128x128xf32, #tpu.memory_space<hbm>>
    %dma_start3A_1755 = tpu.memref_slice %arg11[%dma_start3A_1748] : memref<6x!tpu.dma_semaphore, #tpu.memory_space<semaphore_mem>> -> memref<1x!tpu.dma_semaphore, #tpu.memory_space<semaphore_mem>>
    %dma_start3A_1756 = tpu.memref_squeeze %dma_start3A_1755 : memref<1x!tpu.dma_semaphore, #tpu.memory_space<semaphore_mem>> -> memref<!tpu.dma_semaphore, #tpu.memory_space<semaphore_mem>>
    %dma_start3A_1757 = arith.constant 0 : i32
    %dma_start3A_1758 = tpu.memref_slice %arg5[%add3A_1746, %dma_start3A_1757] : memref<204800x128xf32, #tpu.memory_space<hbm>> -> memref<128x128xf32, #tpu.memory_space<hbm>>
    %dma_start3A_1759 = arith.constant 0 : i32
    %dma_start3A_1760 = arith.constant 0 : i32
    %dma_start3A_1761 = tpu.memref_slice %arg9[%dma_start3A_1747, %dma_start3A_1759, %dma_start3A_1760] : memref<6x128x128xf32, #tpu.memory_space<vmem>> -> memref<1x128x128xf32, #tpu.memory_space<vmem>>
    %dma_start3A_1762 = tpu.memref_squeeze %dma_start3A_1761 : memref<1x128x128xf32, #tpu.memory_space<vmem>> -> memref<128x128xf32, #tpu.memory_space<vmem>>
    tpu.enqueue_dma source(%dma_start3A_1762 : memref<128x128xf32, #tpu.memory_space<vmem>>) target(%dma_start3A_1758 : memref<128x128xf32, #tpu.memory_space<hbm>>) target_semaphore(%dma_start3A_1756 : memref<!tpu.dma_semaphore, #tpu.memory_space<semaphore_mem>>)
    %dma_wait3A_1763 = arith.constant 1 : i32
    %dma_wait3A_1764 = arith.constant 1 : i32
    %dma_wait3A_1765 = arith.constant 0 : i32
    %dma_wait3A_1766 = arith.constant 0 : i32
    %dma_wait3A_1767 = tpu.memref_slice %arg9[%dma_wait3A_1763, %dma_wait3A_1765, %dma_wait3A_1766] : memref<6x128x128xf32, #tpu.memory_space<vmem>> -> memref<1x128x128xf32, #tpu.memory_space<vmem>>
    %dma_wait3A_1768 = tpu.memref_squeeze %dma_wait3A_1767 : memref<1x128x128xf32, #tpu.memory_space<vmem>> -> memref<128x128xf32, #tpu.memory_space<vmem>>
    %dma_wait3A_1769 = arith.constant 0 : i32
    %dma_wait3A_1770 = tpu.memref_slice %arg5[%add3A_1682, %dma_wait3A_1769] : memref<204800x128xf32, #tpu.memory_space<hbm>> -> memref<128x128xf32, #tpu.memory_space<hbm>>
    %dma_wait3A_1771 = tpu.memref_slice %arg11[%dma_wait3A_1764] : memref<6x!tpu.dma_semaphore, #tpu.memory_space<semaphore_mem>> -> memref<1x!tpu.dma_semaphore, #tpu.memory_space<semaphore_mem>>
    %dma_wait3A_1772 = tpu.memref_squeeze %dma_wait3A_1771 : memref<1x!tpu.dma_semaphore, #tpu.memory_space<semaphore_mem>> -> memref<!tpu.dma_semaphore, #tpu.memory_space<semaphore_mem>>
    %dma_wait3A_1773 = arith.constant 0 : i32
    %dma_wait3A_1774 = tpu.memref_slice %arg5[%add3A_1682, %dma_wait3A_1773] : memref<204800x128xf32, #tpu.memory_space<hbm>> -> memref<128x128xf32, #tpu.memory_space<hbm>>
    %dma_wait3A_1775 = arith.constant 0 : i32
    %dma_wait3A_1776 = arith.constant 0 : i32
    %dma_wait3A_1777 = tpu.memref_slice %arg9[%dma_wait3A_1763, %dma_wait3A_1775, %dma_wait3A_1776] : memref<6x128x128xf32, #tpu.memory_space<vmem>> -> memref<1x128x128xf32, #tpu.memory_space<vmem>>
    %dma_wait3A_1778 = tpu.memref_squeeze %dma_wait3A_1777 : memref<1x128x128xf32, #tpu.memory_space<vmem>> -> memref<128x128xf32, #tpu.memory_space<vmem>>
    tpu.wait_dma2 semaphore(%dma_wait3A_1772 : memref<!tpu.dma_semaphore, #tpu.memory_space<semaphore_mem>>) src(%dma_wait3A_1778 : memref<128x128xf32, #tpu.memory_space<vmem>>) dst(%dma_wait3A_1774 : memref<128x128xf32, #tpu.memory_space<hbm>>)
    %dma_start3A_1779 = arith.constant 31 : i32
    %dma_start3A_1780 = arith.constant 1 : i32
    %dma_start3A_1781 = arith.constant 1 : i32
    %dma_start3A_1782 = arith.constant 0 : i32
    %dma_start3A_1783 = arith.constant 0 : i32
    %dma_start3A_1784 = tpu.memref_slice %arg9[%dma_start3A_1780, %dma_start3A_1782, %dma_start3A_1783] : memref<6x128x128xf32, #tpu.memory_space<vmem>> -> memref<1x128x128xf32, #tpu.memory_space<vmem>>
    %dma_start3A_1785 = tpu.memref_squeeze %dma_start3A_1784 : memref<1x128x128xf32, #tpu.memory_space<vmem>> -> memref<128x128xf32, #tpu.memory_space<vmem>>
    %dma_start3A_1786 = arith.constant 0 : i32
    %dma_start3A_1787 = tpu.memref_slice %arg8[%dma_start3A_1779, %dma_start3A_1786] : memref<50x128xi32, #tpu.memory_space<vmem>> -> memref<1x128xi32, #tpu.memory_space<vmem>>
    %dma_start3A_1788 = tpu.memref_squeeze %dma_start3A_1787 : memref<1x128xi32, #tpu.memory_space<vmem>> -> memref<128xi32, #tpu.memory_space<vmem>>
    %dma_start3A_1789 = arith.constant 0 : i32
    %dma_start3A_1790 = arith.constant 0 : i32
    %dma_start3A_1791 = tpu.memref_slice %arg2[%dma_start3A_1789, %dma_start3A_1790] : memref<14600x128xf32, #tpu.memory_space<hbm>> -> memref<14600x128xf32, #tpu.memory_space<hbm>>
    %dma_start3A_1792 = tpu.memref_slice %arg10[%dma_start3A_1781] : memref<6x!tpu.dma_semaphore, #tpu.memory_space<semaphore_mem>> -> memref<1x!tpu.dma_semaphore, #tpu.memory_space<semaphore_mem>>
    %dma_start3A_1793 = tpu.memref_squeeze %dma_start3A_1792 : memref<1x!tpu.dma_semaphore, #tpu.memory_space<semaphore_mem>> -> memref<!tpu.dma_semaphore, #tpu.memory_space<semaphore_mem>>
    tpu.enqueue_indirect_dma source(%dma_start3A_1791 : memref<14600x128xf32, #tpu.memory_space<hbm>>) target(%dma_start3A_1785 : memref<128x128xf32, #tpu.memory_space<vmem>>) offsets(%dma_start3A_1788 : memref<128xi32, #tpu.memory_space<vmem>>) semaphore(%dma_start3A_1793 : memref<!tpu.dma_semaphore, #tpu.memory_space<semaphore_mem>>)
    %dma_wait3A_1794 = arith.constant 27 : i32
    %dma_wait3A_1795 = arith.constant 3 : i32
    %dma_wait3A_1796 = arith.constant 3 : i32
    %dma_wait3A_1797 = arith.constant 0 : i32
    %dma_wait3A_1798 = arith.constant 0 : i32
    %dma_wait3A_1799 = tpu.memref_slice %arg9[%dma_wait3A_1795, %dma_wait3A_1797, %dma_wait3A_1798] : memref<6x128x128xf32, #tpu.memory_space<vmem>> -> memref<1x128x128xf32, #tpu.memory_space<vmem>>
    %dma_wait3A_1800 = tpu.memref_squeeze %dma_wait3A_1799 : memref<1x128x128xf32, #tpu.memory_space<vmem>> -> memref<128x128xf32, #tpu.memory_space<vmem>>
    %dma_wait3A_1801 = arith.constant 0 : i32
    %dma_wait3A_1802 = tpu.memref_slice %arg8[%dma_wait3A_1794, %dma_wait3A_1801] : memref<50x128xi32, #tpu.memory_space<vmem>> -> memref<1x128xi32, #tpu.memory_space<vmem>>
    %dma_wait3A_1803 = tpu.memref_squeeze %dma_wait3A_1802 : memref<1x128xi32, #tpu.memory_space<vmem>> -> memref<128xi32, #tpu.memory_space<vmem>>
    %dma_wait3A_1804 = arith.constant 0 : i32
    %dma_wait3A_1805 = arith.constant 0 : i32
    %dma_wait3A_1806 = tpu.memref_slice %arg2[%dma_wait3A_1804, %dma_wait3A_1805] : memref<14600x128xf32, #tpu.memory_space<hbm>> -> memref<14600x128xf32, #tpu.memory_space<hbm>>
    %dma_wait3A_1807 = tpu.memref_slice %arg10[%dma_wait3A_1796] : memref<6x!tpu.dma_semaphore, #tpu.memory_space<semaphore_mem>> -> memref<1x!tpu.dma_semaphore, #tpu.memory_space<semaphore_mem>>
    %dma_wait3A_1808 = tpu.memref_squeeze %dma_wait3A_1807 : memref<1x!tpu.dma_semaphore, #tpu.memory_space<semaphore_mem>> -> memref<!tpu.dma_semaphore, #tpu.memory_space<semaphore_mem>>
    tpu.wait_indirect_dma semaphore(%dma_wait3A_1808 : memref<!tpu.dma_semaphore, #tpu.memory_space<semaphore_mem>>) src(%dma_wait3A_1806 : memref<14600x128xf32, #tpu.memory_space<hbm>>) dst(%dma_wait3A_1800 : memref<128x128xf32, #tpu.memory_space<vmem>>)
    %add3A_1809 = arith.constant 3456 : i32
    %add3A_1810 = arith.addi %mul3A_2, %add3A_1809 : i32
    %dma_start3A_1811 = arith.constant 3 : i32
    %dma_start3A_1812 = arith.constant 3 : i32
    %dma_start3A_1813 = arith.constant 0 : i32
    %dma_start3A_1814 = arith.constant 0 : i32
    %dma_start3A_1815 = tpu.memref_slice %arg9[%dma_start3A_1811, %dma_start3A_1813, %dma_start3A_1814] : memref<6x128x128xf32, #tpu.memory_space<vmem>> -> memref<1x128x128xf32, #tpu.memory_space<vmem>>
    %dma_start3A_1816 = tpu.memref_squeeze %dma_start3A_1815 : memref<1x128x128xf32, #tpu.memory_space<vmem>> -> memref<128x128xf32, #tpu.memory_space<vmem>>
    %dma_start3A_1817 = arith.constant 0 : i32
    %dma_start3A_1818 = tpu.memref_slice %arg5[%add3A_1810, %dma_start3A_1817] : memref<204800x128xf32, #tpu.memory_space<hbm>> -> memref<128x128xf32, #tpu.memory_space<hbm>>
    %dma_start3A_1819 = tpu.memref_slice %arg11[%dma_start3A_1812] : memref<6x!tpu.dma_semaphore, #tpu.memory_space<semaphore_mem>> -> memref<1x!tpu.dma_semaphore, #tpu.memory_space<semaphore_mem>>
    %dma_start3A_1820 = tpu.memref_squeeze %dma_start3A_1819 : memref<1x!tpu.dma_semaphore, #tpu.memory_space<semaphore_mem>> -> memref<!tpu.dma_semaphore, #tpu.memory_space<semaphore_mem>>
    %dma_start3A_1821 = arith.constant 0 : i32
    %dma_start3A_1822 = tpu.memref_slice %arg5[%add3A_1810, %dma_start3A_1821] : memref<204800x128xf32, #tpu.memory_space<hbm>> -> memref<128x128xf32, #tpu.memory_space<hbm>>
    %dma_start3A_1823 = arith.constant 0 : i32
    %dma_start3A_1824 = arith.constant 0 : i32
    %dma_start3A_1825 = tpu.memref_slice %arg9[%dma_start3A_1811, %dma_start3A_1823, %dma_start3A_1824] : memref<6x128x128xf32, #tpu.memory_space<vmem>> -> memref<1x128x128xf32, #tpu.memory_space<vmem>>
    %dma_start3A_1826 = tpu.memref_squeeze %dma_start3A_1825 : memref<1x128x128xf32, #tpu.memory_space<vmem>> -> memref<128x128xf32, #tpu.memory_space<vmem>>
    tpu.enqueue_dma source(%dma_start3A_1826 : memref<128x128xf32, #tpu.memory_space<vmem>>) target(%dma_start3A_1822 : memref<128x128xf32, #tpu.memory_space<hbm>>) target_semaphore(%dma_start3A_1820 : memref<!tpu.dma_semaphore, #tpu.memory_space<semaphore_mem>>)
    %dma_wait3A_1827 = arith.constant 2 : i32
    %dma_wait3A_1828 = arith.constant 2 : i32
    %dma_wait3A_1829 = arith.constant 0 : i32
    %dma_wait3A_1830 = arith.constant 0 : i32
    %dma_wait3A_1831 = tpu.memref_slice %arg9[%dma_wait3A_1827, %dma_wait3A_1829, %dma_wait3A_1830] : memref<6x128x128xf32, #tpu.memory_space<vmem>> -> memref<1x128x128xf32, #tpu.memory_space<vmem>>
    %dma_wait3A_1832 = tpu.memref_squeeze %dma_wait3A_1831 : memref<1x128x128xf32, #tpu.memory_space<vmem>> -> memref<128x128xf32, #tpu.memory_space<vmem>>
    %dma_wait3A_1833 = arith.constant 0 : i32
    %dma_wait3A_1834 = tpu.memref_slice %arg5[%add3A_1746, %dma_wait3A_1833] : memref<204800x128xf32, #tpu.memory_space<hbm>> -> memref<128x128xf32, #tpu.memory_space<hbm>>
    %dma_wait3A_1835 = tpu.memref_slice %arg11[%dma_wait3A_1828] : memref<6x!tpu.dma_semaphore, #tpu.memory_space<semaphore_mem>> -> memref<1x!tpu.dma_semaphore, #tpu.memory_space<semaphore_mem>>
    %dma_wait3A_1836 = tpu.memref_squeeze %dma_wait3A_1835 : memref<1x!tpu.dma_semaphore, #tpu.memory_space<semaphore_mem>> -> memref<!tpu.dma_semaphore, #tpu.memory_space<semaphore_mem>>
    %dma_wait3A_1837 = arith.constant 0 : i32
    %dma_wait3A_1838 = tpu.memref_slice %arg5[%add3A_1746, %dma_wait3A_1837] : memref<204800x128xf32, #tpu.memory_space<hbm>> -> memref<128x128xf32, #tpu.memory_space<hbm>>
    %dma_wait3A_1839 = arith.constant 0 : i32
    %dma_wait3A_1840 = arith.constant 0 : i32
    %dma_wait3A_1841 = tpu.memref_slice %arg9[%dma_wait3A_1827, %dma_wait3A_1839, %dma_wait3A_1840] : memref<6x128x128xf32, #tpu.memory_space<vmem>> -> memref<1x128x128xf32, #tpu.memory_space<vmem>>
    %dma_wait3A_1842 = tpu.memref_squeeze %dma_wait3A_1841 : memref<1x128x128xf32, #tpu.memory_space<vmem>> -> memref<128x128xf32, #tpu.memory_space<vmem>>
    tpu.wait_dma2 semaphore(%dma_wait3A_1836 : memref<!tpu.dma_semaphore, #tpu.memory_space<semaphore_mem>>) src(%dma_wait3A_1842 : memref<128x128xf32, #tpu.memory_space<vmem>>) dst(%dma_wait3A_1838 : memref<128x128xf32, #tpu.memory_space<hbm>>)
    %dma_start3A_1843 = arith.constant 32 : i32
    %dma_start3A_1844 = arith.constant 2 : i32
    %dma_start3A_1845 = arith.constant 2 : i32
    %dma_start3A_1846 = arith.constant 0 : i32
    %dma_start3A_1847 = arith.constant 0 : i32
    %dma_start3A_1848 = tpu.memref_slice %arg9[%dma_start3A_1844, %dma_start3A_1846, %dma_start3A_1847] : memref<6x128x128xf32, #tpu.memory_space<vmem>> -> memref<1x128x128xf32, #tpu.memory_space<vmem>>
    %dma_start3A_1849 = tpu.memref_squeeze %dma_start3A_1848 : memref<1x128x128xf32, #tpu.memory_space<vmem>> -> memref<128x128xf32, #tpu.memory_space<vmem>>
    %dma_start3A_1850 = arith.constant 0 : i32
    %dma_start3A_1851 = tpu.memref_slice %arg8[%dma_start3A_1843, %dma_start3A_1850] : memref<50x128xi32, #tpu.memory_space<vmem>> -> memref<1x128xi32, #tpu.memory_space<vmem>>
    %dma_start3A_1852 = tpu.memref_squeeze %dma_start3A_1851 : memref<1x128xi32, #tpu.memory_space<vmem>> -> memref<128xi32, #tpu.memory_space<vmem>>
    %dma_start3A_1853 = arith.constant 0 : i32
    %dma_start3A_1854 = arith.constant 0 : i32
    %dma_start3A_1855 = tpu.memref_slice %arg2[%dma_start3A_1853, %dma_start3A_1854] : memref<14600x128xf32, #tpu.memory_space<hbm>> -> memref<14600x128xf32, #tpu.memory_space<hbm>>
    %dma_start3A_1856 = tpu.memref_slice %arg10[%dma_start3A_1845] : memref<6x!tpu.dma_semaphore, #tpu.memory_space<semaphore_mem>> -> memref<1x!tpu.dma_semaphore, #tpu.memory_space<semaphore_mem>>
    %dma_start3A_1857 = tpu.memref_squeeze %dma_start3A_1856 : memref<1x!tpu.dma_semaphore, #tpu.memory_space<semaphore_mem>> -> memref<!tpu.dma_semaphore, #tpu.memory_space<semaphore_mem>>
    tpu.enqueue_indirect_dma source(%dma_start3A_1855 : memref<14600x128xf32, #tpu.memory_space<hbm>>) target(%dma_start3A_1849 : memref<128x128xf32, #tpu.memory_space<vmem>>) offsets(%dma_start3A_1852 : memref<128xi32, #tpu.memory_space<vmem>>) semaphore(%dma_start3A_1857 : memref<!tpu.dma_semaphore, #tpu.memory_space<semaphore_mem>>)
    %dma_wait3A_1858 = arith.constant 28 : i32
    %dma_wait3A_1859 = arith.constant 4 : i32
    %dma_wait3A_1860 = arith.constant 4 : i32
    %dma_wait3A_1861 = arith.constant 0 : i32
    %dma_wait3A_1862 = arith.constant 0 : i32
    %dma_wait3A_1863 = tpu.memref_slice %arg9[%dma_wait3A_1859, %dma_wait3A_1861, %dma_wait3A_1862] : memref<6x128x128xf32, #tpu.memory_space<vmem>> -> memref<1x128x128xf32, #tpu.memory_space<vmem>>
    %dma_wait3A_1864 = tpu.memref_squeeze %dma_wait3A_1863 : memref<1x128x128xf32, #tpu.memory_space<vmem>> -> memref<128x128xf32, #tpu.memory_space<vmem>>
    %dma_wait3A_1865 = arith.constant 0 : i32
    %dma_wait3A_1866 = tpu.memref_slice %arg8[%dma_wait3A_1858, %dma_wait3A_1865] : memref<50x128xi32, #tpu.memory_space<vmem>> -> memref<1x128xi32, #tpu.memory_space<vmem>>
    %dma_wait3A_1867 = tpu.memref_squeeze %dma_wait3A_1866 : memref<1x128xi32, #tpu.memory_space<vmem>> -> memref<128xi32, #tpu.memory_space<vmem>>
    %dma_wait3A_1868 = arith.constant 0 : i32
    %dma_wait3A_1869 = arith.constant 0 : i32
    %dma_wait3A_1870 = tpu.memref_slice %arg2[%dma_wait3A_1868, %dma_wait3A_1869] : memref<14600x128xf32, #tpu.memory_space<hbm>> -> memref<14600x128xf32, #tpu.memory_space<hbm>>
    %dma_wait3A_1871 = tpu.memref_slice %arg10[%dma_wait3A_1860] : memref<6x!tpu.dma_semaphore, #tpu.memory_space<semaphore_mem>> -> memref<1x!tpu.dma_semaphore, #tpu.memory_space<semaphore_mem>>
    %dma_wait3A_1872 = tpu.memref_squeeze %dma_wait3A_1871 : memref<1x!tpu.dma_semaphore, #tpu.memory_space<semaphore_mem>> -> memref<!tpu.dma_semaphore, #tpu.memory_space<semaphore_mem>>
    tpu.wait_indirect_dma semaphore(%dma_wait3A_1872 : memref<!tpu.dma_semaphore, #tpu.memory_space<semaphore_mem>>) src(%dma_wait3A_1870 : memref<14600x128xf32, #tpu.memory_space<hbm>>) dst(%dma_wait3A_1864 : memref<128x128xf32, #tpu.memory_space<vmem>>)
    %add3A_1873 = arith.constant 3584 : i32
    %add3A_1874 = arith.addi %mul3A_2, %add3A_1873 : i32
    %dma_start3A_1875 = arith.constant 4 : i32
    %dma_start3A_1876 = arith.constant 4 : i32
    %dma_start3A_1877 = arith.constant 0 : i32
    %dma_start3A_1878 = arith.constant 0 : i32
    %dma_start3A_1879 = tpu.memref_slice %arg9[%dma_start3A_1875, %dma_start3A_1877, %dma_start3A_1878] : memref<6x128x128xf32, #tpu.memory_space<vmem>> -> memref<1x128x128xf32, #tpu.memory_space<vmem>>
    %dma_start3A_1880 = tpu.memref_squeeze %dma_start3A_1879 : memref<1x128x128xf32, #tpu.memory_space<vmem>> -> memref<128x128xf32, #tpu.memory_space<vmem>>
    %dma_start3A_1881 = arith.constant 0 : i32
    %dma_start3A_1882 = tpu.memref_slice %arg5[%add3A_1874, %dma_start3A_1881] : memref<204800x128xf32, #tpu.memory_space<hbm>> -> memref<128x128xf32, #tpu.memory_space<hbm>>
    %dma_start3A_1883 = tpu.memref_slice %arg11[%dma_start3A_1876] : memref<6x!tpu.dma_semaphore, #tpu.memory_space<semaphore_mem>> -> memref<1x!tpu.dma_semaphore, #tpu.memory_space<semaphore_mem>>
    %dma_start3A_1884 = tpu.memref_squeeze %dma_start3A_1883 : memref<1x!tpu.dma_semaphore, #tpu.memory_space<semaphore_mem>> -> memref<!tpu.dma_semaphore, #tpu.memory_space<semaphore_mem>>
    %dma_start3A_1885 = arith.constant 0 : i32
    %dma_start3A_1886 = tpu.memref_slice %arg5[%add3A_1874, %dma_start3A_1885] : memref<204800x128xf32, #tpu.memory_space<hbm>> -> memref<128x128xf32, #tpu.memory_space<hbm>>
    %dma_start3A_1887 = arith.constant 0 : i32
    %dma_start3A_1888 = arith.constant 0 : i32
    %dma_start3A_1889 = tpu.memref_slice %arg9[%dma_start3A_1875, %dma_start3A_1887, %dma_start3A_1888] : memref<6x128x128xf32, #tpu.memory_space<vmem>> -> memref<1x128x128xf32, #tpu.memory_space<vmem>>
    %dma_start3A_1890 = tpu.memref_squeeze %dma_start3A_1889 : memref<1x128x128xf32, #tpu.memory_space<vmem>> -> memref<128x128xf32, #tpu.memory_space<vmem>>
    tpu.enqueue_dma source(%dma_start3A_1890 : memref<128x128xf32, #tpu.memory_space<vmem>>) target(%dma_start3A_1886 : memref<128x128xf32, #tpu.memory_space<hbm>>) target_semaphore(%dma_start3A_1884 : memref<!tpu.dma_semaphore, #tpu.memory_space<semaphore_mem>>)
    %dma_wait3A_1891 = arith.constant 3 : i32
    %dma_wait3A_1892 = arith.constant 3 : i32
    %dma_wait3A_1893 = arith.constant 0 : i32
    %dma_wait3A_1894 = arith.constant 0 : i32
    %dma_wait3A_1895 = tpu.memref_slice %arg9[%dma_wait3A_1891, %dma_wait3A_1893, %dma_wait3A_1894] : memref<6x128x128xf32, #tpu.memory_space<vmem>> -> memref<1x128x128xf32, #tpu.memory_space<vmem>>
    %dma_wait3A_1896 = tpu.memref_squeeze %dma_wait3A_1895 : memref<1x128x128xf32, #tpu.memory_space<vmem>> -> memref<128x128xf32, #tpu.memory_space<vmem>>
    %dma_wait3A_1897 = arith.constant 0 : i32
    %dma_wait3A_1898 = tpu.memref_slice %arg5[%add3A_1810, %dma_wait3A_1897] : memref<204800x128xf32, #tpu.memory_space<hbm>> -> memref<128x128xf32, #tpu.memory_space<hbm>>
    %dma_wait3A_1899 = tpu.memref_slice %arg11[%dma_wait3A_1892] : memref<6x!tpu.dma_semaphore, #tpu.memory_space<semaphore_mem>> -> memref<1x!tpu.dma_semaphore, #tpu.memory_space<semaphore_mem>>
    %dma_wait3A_1900 = tpu.memref_squeeze %dma_wait3A_1899 : memref<1x!tpu.dma_semaphore, #tpu.memory_space<semaphore_mem>> -> memref<!tpu.dma_semaphore, #tpu.memory_space<semaphore_mem>>
    %dma_wait3A_1901 = arith.constant 0 : i32
    %dma_wait3A_1902 = tpu.memref_slice %arg5[%add3A_1810, %dma_wait3A_1901] : memref<204800x128xf32, #tpu.memory_space<hbm>> -> memref<128x128xf32, #tpu.memory_space<hbm>>
    %dma_wait3A_1903 = arith.constant 0 : i32
    %dma_wait3A_1904 = arith.constant 0 : i32
    %dma_wait3A_1905 = tpu.memref_slice %arg9[%dma_wait3A_1891, %dma_wait3A_1903, %dma_wait3A_1904] : memref<6x128x128xf32, #tpu.memory_space<vmem>> -> memref<1x128x128xf32, #tpu.memory_space<vmem>>
    %dma_wait3A_1906 = tpu.memref_squeeze %dma_wait3A_1905 : memref<1x128x128xf32, #tpu.memory_space<vmem>> -> memref<128x128xf32, #tpu.memory_space<vmem>>
    tpu.wait_dma2 semaphore(%dma_wait3A_1900 : memref<!tpu.dma_semaphore, #tpu.memory_space<semaphore_mem>>) src(%dma_wait3A_1906 : memref<128x128xf32, #tpu.memory_space<vmem>>) dst(%dma_wait3A_1902 : memref<128x128xf32, #tpu.memory_space<hbm>>)
    %dma_start3A_1907 = arith.constant 33 : i32
    %dma_start3A_1908 = arith.constant 3 : i32
    %dma_start3A_1909 = arith.constant 3 : i32
    %dma_start3A_1910 = arith.constant 0 : i32
    %dma_start3A_1911 = arith.constant 0 : i32
    %dma_start3A_1912 = tpu.memref_slice %arg9[%dma_start3A_1908, %dma_start3A_1910, %dma_start3A_1911] : memref<6x128x128xf32, #tpu.memory_space<vmem>> -> memref<1x128x128xf32, #tpu.memory_space<vmem>>
    %dma_start3A_1913 = tpu.memref_squeeze %dma_start3A_1912 : memref<1x128x128xf32, #tpu.memory_space<vmem>> -> memref<128x128xf32, #tpu.memory_space<vmem>>
    %dma_start3A_1914 = arith.constant 0 : i32
    %dma_start3A_1915 = tpu.memref_slice %arg8[%dma_start3A_1907, %dma_start3A_1914] : memref<50x128xi32, #tpu.memory_space<vmem>> -> memref<1x128xi32, #tpu.memory_space<vmem>>
    %dma_start3A_1916 = tpu.memref_squeeze %dma_start3A_1915 : memref<1x128xi32, #tpu.memory_space<vmem>> -> memref<128xi32, #tpu.memory_space<vmem>>
    %dma_start3A_1917 = arith.constant 0 : i32
    %dma_start3A_1918 = arith.constant 0 : i32
    %dma_start3A_1919 = tpu.memref_slice %arg2[%dma_start3A_1917, %dma_start3A_1918] : memref<14600x128xf32, #tpu.memory_space<hbm>> -> memref<14600x128xf32, #tpu.memory_space<hbm>>
    %dma_start3A_1920 = tpu.memref_slice %arg10[%dma_start3A_1909] : memref<6x!tpu.dma_semaphore, #tpu.memory_space<semaphore_mem>> -> memref<1x!tpu.dma_semaphore, #tpu.memory_space<semaphore_mem>>
    %dma_start3A_1921 = tpu.memref_squeeze %dma_start3A_1920 : memref<1x!tpu.dma_semaphore, #tpu.memory_space<semaphore_mem>> -> memref<!tpu.dma_semaphore, #tpu.memory_space<semaphore_mem>>
    tpu.enqueue_indirect_dma source(%dma_start3A_1919 : memref<14600x128xf32, #tpu.memory_space<hbm>>) target(%dma_start3A_1913 : memref<128x128xf32, #tpu.memory_space<vmem>>) offsets(%dma_start3A_1916 : memref<128xi32, #tpu.memory_space<vmem>>) semaphore(%dma_start3A_1921 : memref<!tpu.dma_semaphore, #tpu.memory_space<semaphore_mem>>)
    %dma_wait3A_1922 = arith.constant 29 : i32
    %dma_wait3A_1923 = arith.constant 5 : i32
    %dma_wait3A_1924 = arith.constant 5 : i32
    %dma_wait3A_1925 = arith.constant 0 : i32
    %dma_wait3A_1926 = arith.constant 0 : i32
    %dma_wait3A_1927 = tpu.memref_slice %arg9[%dma_wait3A_1923, %dma_wait3A_1925, %dma_wait3A_1926] : memref<6x128x128xf32, #tpu.memory_space<vmem>> -> memref<1x128x128xf32, #tpu.memory_space<vmem>>
    %dma_wait3A_1928 = tpu.memref_squeeze %dma_wait3A_1927 : memref<1x128x128xf32, #tpu.memory_space<vmem>> -> memref<128x128xf32, #tpu.memory_space<vmem>>
    %dma_wait3A_1929 = arith.constant 0 : i32
    %dma_wait3A_1930 = tpu.memref_slice %arg8[%dma_wait3A_1922, %dma_wait3A_1929] : memref<50x128xi32, #tpu.memory_space<vmem>> -> memref<1x128xi32, #tpu.memory_space<vmem>>
    %dma_wait3A_1931 = tpu.memref_squeeze %dma_wait3A_1930 : memref<1x128xi32, #tpu.memory_space<vmem>> -> memref<128xi32, #tpu.memory_space<vmem>>
    %dma_wait3A_1932 = arith.constant 0 : i32
    %dma_wait3A_1933 = arith.constant 0 : i32
    %dma_wait3A_1934 = tpu.memref_slice %arg2[%dma_wait3A_1932, %dma_wait3A_1933] : memref<14600x128xf32, #tpu.memory_space<hbm>> -> memref<14600x128xf32, #tpu.memory_space<hbm>>
    %dma_wait3A_1935 = tpu.memref_slice %arg10[%dma_wait3A_1924] : memref<6x!tpu.dma_semaphore, #tpu.memory_space<semaphore_mem>> -> memref<1x!tpu.dma_semaphore, #tpu.memory_space<semaphore_mem>>
    %dma_wait3A_1936 = tpu.memref_squeeze %dma_wait3A_1935 : memref<1x!tpu.dma_semaphore, #tpu.memory_space<semaphore_mem>> -> memref<!tpu.dma_semaphore, #tpu.memory_space<semaphore_mem>>
    tpu.wait_indirect_dma semaphore(%dma_wait3A_1936 : memref<!tpu.dma_semaphore, #tpu.memory_space<semaphore_mem>>) src(%dma_wait3A_1934 : memref<14600x128xf32, #tpu.memory_space<hbm>>) dst(%dma_wait3A_1928 : memref<128x128xf32, #tpu.memory_space<vmem>>)
    %add3A_1937 = arith.constant 3712 : i32
    %add3A_1938 = arith.addi %mul3A_2, %add3A_1937 : i32
    %dma_start3A_1939 = arith.constant 5 : i32
    %dma_start3A_1940 = arith.constant 5 : i32
    %dma_start3A_1941 = arith.constant 0 : i32
    %dma_start3A_1942 = arith.constant 0 : i32
    %dma_start3A_1943 = tpu.memref_slice %arg9[%dma_start3A_1939, %dma_start3A_1941, %dma_start3A_1942] : memref<6x128x128xf32, #tpu.memory_space<vmem>> -> memref<1x128x128xf32, #tpu.memory_space<vmem>>
    %dma_start3A_1944 = tpu.memref_squeeze %dma_start3A_1943 : memref<1x128x128xf32, #tpu.memory_space<vmem>> -> memref<128x128xf32, #tpu.memory_space<vmem>>
    %dma_start3A_1945 = arith.constant 0 : i32
    %dma_start3A_1946 = tpu.memref_slice %arg5[%add3A_1938, %dma_start3A_1945] : memref<204800x128xf32, #tpu.memory_space<hbm>> -> memref<128x128xf32, #tpu.memory_space<hbm>>
    %dma_start3A_1947 = tpu.memref_slice %arg11[%dma_start3A_1940] : memref<6x!tpu.dma_semaphore, #tpu.memory_space<semaphore_mem>> -> memref<1x!tpu.dma_semaphore, #tpu.memory_space<semaphore_mem>>
    %dma_start3A_1948 = tpu.memref_squeeze %dma_start3A_1947 : memref<1x!tpu.dma_semaphore, #tpu.memory_space<semaphore_mem>> -> memref<!tpu.dma_semaphore, #tpu.memory_space<semaphore_mem>>
    %dma_start3A_1949 = arith.constant 0 : i32
    %dma_start3A_1950 = tpu.memref_slice %arg5[%add3A_1938, %dma_start3A_1949] : memref<204800x128xf32, #tpu.memory_space<hbm>> -> memref<128x128xf32, #tpu.memory_space<hbm>>
    %dma_start3A_1951 = arith.constant 0 : i32
    %dma_start3A_1952 = arith.constant 0 : i32
    %dma_start3A_1953 = tpu.memref_slice %arg9[%dma_start3A_1939, %dma_start3A_1951, %dma_start3A_1952] : memref<6x128x128xf32, #tpu.memory_space<vmem>> -> memref<1x128x128xf32, #tpu.memory_space<vmem>>
    %dma_start3A_1954 = tpu.memref_squeeze %dma_start3A_1953 : memref<1x128x128xf32, #tpu.memory_space<vmem>> -> memref<128x128xf32, #tpu.memory_space<vmem>>
    tpu.enqueue_dma source(%dma_start3A_1954 : memref<128x128xf32, #tpu.memory_space<vmem>>) target(%dma_start3A_1950 : memref<128x128xf32, #tpu.memory_space<hbm>>) target_semaphore(%dma_start3A_1948 : memref<!tpu.dma_semaphore, #tpu.memory_space<semaphore_mem>>)
    %dma_wait3A_1955 = arith.constant 4 : i32
    %dma_wait3A_1956 = arith.constant 4 : i32
    %dma_wait3A_1957 = arith.constant 0 : i32
    %dma_wait3A_1958 = arith.constant 0 : i32
    %dma_wait3A_1959 = tpu.memref_slice %arg9[%dma_wait3A_1955, %dma_wait3A_1957, %dma_wait3A_1958] : memref<6x128x128xf32, #tpu.memory_space<vmem>> -> memref<1x128x128xf32, #tpu.memory_space<vmem>>
    %dma_wait3A_1960 = tpu.memref_squeeze %dma_wait3A_1959 : memref<1x128x128xf32, #tpu.memory_space<vmem>> -> memref<128x128xf32, #tpu.memory_space<vmem>>
    %dma_wait3A_1961 = arith.constant 0 : i32
    %dma_wait3A_1962 = tpu.memref_slice %arg5[%add3A_1874, %dma_wait3A_1961] : memref<204800x128xf32, #tpu.memory_space<hbm>> -> memref<128x128xf32, #tpu.memory_space<hbm>>
    %dma_wait3A_1963 = tpu.memref_slice %arg11[%dma_wait3A_1956] : memref<6x!tpu.dma_semaphore, #tpu.memory_space<semaphore_mem>> -> memref<1x!tpu.dma_semaphore, #tpu.memory_space<semaphore_mem>>
    %dma_wait3A_1964 = tpu.memref_squeeze %dma_wait3A_1963 : memref<1x!tpu.dma_semaphore, #tpu.memory_space<semaphore_mem>> -> memref<!tpu.dma_semaphore, #tpu.memory_space<semaphore_mem>>
    %dma_wait3A_1965 = arith.constant 0 : i32
    %dma_wait3A_1966 = tpu.memref_slice %arg5[%add3A_1874, %dma_wait3A_1965] : memref<204800x128xf32, #tpu.memory_space<hbm>> -> memref<128x128xf32, #tpu.memory_space<hbm>>
    %dma_wait3A_1967 = arith.constant 0 : i32
    %dma_wait3A_1968 = arith.constant 0 : i32
    %dma_wait3A_1969 = tpu.memref_slice %arg9[%dma_wait3A_1955, %dma_wait3A_1967, %dma_wait3A_1968] : memref<6x128x128xf32, #tpu.memory_space<vmem>> -> memref<1x128x128xf32, #tpu.memory_space<vmem>>
    %dma_wait3A_1970 = tpu.memref_squeeze %dma_wait3A_1969 : memref<1x128x128xf32, #tpu.memory_space<vmem>> -> memref<128x128xf32, #tpu.memory_space<vmem>>
    tpu.wait_dma2 semaphore(%dma_wait3A_1964 : memref<!tpu.dma_semaphore, #tpu.memory_space<semaphore_mem>>) src(%dma_wait3A_1970 : memref<128x128xf32, #tpu.memory_space<vmem>>) dst(%dma_wait3A_1966 : memref<128x128xf32, #tpu.memory_space<hbm>>)
    %dma_start3A_1971 = arith.constant 34 : i32
    %dma_start3A_1972 = arith.constant 4 : i32
    %dma_start3A_1973 = arith.constant 4 : i32
    %dma_start3A_1974 = arith.constant 0 : i32
    %dma_start3A_1975 = arith.constant 0 : i32
    %dma_start3A_1976 = tpu.memref_slice %arg9[%dma_start3A_1972, %dma_start3A_1974, %dma_start3A_1975] : memref<6x128x128xf32, #tpu.memory_space<vmem>> -> memref<1x128x128xf32, #tpu.memory_space<vmem>>
    %dma_start3A_1977 = tpu.memref_squeeze %dma_start3A_1976 : memref<1x128x128xf32, #tpu.memory_space<vmem>> -> memref<128x128xf32, #tpu.memory_space<vmem>>
    %dma_start3A_1978 = arith.constant 0 : i32
    %dma_start3A_1979 = tpu.memref_slice %arg8[%dma_start3A_1971, %dma_start3A_1978] : memref<50x128xi32, #tpu.memory_space<vmem>> -> memref<1x128xi32, #tpu.memory_space<vmem>>
    %dma_start3A_1980 = tpu.memref_squeeze %dma_start3A_1979 : memref<1x128xi32, #tpu.memory_space<vmem>> -> memref<128xi32, #tpu.memory_space<vmem>>
    %dma_start3A_1981 = arith.constant 0 : i32
    %dma_start3A_1982 = arith.constant 0 : i32
    %dma_start3A_1983 = tpu.memref_slice %arg2[%dma_start3A_1981, %dma_start3A_1982] : memref<14600x128xf32, #tpu.memory_space<hbm>> -> memref<14600x128xf32, #tpu.memory_space<hbm>>
    %dma_start3A_1984 = tpu.memref_slice %arg10[%dma_start3A_1973] : memref<6x!tpu.dma_semaphore, #tpu.memory_space<semaphore_mem>> -> memref<1x!tpu.dma_semaphore, #tpu.memory_space<semaphore_mem>>
    %dma_start3A_1985 = tpu.memref_squeeze %dma_start3A_1984 : memref<1x!tpu.dma_semaphore, #tpu.memory_space<semaphore_mem>> -> memref<!tpu.dma_semaphore, #tpu.memory_space<semaphore_mem>>
    tpu.enqueue_indirect_dma source(%dma_start3A_1983 : memref<14600x128xf32, #tpu.memory_space<hbm>>) target(%dma_start3A_1977 : memref<128x128xf32, #tpu.memory_space<vmem>>) offsets(%dma_start3A_1980 : memref<128xi32, #tpu.memory_space<vmem>>) semaphore(%dma_start3A_1985 : memref<!tpu.dma_semaphore, #tpu.memory_space<semaphore_mem>>)
    %dma_wait3A_1986 = arith.constant 30 : i32
    %dma_wait3A_1987 = arith.constant 0 : i32
    %dma_wait3A_1988 = arith.constant 0 : i32
    %dma_wait3A_1989 = arith.constant 0 : i32
    %dma_wait3A_1990 = arith.constant 0 : i32
    %dma_wait3A_1991 = tpu.memref_slice %arg9[%dma_wait3A_1987, %dma_wait3A_1989, %dma_wait3A_1990] : memref<6x128x128xf32, #tpu.memory_space<vmem>> -> memref<1x128x128xf32, #tpu.memory_space<vmem>>
    %dma_wait3A_1992 = tpu.memref_squeeze %dma_wait3A_1991 : memref<1x128x128xf32, #tpu.memory_space<vmem>> -> memref<128x128xf32, #tpu.memory_space<vmem>>
    %dma_wait3A_1993 = arith.constant 0 : i32
    %dma_wait3A_1994 = tpu.memref_slice %arg8[%dma_wait3A_1986, %dma_wait3A_1993] : memref<50x128xi32, #tpu.memory_space<vmem>> -> memref<1x128xi32, #tpu.memory_space<vmem>>
    %dma_wait3A_1995 = tpu.memref_squeeze %dma_wait3A_1994 : memref<1x128xi32, #tpu.memory_space<vmem>> -> memref<128xi32, #tpu.memory_space<vmem>>
    %dma_wait3A_1996 = arith.constant 0 : i32
    %dma_wait3A_1997 = arith.constant 0 : i32
    %dma_wait3A_1998 = tpu.memref_slice %arg2[%dma_wait3A_1996, %dma_wait3A_1997] : memref<14600x128xf32, #tpu.memory_space<hbm>> -> memref<14600x128xf32, #tpu.memory_space<hbm>>
    %dma_wait3A_1999 = tpu.memref_slice %arg10[%dma_wait3A_1988] : memref<6x!tpu.dma_semaphore, #tpu.memory_space<semaphore_mem>> -> memref<1x!tpu.dma_semaphore, #tpu.memory_space<semaphore_mem>>
    %dma_wait3A_2000 = tpu.memref_squeeze %dma_wait3A_1999 : memref<1x!tpu.dma_semaphore, #tpu.memory_space<semaphore_mem>> -> memref<!tpu.dma_semaphore, #tpu.memory_space<semaphore_mem>>
    tpu.wait_indirect_dma semaphore(%dma_wait3A_2000 : memref<!tpu.dma_semaphore, #tpu.memory_space<semaphore_mem>>) src(%dma_wait3A_1998 : memref<14600x128xf32, #tpu.memory_space<hbm>>) dst(%dma_wait3A_1992 : memref<128x128xf32, #tpu.memory_space<vmem>>)
    %add3A_2001 = arith.constant 3840 : i32
    %add3A_2002 = arith.addi %mul3A_2, %add3A_2001 : i32
    %dma_start3A_2003 = arith.constant 0 : i32
    %dma_start3A_2004 = arith.constant 0 : i32
    %dma_start3A_2005 = arith.constant 0 : i32
    %dma_start3A_2006 = arith.constant 0 : i32
    %dma_start3A_2007 = tpu.memref_slice %arg9[%dma_start3A_2003, %dma_start3A_2005, %dma_start3A_2006] : memref<6x128x128xf32, #tpu.memory_space<vmem>> -> memref<1x128x128xf32, #tpu.memory_space<vmem>>
    %dma_start3A_2008 = tpu.memref_squeeze %dma_start3A_2007 : memref<1x128x128xf32, #tpu.memory_space<vmem>> -> memref<128x128xf32, #tpu.memory_space<vmem>>
    %dma_start3A_2009 = arith.constant 0 : i32
    %dma_start3A_2010 = tpu.memref_slice %arg5[%add3A_2002, %dma_start3A_2009] : memref<204800x128xf32, #tpu.memory_space<hbm>> -> memref<128x128xf32, #tpu.memory_space<hbm>>
    %dma_start3A_2011 = tpu.memref_slice %arg11[%dma_start3A_2004] : memref<6x!tpu.dma_semaphore, #tpu.memory_space<semaphore_mem>> -> memref<1x!tpu.dma_semaphore, #tpu.memory_space<semaphore_mem>>
    %dma_start3A_2012 = tpu.memref_squeeze %dma_start3A_2011 : memref<1x!tpu.dma_semaphore, #tpu.memory_space<semaphore_mem>> -> memref<!tpu.dma_semaphore, #tpu.memory_space<semaphore_mem>>
    %dma_start3A_2013 = arith.constant 0 : i32
    %dma_start3A_2014 = tpu.memref_slice %arg5[%add3A_2002, %dma_start3A_2013] : memref<204800x128xf32, #tpu.memory_space<hbm>> -> memref<128x128xf32, #tpu.memory_space<hbm>>
    %dma_start3A_2015 = arith.constant 0 : i32
    %dma_start3A_2016 = arith.constant 0 : i32
    %dma_start3A_2017 = tpu.memref_slice %arg9[%dma_start3A_2003, %dma_start3A_2015, %dma_start3A_2016] : memref<6x128x128xf32, #tpu.memory_space<vmem>> -> memref<1x128x128xf32, #tpu.memory_space<vmem>>
    %dma_start3A_2018 = tpu.memref_squeeze %dma_start3A_2017 : memref<1x128x128xf32, #tpu.memory_space<vmem>> -> memref<128x128xf32, #tpu.memory_space<vmem>>
    tpu.enqueue_dma source(%dma_start3A_2018 : memref<128x128xf32, #tpu.memory_space<vmem>>) target(%dma_start3A_2014 : memref<128x128xf32, #tpu.memory_space<hbm>>) target_semaphore(%dma_start3A_2012 : memref<!tpu.dma_semaphore, #tpu.memory_space<semaphore_mem>>)
    %dma_wait3A_2019 = arith.constant 5 : i32
    %dma_wait3A_2020 = arith.constant 5 : i32
    %dma_wait3A_2021 = arith.constant 0 : i32
    %dma_wait3A_2022 = arith.constant 0 : i32
    %dma_wait3A_2023 = tpu.memref_slice %arg9[%dma_wait3A_2019, %dma_wait3A_2021, %dma_wait3A_2022] : memref<6x128x128xf32, #tpu.memory_space<vmem>> -> memref<1x128x128xf32, #tpu.memory_space<vmem>>
    %dma_wait3A_2024 = tpu.memref_squeeze %dma_wait3A_2023 : memref<1x128x128xf32, #tpu.memory_space<vmem>> -> memref<128x128xf32, #tpu.memory_space<vmem>>
    %dma_wait3A_2025 = arith.constant 0 : i32
    %dma_wait3A_2026 = tpu.memref_slice %arg5[%add3A_1938, %dma_wait3A_2025] : memref<204800x128xf32, #tpu.memory_space<hbm>> -> memref<128x128xf32, #tpu.memory_space<hbm>>
    %dma_wait3A_2027 = tpu.memref_slice %arg11[%dma_wait3A_2020] : memref<6x!tpu.dma_semaphore, #tpu.memory_space<semaphore_mem>> -> memref<1x!tpu.dma_semaphore, #tpu.memory_space<semaphore_mem>>
    %dma_wait3A_2028 = tpu.memref_squeeze %dma_wait3A_2027 : memref<1x!tpu.dma_semaphore, #tpu.memory_space<semaphore_mem>> -> memref<!tpu.dma_semaphore, #tpu.memory_space<semaphore_mem>>
    %dma_wait3A_2029 = arith.constant 0 : i32
    %dma_wait3A_2030 = tpu.memref_slice %arg5[%add3A_1938, %dma_wait3A_2029] : memref<204800x128xf32, #tpu.memory_space<hbm>> -> memref<128x128xf32, #tpu.memory_space<hbm>>
    %dma_wait3A_2031 = arith.constant 0 : i32
    %dma_wait3A_2032 = arith.constant 0 : i32
    %dma_wait3A_2033 = tpu.memref_slice %arg9[%dma_wait3A_2019, %dma_wait3A_2031, %dma_wait3A_2032] : memref<6x128x128xf32, #tpu.memory_space<vmem>> -> memref<1x128x128xf32, #tpu.memory_space<vmem>>
    %dma_wait3A_2034 = tpu.memref_squeeze %dma_wait3A_2033 : memref<1x128x128xf32, #tpu.memory_space<vmem>> -> memref<128x128xf32, #tpu.memory_space<vmem>>
    tpu.wait_dma2 semaphore(%dma_wait3A_2028 : memref<!tpu.dma_semaphore, #tpu.memory_space<semaphore_mem>>) src(%dma_wait3A_2034 : memref<128x128xf32, #tpu.memory_space<vmem>>) dst(%dma_wait3A_2030 : memref<128x128xf32, #tpu.memory_space<hbm>>)
    %dma_start3A_2035 = arith.constant 35 : i32
    %dma_start3A_2036 = arith.constant 5 : i32
    %dma_start3A_2037 = arith.constant 5 : i32
    %dma_start3A_2038 = arith.constant 0 : i32
    %dma_start3A_2039 = arith.constant 0 : i32
    %dma_start3A_2040 = tpu.memref_slice %arg9[%dma_start3A_2036, %dma_start3A_2038, %dma_start3A_2039] : memref<6x128x128xf32, #tpu.memory_space<vmem>> -> memref<1x128x128xf32, #tpu.memory_space<vmem>>
    %dma_start3A_2041 = tpu.memref_squeeze %dma_start3A_2040 : memref<1x128x128xf32, #tpu.memory_space<vmem>> -> memref<128x128xf32, #tpu.memory_space<vmem>>
    %dma_start3A_2042 = arith.constant 0 : i32
    %dma_start3A_2043 = tpu.memref_slice %arg8[%dma_start3A_2035, %dma_start3A_2042] : memref<50x128xi32, #tpu.memory_space<vmem>> -> memref<1x128xi32, #tpu.memory_space<vmem>>
    %dma_start3A_2044 = tpu.memref_squeeze %dma_start3A_2043 : memref<1x128xi32, #tpu.memory_space<vmem>> -> memref<128xi32, #tpu.memory_space<vmem>>
    %dma_start3A_2045 = arith.constant 0 : i32
    %dma_start3A_2046 = arith.constant 0 : i32
    %dma_start3A_2047 = tpu.memref_slice %arg2[%dma_start3A_2045, %dma_start3A_2046] : memref<14600x128xf32, #tpu.memory_space<hbm>> -> memref<14600x128xf32, #tpu.memory_space<hbm>>
    %dma_start3A_2048 = tpu.memref_slice %arg10[%dma_start3A_2037] : memref<6x!tpu.dma_semaphore, #tpu.memory_space<semaphore_mem>> -> memref<1x!tpu.dma_semaphore, #tpu.memory_space<semaphore_mem>>
    %dma_start3A_2049 = tpu.memref_squeeze %dma_start3A_2048 : memref<1x!tpu.dma_semaphore, #tpu.memory_space<semaphore_mem>> -> memref<!tpu.dma_semaphore, #tpu.memory_space<semaphore_mem>>
    tpu.enqueue_indirect_dma source(%dma_start3A_2047 : memref<14600x128xf32, #tpu.memory_space<hbm>>) target(%dma_start3A_2041 : memref<128x128xf32, #tpu.memory_space<vmem>>) offsets(%dma_start3A_2044 : memref<128xi32, #tpu.memory_space<vmem>>) semaphore(%dma_start3A_2049 : memref<!tpu.dma_semaphore, #tpu.memory_space<semaphore_mem>>)
    %dma_wait3A_2050 = arith.constant 31 : i32
    %dma_wait3A_2051 = arith.constant 1 : i32
    %dma_wait3A_2052 = arith.constant 1 : i32
    %dma_wait3A_2053 = arith.constant 0 : i32
    %dma_wait3A_2054 = arith.constant 0 : i32
    %dma_wait3A_2055 = tpu.memref_slice %arg9[%dma_wait3A_2051, %dma_wait3A_2053, %dma_wait3A_2054] : memref<6x128x128xf32, #tpu.memory_space<vmem>> -> memref<1x128x128xf32, #tpu.memory_space<vmem>>
    %dma_wait3A_2056 = tpu.memref_squeeze %dma_wait3A_2055 : memref<1x128x128xf32, #tpu.memory_space<vmem>> -> memref<128x128xf32, #tpu.memory_space<vmem>>
    %dma_wait3A_2057 = arith.constant 0 : i32
    %dma_wait3A_2058 = tpu.memref_slice %arg8[%dma_wait3A_2050, %dma_wait3A_2057] : memref<50x128xi32, #tpu.memory_space<vmem>> -> memref<1x128xi32, #tpu.memory_space<vmem>>
    %dma_wait3A_2059 = tpu.memref_squeeze %dma_wait3A_2058 : memref<1x128xi32, #tpu.memory_space<vmem>> -> memref<128xi32, #tpu.memory_space<vmem>>
    %dma_wait3A_2060 = arith.constant 0 : i32
    %dma_wait3A_2061 = arith.constant 0 : i32
    %dma_wait3A_2062 = tpu.memref_slice %arg2[%dma_wait3A_2060, %dma_wait3A_2061] : memref<14600x128xf32, #tpu.memory_space<hbm>> -> memref<14600x128xf32, #tpu.memory_space<hbm>>
    %dma_wait3A_2063 = tpu.memref_slice %arg10[%dma_wait3A_2052] : memref<6x!tpu.dma_semaphore, #tpu.memory_space<semaphore_mem>> -> memref<1x!tpu.dma_semaphore, #tpu.memory_space<semaphore_mem>>
    %dma_wait3A_2064 = tpu.memref_squeeze %dma_wait3A_2063 : memref<1x!tpu.dma_semaphore, #tpu.memory_space<semaphore_mem>> -> memref<!tpu.dma_semaphore, #tpu.memory_space<semaphore_mem>>
    tpu.wait_indirect_dma semaphore(%dma_wait3A_2064 : memref<!tpu.dma_semaphore, #tpu.memory_space<semaphore_mem>>) src(%dma_wait3A_2062 : memref<14600x128xf32, #tpu.memory_space<hbm>>) dst(%dma_wait3A_2056 : memref<128x128xf32, #tpu.memory_space<vmem>>)
    %add3A_2065 = arith.constant 3968 : i32
    %add3A_2066 = arith.addi %mul3A_2, %add3A_2065 : i32
    %dma_start3A_2067 = arith.constant 1 : i32
    %dma_start3A_2068 = arith.constant 1 : i32
    %dma_start3A_2069 = arith.constant 0 : i32
    %dma_start3A_2070 = arith.constant 0 : i32
    %dma_start3A_2071 = tpu.memref_slice %arg9[%dma_start3A_2067, %dma_start3A_2069, %dma_start3A_2070] : memref<6x128x128xf32, #tpu.memory_space<vmem>> -> memref<1x128x128xf32, #tpu.memory_space<vmem>>
    %dma_start3A_2072 = tpu.memref_squeeze %dma_start3A_2071 : memref<1x128x128xf32, #tpu.memory_space<vmem>> -> memref<128x128xf32, #tpu.memory_space<vmem>>
    %dma_start3A_2073 = arith.constant 0 : i32
    %dma_start3A_2074 = tpu.memref_slice %arg5[%add3A_2066, %dma_start3A_2073] : memref<204800x128xf32, #tpu.memory_space<hbm>> -> memref<128x128xf32, #tpu.memory_space<hbm>>
    %dma_start3A_2075 = tpu.memref_slice %arg11[%dma_start3A_2068] : memref<6x!tpu.dma_semaphore, #tpu.memory_space<semaphore_mem>> -> memref<1x!tpu.dma_semaphore, #tpu.memory_space<semaphore_mem>>
    %dma_start3A_2076 = tpu.memref_squeeze %dma_start3A_2075 : memref<1x!tpu.dma_semaphore, #tpu.memory_space<semaphore_mem>> -> memref<!tpu.dma_semaphore, #tpu.memory_space<semaphore_mem>>
    %dma_start3A_2077 = arith.constant 0 : i32
    %dma_start3A_2078 = tpu.memref_slice %arg5[%add3A_2066, %dma_start3A_2077] : memref<204800x128xf32, #tpu.memory_space<hbm>> -> memref<128x128xf32, #tpu.memory_space<hbm>>
    %dma_start3A_2079 = arith.constant 0 : i32
    %dma_start3A_2080 = arith.constant 0 : i32
    %dma_start3A_2081 = tpu.memref_slice %arg9[%dma_start3A_2067, %dma_start3A_2079, %dma_start3A_2080] : memref<6x128x128xf32, #tpu.memory_space<vmem>> -> memref<1x128x128xf32, #tpu.memory_space<vmem>>
    %dma_start3A_2082 = tpu.memref_squeeze %dma_start3A_2081 : memref<1x128x128xf32, #tpu.memory_space<vmem>> -> memref<128x128xf32, #tpu.memory_space<vmem>>
    tpu.enqueue_dma source(%dma_start3A_2082 : memref<128x128xf32, #tpu.memory_space<vmem>>) target(%dma_start3A_2078 : memref<128x128xf32, #tpu.memory_space<hbm>>) target_semaphore(%dma_start3A_2076 : memref<!tpu.dma_semaphore, #tpu.memory_space<semaphore_mem>>)
    %dma_wait3A_2083 = arith.constant 0 : i32
    %dma_wait3A_2084 = arith.constant 0 : i32
    %dma_wait3A_2085 = arith.constant 0 : i32
    %dma_wait3A_2086 = arith.constant 0 : i32
    %dma_wait3A_2087 = tpu.memref_slice %arg9[%dma_wait3A_2083, %dma_wait3A_2085, %dma_wait3A_2086] : memref<6x128x128xf32, #tpu.memory_space<vmem>> -> memref<1x128x128xf32, #tpu.memory_space<vmem>>
    %dma_wait3A_2088 = tpu.memref_squeeze %dma_wait3A_2087 : memref<1x128x128xf32, #tpu.memory_space<vmem>> -> memref<128x128xf32, #tpu.memory_space<vmem>>
    %dma_wait3A_2089 = arith.constant 0 : i32
    %dma_wait3A_2090 = tpu.memref_slice %arg5[%add3A_2002, %dma_wait3A_2089] : memref<204800x128xf32, #tpu.memory_space<hbm>> -> memref<128x128xf32, #tpu.memory_space<hbm>>
    %dma_wait3A_2091 = tpu.memref_slice %arg11[%dma_wait3A_2084] : memref<6x!tpu.dma_semaphore, #tpu.memory_space<semaphore_mem>> -> memref<1x!tpu.dma_semaphore, #tpu.memory_space<semaphore_mem>>
    %dma_wait3A_2092 = tpu.memref_squeeze %dma_wait3A_2091 : memref<1x!tpu.dma_semaphore, #tpu.memory_space<semaphore_mem>> -> memref<!tpu.dma_semaphore, #tpu.memory_space<semaphore_mem>>
    %dma_wait3A_2093 = arith.constant 0 : i32
    %dma_wait3A_2094 = tpu.memref_slice %arg5[%add3A_2002, %dma_wait3A_2093] : memref<204800x128xf32, #tpu.memory_space<hbm>> -> memref<128x128xf32, #tpu.memory_space<hbm>>
    %dma_wait3A_2095 = arith.constant 0 : i32
    %dma_wait3A_2096 = arith.constant 0 : i32
    %dma_wait3A_2097 = tpu.memref_slice %arg9[%dma_wait3A_2083, %dma_wait3A_2095, %dma_wait3A_2096] : memref<6x128x128xf32, #tpu.memory_space<vmem>> -> memref<1x128x128xf32, #tpu.memory_space<vmem>>
    %dma_wait3A_2098 = tpu.memref_squeeze %dma_wait3A_2097 : memref<1x128x128xf32, #tpu.memory_space<vmem>> -> memref<128x128xf32, #tpu.memory_space<vmem>>
    tpu.wait_dma2 semaphore(%dma_wait3A_2092 : memref<!tpu.dma_semaphore, #tpu.memory_space<semaphore_mem>>) src(%dma_wait3A_2098 : memref<128x128xf32, #tpu.memory_space<vmem>>) dst(%dma_wait3A_2094 : memref<128x128xf32, #tpu.memory_space<hbm>>)
    %dma_start3A_2099 = arith.constant 36 : i32
    %dma_start3A_2100 = arith.constant 0 : i32
    %dma_start3A_2101 = arith.constant 0 : i32
    %dma_start3A_2102 = arith.constant 0 : i32
    %dma_start3A_2103 = arith.constant 0 : i32
    %dma_start3A_2104 = tpu.memref_slice %arg9[%dma_start3A_2100, %dma_start3A_2102, %dma_start3A_2103] : memref<6x128x128xf32, #tpu.memory_space<vmem>> -> memref<1x128x128xf32, #tpu.memory_space<vmem>>
    %dma_start3A_2105 = tpu.memref_squeeze %dma_start3A_2104 : memref<1x128x128xf32, #tpu.memory_space<vmem>> -> memref<128x128xf32, #tpu.memory_space<vmem>>
    %dma_start3A_2106 = arith.constant 0 : i32
    %dma_start3A_2107 = tpu.memref_slice %arg8[%dma_start3A_2099, %dma_start3A_2106] : memref<50x128xi32, #tpu.memory_space<vmem>> -> memref<1x128xi32, #tpu.memory_space<vmem>>
    %dma_start3A_2108 = tpu.memref_squeeze %dma_start3A_2107 : memref<1x128xi32, #tpu.memory_space<vmem>> -> memref<128xi32, #tpu.memory_space<vmem>>
    %dma_start3A_2109 = arith.constant 0 : i32
    %dma_start3A_2110 = arith.constant 0 : i32
    %dma_start3A_2111 = tpu.memref_slice %arg2[%dma_start3A_2109, %dma_start3A_2110] : memref<14600x128xf32, #tpu.memory_space<hbm>> -> memref<14600x128xf32, #tpu.memory_space<hbm>>
    %dma_start3A_2112 = tpu.memref_slice %arg10[%dma_start3A_2101] : memref<6x!tpu.dma_semaphore, #tpu.memory_space<semaphore_mem>> -> memref<1x!tpu.dma_semaphore, #tpu.memory_space<semaphore_mem>>
    %dma_start3A_2113 = tpu.memref_squeeze %dma_start3A_2112 : memref<1x!tpu.dma_semaphore, #tpu.memory_space<semaphore_mem>> -> memref<!tpu.dma_semaphore, #tpu.memory_space<semaphore_mem>>
    tpu.enqueue_indirect_dma source(%dma_start3A_2111 : memref<14600x128xf32, #tpu.memory_space<hbm>>) target(%dma_start3A_2105 : memref<128x128xf32, #tpu.memory_space<vmem>>) offsets(%dma_start3A_2108 : memref<128xi32, #tpu.memory_space<vmem>>) semaphore(%dma_start3A_2113 : memref<!tpu.dma_semaphore, #tpu.memory_space<semaphore_mem>>)
    %dma_wait3A_2114 = arith.constant 32 : i32
    %dma_wait3A_2115 = arith.constant 2 : i32
    %dma_wait3A_2116 = arith.constant 2 : i32
    %dma_wait3A_2117 = arith.constant 0 : i32
    %dma_wait3A_2118 = arith.constant 0 : i32
    %dma_wait3A_2119 = tpu.memref_slice %arg9[%dma_wait3A_2115, %dma_wait3A_2117, %dma_wait3A_2118] : memref<6x128x128xf32, #tpu.memory_space<vmem>> -> memref<1x128x128xf32, #tpu.memory_space<vmem>>
    %dma_wait3A_2120 = tpu.memref_squeeze %dma_wait3A_2119 : memref<1x128x128xf32, #tpu.memory_space<vmem>> -> memref<128x128xf32, #tpu.memory_space<vmem>>
    %dma_wait3A_2121 = arith.constant 0 : i32
    %dma_wait3A_2122 = tpu.memref_slice %arg8[%dma_wait3A_2114, %dma_wait3A_2121] : memref<50x128xi32, #tpu.memory_space<vmem>> -> memref<1x128xi32, #tpu.memory_space<vmem>>
    %dma_wait3A_2123 = tpu.memref_squeeze %dma_wait3A_2122 : memref<1x128xi32, #tpu.memory_space<vmem>> -> memref<128xi32, #tpu.memory_space<vmem>>
    %dma_wait3A_2124 = arith.constant 0 : i32
    %dma_wait3A_2125 = arith.constant 0 : i32
    %dma_wait3A_2126 = tpu.memref_slice %arg2[%dma_wait3A_2124, %dma_wait3A_2125] : memref<14600x128xf32, #tpu.memory_space<hbm>> -> memref<14600x128xf32, #tpu.memory_space<hbm>>
    %dma_wait3A_2127 = tpu.memref_slice %arg10[%dma_wait3A_2116] : memref<6x!tpu.dma_semaphore, #tpu.memory_space<semaphore_mem>> -> memref<1x!tpu.dma_semaphore, #tpu.memory_space<semaphore_mem>>
    %dma_wait3A_2128 = tpu.memref_squeeze %dma_wait3A_2127 : memref<1x!tpu.dma_semaphore, #tpu.memory_space<semaphore_mem>> -> memref<!tpu.dma_semaphore, #tpu.memory_space<semaphore_mem>>
    tpu.wait_indirect_dma semaphore(%dma_wait3A_2128 : memref<!tpu.dma_semaphore, #tpu.memory_space<semaphore_mem>>) src(%dma_wait3A_2126 : memref<14600x128xf32, #tpu.memory_space<hbm>>) dst(%dma_wait3A_2120 : memref<128x128xf32, #tpu.memory_space<vmem>>)
    %add3A_2129 = arith.constant 4096 : i32
    %add3A_2130 = arith.addi %mul3A_2, %add3A_2129 : i32
    %dma_start3A_2131 = arith.constant 2 : i32
    %dma_start3A_2132 = arith.constant 2 : i32
    %dma_start3A_2133 = arith.constant 0 : i32
    %dma_start3A_2134 = arith.constant 0 : i32
    %dma_start3A_2135 = tpu.memref_slice %arg9[%dma_start3A_2131, %dma_start3A_2133, %dma_start3A_2134] : memref<6x128x128xf32, #tpu.memory_space<vmem>> -> memref<1x128x128xf32, #tpu.memory_space<vmem>>
    %dma_start3A_2136 = tpu.memref_squeeze %dma_start3A_2135 : memref<1x128x128xf32, #tpu.memory_space<vmem>> -> memref<128x128xf32, #tpu.memory_space<vmem>>
    %dma_start3A_2137 = arith.constant 0 : i32
    %dma_start3A_2138 = tpu.memref_slice %arg5[%add3A_2130, %dma_start3A_2137] : memref<204800x128xf32, #tpu.memory_space<hbm>> -> memref<128x128xf32, #tpu.memory_space<hbm>>
    %dma_start3A_2139 = tpu.memref_slice %arg11[%dma_start3A_2132] : memref<6x!tpu.dma_semaphore, #tpu.memory_space<semaphore_mem>> -> memref<1x!tpu.dma_semaphore, #tpu.memory_space<semaphore_mem>>
    %dma_start3A_2140 = tpu.memref_squeeze %dma_start3A_2139 : memref<1x!tpu.dma_semaphore, #tpu.memory_space<semaphore_mem>> -> memref<!tpu.dma_semaphore, #tpu.memory_space<semaphore_mem>>
    %dma_start3A_2141 = arith.constant 0 : i32
    %dma_start3A_2142 = tpu.memref_slice %arg5[%add3A_2130, %dma_start3A_2141] : memref<204800x128xf32, #tpu.memory_space<hbm>> -> memref<128x128xf32, #tpu.memory_space<hbm>>
    %dma_start3A_2143 = arith.constant 0 : i32
    %dma_start3A_2144 = arith.constant 0 : i32
    %dma_start3A_2145 = tpu.memref_slice %arg9[%dma_start3A_2131, %dma_start3A_2143, %dma_start3A_2144] : memref<6x128x128xf32, #tpu.memory_space<vmem>> -> memref<1x128x128xf32, #tpu.memory_space<vmem>>
    %dma_start3A_2146 = tpu.memref_squeeze %dma_start3A_2145 : memref<1x128x128xf32, #tpu.memory_space<vmem>> -> memref<128x128xf32, #tpu.memory_space<vmem>>
    tpu.enqueue_dma source(%dma_start3A_2146 : memref<128x128xf32, #tpu.memory_space<vmem>>) target(%dma_start3A_2142 : memref<128x128xf32, #tpu.memory_space<hbm>>) target_semaphore(%dma_start3A_2140 : memref<!tpu.dma_semaphore, #tpu.memory_space<semaphore_mem>>)
    %dma_wait3A_2147 = arith.constant 1 : i32
    %dma_wait3A_2148 = arith.constant 1 : i32
    %dma_wait3A_2149 = arith.constant 0 : i32
    %dma_wait3A_2150 = arith.constant 0 : i32
    %dma_wait3A_2151 = tpu.memref_slice %arg9[%dma_wait3A_2147, %dma_wait3A_2149, %dma_wait3A_2150] : memref<6x128x128xf32, #tpu.memory_space<vmem>> -> memref<1x128x128xf32, #tpu.memory_space<vmem>>
    %dma_wait3A_2152 = tpu.memref_squeeze %dma_wait3A_2151 : memref<1x128x128xf32, #tpu.memory_space<vmem>> -> memref<128x128xf32, #tpu.memory_space<vmem>>
    %dma_wait3A_2153 = arith.constant 0 : i32
    %dma_wait3A_2154 = tpu.memref_slice %arg5[%add3A_2066, %dma_wait3A_2153] : memref<204800x128xf32, #tpu.memory_space<hbm>> -> memref<128x128xf32, #tpu.memory_space<hbm>>
    %dma_wait3A_2155 = tpu.memref_slice %arg11[%dma_wait3A_2148] : memref<6x!tpu.dma_semaphore, #tpu.memory_space<semaphore_mem>> -> memref<1x!tpu.dma_semaphore, #tpu.memory_space<semaphore_mem>>
    %dma_wait3A_2156 = tpu.memref_squeeze %dma_wait3A_2155 : memref<1x!tpu.dma_semaphore, #tpu.memory_space<semaphore_mem>> -> memref<!tpu.dma_semaphore, #tpu.memory_space<semaphore_mem>>
    %dma_wait3A_2157 = arith.constant 0 : i32
    %dma_wait3A_2158 = tpu.memref_slice %arg5[%add3A_2066, %dma_wait3A_2157] : memref<204800x128xf32, #tpu.memory_space<hbm>> -> memref<128x128xf32, #tpu.memory_space<hbm>>
    %dma_wait3A_2159 = arith.constant 0 : i32
    %dma_wait3A_2160 = arith.constant 0 : i32
    %dma_wait3A_2161 = tpu.memref_slice %arg9[%dma_wait3A_2147, %dma_wait3A_2159, %dma_wait3A_2160] : memref<6x128x128xf32, #tpu.memory_space<vmem>> -> memref<1x128x128xf32, #tpu.memory_space<vmem>>
    %dma_wait3A_2162 = tpu.memref_squeeze %dma_wait3A_2161 : memref<1x128x128xf32, #tpu.memory_space<vmem>> -> memref<128x128xf32, #tpu.memory_space<vmem>>
    tpu.wait_dma2 semaphore(%dma_wait3A_2156 : memref<!tpu.dma_semaphore, #tpu.memory_space<semaphore_mem>>) src(%dma_wait3A_2162 : memref<128x128xf32, #tpu.memory_space<vmem>>) dst(%dma_wait3A_2158 : memref<128x128xf32, #tpu.memory_space<hbm>>)
    %dma_start3A_2163 = arith.constant 37 : i32
    %dma_start3A_2164 = arith.constant 1 : i32
    %dma_start3A_2165 = arith.constant 1 : i32
    %dma_start3A_2166 = arith.constant 0 : i32
    %dma_start3A_2167 = arith.constant 0 : i32
    %dma_start3A_2168 = tpu.memref_slice %arg9[%dma_start3A_2164, %dma_start3A_2166, %dma_start3A_2167] : memref<6x128x128xf32, #tpu.memory_space<vmem>> -> memref<1x128x128xf32, #tpu.memory_space<vmem>>
    %dma_start3A_2169 = tpu.memref_squeeze %dma_start3A_2168 : memref<1x128x128xf32, #tpu.memory_space<vmem>> -> memref<128x128xf32, #tpu.memory_space<vmem>>
    %dma_start3A_2170 = arith.constant 0 : i32
    %dma_start3A_2171 = tpu.memref_slice %arg8[%dma_start3A_2163, %dma_start3A_2170] : memref<50x128xi32, #tpu.memory_space<vmem>> -> memref<1x128xi32, #tpu.memory_space<vmem>>
    %dma_start3A_2172 = tpu.memref_squeeze %dma_start3A_2171 : memref<1x128xi32, #tpu.memory_space<vmem>> -> memref<128xi32, #tpu.memory_space<vmem>>
    %dma_start3A_2173 = arith.constant 0 : i32
    %dma_start3A_2174 = arith.constant 0 : i32
    %dma_start3A_2175 = tpu.memref_slice %arg2[%dma_start3A_2173, %dma_start3A_2174] : memref<14600x128xf32, #tpu.memory_space<hbm>> -> memref<14600x128xf32, #tpu.memory_space<hbm>>
    %dma_start3A_2176 = tpu.memref_slice %arg10[%dma_start3A_2165] : memref<6x!tpu.dma_semaphore, #tpu.memory_space<semaphore_mem>> -> memref<1x!tpu.dma_semaphore, #tpu.memory_space<semaphore_mem>>
    %dma_start3A_2177 = tpu.memref_squeeze %dma_start3A_2176 : memref<1x!tpu.dma_semaphore, #tpu.memory_space<semaphore_mem>> -> memref<!tpu.dma_semaphore, #tpu.memory_space<semaphore_mem>>
    tpu.enqueue_indirect_dma source(%dma_start3A_2175 : memref<14600x128xf32, #tpu.memory_space<hbm>>) target(%dma_start3A_2169 : memref<128x128xf32, #tpu.memory_space<vmem>>) offsets(%dma_start3A_2172 : memref<128xi32, #tpu.memory_space<vmem>>) semaphore(%dma_start3A_2177 : memref<!tpu.dma_semaphore, #tpu.memory_space<semaphore_mem>>)
    %dma_wait3A_2178 = arith.constant 33 : i32
    %dma_wait3A_2179 = arith.constant 3 : i32
    %dma_wait3A_2180 = arith.constant 3 : i32
    %dma_wait3A_2181 = arith.constant 0 : i32
    %dma_wait3A_2182 = arith.constant 0 : i32
    %dma_wait3A_2183 = tpu.memref_slice %arg9[%dma_wait3A_2179, %dma_wait3A_2181, %dma_wait3A_2182] : memref<6x128x128xf32, #tpu.memory_space<vmem>> -> memref<1x128x128xf32, #tpu.memory_space<vmem>>
    %dma_wait3A_2184 = tpu.memref_squeeze %dma_wait3A_2183 : memref<1x128x128xf32, #tpu.memory_space<vmem>> -> memref<128x128xf32, #tpu.memory_space<vmem>>
    %dma_wait3A_2185 = arith.constant 0 : i32
    %dma_wait3A_2186 = tpu.memref_slice %arg8[%dma_wait3A_2178, %dma_wait3A_2185] : memref<50x128xi32, #tpu.memory_space<vmem>> -> memref<1x128xi32, #tpu.memory_space<vmem>>
    %dma_wait3A_2187 = tpu.memref_squeeze %dma_wait3A_2186 : memref<1x128xi32, #tpu.memory_space<vmem>> -> memref<128xi32, #tpu.memory_space<vmem>>
    %dma_wait3A_2188 = arith.constant 0 : i32
    %dma_wait3A_2189 = arith.constant 0 : i32
    %dma_wait3A_2190 = tpu.memref_slice %arg2[%dma_wait3A_2188, %dma_wait3A_2189] : memref<14600x128xf32, #tpu.memory_space<hbm>> -> memref<14600x128xf32, #tpu.memory_space<hbm>>
    %dma_wait3A_2191 = tpu.memref_slice %arg10[%dma_wait3A_2180] : memref<6x!tpu.dma_semaphore, #tpu.memory_space<semaphore_mem>> -> memref<1x!tpu.dma_semaphore, #tpu.memory_space<semaphore_mem>>
    %dma_wait3A_2192 = tpu.memref_squeeze %dma_wait3A_2191 : memref<1x!tpu.dma_semaphore, #tpu.memory_space<semaphore_mem>> -> memref<!tpu.dma_semaphore, #tpu.memory_space<semaphore_mem>>
    tpu.wait_indirect_dma semaphore(%dma_wait3A_2192 : memref<!tpu.dma_semaphore, #tpu.memory_space<semaphore_mem>>) src(%dma_wait3A_2190 : memref<14600x128xf32, #tpu.memory_space<hbm>>) dst(%dma_wait3A_2184 : memref<128x128xf32, #tpu.memory_space<vmem>>)
    %add3A_2193 = arith.constant 4224 : i32
    %add3A_2194 = arith.addi %mul3A_2, %add3A_2193 : i32
    %dma_start3A_2195 = arith.constant 3 : i32
    %dma_start3A_2196 = arith.constant 3 : i32
    %dma_start3A_2197 = arith.constant 0 : i32
    %dma_start3A_2198 = arith.constant 0 : i32
    %dma_start3A_2199 = tpu.memref_slice %arg9[%dma_start3A_2195, %dma_start3A_2197, %dma_start3A_2198] : memref<6x128x128xf32, #tpu.memory_space<vmem>> -> memref<1x128x128xf32, #tpu.memory_space<vmem>>
    %dma_start3A_2200 = tpu.memref_squeeze %dma_start3A_2199 : memref<1x128x128xf32, #tpu.memory_space<vmem>> -> memref<128x128xf32, #tpu.memory_space<vmem>>
    %dma_start3A_2201 = arith.constant 0 : i32
    %dma_start3A_2202 = tpu.memref_slice %arg5[%add3A_2194, %dma_start3A_2201] : memref<204800x128xf32, #tpu.memory_space<hbm>> -> memref<128x128xf32, #tpu.memory_space<hbm>>
    %dma_start3A_2203 = tpu.memref_slice %arg11[%dma_start3A_2196] : memref<6x!tpu.dma_semaphore, #tpu.memory_space<semaphore_mem>> -> memref<1x!tpu.dma_semaphore, #tpu.memory_space<semaphore_mem>>
    %dma_start3A_2204 = tpu.memref_squeeze %dma_start3A_2203 : memref<1x!tpu.dma_semaphore, #tpu.memory_space<semaphore_mem>> -> memref<!tpu.dma_semaphore, #tpu.memory_space<semaphore_mem>>
    %dma_start3A_2205 = arith.constant 0 : i32
    %dma_start3A_2206 = tpu.memref_slice %arg5[%add3A_2194, %dma_start3A_2205] : memref<204800x128xf32, #tpu.memory_space<hbm>> -> memref<128x128xf32, #tpu.memory_space<hbm>>
    %dma_start3A_2207 = arith.constant 0 : i32
    %dma_start3A_2208 = arith.constant 0 : i32
    %dma_start3A_2209 = tpu.memref_slice %arg9[%dma_start3A_2195, %dma_start3A_2207, %dma_start3A_2208] : memref<6x128x128xf32, #tpu.memory_space<vmem>> -> memref<1x128x128xf32, #tpu.memory_space<vmem>>
    %dma_start3A_2210 = tpu.memref_squeeze %dma_start3A_2209 : memref<1x128x128xf32, #tpu.memory_space<vmem>> -> memref<128x128xf32, #tpu.memory_space<vmem>>
    tpu.enqueue_dma source(%dma_start3A_2210 : memref<128x128xf32, #tpu.memory_space<vmem>>) target(%dma_start3A_2206 : memref<128x128xf32, #tpu.memory_space<hbm>>) target_semaphore(%dma_start3A_2204 : memref<!tpu.dma_semaphore, #tpu.memory_space<semaphore_mem>>)
    %dma_wait3A_2211 = arith.constant 2 : i32
    %dma_wait3A_2212 = arith.constant 2 : i32
    %dma_wait3A_2213 = arith.constant 0 : i32
    %dma_wait3A_2214 = arith.constant 0 : i32
    %dma_wait3A_2215 = tpu.memref_slice %arg9[%dma_wait3A_2211, %dma_wait3A_2213, %dma_wait3A_2214] : memref<6x128x128xf32, #tpu.memory_space<vmem>> -> memref<1x128x128xf32, #tpu.memory_space<vmem>>
    %dma_wait3A_2216 = tpu.memref_squeeze %dma_wait3A_2215 : memref<1x128x128xf32, #tpu.memory_space<vmem>> -> memref<128x128xf32, #tpu.memory_space<vmem>>
    %dma_wait3A_2217 = arith.constant 0 : i32
    %dma_wait3A_2218 = tpu.memref_slice %arg5[%add3A_2130, %dma_wait3A_2217] : memref<204800x128xf32, #tpu.memory_space<hbm>> -> memref<128x128xf32, #tpu.memory_space<hbm>>
    %dma_wait3A_2219 = tpu.memref_slice %arg11[%dma_wait3A_2212] : memref<6x!tpu.dma_semaphore, #tpu.memory_space<semaphore_mem>> -> memref<1x!tpu.dma_semaphore, #tpu.memory_space<semaphore_mem>>
    %dma_wait3A_2220 = tpu.memref_squeeze %dma_wait3A_2219 : memref<1x!tpu.dma_semaphore, #tpu.memory_space<semaphore_mem>> -> memref<!tpu.dma_semaphore, #tpu.memory_space<semaphore_mem>>
    %dma_wait3A_2221 = arith.constant 0 : i32
    %dma_wait3A_2222 = tpu.memref_slice %arg5[%add3A_2130, %dma_wait3A_2221] : memref<204800x128xf32, #tpu.memory_space<hbm>> -> memref<128x128xf32, #tpu.memory_space<hbm>>
    %dma_wait3A_2223 = arith.constant 0 : i32
    %dma_wait3A_2224 = arith.constant 0 : i32
    %dma_wait3A_2225 = tpu.memref_slice %arg9[%dma_wait3A_2211, %dma_wait3A_2223, %dma_wait3A_2224] : memref<6x128x128xf32, #tpu.memory_space<vmem>> -> memref<1x128x128xf32, #tpu.memory_space<vmem>>
    %dma_wait3A_2226 = tpu.memref_squeeze %dma_wait3A_2225 : memref<1x128x128xf32, #tpu.memory_space<vmem>> -> memref<128x128xf32, #tpu.memory_space<vmem>>
    tpu.wait_dma2 semaphore(%dma_wait3A_2220 : memref<!tpu.dma_semaphore, #tpu.memory_space<semaphore_mem>>) src(%dma_wait3A_2226 : memref<128x128xf32, #tpu.memory_space<vmem>>) dst(%dma_wait3A_2222 : memref<128x128xf32, #tpu.memory_space<hbm>>)
    %dma_start3A_2227 = arith.constant 38 : i32
    %dma_start3A_2228 = arith.constant 2 : i32
    %dma_start3A_2229 = arith.constant 2 : i32
    %dma_start3A_2230 = arith.constant 0 : i32
    %dma_start3A_2231 = arith.constant 0 : i32
    %dma_start3A_2232 = tpu.memref_slice %arg9[%dma_start3A_2228, %dma_start3A_2230, %dma_start3A_2231] : memref<6x128x128xf32, #tpu.memory_space<vmem>> -> memref<1x128x128xf32, #tpu.memory_space<vmem>>
    %dma_start3A_2233 = tpu.memref_squeeze %dma_start3A_2232 : memref<1x128x128xf32, #tpu.memory_space<vmem>> -> memref<128x128xf32, #tpu.memory_space<vmem>>
    %dma_start3A_2234 = arith.constant 0 : i32
    %dma_start3A_2235 = tpu.memref_slice %arg8[%dma_start3A_2227, %dma_start3A_2234] : memref<50x128xi32, #tpu.memory_space<vmem>> -> memref<1x128xi32, #tpu.memory_space<vmem>>
    %dma_start3A_2236 = tpu.memref_squeeze %dma_start3A_2235 : memref<1x128xi32, #tpu.memory_space<vmem>> -> memref<128xi32, #tpu.memory_space<vmem>>
    %dma_start3A_2237 = arith.constant 0 : i32
    %dma_start3A_2238 = arith.constant 0 : i32
    %dma_start3A_2239 = tpu.memref_slice %arg2[%dma_start3A_2237, %dma_start3A_2238] : memref<14600x128xf32, #tpu.memory_space<hbm>> -> memref<14600x128xf32, #tpu.memory_space<hbm>>
    %dma_start3A_2240 = tpu.memref_slice %arg10[%dma_start3A_2229] : memref<6x!tpu.dma_semaphore, #tpu.memory_space<semaphore_mem>> -> memref<1x!tpu.dma_semaphore, #tpu.memory_space<semaphore_mem>>
    %dma_start3A_2241 = tpu.memref_squeeze %dma_start3A_2240 : memref<1x!tpu.dma_semaphore, #tpu.memory_space<semaphore_mem>> -> memref<!tpu.dma_semaphore, #tpu.memory_space<semaphore_mem>>
    tpu.enqueue_indirect_dma source(%dma_start3A_2239 : memref<14600x128xf32, #tpu.memory_space<hbm>>) target(%dma_start3A_2233 : memref<128x128xf32, #tpu.memory_space<vmem>>) offsets(%dma_start3A_2236 : memref<128xi32, #tpu.memory_space<vmem>>) semaphore(%dma_start3A_2241 : memref<!tpu.dma_semaphore, #tpu.memory_space<semaphore_mem>>)
    %dma_wait3A_2242 = arith.constant 34 : i32
    %dma_wait3A_2243 = arith.constant 4 : i32
    %dma_wait3A_2244 = arith.constant 4 : i32
    %dma_wait3A_2245 = arith.constant 0 : i32
    %dma_wait3A_2246 = arith.constant 0 : i32
    %dma_wait3A_2247 = tpu.memref_slice %arg9[%dma_wait3A_2243, %dma_wait3A_2245, %dma_wait3A_2246] : memref<6x128x128xf32, #tpu.memory_space<vmem>> -> memref<1x128x128xf32, #tpu.memory_space<vmem>>
    %dma_wait3A_2248 = tpu.memref_squeeze %dma_wait3A_2247 : memref<1x128x128xf32, #tpu.memory_space<vmem>> -> memref<128x128xf32, #tpu.memory_space<vmem>>
    %dma_wait3A_2249 = arith.constant 0 : i32
    %dma_wait3A_2250 = tpu.memref_slice %arg8[%dma_wait3A_2242, %dma_wait3A_2249] : memref<50x128xi32, #tpu.memory_space<vmem>> -> memref<1x128xi32, #tpu.memory_space<vmem>>
    %dma_wait3A_2251 = tpu.memref_squeeze %dma_wait3A_2250 : memref<1x128xi32, #tpu.memory_space<vmem>> -> memref<128xi32, #tpu.memory_space<vmem>>
    %dma_wait3A_2252 = arith.constant 0 : i32
    %dma_wait3A_2253 = arith.constant 0 : i32
    %dma_wait3A_2254 = tpu.memref_slice %arg2[%dma_wait3A_2252, %dma_wait3A_2253] : memref<14600x128xf32, #tpu.memory_space<hbm>> -> memref<14600x128xf32, #tpu.memory_space<hbm>>
    %dma_wait3A_2255 = tpu.memref_slice %arg10[%dma_wait3A_2244] : memref<6x!tpu.dma_semaphore, #tpu.memory_space<semaphore_mem>> -> memref<1x!tpu.dma_semaphore, #tpu.memory_space<semaphore_mem>>
    %dma_wait3A_2256 = tpu.memref_squeeze %dma_wait3A_2255 : memref<1x!tpu.dma_semaphore, #tpu.memory_space<semaphore_mem>> -> memref<!tpu.dma_semaphore, #tpu.memory_space<semaphore_mem>>
    tpu.wait_indirect_dma semaphore(%dma_wait3A_2256 : memref<!tpu.dma_semaphore, #tpu.memory_space<semaphore_mem>>) src(%dma_wait3A_2254 : memref<14600x128xf32, #tpu.memory_space<hbm>>) dst(%dma_wait3A_2248 : memref<128x128xf32, #tpu.memory_space<vmem>>)
    %add3A_2257 = arith.constant 4352 : i32
    %add3A_2258 = arith.addi %mul3A_2, %add3A_2257 : i32
    %dma_start3A_2259 = arith.constant 4 : i32
    %dma_start3A_2260 = arith.constant 4 : i32
    %dma_start3A_2261 = arith.constant 0 : i32
    %dma_start3A_2262 = arith.constant 0 : i32
    %dma_start3A_2263 = tpu.memref_slice %arg9[%dma_start3A_2259, %dma_start3A_2261, %dma_start3A_2262] : memref<6x128x128xf32, #tpu.memory_space<vmem>> -> memref<1x128x128xf32, #tpu.memory_space<vmem>>
    %dma_start3A_2264 = tpu.memref_squeeze %dma_start3A_2263 : memref<1x128x128xf32, #tpu.memory_space<vmem>> -> memref<128x128xf32, #tpu.memory_space<vmem>>
    %dma_start3A_2265 = arith.constant 0 : i32
    %dma_start3A_2266 = tpu.memref_slice %arg5[%add3A_2258, %dma_start3A_2265] : memref<204800x128xf32, #tpu.memory_space<hbm>> -> memref<128x128xf32, #tpu.memory_space<hbm>>
    %dma_start3A_2267 = tpu.memref_slice %arg11[%dma_start3A_2260] : memref<6x!tpu.dma_semaphore, #tpu.memory_space<semaphore_mem>> -> memref<1x!tpu.dma_semaphore, #tpu.memory_space<semaphore_mem>>
    %dma_start3A_2268 = tpu.memref_squeeze %dma_start3A_2267 : memref<1x!tpu.dma_semaphore, #tpu.memory_space<semaphore_mem>> -> memref<!tpu.dma_semaphore, #tpu.memory_space<semaphore_mem>>
    %dma_start3A_2269 = arith.constant 0 : i32
    %dma_start3A_2270 = tpu.memref_slice %arg5[%add3A_2258, %dma_start3A_2269] : memref<204800x128xf32, #tpu.memory_space<hbm>> -> memref<128x128xf32, #tpu.memory_space<hbm>>
    %dma_start3A_2271 = arith.constant 0 : i32
    %dma_start3A_2272 = arith.constant 0 : i32
    %dma_start3A_2273 = tpu.memref_slice %arg9[%dma_start3A_2259, %dma_start3A_2271, %dma_start3A_2272] : memref<6x128x128xf32, #tpu.memory_space<vmem>> -> memref<1x128x128xf32, #tpu.memory_space<vmem>>
    %dma_start3A_2274 = tpu.memref_squeeze %dma_start3A_2273 : memref<1x128x128xf32, #tpu.memory_space<vmem>> -> memref<128x128xf32, #tpu.memory_space<vmem>>
    tpu.enqueue_dma source(%dma_start3A_2274 : memref<128x128xf32, #tpu.memory_space<vmem>>) target(%dma_start3A_2270 : memref<128x128xf32, #tpu.memory_space<hbm>>) target_semaphore(%dma_start3A_2268 : memref<!tpu.dma_semaphore, #tpu.memory_space<semaphore_mem>>)
    %dma_wait3A_2275 = arith.constant 3 : i32
    %dma_wait3A_2276 = arith.constant 3 : i32
    %dma_wait3A_2277 = arith.constant 0 : i32
    %dma_wait3A_2278 = arith.constant 0 : i32
    %dma_wait3A_2279 = tpu.memref_slice %arg9[%dma_wait3A_2275, %dma_wait3A_2277, %dma_wait3A_2278] : memref<6x128x128xf32, #tpu.memory_space<vmem>> -> memref<1x128x128xf32, #tpu.memory_space<vmem>>
    %dma_wait3A_2280 = tpu.memref_squeeze %dma_wait3A_2279 : memref<1x128x128xf32, #tpu.memory_space<vmem>> -> memref<128x128xf32, #tpu.memory_space<vmem>>
    %dma_wait3A_2281 = arith.constant 0 : i32
    %dma_wait3A_2282 = tpu.memref_slice %arg5[%add3A_2194, %dma_wait3A_2281] : memref<204800x128xf32, #tpu.memory_space<hbm>> -> memref<128x128xf32, #tpu.memory_space<hbm>>
    %dma_wait3A_2283 = tpu.memref_slice %arg11[%dma_wait3A_2276] : memref<6x!tpu.dma_semaphore, #tpu.memory_space<semaphore_mem>> -> memref<1x!tpu.dma_semaphore, #tpu.memory_space<semaphore_mem>>
    %dma_wait3A_2284 = tpu.memref_squeeze %dma_wait3A_2283 : memref<1x!tpu.dma_semaphore, #tpu.memory_space<semaphore_mem>> -> memref<!tpu.dma_semaphore, #tpu.memory_space<semaphore_mem>>
    %dma_wait3A_2285 = arith.constant 0 : i32
    %dma_wait3A_2286 = tpu.memref_slice %arg5[%add3A_2194, %dma_wait3A_2285] : memref<204800x128xf32, #tpu.memory_space<hbm>> -> memref<128x128xf32, #tpu.memory_space<hbm>>
    %dma_wait3A_2287 = arith.constant 0 : i32
    %dma_wait3A_2288 = arith.constant 0 : i32
    %dma_wait3A_2289 = tpu.memref_slice %arg9[%dma_wait3A_2275, %dma_wait3A_2287, %dma_wait3A_2288] : memref<6x128x128xf32, #tpu.memory_space<vmem>> -> memref<1x128x128xf32, #tpu.memory_space<vmem>>
    %dma_wait3A_2290 = tpu.memref_squeeze %dma_wait3A_2289 : memref<1x128x128xf32, #tpu.memory_space<vmem>> -> memref<128x128xf32, #tpu.memory_space<vmem>>
    tpu.wait_dma2 semaphore(%dma_wait3A_2284 : memref<!tpu.dma_semaphore, #tpu.memory_space<semaphore_mem>>) src(%dma_wait3A_2290 : memref<128x128xf32, #tpu.memory_space<vmem>>) dst(%dma_wait3A_2286 : memref<128x128xf32, #tpu.memory_space<hbm>>)
    %dma_start3A_2291 = arith.constant 39 : i32
    %dma_start3A_2292 = arith.constant 3 : i32
    %dma_start3A_2293 = arith.constant 3 : i32
    %dma_start3A_2294 = arith.constant 0 : i32
    %dma_start3A_2295 = arith.constant 0 : i32
    %dma_start3A_2296 = tpu.memref_slice %arg9[%dma_start3A_2292, %dma_start3A_2294, %dma_start3A_2295] : memref<6x128x128xf32, #tpu.memory_space<vmem>> -> memref<1x128x128xf32, #tpu.memory_space<vmem>>
    %dma_start3A_2297 = tpu.memref_squeeze %dma_start3A_2296 : memref<1x128x128xf32, #tpu.memory_space<vmem>> -> memref<128x128xf32, #tpu.memory_space<vmem>>
    %dma_start3A_2298 = arith.constant 0 : i32
    %dma_start3A_2299 = tpu.memref_slice %arg8[%dma_start3A_2291, %dma_start3A_2298] : memref<50x128xi32, #tpu.memory_space<vmem>> -> memref<1x128xi32, #tpu.memory_space<vmem>>
    %dma_start3A_2300 = tpu.memref_squeeze %dma_start3A_2299 : memref<1x128xi32, #tpu.memory_space<vmem>> -> memref<128xi32, #tpu.memory_space<vmem>>
    %dma_start3A_2301 = arith.constant 0 : i32
    %dma_start3A_2302 = arith.constant 0 : i32
    %dma_start3A_2303 = tpu.memref_slice %arg2[%dma_start3A_2301, %dma_start3A_2302] : memref<14600x128xf32, #tpu.memory_space<hbm>> -> memref<14600x128xf32, #tpu.memory_space<hbm>>
    %dma_start3A_2304 = tpu.memref_slice %arg10[%dma_start3A_2293] : memref<6x!tpu.dma_semaphore, #tpu.memory_space<semaphore_mem>> -> memref<1x!tpu.dma_semaphore, #tpu.memory_space<semaphore_mem>>
    %dma_start3A_2305 = tpu.memref_squeeze %dma_start3A_2304 : memref<1x!tpu.dma_semaphore, #tpu.memory_space<semaphore_mem>> -> memref<!tpu.dma_semaphore, #tpu.memory_space<semaphore_mem>>
    tpu.enqueue_indirect_dma source(%dma_start3A_2303 : memref<14600x128xf32, #tpu.memory_space<hbm>>) target(%dma_start3A_2297 : memref<128x128xf32, #tpu.memory_space<vmem>>) offsets(%dma_start3A_2300 : memref<128xi32, #tpu.memory_space<vmem>>) semaphore(%dma_start3A_2305 : memref<!tpu.dma_semaphore, #tpu.memory_space<semaphore_mem>>)
    %dma_wait3A_2306 = arith.constant 35 : i32
    %dma_wait3A_2307 = arith.constant 5 : i32
    %dma_wait3A_2308 = arith.constant 5 : i32
    %dma_wait3A_2309 = arith.constant 0 : i32
    %dma_wait3A_2310 = arith.constant 0 : i32
    %dma_wait3A_2311 = tpu.memref_slice %arg9[%dma_wait3A_2307, %dma_wait3A_2309, %dma_wait3A_2310] : memref<6x128x128xf32, #tpu.memory_space<vmem>> -> memref<1x128x128xf32, #tpu.memory_space<vmem>>
    %dma_wait3A_2312 = tpu.memref_squeeze %dma_wait3A_2311 : memref<1x128x128xf32, #tpu.memory_space<vmem>> -> memref<128x128xf32, #tpu.memory_space<vmem>>
    %dma_wait3A_2313 = arith.constant 0 : i32
    %dma_wait3A_2314 = tpu.memref_slice %arg8[%dma_wait3A_2306, %dma_wait3A_2313] : memref<50x128xi32, #tpu.memory_space<vmem>> -> memref<1x128xi32, #tpu.memory_space<vmem>>
    %dma_wait3A_2315 = tpu.memref_squeeze %dma_wait3A_2314 : memref<1x128xi32, #tpu.memory_space<vmem>> -> memref<128xi32, #tpu.memory_space<vmem>>
    %dma_wait3A_2316 = arith.constant 0 : i32
    %dma_wait3A_2317 = arith.constant 0 : i32
    %dma_wait3A_2318 = tpu.memref_slice %arg2[%dma_wait3A_2316, %dma_wait3A_2317] : memref<14600x128xf32, #tpu.memory_space<hbm>> -> memref<14600x128xf32, #tpu.memory_space<hbm>>
    %dma_wait3A_2319 = tpu.memref_slice %arg10[%dma_wait3A_2308] : memref<6x!tpu.dma_semaphore, #tpu.memory_space<semaphore_mem>> -> memref<1x!tpu.dma_semaphore, #tpu.memory_space<semaphore_mem>>
    %dma_wait3A_2320 = tpu.memref_squeeze %dma_wait3A_2319 : memref<1x!tpu.dma_semaphore, #tpu.memory_space<semaphore_mem>> -> memref<!tpu.dma_semaphore, #tpu.memory_space<semaphore_mem>>
    tpu.wait_indirect_dma semaphore(%dma_wait3A_2320 : memref<!tpu.dma_semaphore, #tpu.memory_space<semaphore_mem>>) src(%dma_wait3A_2318 : memref<14600x128xf32, #tpu.memory_space<hbm>>) dst(%dma_wait3A_2312 : memref<128x128xf32, #tpu.memory_space<vmem>>)
    %add3A_2321 = arith.constant 4480 : i32
    %add3A_2322 = arith.addi %mul3A_2, %add3A_2321 : i32
    %dma_start3A_2323 = arith.constant 5 : i32
    %dma_start3A_2324 = arith.constant 5 : i32
    %dma_start3A_2325 = arith.constant 0 : i32
    %dma_start3A_2326 = arith.constant 0 : i32
    %dma_start3A_2327 = tpu.memref_slice %arg9[%dma_start3A_2323, %dma_start3A_2325, %dma_start3A_2326] : memref<6x128x128xf32, #tpu.memory_space<vmem>> -> memref<1x128x128xf32, #tpu.memory_space<vmem>>
    %dma_start3A_2328 = tpu.memref_squeeze %dma_start3A_2327 : memref<1x128x128xf32, #tpu.memory_space<vmem>> -> memref<128x128xf32, #tpu.memory_space<vmem>>
    %dma_start3A_2329 = arith.constant 0 : i32
    %dma_start3A_2330 = tpu.memref_slice %arg5[%add3A_2322, %dma_start3A_2329] : memref<204800x128xf32, #tpu.memory_space<hbm>> -> memref<128x128xf32, #tpu.memory_space<hbm>>
    %dma_start3A_2331 = tpu.memref_slice %arg11[%dma_start3A_2324] : memref<6x!tpu.dma_semaphore, #tpu.memory_space<semaphore_mem>> -> memref<1x!tpu.dma_semaphore, #tpu.memory_space<semaphore_mem>>
    %dma_start3A_2332 = tpu.memref_squeeze %dma_start3A_2331 : memref<1x!tpu.dma_semaphore, #tpu.memory_space<semaphore_mem>> -> memref<!tpu.dma_semaphore, #tpu.memory_space<semaphore_mem>>
    %dma_start3A_2333 = arith.constant 0 : i32
    %dma_start3A_2334 = tpu.memref_slice %arg5[%add3A_2322, %dma_start3A_2333] : memref<204800x128xf32, #tpu.memory_space<hbm>> -> memref<128x128xf32, #tpu.memory_space<hbm>>
    %dma_start3A_2335 = arith.constant 0 : i32
    %dma_start3A_2336 = arith.constant 0 : i32
    %dma_start3A_2337 = tpu.memref_slice %arg9[%dma_start3A_2323, %dma_start3A_2335, %dma_start3A_2336] : memref<6x128x128xf32, #tpu.memory_space<vmem>> -> memref<1x128x128xf32, #tpu.memory_space<vmem>>
    %dma_start3A_2338 = tpu.memref_squeeze %dma_start3A_2337 : memref<1x128x128xf32, #tpu.memory_space<vmem>> -> memref<128x128xf32, #tpu.memory_space<vmem>>
    tpu.enqueue_dma source(%dma_start3A_2338 : memref<128x128xf32, #tpu.memory_space<vmem>>) target(%dma_start3A_2334 : memref<128x128xf32, #tpu.memory_space<hbm>>) target_semaphore(%dma_start3A_2332 : memref<!tpu.dma_semaphore, #tpu.memory_space<semaphore_mem>>)
    %dma_wait3A_2339 = arith.constant 4 : i32
    %dma_wait3A_2340 = arith.constant 4 : i32
    %dma_wait3A_2341 = arith.constant 0 : i32
    %dma_wait3A_2342 = arith.constant 0 : i32
    %dma_wait3A_2343 = tpu.memref_slice %arg9[%dma_wait3A_2339, %dma_wait3A_2341, %dma_wait3A_2342] : memref<6x128x128xf32, #tpu.memory_space<vmem>> -> memref<1x128x128xf32, #tpu.memory_space<vmem>>
    %dma_wait3A_2344 = tpu.memref_squeeze %dma_wait3A_2343 : memref<1x128x128xf32, #tpu.memory_space<vmem>> -> memref<128x128xf32, #tpu.memory_space<vmem>>
    %dma_wait3A_2345 = arith.constant 0 : i32
    %dma_wait3A_2346 = tpu.memref_slice %arg5[%add3A_2258, %dma_wait3A_2345] : memref<204800x128xf32, #tpu.memory_space<hbm>> -> memref<128x128xf32, #tpu.memory_space<hbm>>
    %dma_wait3A_2347 = tpu.memref_slice %arg11[%dma_wait3A_2340] : memref<6x!tpu.dma_semaphore, #tpu.memory_space<semaphore_mem>> -> memref<1x!tpu.dma_semaphore, #tpu.memory_space<semaphore_mem>>
    %dma_wait3A_2348 = tpu.memref_squeeze %dma_wait3A_2347 : memref<1x!tpu.dma_semaphore, #tpu.memory_space<semaphore_mem>> -> memref<!tpu.dma_semaphore, #tpu.memory_space<semaphore_mem>>
    %dma_wait3A_2349 = arith.constant 0 : i32
    %dma_wait3A_2350 = tpu.memref_slice %arg5[%add3A_2258, %dma_wait3A_2349] : memref<204800x128xf32, #tpu.memory_space<hbm>> -> memref<128x128xf32, #tpu.memory_space<hbm>>
    %dma_wait3A_2351 = arith.constant 0 : i32
    %dma_wait3A_2352 = arith.constant 0 : i32
    %dma_wait3A_2353 = tpu.memref_slice %arg9[%dma_wait3A_2339, %dma_wait3A_2351, %dma_wait3A_2352] : memref<6x128x128xf32, #tpu.memory_space<vmem>> -> memref<1x128x128xf32, #tpu.memory_space<vmem>>
    %dma_wait3A_2354 = tpu.memref_squeeze %dma_wait3A_2353 : memref<1x128x128xf32, #tpu.memory_space<vmem>> -> memref<128x128xf32, #tpu.memory_space<vmem>>
    tpu.wait_dma2 semaphore(%dma_wait3A_2348 : memref<!tpu.dma_semaphore, #tpu.memory_space<semaphore_mem>>) src(%dma_wait3A_2354 : memref<128x128xf32, #tpu.memory_space<vmem>>) dst(%dma_wait3A_2350 : memref<128x128xf32, #tpu.memory_space<hbm>>)
    %dma_start3A_2355 = arith.constant 40 : i32
    %dma_start3A_2356 = arith.constant 4 : i32
    %dma_start3A_2357 = arith.constant 4 : i32
    %dma_start3A_2358 = arith.constant 0 : i32
    %dma_start3A_2359 = arith.constant 0 : i32
    %dma_start3A_2360 = tpu.memref_slice %arg9[%dma_start3A_2356, %dma_start3A_2358, %dma_start3A_2359] : memref<6x128x128xf32, #tpu.memory_space<vmem>> -> memref<1x128x128xf32, #tpu.memory_space<vmem>>
    %dma_start3A_2361 = tpu.memref_squeeze %dma_start3A_2360 : memref<1x128x128xf32, #tpu.memory_space<vmem>> -> memref<128x128xf32, #tpu.memory_space<vmem>>
    %dma_start3A_2362 = arith.constant 0 : i32
    %dma_start3A_2363 = tpu.memref_slice %arg8[%dma_start3A_2355, %dma_start3A_2362] : memref<50x128xi32, #tpu.memory_space<vmem>> -> memref<1x128xi32, #tpu.memory_space<vmem>>
    %dma_start3A_2364 = tpu.memref_squeeze %dma_start3A_2363 : memref<1x128xi32, #tpu.memory_space<vmem>> -> memref<128xi32, #tpu.memory_space<vmem>>
    %dma_start3A_2365 = arith.constant 0 : i32
    %dma_start3A_2366 = arith.constant 0 : i32
    %dma_start3A_2367 = tpu.memref_slice %arg2[%dma_start3A_2365, %dma_start3A_2366] : memref<14600x128xf32, #tpu.memory_space<hbm>> -> memref<14600x128xf32, #tpu.memory_space<hbm>>
    %dma_start3A_2368 = tpu.memref_slice %arg10[%dma_start3A_2357] : memref<6x!tpu.dma_semaphore, #tpu.memory_space<semaphore_mem>> -> memref<1x!tpu.dma_semaphore, #tpu.memory_space<semaphore_mem>>
    %dma_start3A_2369 = tpu.memref_squeeze %dma_start3A_2368 : memref<1x!tpu.dma_semaphore, #tpu.memory_space<semaphore_mem>> -> memref<!tpu.dma_semaphore, #tpu.memory_space<semaphore_mem>>
    tpu.enqueue_indirect_dma source(%dma_start3A_2367 : memref<14600x128xf32, #tpu.memory_space<hbm>>) target(%dma_start3A_2361 : memref<128x128xf32, #tpu.memory_space<vmem>>) offsets(%dma_start3A_2364 : memref<128xi32, #tpu.memory_space<vmem>>) semaphore(%dma_start3A_2369 : memref<!tpu.dma_semaphore, #tpu.memory_space<semaphore_mem>>)
    %dma_wait3A_2370 = arith.constant 36 : i32
    %dma_wait3A_2371 = arith.constant 0 : i32
    %dma_wait3A_2372 = arith.constant 0 : i32
    %dma_wait3A_2373 = arith.constant 0 : i32
    %dma_wait3A_2374 = arith.constant 0 : i32
    %dma_wait3A_2375 = tpu.memref_slice %arg9[%dma_wait3A_2371, %dma_wait3A_2373, %dma_wait3A_2374] : memref<6x128x128xf32, #tpu.memory_space<vmem>> -> memref<1x128x128xf32, #tpu.memory_space<vmem>>
    %dma_wait3A_2376 = tpu.memref_squeeze %dma_wait3A_2375 : memref<1x128x128xf32, #tpu.memory_space<vmem>> -> memref<128x128xf32, #tpu.memory_space<vmem>>
    %dma_wait3A_2377 = arith.constant 0 : i32
    %dma_wait3A_2378 = tpu.memref_slice %arg8[%dma_wait3A_2370, %dma_wait3A_2377] : memref<50x128xi32, #tpu.memory_space<vmem>> -> memref<1x128xi32, #tpu.memory_space<vmem>>
    %dma_wait3A_2379 = tpu.memref_squeeze %dma_wait3A_2378 : memref<1x128xi32, #tpu.memory_space<vmem>> -> memref<128xi32, #tpu.memory_space<vmem>>
    %dma_wait3A_2380 = arith.constant 0 : i32
    %dma_wait3A_2381 = arith.constant 0 : i32
    %dma_wait3A_2382 = tpu.memref_slice %arg2[%dma_wait3A_2380, %dma_wait3A_2381] : memref<14600x128xf32, #tpu.memory_space<hbm>> -> memref<14600x128xf32, #tpu.memory_space<hbm>>
    %dma_wait3A_2383 = tpu.memref_slice %arg10[%dma_wait3A_2372] : memref<6x!tpu.dma_semaphore, #tpu.memory_space<semaphore_mem>> -> memref<1x!tpu.dma_semaphore, #tpu.memory_space<semaphore_mem>>
    %dma_wait3A_2384 = tpu.memref_squeeze %dma_wait3A_2383 : memref<1x!tpu.dma_semaphore, #tpu.memory_space<semaphore_mem>> -> memref<!tpu.dma_semaphore, #tpu.memory_space<semaphore_mem>>
    tpu.wait_indirect_dma semaphore(%dma_wait3A_2384 : memref<!tpu.dma_semaphore, #tpu.memory_space<semaphore_mem>>) src(%dma_wait3A_2382 : memref<14600x128xf32, #tpu.memory_space<hbm>>) dst(%dma_wait3A_2376 : memref<128x128xf32, #tpu.memory_space<vmem>>)
    %add3A_2385 = arith.constant 4608 : i32
    %add3A_2386 = arith.addi %mul3A_2, %add3A_2385 : i32
    %dma_start3A_2387 = arith.constant 0 : i32
    %dma_start3A_2388 = arith.constant 0 : i32
    %dma_start3A_2389 = arith.constant 0 : i32
    %dma_start3A_2390 = arith.constant 0 : i32
    %dma_start3A_2391 = tpu.memref_slice %arg9[%dma_start3A_2387, %dma_start3A_2389, %dma_start3A_2390] : memref<6x128x128xf32, #tpu.memory_space<vmem>> -> memref<1x128x128xf32, #tpu.memory_space<vmem>>
    %dma_start3A_2392 = tpu.memref_squeeze %dma_start3A_2391 : memref<1x128x128xf32, #tpu.memory_space<vmem>> -> memref<128x128xf32, #tpu.memory_space<vmem>>
    %dma_start3A_2393 = arith.constant 0 : i32
    %dma_start3A_2394 = tpu.memref_slice %arg5[%add3A_2386, %dma_start3A_2393] : memref<204800x128xf32, #tpu.memory_space<hbm>> -> memref<128x128xf32, #tpu.memory_space<hbm>>
    %dma_start3A_2395 = tpu.memref_slice %arg11[%dma_start3A_2388] : memref<6x!tpu.dma_semaphore, #tpu.memory_space<semaphore_mem>> -> memref<1x!tpu.dma_semaphore, #tpu.memory_space<semaphore_mem>>
    %dma_start3A_2396 = tpu.memref_squeeze %dma_start3A_2395 : memref<1x!tpu.dma_semaphore, #tpu.memory_space<semaphore_mem>> -> memref<!tpu.dma_semaphore, #tpu.memory_space<semaphore_mem>>
    %dma_start3A_2397 = arith.constant 0 : i32
    %dma_start3A_2398 = tpu.memref_slice %arg5[%add3A_2386, %dma_start3A_2397] : memref<204800x128xf32, #tpu.memory_space<hbm>> -> memref<128x128xf32, #tpu.memory_space<hbm>>
    %dma_start3A_2399 = arith.constant 0 : i32
    %dma_start3A_2400 = arith.constant 0 : i32
    %dma_start3A_2401 = tpu.memref_slice %arg9[%dma_start3A_2387, %dma_start3A_2399, %dma_start3A_2400] : memref<6x128x128xf32, #tpu.memory_space<vmem>> -> memref<1x128x128xf32, #tpu.memory_space<vmem>>
    %dma_start3A_2402 = tpu.memref_squeeze %dma_start3A_2401 : memref<1x128x128xf32, #tpu.memory_space<vmem>> -> memref<128x128xf32, #tpu.memory_space<vmem>>
    tpu.enqueue_dma source(%dma_start3A_2402 : memref<128x128xf32, #tpu.memory_space<vmem>>) target(%dma_start3A_2398 : memref<128x128xf32, #tpu.memory_space<hbm>>) target_semaphore(%dma_start3A_2396 : memref<!tpu.dma_semaphore, #tpu.memory_space<semaphore_mem>>)
    %dma_wait3A_2403 = arith.constant 5 : i32
    %dma_wait3A_2404 = arith.constant 5 : i32
    %dma_wait3A_2405 = arith.constant 0 : i32
    %dma_wait3A_2406 = arith.constant 0 : i32
    %dma_wait3A_2407 = tpu.memref_slice %arg9[%dma_wait3A_2403, %dma_wait3A_2405, %dma_wait3A_2406] : memref<6x128x128xf32, #tpu.memory_space<vmem>> -> memref<1x128x128xf32, #tpu.memory_space<vmem>>
    %dma_wait3A_2408 = tpu.memref_squeeze %dma_wait3A_2407 : memref<1x128x128xf32, #tpu.memory_space<vmem>> -> memref<128x128xf32, #tpu.memory_space<vmem>>
    %dma_wait3A_2409 = arith.constant 0 : i32
    %dma_wait3A_2410 = tpu.memref_slice %arg5[%add3A_2322, %dma_wait3A_2409] : memref<204800x128xf32, #tpu.memory_space<hbm>> -> memref<128x128xf32, #tpu.memory_space<hbm>>
    %dma_wait3A_2411 = tpu.memref_slice %arg11[%dma_wait3A_2404] : memref<6x!tpu.dma_semaphore, #tpu.memory_space<semaphore_mem>> -> memref<1x!tpu.dma_semaphore, #tpu.memory_space<semaphore_mem>>
    %dma_wait3A_2412 = tpu.memref_squeeze %dma_wait3A_2411 : memref<1x!tpu.dma_semaphore, #tpu.memory_space<semaphore_mem>> -> memref<!tpu.dma_semaphore, #tpu.memory_space<semaphore_mem>>
    %dma_wait3A_2413 = arith.constant 0 : i32
    %dma_wait3A_2414 = tpu.memref_slice %arg5[%add3A_2322, %dma_wait3A_2413] : memref<204800x128xf32, #tpu.memory_space<hbm>> -> memref<128x128xf32, #tpu.memory_space<hbm>>
    %dma_wait3A_2415 = arith.constant 0 : i32
    %dma_wait3A_2416 = arith.constant 0 : i32
    %dma_wait3A_2417 = tpu.memref_slice %arg9[%dma_wait3A_2403, %dma_wait3A_2415, %dma_wait3A_2416] : memref<6x128x128xf32, #tpu.memory_space<vmem>> -> memref<1x128x128xf32, #tpu.memory_space<vmem>>
    %dma_wait3A_2418 = tpu.memref_squeeze %dma_wait3A_2417 : memref<1x128x128xf32, #tpu.memory_space<vmem>> -> memref<128x128xf32, #tpu.memory_space<vmem>>
    tpu.wait_dma2 semaphore(%dma_wait3A_2412 : memref<!tpu.dma_semaphore, #tpu.memory_space<semaphore_mem>>) src(%dma_wait3A_2418 : memref<128x128xf32, #tpu.memory_space<vmem>>) dst(%dma_wait3A_2414 : memref<128x128xf32, #tpu.memory_space<hbm>>)
    %dma_start3A_2419 = arith.constant 41 : i32
    %dma_start3A_2420 = arith.constant 5 : i32
    %dma_start3A_2421 = arith.constant 5 : i32
    %dma_start3A_2422 = arith.constant 0 : i32
    %dma_start3A_2423 = arith.constant 0 : i32
    %dma_start3A_2424 = tpu.memref_slice %arg9[%dma_start3A_2420, %dma_start3A_2422, %dma_start3A_2423] : memref<6x128x128xf32, #tpu.memory_space<vmem>> -> memref<1x128x128xf32, #tpu.memory_space<vmem>>
    %dma_start3A_2425 = tpu.memref_squeeze %dma_start3A_2424 : memref<1x128x128xf32, #tpu.memory_space<vmem>> -> memref<128x128xf32, #tpu.memory_space<vmem>>
    %dma_start3A_2426 = arith.constant 0 : i32
    %dma_start3A_2427 = tpu.memref_slice %arg8[%dma_start3A_2419, %dma_start3A_2426] : memref<50x128xi32, #tpu.memory_space<vmem>> -> memref<1x128xi32, #tpu.memory_space<vmem>>
    %dma_start3A_2428 = tpu.memref_squeeze %dma_start3A_2427 : memref<1x128xi32, #tpu.memory_space<vmem>> -> memref<128xi32, #tpu.memory_space<vmem>>
    %dma_start3A_2429 = arith.constant 0 : i32
    %dma_start3A_2430 = arith.constant 0 : i32
    %dma_start3A_2431 = tpu.memref_slice %arg2[%dma_start3A_2429, %dma_start3A_2430] : memref<14600x128xf32, #tpu.memory_space<hbm>> -> memref<14600x128xf32, #tpu.memory_space<hbm>>
    %dma_start3A_2432 = tpu.memref_slice %arg10[%dma_start3A_2421] : memref<6x!tpu.dma_semaphore, #tpu.memory_space<semaphore_mem>> -> memref<1x!tpu.dma_semaphore, #tpu.memory_space<semaphore_mem>>
    %dma_start3A_2433 = tpu.memref_squeeze %dma_start3A_2432 : memref<1x!tpu.dma_semaphore, #tpu.memory_space<semaphore_mem>> -> memref<!tpu.dma_semaphore, #tpu.memory_space<semaphore_mem>>
    tpu.enqueue_indirect_dma source(%dma_start3A_2431 : memref<14600x128xf32, #tpu.memory_space<hbm>>) target(%dma_start3A_2425 : memref<128x128xf32, #tpu.memory_space<vmem>>) offsets(%dma_start3A_2428 : memref<128xi32, #tpu.memory_space<vmem>>) semaphore(%dma_start3A_2433 : memref<!tpu.dma_semaphore, #tpu.memory_space<semaphore_mem>>)
    %dma_wait3A_2434 = arith.constant 37 : i32
    %dma_wait3A_2435 = arith.constant 1 : i32
    %dma_wait3A_2436 = arith.constant 1 : i32
    %dma_wait3A_2437 = arith.constant 0 : i32
    %dma_wait3A_2438 = arith.constant 0 : i32
    %dma_wait3A_2439 = tpu.memref_slice %arg9[%dma_wait3A_2435, %dma_wait3A_2437, %dma_wait3A_2438] : memref<6x128x128xf32, #tpu.memory_space<vmem>> -> memref<1x128x128xf32, #tpu.memory_space<vmem>>
    %dma_wait3A_2440 = tpu.memref_squeeze %dma_wait3A_2439 : memref<1x128x128xf32, #tpu.memory_space<vmem>> -> memref<128x128xf32, #tpu.memory_space<vmem>>
    %dma_wait3A_2441 = arith.constant 0 : i32
    %dma_wait3A_2442 = tpu.memref_slice %arg8[%dma_wait3A_2434, %dma_wait3A_2441] : memref<50x128xi32, #tpu.memory_space<vmem>> -> memref<1x128xi32, #tpu.memory_space<vmem>>
    %dma_wait3A_2443 = tpu.memref_squeeze %dma_wait3A_2442 : memref<1x128xi32, #tpu.memory_space<vmem>> -> memref<128xi32, #tpu.memory_space<vmem>>
    %dma_wait3A_2444 = arith.constant 0 : i32
    %dma_wait3A_2445 = arith.constant 0 : i32
    %dma_wait3A_2446 = tpu.memref_slice %arg2[%dma_wait3A_2444, %dma_wait3A_2445] : memref<14600x128xf32, #tpu.memory_space<hbm>> -> memref<14600x128xf32, #tpu.memory_space<hbm>>
    %dma_wait3A_2447 = tpu.memref_slice %arg10[%dma_wait3A_2436] : memref<6x!tpu.dma_semaphore, #tpu.memory_space<semaphore_mem>> -> memref<1x!tpu.dma_semaphore, #tpu.memory_space<semaphore_mem>>
    %dma_wait3A_2448 = tpu.memref_squeeze %dma_wait3A_2447 : memref<1x!tpu.dma_semaphore, #tpu.memory_space<semaphore_mem>> -> memref<!tpu.dma_semaphore, #tpu.memory_space<semaphore_mem>>
    tpu.wait_indirect_dma semaphore(%dma_wait3A_2448 : memref<!tpu.dma_semaphore, #tpu.memory_space<semaphore_mem>>) src(%dma_wait3A_2446 : memref<14600x128xf32, #tpu.memory_space<hbm>>) dst(%dma_wait3A_2440 : memref<128x128xf32, #tpu.memory_space<vmem>>)
    %add3A_2449 = arith.constant 4736 : i32
    %add3A_2450 = arith.addi %mul3A_2, %add3A_2449 : i32
    %dma_start3A_2451 = arith.constant 1 : i32
    %dma_start3A_2452 = arith.constant 1 : i32
    %dma_start3A_2453 = arith.constant 0 : i32
    %dma_start3A_2454 = arith.constant 0 : i32
    %dma_start3A_2455 = tpu.memref_slice %arg9[%dma_start3A_2451, %dma_start3A_2453, %dma_start3A_2454] : memref<6x128x128xf32, #tpu.memory_space<vmem>> -> memref<1x128x128xf32, #tpu.memory_space<vmem>>
    %dma_start3A_2456 = tpu.memref_squeeze %dma_start3A_2455 : memref<1x128x128xf32, #tpu.memory_space<vmem>> -> memref<128x128xf32, #tpu.memory_space<vmem>>
    %dma_start3A_2457 = arith.constant 0 : i32
    %dma_start3A_2458 = tpu.memref_slice %arg5[%add3A_2450, %dma_start3A_2457] : memref<204800x128xf32, #tpu.memory_space<hbm>> -> memref<128x128xf32, #tpu.memory_space<hbm>>
    %dma_start3A_2459 = tpu.memref_slice %arg11[%dma_start3A_2452] : memref<6x!tpu.dma_semaphore, #tpu.memory_space<semaphore_mem>> -> memref<1x!tpu.dma_semaphore, #tpu.memory_space<semaphore_mem>>
    %dma_start3A_2460 = tpu.memref_squeeze %dma_start3A_2459 : memref<1x!tpu.dma_semaphore, #tpu.memory_space<semaphore_mem>> -> memref<!tpu.dma_semaphore, #tpu.memory_space<semaphore_mem>>
    %dma_start3A_2461 = arith.constant 0 : i32
    %dma_start3A_2462 = tpu.memref_slice %arg5[%add3A_2450, %dma_start3A_2461] : memref<204800x128xf32, #tpu.memory_space<hbm>> -> memref<128x128xf32, #tpu.memory_space<hbm>>
    %dma_start3A_2463 = arith.constant 0 : i32
    %dma_start3A_2464 = arith.constant 0 : i32
    %dma_start3A_2465 = tpu.memref_slice %arg9[%dma_start3A_2451, %dma_start3A_2463, %dma_start3A_2464] : memref<6x128x128xf32, #tpu.memory_space<vmem>> -> memref<1x128x128xf32, #tpu.memory_space<vmem>>
    %dma_start3A_2466 = tpu.memref_squeeze %dma_start3A_2465 : memref<1x128x128xf32, #tpu.memory_space<vmem>> -> memref<128x128xf32, #tpu.memory_space<vmem>>
    tpu.enqueue_dma source(%dma_start3A_2466 : memref<128x128xf32, #tpu.memory_space<vmem>>) target(%dma_start3A_2462 : memref<128x128xf32, #tpu.memory_space<hbm>>) target_semaphore(%dma_start3A_2460 : memref<!tpu.dma_semaphore, #tpu.memory_space<semaphore_mem>>)
    %dma_wait3A_2467 = arith.constant 0 : i32
    %dma_wait3A_2468 = arith.constant 0 : i32
    %dma_wait3A_2469 = arith.constant 0 : i32
    %dma_wait3A_2470 = arith.constant 0 : i32
    %dma_wait3A_2471 = tpu.memref_slice %arg9[%dma_wait3A_2467, %dma_wait3A_2469, %dma_wait3A_2470] : memref<6x128x128xf32, #tpu.memory_space<vmem>> -> memref<1x128x128xf32, #tpu.memory_space<vmem>>
    %dma_wait3A_2472 = tpu.memref_squeeze %dma_wait3A_2471 : memref<1x128x128xf32, #tpu.memory_space<vmem>> -> memref<128x128xf32, #tpu.memory_space<vmem>>
    %dma_wait3A_2473 = arith.constant 0 : i32
    %dma_wait3A_2474 = tpu.memref_slice %arg5[%add3A_2386, %dma_wait3A_2473] : memref<204800x128xf32, #tpu.memory_space<hbm>> -> memref<128x128xf32, #tpu.memory_space<hbm>>
    %dma_wait3A_2475 = tpu.memref_slice %arg11[%dma_wait3A_2468] : memref<6x!tpu.dma_semaphore, #tpu.memory_space<semaphore_mem>> -> memref<1x!tpu.dma_semaphore, #tpu.memory_space<semaphore_mem>>
    %dma_wait3A_2476 = tpu.memref_squeeze %dma_wait3A_2475 : memref<1x!tpu.dma_semaphore, #tpu.memory_space<semaphore_mem>> -> memref<!tpu.dma_semaphore, #tpu.memory_space<semaphore_mem>>
    %dma_wait3A_2477 = arith.constant 0 : i32
    %dma_wait3A_2478 = tpu.memref_slice %arg5[%add3A_2386, %dma_wait3A_2477] : memref<204800x128xf32, #tpu.memory_space<hbm>> -> memref<128x128xf32, #tpu.memory_space<hbm>>
    %dma_wait3A_2479 = arith.constant 0 : i32
    %dma_wait3A_2480 = arith.constant 0 : i32
    %dma_wait3A_2481 = tpu.memref_slice %arg9[%dma_wait3A_2467, %dma_wait3A_2479, %dma_wait3A_2480] : memref<6x128x128xf32, #tpu.memory_space<vmem>> -> memref<1x128x128xf32, #tpu.memory_space<vmem>>
    %dma_wait3A_2482 = tpu.memref_squeeze %dma_wait3A_2481 : memref<1x128x128xf32, #tpu.memory_space<vmem>> -> memref<128x128xf32, #tpu.memory_space<vmem>>
    tpu.wait_dma2 semaphore(%dma_wait3A_2476 : memref<!tpu.dma_semaphore, #tpu.memory_space<semaphore_mem>>) src(%dma_wait3A_2482 : memref<128x128xf32, #tpu.memory_space<vmem>>) dst(%dma_wait3A_2478 : memref<128x128xf32, #tpu.memory_space<hbm>>)
    %dma_start3A_2483 = arith.constant 42 : i32
    %dma_start3A_2484 = arith.constant 0 : i32
    %dma_start3A_2485 = arith.constant 0 : i32
    %dma_start3A_2486 = arith.constant 0 : i32
    %dma_start3A_2487 = arith.constant 0 : i32
    %dma_start3A_2488 = tpu.memref_slice %arg9[%dma_start3A_2484, %dma_start3A_2486, %dma_start3A_2487] : memref<6x128x128xf32, #tpu.memory_space<vmem>> -> memref<1x128x128xf32, #tpu.memory_space<vmem>>
    %dma_start3A_2489 = tpu.memref_squeeze %dma_start3A_2488 : memref<1x128x128xf32, #tpu.memory_space<vmem>> -> memref<128x128xf32, #tpu.memory_space<vmem>>
    %dma_start3A_2490 = arith.constant 0 : i32
    %dma_start3A_2491 = tpu.memref_slice %arg8[%dma_start3A_2483, %dma_start3A_2490] : memref<50x128xi32, #tpu.memory_space<vmem>> -> memref<1x128xi32, #tpu.memory_space<vmem>>
    %dma_start3A_2492 = tpu.memref_squeeze %dma_start3A_2491 : memref<1x128xi32, #tpu.memory_space<vmem>> -> memref<128xi32, #tpu.memory_space<vmem>>
    %dma_start3A_2493 = arith.constant 0 : i32
    %dma_start3A_2494 = arith.constant 0 : i32
    %dma_start3A_2495 = tpu.memref_slice %arg2[%dma_start3A_2493, %dma_start3A_2494] : memref<14600x128xf32, #tpu.memory_space<hbm>> -> memref<14600x128xf32, #tpu.memory_space<hbm>>
    %dma_start3A_2496 = tpu.memref_slice %arg10[%dma_start3A_2485] : memref<6x!tpu.dma_semaphore, #tpu.memory_space<semaphore_mem>> -> memref<1x!tpu.dma_semaphore, #tpu.memory_space<semaphore_mem>>
    %dma_start3A_2497 = tpu.memref_squeeze %dma_start3A_2496 : memref<1x!tpu.dma_semaphore, #tpu.memory_space<semaphore_mem>> -> memref<!tpu.dma_semaphore, #tpu.memory_space<semaphore_mem>>
    tpu.enqueue_indirect_dma source(%dma_start3A_2495 : memref<14600x128xf32, #tpu.memory_space<hbm>>) target(%dma_start3A_2489 : memref<128x128xf32, #tpu.memory_space<vmem>>) offsets(%dma_start3A_2492 : memref<128xi32, #tpu.memory_space<vmem>>) semaphore(%dma_start3A_2497 : memref<!tpu.dma_semaphore, #tpu.memory_space<semaphore_mem>>)
    %dma_wait3A_2498 = arith.constant 38 : i32
    %dma_wait3A_2499 = arith.constant 2 : i32
    %dma_wait3A_2500 = arith.constant 2 : i32
    %dma_wait3A_2501 = arith.constant 0 : i32
    %dma_wait3A_2502 = arith.constant 0 : i32
    %dma_wait3A_2503 = tpu.memref_slice %arg9[%dma_wait3A_2499, %dma_wait3A_2501, %dma_wait3A_2502] : memref<6x128x128xf32, #tpu.memory_space<vmem>> -> memref<1x128x128xf32, #tpu.memory_space<vmem>>
    %dma_wait3A_2504 = tpu.memref_squeeze %dma_wait3A_2503 : memref<1x128x128xf32, #tpu.memory_space<vmem>> -> memref<128x128xf32, #tpu.memory_space<vmem>>
    %dma_wait3A_2505 = arith.constant 0 : i32
    %dma_wait3A_2506 = tpu.memref_slice %arg8[%dma_wait3A_2498, %dma_wait3A_2505] : memref<50x128xi32, #tpu.memory_space<vmem>> -> memref<1x128xi32, #tpu.memory_space<vmem>>
    %dma_wait3A_2507 = tpu.memref_squeeze %dma_wait3A_2506 : memref<1x128xi32, #tpu.memory_space<vmem>> -> memref<128xi32, #tpu.memory_space<vmem>>
    %dma_wait3A_2508 = arith.constant 0 : i32
    %dma_wait3A_2509 = arith.constant 0 : i32
    %dma_wait3A_2510 = tpu.memref_slice %arg2[%dma_wait3A_2508, %dma_wait3A_2509] : memref<14600x128xf32, #tpu.memory_space<hbm>> -> memref<14600x128xf32, #tpu.memory_space<hbm>>
    %dma_wait3A_2511 = tpu.memref_slice %arg10[%dma_wait3A_2500] : memref<6x!tpu.dma_semaphore, #tpu.memory_space<semaphore_mem>> -> memref<1x!tpu.dma_semaphore, #tpu.memory_space<semaphore_mem>>
    %dma_wait3A_2512 = tpu.memref_squeeze %dma_wait3A_2511 : memref<1x!tpu.dma_semaphore, #tpu.memory_space<semaphore_mem>> -> memref<!tpu.dma_semaphore, #tpu.memory_space<semaphore_mem>>
    tpu.wait_indirect_dma semaphore(%dma_wait3A_2512 : memref<!tpu.dma_semaphore, #tpu.memory_space<semaphore_mem>>) src(%dma_wait3A_2510 : memref<14600x128xf32, #tpu.memory_space<hbm>>) dst(%dma_wait3A_2504 : memref<128x128xf32, #tpu.memory_space<vmem>>)
    %add3A_2513 = arith.constant 4864 : i32
    %add3A_2514 = arith.addi %mul3A_2, %add3A_2513 : i32
    %dma_start3A_2515 = arith.constant 2 : i32
    %dma_start3A_2516 = arith.constant 2 : i32
    %dma_start3A_2517 = arith.constant 0 : i32
    %dma_start3A_2518 = arith.constant 0 : i32
    %dma_start3A_2519 = tpu.memref_slice %arg9[%dma_start3A_2515, %dma_start3A_2517, %dma_start3A_2518] : memref<6x128x128xf32, #tpu.memory_space<vmem>> -> memref<1x128x128xf32, #tpu.memory_space<vmem>>
    %dma_start3A_2520 = tpu.memref_squeeze %dma_start3A_2519 : memref<1x128x128xf32, #tpu.memory_space<vmem>> -> memref<128x128xf32, #tpu.memory_space<vmem>>
    %dma_start3A_2521 = arith.constant 0 : i32
    %dma_start3A_2522 = tpu.memref_slice %arg5[%add3A_2514, %dma_start3A_2521] : memref<204800x128xf32, #tpu.memory_space<hbm>> -> memref<128x128xf32, #tpu.memory_space<hbm>>
    %dma_start3A_2523 = tpu.memref_slice %arg11[%dma_start3A_2516] : memref<6x!tpu.dma_semaphore, #tpu.memory_space<semaphore_mem>> -> memref<1x!tpu.dma_semaphore, #tpu.memory_space<semaphore_mem>>
    %dma_start3A_2524 = tpu.memref_squeeze %dma_start3A_2523 : memref<1x!tpu.dma_semaphore, #tpu.memory_space<semaphore_mem>> -> memref<!tpu.dma_semaphore, #tpu.memory_space<semaphore_mem>>
    %dma_start3A_2525 = arith.constant 0 : i32
    %dma_start3A_2526 = tpu.memref_slice %arg5[%add3A_2514, %dma_start3A_2525] : memref<204800x128xf32, #tpu.memory_space<hbm>> -> memref<128x128xf32, #tpu.memory_space<hbm>>
    %dma_start3A_2527 = arith.constant 0 : i32
    %dma_start3A_2528 = arith.constant 0 : i32
    %dma_start3A_2529 = tpu.memref_slice %arg9[%dma_start3A_2515, %dma_start3A_2527, %dma_start3A_2528] : memref<6x128x128xf32, #tpu.memory_space<vmem>> -> memref<1x128x128xf32, #tpu.memory_space<vmem>>
    %dma_start3A_2530 = tpu.memref_squeeze %dma_start3A_2529 : memref<1x128x128xf32, #tpu.memory_space<vmem>> -> memref<128x128xf32, #tpu.memory_space<vmem>>
    tpu.enqueue_dma source(%dma_start3A_2530 : memref<128x128xf32, #tpu.memory_space<vmem>>) target(%dma_start3A_2526 : memref<128x128xf32, #tpu.memory_space<hbm>>) target_semaphore(%dma_start3A_2524 : memref<!tpu.dma_semaphore, #tpu.memory_space<semaphore_mem>>)
    %dma_wait3A_2531 = arith.constant 1 : i32
    %dma_wait3A_2532 = arith.constant 1 : i32
    %dma_wait3A_2533 = arith.constant 0 : i32
    %dma_wait3A_2534 = arith.constant 0 : i32
    %dma_wait3A_2535 = tpu.memref_slice %arg9[%dma_wait3A_2531, %dma_wait3A_2533, %dma_wait3A_2534] : memref<6x128x128xf32, #tpu.memory_space<vmem>> -> memref<1x128x128xf32, #tpu.memory_space<vmem>>
    %dma_wait3A_2536 = tpu.memref_squeeze %dma_wait3A_2535 : memref<1x128x128xf32, #tpu.memory_space<vmem>> -> memref<128x128xf32, #tpu.memory_space<vmem>>
    %dma_wait3A_2537 = arith.constant 0 : i32
    %dma_wait3A_2538 = tpu.memref_slice %arg5[%add3A_2450, %dma_wait3A_2537] : memref<204800x128xf32, #tpu.memory_space<hbm>> -> memref<128x128xf32, #tpu.memory_space<hbm>>
    %dma_wait3A_2539 = tpu.memref_slice %arg11[%dma_wait3A_2532] : memref<6x!tpu.dma_semaphore, #tpu.memory_space<semaphore_mem>> -> memref<1x!tpu.dma_semaphore, #tpu.memory_space<semaphore_mem>>
    %dma_wait3A_2540 = tpu.memref_squeeze %dma_wait3A_2539 : memref<1x!tpu.dma_semaphore, #tpu.memory_space<semaphore_mem>> -> memref<!tpu.dma_semaphore, #tpu.memory_space<semaphore_mem>>
    %dma_wait3A_2541 = arith.constant 0 : i32
    %dma_wait3A_2542 = tpu.memref_slice %arg5[%add3A_2450, %dma_wait3A_2541] : memref<204800x128xf32, #tpu.memory_space<hbm>> -> memref<128x128xf32, #tpu.memory_space<hbm>>
    %dma_wait3A_2543 = arith.constant 0 : i32
    %dma_wait3A_2544 = arith.constant 0 : i32
    %dma_wait3A_2545 = tpu.memref_slice %arg9[%dma_wait3A_2531, %dma_wait3A_2543, %dma_wait3A_2544] : memref<6x128x128xf32, #tpu.memory_space<vmem>> -> memref<1x128x128xf32, #tpu.memory_space<vmem>>
    %dma_wait3A_2546 = tpu.memref_squeeze %dma_wait3A_2545 : memref<1x128x128xf32, #tpu.memory_space<vmem>> -> memref<128x128xf32, #tpu.memory_space<vmem>>
    tpu.wait_dma2 semaphore(%dma_wait3A_2540 : memref<!tpu.dma_semaphore, #tpu.memory_space<semaphore_mem>>) src(%dma_wait3A_2546 : memref<128x128xf32, #tpu.memory_space<vmem>>) dst(%dma_wait3A_2542 : memref<128x128xf32, #tpu.memory_space<hbm>>)
    %dma_start3A_2547 = arith.constant 43 : i32
    %dma_start3A_2548 = arith.constant 1 : i32
    %dma_start3A_2549 = arith.constant 1 : i32
    %dma_start3A_2550 = arith.constant 0 : i32
    %dma_start3A_2551 = arith.constant 0 : i32
    %dma_start3A_2552 = tpu.memref_slice %arg9[%dma_start3A_2548, %dma_start3A_2550, %dma_start3A_2551] : memref<6x128x128xf32, #tpu.memory_space<vmem>> -> memref<1x128x128xf32, #tpu.memory_space<vmem>>
    %dma_start3A_2553 = tpu.memref_squeeze %dma_start3A_2552 : memref<1x128x128xf32, #tpu.memory_space<vmem>> -> memref<128x128xf32, #tpu.memory_space<vmem>>
    %dma_start3A_2554 = arith.constant 0 : i32
    %dma_start3A_2555 = tpu.memref_slice %arg8[%dma_start3A_2547, %dma_start3A_2554] : memref<50x128xi32, #tpu.memory_space<vmem>> -> memref<1x128xi32, #tpu.memory_space<vmem>>
    %dma_start3A_2556 = tpu.memref_squeeze %dma_start3A_2555 : memref<1x128xi32, #tpu.memory_space<vmem>> -> memref<128xi32, #tpu.memory_space<vmem>>
    %dma_start3A_2557 = arith.constant 0 : i32
    %dma_start3A_2558 = arith.constant 0 : i32
    %dma_start3A_2559 = tpu.memref_slice %arg2[%dma_start3A_2557, %dma_start3A_2558] : memref<14600x128xf32, #tpu.memory_space<hbm>> -> memref<14600x128xf32, #tpu.memory_space<hbm>>
    %dma_start3A_2560 = tpu.memref_slice %arg10[%dma_start3A_2549] : memref<6x!tpu.dma_semaphore, #tpu.memory_space<semaphore_mem>> -> memref<1x!tpu.dma_semaphore, #tpu.memory_space<semaphore_mem>>
    %dma_start3A_2561 = tpu.memref_squeeze %dma_start3A_2560 : memref<1x!tpu.dma_semaphore, #tpu.memory_space<semaphore_mem>> -> memref<!tpu.dma_semaphore, #tpu.memory_space<semaphore_mem>>
    tpu.enqueue_indirect_dma source(%dma_start3A_2559 : memref<14600x128xf32, #tpu.memory_space<hbm>>) target(%dma_start3A_2553 : memref<128x128xf32, #tpu.memory_space<vmem>>) offsets(%dma_start3A_2556 : memref<128xi32, #tpu.memory_space<vmem>>) semaphore(%dma_start3A_2561 : memref<!tpu.dma_semaphore, #tpu.memory_space<semaphore_mem>>)
    %dma_wait3A_2562 = arith.constant 39 : i32
    %dma_wait3A_2563 = arith.constant 3 : i32
    %dma_wait3A_2564 = arith.constant 3 : i32
    %dma_wait3A_2565 = arith.constant 0 : i32
    %dma_wait3A_2566 = arith.constant 0 : i32
    %dma_wait3A_2567 = tpu.memref_slice %arg9[%dma_wait3A_2563, %dma_wait3A_2565, %dma_wait3A_2566] : memref<6x128x128xf32, #tpu.memory_space<vmem>> -> memref<1x128x128xf32, #tpu.memory_space<vmem>>
    %dma_wait3A_2568 = tpu.memref_squeeze %dma_wait3A_2567 : memref<1x128x128xf32, #tpu.memory_space<vmem>> -> memref<128x128xf32, #tpu.memory_space<vmem>>
    %dma_wait3A_2569 = arith.constant 0 : i32
    %dma_wait3A_2570 = tpu.memref_slice %arg8[%dma_wait3A_2562, %dma_wait3A_2569] : memref<50x128xi32, #tpu.memory_space<vmem>> -> memref<1x128xi32, #tpu.memory_space<vmem>>
    %dma_wait3A_2571 = tpu.memref_squeeze %dma_wait3A_2570 : memref<1x128xi32, #tpu.memory_space<vmem>> -> memref<128xi32, #tpu.memory_space<vmem>>
    %dma_wait3A_2572 = arith.constant 0 : i32
    %dma_wait3A_2573 = arith.constant 0 : i32
    %dma_wait3A_2574 = tpu.memref_slice %arg2[%dma_wait3A_2572, %dma_wait3A_2573] : memref<14600x128xf32, #tpu.memory_space<hbm>> -> memref<14600x128xf32, #tpu.memory_space<hbm>>
    %dma_wait3A_2575 = tpu.memref_slice %arg10[%dma_wait3A_2564] : memref<6x!tpu.dma_semaphore, #tpu.memory_space<semaphore_mem>> -> memref<1x!tpu.dma_semaphore, #tpu.memory_space<semaphore_mem>>
    %dma_wait3A_2576 = tpu.memref_squeeze %dma_wait3A_2575 : memref<1x!tpu.dma_semaphore, #tpu.memory_space<semaphore_mem>> -> memref<!tpu.dma_semaphore, #tpu.memory_space<semaphore_mem>>
    tpu.wait_indirect_dma semaphore(%dma_wait3A_2576 : memref<!tpu.dma_semaphore, #tpu.memory_space<semaphore_mem>>) src(%dma_wait3A_2574 : memref<14600x128xf32, #tpu.memory_space<hbm>>) dst(%dma_wait3A_2568 : memref<128x128xf32, #tpu.memory_space<vmem>>)
    %add3A_2577 = arith.constant 4992 : i32
    %add3A_2578 = arith.addi %mul3A_2, %add3A_2577 : i32
    %dma_start3A_2579 = arith.constant 3 : i32
    %dma_start3A_2580 = arith.constant 3 : i32
    %dma_start3A_2581 = arith.constant 0 : i32
    %dma_start3A_2582 = arith.constant 0 : i32
    %dma_start3A_2583 = tpu.memref_slice %arg9[%dma_start3A_2579, %dma_start3A_2581, %dma_start3A_2582] : memref<6x128x128xf32, #tpu.memory_space<vmem>> -> memref<1x128x128xf32, #tpu.memory_space<vmem>>
    %dma_start3A_2584 = tpu.memref_squeeze %dma_start3A_2583 : memref<1x128x128xf32, #tpu.memory_space<vmem>> -> memref<128x128xf32, #tpu.memory_space<vmem>>
    %dma_start3A_2585 = arith.constant 0 : i32
    %dma_start3A_2586 = tpu.memref_slice %arg5[%add3A_2578, %dma_start3A_2585] : memref<204800x128xf32, #tpu.memory_space<hbm>> -> memref<128x128xf32, #tpu.memory_space<hbm>>
    %dma_start3A_2587 = tpu.memref_slice %arg11[%dma_start3A_2580] : memref<6x!tpu.dma_semaphore, #tpu.memory_space<semaphore_mem>> -> memref<1x!tpu.dma_semaphore, #tpu.memory_space<semaphore_mem>>
    %dma_start3A_2588 = tpu.memref_squeeze %dma_start3A_2587 : memref<1x!tpu.dma_semaphore, #tpu.memory_space<semaphore_mem>> -> memref<!tpu.dma_semaphore, #tpu.memory_space<semaphore_mem>>
    %dma_start3A_2589 = arith.constant 0 : i32
    %dma_start3A_2590 = tpu.memref_slice %arg5[%add3A_2578, %dma_start3A_2589] : memref<204800x128xf32, #tpu.memory_space<hbm>> -> memref<128x128xf32, #tpu.memory_space<hbm>>
    %dma_start3A_2591 = arith.constant 0 : i32
    %dma_start3A_2592 = arith.constant 0 : i32
    %dma_start3A_2593 = tpu.memref_slice %arg9[%dma_start3A_2579, %dma_start3A_2591, %dma_start3A_2592] : memref<6x128x128xf32, #tpu.memory_space<vmem>> -> memref<1x128x128xf32, #tpu.memory_space<vmem>>
    %dma_start3A_2594 = tpu.memref_squeeze %dma_start3A_2593 : memref<1x128x128xf32, #tpu.memory_space<vmem>> -> memref<128x128xf32, #tpu.memory_space<vmem>>
    tpu.enqueue_dma source(%dma_start3A_2594 : memref<128x128xf32, #tpu.memory_space<vmem>>) target(%dma_start3A_2590 : memref<128x128xf32, #tpu.memory_space<hbm>>) target_semaphore(%dma_start3A_2588 : memref<!tpu.dma_semaphore, #tpu.memory_space<semaphore_mem>>)
    %dma_wait3A_2595 = arith.constant 2 : i32
    %dma_wait3A_2596 = arith.constant 2 : i32
    %dma_wait3A_2597 = arith.constant 0 : i32
    %dma_wait3A_2598 = arith.constant 0 : i32
    %dma_wait3A_2599 = tpu.memref_slice %arg9[%dma_wait3A_2595, %dma_wait3A_2597, %dma_wait3A_2598] : memref<6x128x128xf32, #tpu.memory_space<vmem>> -> memref<1x128x128xf32, #tpu.memory_space<vmem>>
    %dma_wait3A_2600 = tpu.memref_squeeze %dma_wait3A_2599 : memref<1x128x128xf32, #tpu.memory_space<vmem>> -> memref<128x128xf32, #tpu.memory_space<vmem>>
    %dma_wait3A_2601 = arith.constant 0 : i32
    %dma_wait3A_2602 = tpu.memref_slice %arg5[%add3A_2514, %dma_wait3A_2601] : memref<204800x128xf32, #tpu.memory_space<hbm>> -> memref<128x128xf32, #tpu.memory_space<hbm>>
    %dma_wait3A_2603 = tpu.memref_slice %arg11[%dma_wait3A_2596] : memref<6x!tpu.dma_semaphore, #tpu.memory_space<semaphore_mem>> -> memref<1x!tpu.dma_semaphore, #tpu.memory_space<semaphore_mem>>
    %dma_wait3A_2604 = tpu.memref_squeeze %dma_wait3A_2603 : memref<1x!tpu.dma_semaphore, #tpu.memory_space<semaphore_mem>> -> memref<!tpu.dma_semaphore, #tpu.memory_space<semaphore_mem>>
    %dma_wait3A_2605 = arith.constant 0 : i32
    %dma_wait3A_2606 = tpu.memref_slice %arg5[%add3A_2514, %dma_wait3A_2605] : memref<204800x128xf32, #tpu.memory_space<hbm>> -> memref<128x128xf32, #tpu.memory_space<hbm>>
    %dma_wait3A_2607 = arith.constant 0 : i32
    %dma_wait3A_2608 = arith.constant 0 : i32
    %dma_wait3A_2609 = tpu.memref_slice %arg9[%dma_wait3A_2595, %dma_wait3A_2607, %dma_wait3A_2608] : memref<6x128x128xf32, #tpu.memory_space<vmem>> -> memref<1x128x128xf32, #tpu.memory_space<vmem>>
    %dma_wait3A_2610 = tpu.memref_squeeze %dma_wait3A_2609 : memref<1x128x128xf32, #tpu.memory_space<vmem>> -> memref<128x128xf32, #tpu.memory_space<vmem>>
    tpu.wait_dma2 semaphore(%dma_wait3A_2604 : memref<!tpu.dma_semaphore, #tpu.memory_space<semaphore_mem>>) src(%dma_wait3A_2610 : memref<128x128xf32, #tpu.memory_space<vmem>>) dst(%dma_wait3A_2606 : memref<128x128xf32, #tpu.memory_space<hbm>>)
    %dma_start3A_2611 = arith.constant 44 : i32
    %dma_start3A_2612 = arith.constant 2 : i32
    %dma_start3A_2613 = arith.constant 2 : i32
    %dma_start3A_2614 = arith.constant 0 : i32
    %dma_start3A_2615 = arith.constant 0 : i32
    %dma_start3A_2616 = tpu.memref_slice %arg9[%dma_start3A_2612, %dma_start3A_2614, %dma_start3A_2615] : memref<6x128x128xf32, #tpu.memory_space<vmem>> -> memref<1x128x128xf32, #tpu.memory_space<vmem>>
    %dma_start3A_2617 = tpu.memref_squeeze %dma_start3A_2616 : memref<1x128x128xf32, #tpu.memory_space<vmem>> -> memref<128x128xf32, #tpu.memory_space<vmem>>
    %dma_start3A_2618 = arith.constant 0 : i32
    %dma_start3A_2619 = tpu.memref_slice %arg8[%dma_start3A_2611, %dma_start3A_2618] : memref<50x128xi32, #tpu.memory_space<vmem>> -> memref<1x128xi32, #tpu.memory_space<vmem>>
    %dma_start3A_2620 = tpu.memref_squeeze %dma_start3A_2619 : memref<1x128xi32, #tpu.memory_space<vmem>> -> memref<128xi32, #tpu.memory_space<vmem>>
    %dma_start3A_2621 = arith.constant 0 : i32
    %dma_start3A_2622 = arith.constant 0 : i32
    %dma_start3A_2623 = tpu.memref_slice %arg2[%dma_start3A_2621, %dma_start3A_2622] : memref<14600x128xf32, #tpu.memory_space<hbm>> -> memref<14600x128xf32, #tpu.memory_space<hbm>>
    %dma_start3A_2624 = tpu.memref_slice %arg10[%dma_start3A_2613] : memref<6x!tpu.dma_semaphore, #tpu.memory_space<semaphore_mem>> -> memref<1x!tpu.dma_semaphore, #tpu.memory_space<semaphore_mem>>
    %dma_start3A_2625 = tpu.memref_squeeze %dma_start3A_2624 : memref<1x!tpu.dma_semaphore, #tpu.memory_space<semaphore_mem>> -> memref<!tpu.dma_semaphore, #tpu.memory_space<semaphore_mem>>
    tpu.enqueue_indirect_dma source(%dma_start3A_2623 : memref<14600x128xf32, #tpu.memory_space<hbm>>) target(%dma_start3A_2617 : memref<128x128xf32, #tpu.memory_space<vmem>>) offsets(%dma_start3A_2620 : memref<128xi32, #tpu.memory_space<vmem>>) semaphore(%dma_start3A_2625 : memref<!tpu.dma_semaphore, #tpu.memory_space<semaphore_mem>>)
    %dma_wait3A_2626 = arith.constant 40 : i32
    %dma_wait3A_2627 = arith.constant 4 : i32
    %dma_wait3A_2628 = arith.constant 4 : i32
    %dma_wait3A_2629 = arith.constant 0 : i32
    %dma_wait3A_2630 = arith.constant 0 : i32
    %dma_wait3A_2631 = tpu.memref_slice %arg9[%dma_wait3A_2627, %dma_wait3A_2629, %dma_wait3A_2630] : memref<6x128x128xf32, #tpu.memory_space<vmem>> -> memref<1x128x128xf32, #tpu.memory_space<vmem>>
    %dma_wait3A_2632 = tpu.memref_squeeze %dma_wait3A_2631 : memref<1x128x128xf32, #tpu.memory_space<vmem>> -> memref<128x128xf32, #tpu.memory_space<vmem>>
    %dma_wait3A_2633 = arith.constant 0 : i32
    %dma_wait3A_2634 = tpu.memref_slice %arg8[%dma_wait3A_2626, %dma_wait3A_2633] : memref<50x128xi32, #tpu.memory_space<vmem>> -> memref<1x128xi32, #tpu.memory_space<vmem>>
    %dma_wait3A_2635 = tpu.memref_squeeze %dma_wait3A_2634 : memref<1x128xi32, #tpu.memory_space<vmem>> -> memref<128xi32, #tpu.memory_space<vmem>>
    %dma_wait3A_2636 = arith.constant 0 : i32
    %dma_wait3A_2637 = arith.constant 0 : i32
    %dma_wait3A_2638 = tpu.memref_slice %arg2[%dma_wait3A_2636, %dma_wait3A_2637] : memref<14600x128xf32, #tpu.memory_space<hbm>> -> memref<14600x128xf32, #tpu.memory_space<hbm>>
    %dma_wait3A_2639 = tpu.memref_slice %arg10[%dma_wait3A_2628] : memref<6x!tpu.dma_semaphore, #tpu.memory_space<semaphore_mem>> -> memref<1x!tpu.dma_semaphore, #tpu.memory_space<semaphore_mem>>
    %dma_wait3A_2640 = tpu.memref_squeeze %dma_wait3A_2639 : memref<1x!tpu.dma_semaphore, #tpu.memory_space<semaphore_mem>> -> memref<!tpu.dma_semaphore, #tpu.memory_space<semaphore_mem>>
    tpu.wait_indirect_dma semaphore(%dma_wait3A_2640 : memref<!tpu.dma_semaphore, #tpu.memory_space<semaphore_mem>>) src(%dma_wait3A_2638 : memref<14600x128xf32, #tpu.memory_space<hbm>>) dst(%dma_wait3A_2632 : memref<128x128xf32, #tpu.memory_space<vmem>>)
    %add3A_2641 = arith.constant 5120 : i32
    %add3A_2642 = arith.addi %mul3A_2, %add3A_2641 : i32
    %dma_start3A_2643 = arith.constant 4 : i32
    %dma_start3A_2644 = arith.constant 4 : i32
    %dma_start3A_2645 = arith.constant 0 : i32
    %dma_start3A_2646 = arith.constant 0 : i32
    %dma_start3A_2647 = tpu.memref_slice %arg9[%dma_start3A_2643, %dma_start3A_2645, %dma_start3A_2646] : memref<6x128x128xf32, #tpu.memory_space<vmem>> -> memref<1x128x128xf32, #tpu.memory_space<vmem>>
    %dma_start3A_2648 = tpu.memref_squeeze %dma_start3A_2647 : memref<1x128x128xf32, #tpu.memory_space<vmem>> -> memref<128x128xf32, #tpu.memory_space<vmem>>
    %dma_start3A_2649 = arith.constant 0 : i32
    %dma_start3A_2650 = tpu.memref_slice %arg5[%add3A_2642, %dma_start3A_2649] : memref<204800x128xf32, #tpu.memory_space<hbm>> -> memref<128x128xf32, #tpu.memory_space<hbm>>
    %dma_start3A_2651 = tpu.memref_slice %arg11[%dma_start3A_2644] : memref<6x!tpu.dma_semaphore, #tpu.memory_space<semaphore_mem>> -> memref<1x!tpu.dma_semaphore, #tpu.memory_space<semaphore_mem>>
    %dma_start3A_2652 = tpu.memref_squeeze %dma_start3A_2651 : memref<1x!tpu.dma_semaphore, #tpu.memory_space<semaphore_mem>> -> memref<!tpu.dma_semaphore, #tpu.memory_space<semaphore_mem>>
    %dma_start3A_2653 = arith.constant 0 : i32
    %dma_start3A_2654 = tpu.memref_slice %arg5[%add3A_2642, %dma_start3A_2653] : memref<204800x128xf32, #tpu.memory_space<hbm>> -> memref<128x128xf32, #tpu.memory_space<hbm>>
    %dma_start3A_2655 = arith.constant 0 : i32
    %dma_start3A_2656 = arith.constant 0 : i32
    %dma_start3A_2657 = tpu.memref_slice %arg9[%dma_start3A_2643, %dma_start3A_2655, %dma_start3A_2656] : memref<6x128x128xf32, #tpu.memory_space<vmem>> -> memref<1x128x128xf32, #tpu.memory_space<vmem>>
    %dma_start3A_2658 = tpu.memref_squeeze %dma_start3A_2657 : memref<1x128x128xf32, #tpu.memory_space<vmem>> -> memref<128x128xf32, #tpu.memory_space<vmem>>
    tpu.enqueue_dma source(%dma_start3A_2658 : memref<128x128xf32, #tpu.memory_space<vmem>>) target(%dma_start3A_2654 : memref<128x128xf32, #tpu.memory_space<hbm>>) target_semaphore(%dma_start3A_2652 : memref<!tpu.dma_semaphore, #tpu.memory_space<semaphore_mem>>)
    %dma_wait3A_2659 = arith.constant 3 : i32
    %dma_wait3A_2660 = arith.constant 3 : i32
    %dma_wait3A_2661 = arith.constant 0 : i32
    %dma_wait3A_2662 = arith.constant 0 : i32
    %dma_wait3A_2663 = tpu.memref_slice %arg9[%dma_wait3A_2659, %dma_wait3A_2661, %dma_wait3A_2662] : memref<6x128x128xf32, #tpu.memory_space<vmem>> -> memref<1x128x128xf32, #tpu.memory_space<vmem>>
    %dma_wait3A_2664 = tpu.memref_squeeze %dma_wait3A_2663 : memref<1x128x128xf32, #tpu.memory_space<vmem>> -> memref<128x128xf32, #tpu.memory_space<vmem>>
    %dma_wait3A_2665 = arith.constant 0 : i32
    %dma_wait3A_2666 = tpu.memref_slice %arg5[%add3A_2578, %dma_wait3A_2665] : memref<204800x128xf32, #tpu.memory_space<hbm>> -> memref<128x128xf32, #tpu.memory_space<hbm>>
    %dma_wait3A_2667 = tpu.memref_slice %arg11[%dma_wait3A_2660] : memref<6x!tpu.dma_semaphore, #tpu.memory_space<semaphore_mem>> -> memref<1x!tpu.dma_semaphore, #tpu.memory_space<semaphore_mem>>
    %dma_wait3A_2668 = tpu.memref_squeeze %dma_wait3A_2667 : memref<1x!tpu.dma_semaphore, #tpu.memory_space<semaphore_mem>> -> memref<!tpu.dma_semaphore, #tpu.memory_space<semaphore_mem>>
    %dma_wait3A_2669 = arith.constant 0 : i32
    %dma_wait3A_2670 = tpu.memref_slice %arg5[%add3A_2578, %dma_wait3A_2669] : memref<204800x128xf32, #tpu.memory_space<hbm>> -> memref<128x128xf32, #tpu.memory_space<hbm>>
    %dma_wait3A_2671 = arith.constant 0 : i32
    %dma_wait3A_2672 = arith.constant 0 : i32
    %dma_wait3A_2673 = tpu.memref_slice %arg9[%dma_wait3A_2659, %dma_wait3A_2671, %dma_wait3A_2672] : memref<6x128x128xf32, #tpu.memory_space<vmem>> -> memref<1x128x128xf32, #tpu.memory_space<vmem>>
    %dma_wait3A_2674 = tpu.memref_squeeze %dma_wait3A_2673 : memref<1x128x128xf32, #tpu.memory_space<vmem>> -> memref<128x128xf32, #tpu.memory_space<vmem>>
    tpu.wait_dma2 semaphore(%dma_wait3A_2668 : memref<!tpu.dma_semaphore, #tpu.memory_space<semaphore_mem>>) src(%dma_wait3A_2674 : memref<128x128xf32, #tpu.memory_space<vmem>>) dst(%dma_wait3A_2670 : memref<128x128xf32, #tpu.memory_space<hbm>>)
    %dma_start3A_2675 = arith.constant 45 : i32
    %dma_start3A_2676 = arith.constant 3 : i32
    %dma_start3A_2677 = arith.constant 3 : i32
    %dma_start3A_2678 = arith.constant 0 : i32
    %dma_start3A_2679 = arith.constant 0 : i32
    %dma_start3A_2680 = tpu.memref_slice %arg9[%dma_start3A_2676, %dma_start3A_2678, %dma_start3A_2679] : memref<6x128x128xf32, #tpu.memory_space<vmem>> -> memref<1x128x128xf32, #tpu.memory_space<vmem>>
    %dma_start3A_2681 = tpu.memref_squeeze %dma_start3A_2680 : memref<1x128x128xf32, #tpu.memory_space<vmem>> -> memref<128x128xf32, #tpu.memory_space<vmem>>
    %dma_start3A_2682 = arith.constant 0 : i32
    %dma_start3A_2683 = tpu.memref_slice %arg8[%dma_start3A_2675, %dma_start3A_2682] : memref<50x128xi32, #tpu.memory_space<vmem>> -> memref<1x128xi32, #tpu.memory_space<vmem>>
    %dma_start3A_2684 = tpu.memref_squeeze %dma_start3A_2683 : memref<1x128xi32, #tpu.memory_space<vmem>> -> memref<128xi32, #tpu.memory_space<vmem>>
    %dma_start3A_2685 = arith.constant 0 : i32
    %dma_start3A_2686 = arith.constant 0 : i32
    %dma_start3A_2687 = tpu.memref_slice %arg2[%dma_start3A_2685, %dma_start3A_2686] : memref<14600x128xf32, #tpu.memory_space<hbm>> -> memref<14600x128xf32, #tpu.memory_space<hbm>>
    %dma_start3A_2688 = tpu.memref_slice %arg10[%dma_start3A_2677] : memref<6x!tpu.dma_semaphore, #tpu.memory_space<semaphore_mem>> -> memref<1x!tpu.dma_semaphore, #tpu.memory_space<semaphore_mem>>
    %dma_start3A_2689 = tpu.memref_squeeze %dma_start3A_2688 : memref<1x!tpu.dma_semaphore, #tpu.memory_space<semaphore_mem>> -> memref<!tpu.dma_semaphore, #tpu.memory_space<semaphore_mem>>
    tpu.enqueue_indirect_dma source(%dma_start3A_2687 : memref<14600x128xf32, #tpu.memory_space<hbm>>) target(%dma_start3A_2681 : memref<128x128xf32, #tpu.memory_space<vmem>>) offsets(%dma_start3A_2684 : memref<128xi32, #tpu.memory_space<vmem>>) semaphore(%dma_start3A_2689 : memref<!tpu.dma_semaphore, #tpu.memory_space<semaphore_mem>>)
    %dma_wait3A_2690 = arith.constant 41 : i32
    %dma_wait3A_2691 = arith.constant 5 : i32
    %dma_wait3A_2692 = arith.constant 5 : i32
    %dma_wait3A_2693 = arith.constant 0 : i32
    %dma_wait3A_2694 = arith.constant 0 : i32
    %dma_wait3A_2695 = tpu.memref_slice %arg9[%dma_wait3A_2691, %dma_wait3A_2693, %dma_wait3A_2694] : memref<6x128x128xf32, #tpu.memory_space<vmem>> -> memref<1x128x128xf32, #tpu.memory_space<vmem>>
    %dma_wait3A_2696 = tpu.memref_squeeze %dma_wait3A_2695 : memref<1x128x128xf32, #tpu.memory_space<vmem>> -> memref<128x128xf32, #tpu.memory_space<vmem>>
    %dma_wait3A_2697 = arith.constant 0 : i32
    %dma_wait3A_2698 = tpu.memref_slice %arg8[%dma_wait3A_2690, %dma_wait3A_2697] : memref<50x128xi32, #tpu.memory_space<vmem>> -> memref<1x128xi32, #tpu.memory_space<vmem>>
    %dma_wait3A_2699 = tpu.memref_squeeze %dma_wait3A_2698 : memref<1x128xi32, #tpu.memory_space<vmem>> -> memref<128xi32, #tpu.memory_space<vmem>>
    %dma_wait3A_2700 = arith.constant 0 : i32
    %dma_wait3A_2701 = arith.constant 0 : i32
    %dma_wait3A_2702 = tpu.memref_slice %arg2[%dma_wait3A_2700, %dma_wait3A_2701] : memref<14600x128xf32, #tpu.memory_space<hbm>> -> memref<14600x128xf32, #tpu.memory_space<hbm>>
    %dma_wait3A_2703 = tpu.memref_slice %arg10[%dma_wait3A_2692] : memref<6x!tpu.dma_semaphore, #tpu.memory_space<semaphore_mem>> -> memref<1x!tpu.dma_semaphore, #tpu.memory_space<semaphore_mem>>
    %dma_wait3A_2704 = tpu.memref_squeeze %dma_wait3A_2703 : memref<1x!tpu.dma_semaphore, #tpu.memory_space<semaphore_mem>> -> memref<!tpu.dma_semaphore, #tpu.memory_space<semaphore_mem>>
    tpu.wait_indirect_dma semaphore(%dma_wait3A_2704 : memref<!tpu.dma_semaphore, #tpu.memory_space<semaphore_mem>>) src(%dma_wait3A_2702 : memref<14600x128xf32, #tpu.memory_space<hbm>>) dst(%dma_wait3A_2696 : memref<128x128xf32, #tpu.memory_space<vmem>>)
    %add3A_2705 = arith.constant 5248 : i32
    %add3A_2706 = arith.addi %mul3A_2, %add3A_2705 : i32
    %dma_start3A_2707 = arith.constant 5 : i32
    %dma_start3A_2708 = arith.constant 5 : i32
    %dma_start3A_2709 = arith.constant 0 : i32
    %dma_start3A_2710 = arith.constant 0 : i32
    %dma_start3A_2711 = tpu.memref_slice %arg9[%dma_start3A_2707, %dma_start3A_2709, %dma_start3A_2710] : memref<6x128x128xf32, #tpu.memory_space<vmem>> -> memref<1x128x128xf32, #tpu.memory_space<vmem>>
    %dma_start3A_2712 = tpu.memref_squeeze %dma_start3A_2711 : memref<1x128x128xf32, #tpu.memory_space<vmem>> -> memref<128x128xf32, #tpu.memory_space<vmem>>
    %dma_start3A_2713 = arith.constant 0 : i32
    %dma_start3A_2714 = tpu.memref_slice %arg5[%add3A_2706, %dma_start3A_2713] : memref<204800x128xf32, #tpu.memory_space<hbm>> -> memref<128x128xf32, #tpu.memory_space<hbm>>
    %dma_start3A_2715 = tpu.memref_slice %arg11[%dma_start3A_2708] : memref<6x!tpu.dma_semaphore, #tpu.memory_space<semaphore_mem>> -> memref<1x!tpu.dma_semaphore, #tpu.memory_space<semaphore_mem>>
    %dma_start3A_2716 = tpu.memref_squeeze %dma_start3A_2715 : memref<1x!tpu.dma_semaphore, #tpu.memory_space<semaphore_mem>> -> memref<!tpu.dma_semaphore, #tpu.memory_space<semaphore_mem>>
    %dma_start3A_2717 = arith.constant 0 : i32
    %dma_start3A_2718 = tpu.memref_slice %arg5[%add3A_2706, %dma_start3A_2717] : memref<204800x128xf32, #tpu.memory_space<hbm>> -> memref<128x128xf32, #tpu.memory_space<hbm>>
    %dma_start3A_2719 = arith.constant 0 : i32
    %dma_start3A_2720 = arith.constant 0 : i32
    %dma_start3A_2721 = tpu.memref_slice %arg9[%dma_start3A_2707, %dma_start3A_2719, %dma_start3A_2720] : memref<6x128x128xf32, #tpu.memory_space<vmem>> -> memref<1x128x128xf32, #tpu.memory_space<vmem>>
    %dma_start3A_2722 = tpu.memref_squeeze %dma_start3A_2721 : memref<1x128x128xf32, #tpu.memory_space<vmem>> -> memref<128x128xf32, #tpu.memory_space<vmem>>
    tpu.enqueue_dma source(%dma_start3A_2722 : memref<128x128xf32, #tpu.memory_space<vmem>>) target(%dma_start3A_2718 : memref<128x128xf32, #tpu.memory_space<hbm>>) target_semaphore(%dma_start3A_2716 : memref<!tpu.dma_semaphore, #tpu.memory_space<semaphore_mem>>)
    %dma_wait3A_2723 = arith.constant 4 : i32
    %dma_wait3A_2724 = arith.constant 4 : i32
    %dma_wait3A_2725 = arith.constant 0 : i32
    %dma_wait3A_2726 = arith.constant 0 : i32
    %dma_wait3A_2727 = tpu.memref_slice %arg9[%dma_wait3A_2723, %dma_wait3A_2725, %dma_wait3A_2726] : memref<6x128x128xf32, #tpu.memory_space<vmem>> -> memref<1x128x128xf32, #tpu.memory_space<vmem>>
    %dma_wait3A_2728 = tpu.memref_squeeze %dma_wait3A_2727 : memref<1x128x128xf32, #tpu.memory_space<vmem>> -> memref<128x128xf32, #tpu.memory_space<vmem>>
    %dma_wait3A_2729 = arith.constant 0 : i32
    %dma_wait3A_2730 = tpu.memref_slice %arg5[%add3A_2642, %dma_wait3A_2729] : memref<204800x128xf32, #tpu.memory_space<hbm>> -> memref<128x128xf32, #tpu.memory_space<hbm>>
    %dma_wait3A_2731 = tpu.memref_slice %arg11[%dma_wait3A_2724] : memref<6x!tpu.dma_semaphore, #tpu.memory_space<semaphore_mem>> -> memref<1x!tpu.dma_semaphore, #tpu.memory_space<semaphore_mem>>
    %dma_wait3A_2732 = tpu.memref_squeeze %dma_wait3A_2731 : memref<1x!tpu.dma_semaphore, #tpu.memory_space<semaphore_mem>> -> memref<!tpu.dma_semaphore, #tpu.memory_space<semaphore_mem>>
    %dma_wait3A_2733 = arith.constant 0 : i32
    %dma_wait3A_2734 = tpu.memref_slice %arg5[%add3A_2642, %dma_wait3A_2733] : memref<204800x128xf32, #tpu.memory_space<hbm>> -> memref<128x128xf32, #tpu.memory_space<hbm>>
    %dma_wait3A_2735 = arith.constant 0 : i32
    %dma_wait3A_2736 = arith.constant 0 : i32
    %dma_wait3A_2737 = tpu.memref_slice %arg9[%dma_wait3A_2723, %dma_wait3A_2735, %dma_wait3A_2736] : memref<6x128x128xf32, #tpu.memory_space<vmem>> -> memref<1x128x128xf32, #tpu.memory_space<vmem>>
    %dma_wait3A_2738 = tpu.memref_squeeze %dma_wait3A_2737 : memref<1x128x128xf32, #tpu.memory_space<vmem>> -> memref<128x128xf32, #tpu.memory_space<vmem>>
    tpu.wait_dma2 semaphore(%dma_wait3A_2732 : memref<!tpu.dma_semaphore, #tpu.memory_space<semaphore_mem>>) src(%dma_wait3A_2738 : memref<128x128xf32, #tpu.memory_space<vmem>>) dst(%dma_wait3A_2734 : memref<128x128xf32, #tpu.memory_space<hbm>>)
    %dma_start3A_2739 = arith.constant 46 : i32
    %dma_start3A_2740 = arith.constant 4 : i32
    %dma_start3A_2741 = arith.constant 4 : i32
    %dma_start3A_2742 = arith.constant 0 : i32
    %dma_start3A_2743 = arith.constant 0 : i32
    %dma_start3A_2744 = tpu.memref_slice %arg9[%dma_start3A_2740, %dma_start3A_2742, %dma_start3A_2743] : memref<6x128x128xf32, #tpu.memory_space<vmem>> -> memref<1x128x128xf32, #tpu.memory_space<vmem>>
    %dma_start3A_2745 = tpu.memref_squeeze %dma_start3A_2744 : memref<1x128x128xf32, #tpu.memory_space<vmem>> -> memref<128x128xf32, #tpu.memory_space<vmem>>
    %dma_start3A_2746 = arith.constant 0 : i32
    %dma_start3A_2747 = tpu.memref_slice %arg8[%dma_start3A_2739, %dma_start3A_2746] : memref<50x128xi32, #tpu.memory_space<vmem>> -> memref<1x128xi32, #tpu.memory_space<vmem>>
    %dma_start3A_2748 = tpu.memref_squeeze %dma_start3A_2747 : memref<1x128xi32, #tpu.memory_space<vmem>> -> memref<128xi32, #tpu.memory_space<vmem>>
    %dma_start3A_2749 = arith.constant 0 : i32
    %dma_start3A_2750 = arith.constant 0 : i32
    %dma_start3A_2751 = tpu.memref_slice %arg2[%dma_start3A_2749, %dma_start3A_2750] : memref<14600x128xf32, #tpu.memory_space<hbm>> -> memref<14600x128xf32, #tpu.memory_space<hbm>>
    %dma_start3A_2752 = tpu.memref_slice %arg10[%dma_start3A_2741] : memref<6x!tpu.dma_semaphore, #tpu.memory_space<semaphore_mem>> -> memref<1x!tpu.dma_semaphore, #tpu.memory_space<semaphore_mem>>
    %dma_start3A_2753 = tpu.memref_squeeze %dma_start3A_2752 : memref<1x!tpu.dma_semaphore, #tpu.memory_space<semaphore_mem>> -> memref<!tpu.dma_semaphore, #tpu.memory_space<semaphore_mem>>
    tpu.enqueue_indirect_dma source(%dma_start3A_2751 : memref<14600x128xf32, #tpu.memory_space<hbm>>) target(%dma_start3A_2745 : memref<128x128xf32, #tpu.memory_space<vmem>>) offsets(%dma_start3A_2748 : memref<128xi32, #tpu.memory_space<vmem>>) semaphore(%dma_start3A_2753 : memref<!tpu.dma_semaphore, #tpu.memory_space<semaphore_mem>>)
    %dma_wait3A_2754 = arith.constant 42 : i32
    %dma_wait3A_2755 = arith.constant 0 : i32
    %dma_wait3A_2756 = arith.constant 0 : i32
    %dma_wait3A_2757 = arith.constant 0 : i32
    %dma_wait3A_2758 = arith.constant 0 : i32
    %dma_wait3A_2759 = tpu.memref_slice %arg9[%dma_wait3A_2755, %dma_wait3A_2757, %dma_wait3A_2758] : memref<6x128x128xf32, #tpu.memory_space<vmem>> -> memref<1x128x128xf32, #tpu.memory_space<vmem>>
    %dma_wait3A_2760 = tpu.memref_squeeze %dma_wait3A_2759 : memref<1x128x128xf32, #tpu.memory_space<vmem>> -> memref<128x128xf32, #tpu.memory_space<vmem>>
    %dma_wait3A_2761 = arith.constant 0 : i32
    %dma_wait3A_2762 = tpu.memref_slice %arg8[%dma_wait3A_2754, %dma_wait3A_2761] : memref<50x128xi32, #tpu.memory_space<vmem>> -> memref<1x128xi32, #tpu.memory_space<vmem>>
    %dma_wait3A_2763 = tpu.memref_squeeze %dma_wait3A_2762 : memref<1x128xi32, #tpu.memory_space<vmem>> -> memref<128xi32, #tpu.memory_space<vmem>>
    %dma_wait3A_2764 = arith.constant 0 : i32
    %dma_wait3A_2765 = arith.constant 0 : i32
    %dma_wait3A_2766 = tpu.memref_slice %arg2[%dma_wait3A_2764, %dma_wait3A_2765] : memref<14600x128xf32, #tpu.memory_space<hbm>> -> memref<14600x128xf32, #tpu.memory_space<hbm>>
    %dma_wait3A_2767 = tpu.memref_slice %arg10[%dma_wait3A_2756] : memref<6x!tpu.dma_semaphore, #tpu.memory_space<semaphore_mem>> -> memref<1x!tpu.dma_semaphore, #tpu.memory_space<semaphore_mem>>
    %dma_wait3A_2768 = tpu.memref_squeeze %dma_wait3A_2767 : memref<1x!tpu.dma_semaphore, #tpu.memory_space<semaphore_mem>> -> memref<!tpu.dma_semaphore, #tpu.memory_space<semaphore_mem>>
    tpu.wait_indirect_dma semaphore(%dma_wait3A_2768 : memref<!tpu.dma_semaphore, #tpu.memory_space<semaphore_mem>>) src(%dma_wait3A_2766 : memref<14600x128xf32, #tpu.memory_space<hbm>>) dst(%dma_wait3A_2760 : memref<128x128xf32, #tpu.memory_space<vmem>>)
    %add3A_2769 = arith.constant 5376 : i32
    %add3A_2770 = arith.addi %mul3A_2, %add3A_2769 : i32
    %dma_start3A_2771 = arith.constant 0 : i32
    %dma_start3A_2772 = arith.constant 0 : i32
    %dma_start3A_2773 = arith.constant 0 : i32
    %dma_start3A_2774 = arith.constant 0 : i32
    %dma_start3A_2775 = tpu.memref_slice %arg9[%dma_start3A_2771, %dma_start3A_2773, %dma_start3A_2774] : memref<6x128x128xf32, #tpu.memory_space<vmem>> -> memref<1x128x128xf32, #tpu.memory_space<vmem>>
    %dma_start3A_2776 = tpu.memref_squeeze %dma_start3A_2775 : memref<1x128x128xf32, #tpu.memory_space<vmem>> -> memref<128x128xf32, #tpu.memory_space<vmem>>
    %dma_start3A_2777 = arith.constant 0 : i32
    %dma_start3A_2778 = tpu.memref_slice %arg5[%add3A_2770, %dma_start3A_2777] : memref<204800x128xf32, #tpu.memory_space<hbm>> -> memref<128x128xf32, #tpu.memory_space<hbm>>
    %dma_start3A_2779 = tpu.memref_slice %arg11[%dma_start3A_2772] : memref<6x!tpu.dma_semaphore, #tpu.memory_space<semaphore_mem>> -> memref<1x!tpu.dma_semaphore, #tpu.memory_space<semaphore_mem>>
    %dma_start3A_2780 = tpu.memref_squeeze %dma_start3A_2779 : memref<1x!tpu.dma_semaphore, #tpu.memory_space<semaphore_mem>> -> memref<!tpu.dma_semaphore, #tpu.memory_space<semaphore_mem>>
    %dma_start3A_2781 = arith.constant 0 : i32
    %dma_start3A_2782 = tpu.memref_slice %arg5[%add3A_2770, %dma_start3A_2781] : memref<204800x128xf32, #tpu.memory_space<hbm>> -> memref<128x128xf32, #tpu.memory_space<hbm>>
    %dma_start3A_2783 = arith.constant 0 : i32
    %dma_start3A_2784 = arith.constant 0 : i32
    %dma_start3A_2785 = tpu.memref_slice %arg9[%dma_start3A_2771, %dma_start3A_2783, %dma_start3A_2784] : memref<6x128x128xf32, #tpu.memory_space<vmem>> -> memref<1x128x128xf32, #tpu.memory_space<vmem>>
    %dma_start3A_2786 = tpu.memref_squeeze %dma_start3A_2785 : memref<1x128x128xf32, #tpu.memory_space<vmem>> -> memref<128x128xf32, #tpu.memory_space<vmem>>
    tpu.enqueue_dma source(%dma_start3A_2786 : memref<128x128xf32, #tpu.memory_space<vmem>>) target(%dma_start3A_2782 : memref<128x128xf32, #tpu.memory_space<hbm>>) target_semaphore(%dma_start3A_2780 : memref<!tpu.dma_semaphore, #tpu.memory_space<semaphore_mem>>)
    %dma_wait3A_2787 = arith.constant 5 : i32
    %dma_wait3A_2788 = arith.constant 5 : i32
    %dma_wait3A_2789 = arith.constant 0 : i32
    %dma_wait3A_2790 = arith.constant 0 : i32
    %dma_wait3A_2791 = tpu.memref_slice %arg9[%dma_wait3A_2787, %dma_wait3A_2789, %dma_wait3A_2790] : memref<6x128x128xf32, #tpu.memory_space<vmem>> -> memref<1x128x128xf32, #tpu.memory_space<vmem>>
    %dma_wait3A_2792 = tpu.memref_squeeze %dma_wait3A_2791 : memref<1x128x128xf32, #tpu.memory_space<vmem>> -> memref<128x128xf32, #tpu.memory_space<vmem>>
    %dma_wait3A_2793 = arith.constant 0 : i32
    %dma_wait3A_2794 = tpu.memref_slice %arg5[%add3A_2706, %dma_wait3A_2793] : memref<204800x128xf32, #tpu.memory_space<hbm>> -> memref<128x128xf32, #tpu.memory_space<hbm>>
    %dma_wait3A_2795 = tpu.memref_slice %arg11[%dma_wait3A_2788] : memref<6x!tpu.dma_semaphore, #tpu.memory_space<semaphore_mem>> -> memref<1x!tpu.dma_semaphore, #tpu.memory_space<semaphore_mem>>
    %dma_wait3A_2796 = tpu.memref_squeeze %dma_wait3A_2795 : memref<1x!tpu.dma_semaphore, #tpu.memory_space<semaphore_mem>> -> memref<!tpu.dma_semaphore, #tpu.memory_space<semaphore_mem>>
    %dma_wait3A_2797 = arith.constant 0 : i32
    %dma_wait3A_2798 = tpu.memref_slice %arg5[%add3A_2706, %dma_wait3A_2797] : memref<204800x128xf32, #tpu.memory_space<hbm>> -> memref<128x128xf32, #tpu.memory_space<hbm>>
    %dma_wait3A_2799 = arith.constant 0 : i32
    %dma_wait3A_2800 = arith.constant 0 : i32
    %dma_wait3A_2801 = tpu.memref_slice %arg9[%dma_wait3A_2787, %dma_wait3A_2799, %dma_wait3A_2800] : memref<6x128x128xf32, #tpu.memory_space<vmem>> -> memref<1x128x128xf32, #tpu.memory_space<vmem>>
    %dma_wait3A_2802 = tpu.memref_squeeze %dma_wait3A_2801 : memref<1x128x128xf32, #tpu.memory_space<vmem>> -> memref<128x128xf32, #tpu.memory_space<vmem>>
    tpu.wait_dma2 semaphore(%dma_wait3A_2796 : memref<!tpu.dma_semaphore, #tpu.memory_space<semaphore_mem>>) src(%dma_wait3A_2802 : memref<128x128xf32, #tpu.memory_space<vmem>>) dst(%dma_wait3A_2798 : memref<128x128xf32, #tpu.memory_space<hbm>>)
    %dma_start3A_2803 = arith.constant 47 : i32
    %dma_start3A_2804 = arith.constant 5 : i32
    %dma_start3A_2805 = arith.constant 5 : i32
    %dma_start3A_2806 = arith.constant 0 : i32
    %dma_start3A_2807 = arith.constant 0 : i32
    %dma_start3A_2808 = tpu.memref_slice %arg9[%dma_start3A_2804, %dma_start3A_2806, %dma_start3A_2807] : memref<6x128x128xf32, #tpu.memory_space<vmem>> -> memref<1x128x128xf32, #tpu.memory_space<vmem>>
    %dma_start3A_2809 = tpu.memref_squeeze %dma_start3A_2808 : memref<1x128x128xf32, #tpu.memory_space<vmem>> -> memref<128x128xf32, #tpu.memory_space<vmem>>
    %dma_start3A_2810 = arith.constant 0 : i32
    %dma_start3A_2811 = tpu.memref_slice %arg8[%dma_start3A_2803, %dma_start3A_2810] : memref<50x128xi32, #tpu.memory_space<vmem>> -> memref<1x128xi32, #tpu.memory_space<vmem>>
    %dma_start3A_2812 = tpu.memref_squeeze %dma_start3A_2811 : memref<1x128xi32, #tpu.memory_space<vmem>> -> memref<128xi32, #tpu.memory_space<vmem>>
    %dma_start3A_2813 = arith.constant 0 : i32
    %dma_start3A_2814 = arith.constant 0 : i32
    %dma_start3A_2815 = tpu.memref_slice %arg2[%dma_start3A_2813, %dma_start3A_2814] : memref<14600x128xf32, #tpu.memory_space<hbm>> -> memref<14600x128xf32, #tpu.memory_space<hbm>>
    %dma_start3A_2816 = tpu.memref_slice %arg10[%dma_start3A_2805] : memref<6x!tpu.dma_semaphore, #tpu.memory_space<semaphore_mem>> -> memref<1x!tpu.dma_semaphore, #tpu.memory_space<semaphore_mem>>
    %dma_start3A_2817 = tpu.memref_squeeze %dma_start3A_2816 : memref<1x!tpu.dma_semaphore, #tpu.memory_space<semaphore_mem>> -> memref<!tpu.dma_semaphore, #tpu.memory_space<semaphore_mem>>
    tpu.enqueue_indirect_dma source(%dma_start3A_2815 : memref<14600x128xf32, #tpu.memory_space<hbm>>) target(%dma_start3A_2809 : memref<128x128xf32, #tpu.memory_space<vmem>>) offsets(%dma_start3A_2812 : memref<128xi32, #tpu.memory_space<vmem>>) semaphore(%dma_start3A_2817 : memref<!tpu.dma_semaphore, #tpu.memory_space<semaphore_mem>>)
    %dma_wait3A_2818 = arith.constant 43 : i32
    %dma_wait3A_2819 = arith.constant 1 : i32
    %dma_wait3A_2820 = arith.constant 1 : i32
    %dma_wait3A_2821 = arith.constant 0 : i32
    %dma_wait3A_2822 = arith.constant 0 : i32
    %dma_wait3A_2823 = tpu.memref_slice %arg9[%dma_wait3A_2819, %dma_wait3A_2821, %dma_wait3A_2822] : memref<6x128x128xf32, #tpu.memory_space<vmem>> -> memref<1x128x128xf32, #tpu.memory_space<vmem>>
    %dma_wait3A_2824 = tpu.memref_squeeze %dma_wait3A_2823 : memref<1x128x128xf32, #tpu.memory_space<vmem>> -> memref<128x128xf32, #tpu.memory_space<vmem>>
    %dma_wait3A_2825 = arith.constant 0 : i32
    %dma_wait3A_2826 = tpu.memref_slice %arg8[%dma_wait3A_2818, %dma_wait3A_2825] : memref<50x128xi32, #tpu.memory_space<vmem>> -> memref<1x128xi32, #tpu.memory_space<vmem>>
    %dma_wait3A_2827 = tpu.memref_squeeze %dma_wait3A_2826 : memref<1x128xi32, #tpu.memory_space<vmem>> -> memref<128xi32, #tpu.memory_space<vmem>>
    %dma_wait3A_2828 = arith.constant 0 : i32
    %dma_wait3A_2829 = arith.constant 0 : i32
    %dma_wait3A_2830 = tpu.memref_slice %arg2[%dma_wait3A_2828, %dma_wait3A_2829] : memref<14600x128xf32, #tpu.memory_space<hbm>> -> memref<14600x128xf32, #tpu.memory_space<hbm>>
    %dma_wait3A_2831 = tpu.memref_slice %arg10[%dma_wait3A_2820] : memref<6x!tpu.dma_semaphore, #tpu.memory_space<semaphore_mem>> -> memref<1x!tpu.dma_semaphore, #tpu.memory_space<semaphore_mem>>
    %dma_wait3A_2832 = tpu.memref_squeeze %dma_wait3A_2831 : memref<1x!tpu.dma_semaphore, #tpu.memory_space<semaphore_mem>> -> memref<!tpu.dma_semaphore, #tpu.memory_space<semaphore_mem>>
    tpu.wait_indirect_dma semaphore(%dma_wait3A_2832 : memref<!tpu.dma_semaphore, #tpu.memory_space<semaphore_mem>>) src(%dma_wait3A_2830 : memref<14600x128xf32, #tpu.memory_space<hbm>>) dst(%dma_wait3A_2824 : memref<128x128xf32, #tpu.memory_space<vmem>>)
    %add3A_2833 = arith.constant 5504 : i32
    %add3A_2834 = arith.addi %mul3A_2, %add3A_2833 : i32
    %dma_start3A_2835 = arith.constant 1 : i32
    %dma_start3A_2836 = arith.constant 1 : i32
    %dma_start3A_2837 = arith.constant 0 : i32
    %dma_start3A_2838 = arith.constant 0 : i32
    %dma_start3A_2839 = tpu.memref_slice %arg9[%dma_start3A_2835, %dma_start3A_2837, %dma_start3A_2838] : memref<6x128x128xf32, #tpu.memory_space<vmem>> -> memref<1x128x128xf32, #tpu.memory_space<vmem>>
    %dma_start3A_2840 = tpu.memref_squeeze %dma_start3A_2839 : memref<1x128x128xf32, #tpu.memory_space<vmem>> -> memref<128x128xf32, #tpu.memory_space<vmem>>
    %dma_start3A_2841 = arith.constant 0 : i32
    %dma_start3A_2842 = tpu.memref_slice %arg5[%add3A_2834, %dma_start3A_2841] : memref<204800x128xf32, #tpu.memory_space<hbm>> -> memref<128x128xf32, #tpu.memory_space<hbm>>
    %dma_start3A_2843 = tpu.memref_slice %arg11[%dma_start3A_2836] : memref<6x!tpu.dma_semaphore, #tpu.memory_space<semaphore_mem>> -> memref<1x!tpu.dma_semaphore, #tpu.memory_space<semaphore_mem>>
    %dma_start3A_2844 = tpu.memref_squeeze %dma_start3A_2843 : memref<1x!tpu.dma_semaphore, #tpu.memory_space<semaphore_mem>> -> memref<!tpu.dma_semaphore, #tpu.memory_space<semaphore_mem>>
    %dma_start3A_2845 = arith.constant 0 : i32
    %dma_start3A_2846 = tpu.memref_slice %arg5[%add3A_2834, %dma_start3A_2845] : memref<204800x128xf32, #tpu.memory_space<hbm>> -> memref<128x128xf32, #tpu.memory_space<hbm>>
    %dma_start3A_2847 = arith.constant 0 : i32
    %dma_start3A_2848 = arith.constant 0 : i32
    %dma_start3A_2849 = tpu.memref_slice %arg9[%dma_start3A_2835, %dma_start3A_2847, %dma_start3A_2848] : memref<6x128x128xf32, #tpu.memory_space<vmem>> -> memref<1x128x128xf32, #tpu.memory_space<vmem>>
    %dma_start3A_2850 = tpu.memref_squeeze %dma_start3A_2849 : memref<1x128x128xf32, #tpu.memory_space<vmem>> -> memref<128x128xf32, #tpu.memory_space<vmem>>
    tpu.enqueue_dma source(%dma_start3A_2850 : memref<128x128xf32, #tpu.memory_space<vmem>>) target(%dma_start3A_2846 : memref<128x128xf32, #tpu.memory_space<hbm>>) target_semaphore(%dma_start3A_2844 : memref<!tpu.dma_semaphore, #tpu.memory_space<semaphore_mem>>)
    %dma_wait3A_2851 = arith.constant 0 : i32
    %dma_wait3A_2852 = arith.constant 0 : i32
    %dma_wait3A_2853 = arith.constant 0 : i32
    %dma_wait3A_2854 = arith.constant 0 : i32
    %dma_wait3A_2855 = tpu.memref_slice %arg9[%dma_wait3A_2851, %dma_wait3A_2853, %dma_wait3A_2854] : memref<6x128x128xf32, #tpu.memory_space<vmem>> -> memref<1x128x128xf32, #tpu.memory_space<vmem>>
    %dma_wait3A_2856 = tpu.memref_squeeze %dma_wait3A_2855 : memref<1x128x128xf32, #tpu.memory_space<vmem>> -> memref<128x128xf32, #tpu.memory_space<vmem>>
    %dma_wait3A_2857 = arith.constant 0 : i32
    %dma_wait3A_2858 = tpu.memref_slice %arg5[%add3A_2770, %dma_wait3A_2857] : memref<204800x128xf32, #tpu.memory_space<hbm>> -> memref<128x128xf32, #tpu.memory_space<hbm>>
    %dma_wait3A_2859 = tpu.memref_slice %arg11[%dma_wait3A_2852] : memref<6x!tpu.dma_semaphore, #tpu.memory_space<semaphore_mem>> -> memref<1x!tpu.dma_semaphore, #tpu.memory_space<semaphore_mem>>
    %dma_wait3A_2860 = tpu.memref_squeeze %dma_wait3A_2859 : memref<1x!tpu.dma_semaphore, #tpu.memory_space<semaphore_mem>> -> memref<!tpu.dma_semaphore, #tpu.memory_space<semaphore_mem>>
    %dma_wait3A_2861 = arith.constant 0 : i32
    %dma_wait3A_2862 = tpu.memref_slice %arg5[%add3A_2770, %dma_wait3A_2861] : memref<204800x128xf32, #tpu.memory_space<hbm>> -> memref<128x128xf32, #tpu.memory_space<hbm>>
    %dma_wait3A_2863 = arith.constant 0 : i32
    %dma_wait3A_2864 = arith.constant 0 : i32
    %dma_wait3A_2865 = tpu.memref_slice %arg9[%dma_wait3A_2851, %dma_wait3A_2863, %dma_wait3A_2864] : memref<6x128x128xf32, #tpu.memory_space<vmem>> -> memref<1x128x128xf32, #tpu.memory_space<vmem>>
    %dma_wait3A_2866 = tpu.memref_squeeze %dma_wait3A_2865 : memref<1x128x128xf32, #tpu.memory_space<vmem>> -> memref<128x128xf32, #tpu.memory_space<vmem>>
    tpu.wait_dma2 semaphore(%dma_wait3A_2860 : memref<!tpu.dma_semaphore, #tpu.memory_space<semaphore_mem>>) src(%dma_wait3A_2866 : memref<128x128xf32, #tpu.memory_space<vmem>>) dst(%dma_wait3A_2862 : memref<128x128xf32, #tpu.memory_space<hbm>>)
    %dma_start3A_2867 = arith.constant 48 : i32
    %dma_start3A_2868 = arith.constant 0 : i32
    %dma_start3A_2869 = arith.constant 0 : i32
    %dma_start3A_2870 = arith.constant 0 : i32
    %dma_start3A_2871 = arith.constant 0 : i32
    %dma_start3A_2872 = tpu.memref_slice %arg9[%dma_start3A_2868, %dma_start3A_2870, %dma_start3A_2871] : memref<6x128x128xf32, #tpu.memory_space<vmem>> -> memref<1x128x128xf32, #tpu.memory_space<vmem>>
    %dma_start3A_2873 = tpu.memref_squeeze %dma_start3A_2872 : memref<1x128x128xf32, #tpu.memory_space<vmem>> -> memref<128x128xf32, #tpu.memory_space<vmem>>
    %dma_start3A_2874 = arith.constant 0 : i32
    %dma_start3A_2875 = tpu.memref_slice %arg8[%dma_start3A_2867, %dma_start3A_2874] : memref<50x128xi32, #tpu.memory_space<vmem>> -> memref<1x128xi32, #tpu.memory_space<vmem>>
    %dma_start3A_2876 = tpu.memref_squeeze %dma_start3A_2875 : memref<1x128xi32, #tpu.memory_space<vmem>> -> memref<128xi32, #tpu.memory_space<vmem>>
    %dma_start3A_2877 = arith.constant 0 : i32
    %dma_start3A_2878 = arith.constant 0 : i32
    %dma_start3A_2879 = tpu.memref_slice %arg2[%dma_start3A_2877, %dma_start3A_2878] : memref<14600x128xf32, #tpu.memory_space<hbm>> -> memref<14600x128xf32, #tpu.memory_space<hbm>>
    %dma_start3A_2880 = tpu.memref_slice %arg10[%dma_start3A_2869] : memref<6x!tpu.dma_semaphore, #tpu.memory_space<semaphore_mem>> -> memref<1x!tpu.dma_semaphore, #tpu.memory_space<semaphore_mem>>
    %dma_start3A_2881 = tpu.memref_squeeze %dma_start3A_2880 : memref<1x!tpu.dma_semaphore, #tpu.memory_space<semaphore_mem>> -> memref<!tpu.dma_semaphore, #tpu.memory_space<semaphore_mem>>
    tpu.enqueue_indirect_dma source(%dma_start3A_2879 : memref<14600x128xf32, #tpu.memory_space<hbm>>) target(%dma_start3A_2873 : memref<128x128xf32, #tpu.memory_space<vmem>>) offsets(%dma_start3A_2876 : memref<128xi32, #tpu.memory_space<vmem>>) semaphore(%dma_start3A_2881 : memref<!tpu.dma_semaphore, #tpu.memory_space<semaphore_mem>>)
    %dma_wait3A_2882 = arith.constant 44 : i32
    %dma_wait3A_2883 = arith.constant 2 : i32
    %dma_wait3A_2884 = arith.constant 2 : i32
    %dma_wait3A_2885 = arith.constant 0 : i32
    %dma_wait3A_2886 = arith.constant 0 : i32
    %dma_wait3A_2887 = tpu.memref_slice %arg9[%dma_wait3A_2883, %dma_wait3A_2885, %dma_wait3A_2886] : memref<6x128x128xf32, #tpu.memory_space<vmem>> -> memref<1x128x128xf32, #tpu.memory_space<vmem>>
    %dma_wait3A_2888 = tpu.memref_squeeze %dma_wait3A_2887 : memref<1x128x128xf32, #tpu.memory_space<vmem>> -> memref<128x128xf32, #tpu.memory_space<vmem>>
    %dma_wait3A_2889 = arith.constant 0 : i32
    %dma_wait3A_2890 = tpu.memref_slice %arg8[%dma_wait3A_2882, %dma_wait3A_2889] : memref<50x128xi32, #tpu.memory_space<vmem>> -> memref<1x128xi32, #tpu.memory_space<vmem>>
    %dma_wait3A_2891 = tpu.memref_squeeze %dma_wait3A_2890 : memref<1x128xi32, #tpu.memory_space<vmem>> -> memref<128xi32, #tpu.memory_space<vmem>>
    %dma_wait3A_2892 = arith.constant 0 : i32
    %dma_wait3A_2893 = arith.constant 0 : i32
    %dma_wait3A_2894 = tpu.memref_slice %arg2[%dma_wait3A_2892, %dma_wait3A_2893] : memref<14600x128xf32, #tpu.memory_space<hbm>> -> memref<14600x128xf32, #tpu.memory_space<hbm>>
    %dma_wait3A_2895 = tpu.memref_slice %arg10[%dma_wait3A_2884] : memref<6x!tpu.dma_semaphore, #tpu.memory_space<semaphore_mem>> -> memref<1x!tpu.dma_semaphore, #tpu.memory_space<semaphore_mem>>
    %dma_wait3A_2896 = tpu.memref_squeeze %dma_wait3A_2895 : memref<1x!tpu.dma_semaphore, #tpu.memory_space<semaphore_mem>> -> memref<!tpu.dma_semaphore, #tpu.memory_space<semaphore_mem>>
    tpu.wait_indirect_dma semaphore(%dma_wait3A_2896 : memref<!tpu.dma_semaphore, #tpu.memory_space<semaphore_mem>>) src(%dma_wait3A_2894 : memref<14600x128xf32, #tpu.memory_space<hbm>>) dst(%dma_wait3A_2888 : memref<128x128xf32, #tpu.memory_space<vmem>>)
    %add3A_2897 = arith.constant 5632 : i32
    %add3A_2898 = arith.addi %mul3A_2, %add3A_2897 : i32
    %dma_start3A_2899 = arith.constant 2 : i32
    %dma_start3A_2900 = arith.constant 2 : i32
    %dma_start3A_2901 = arith.constant 0 : i32
    %dma_start3A_2902 = arith.constant 0 : i32
    %dma_start3A_2903 = tpu.memref_slice %arg9[%dma_start3A_2899, %dma_start3A_2901, %dma_start3A_2902] : memref<6x128x128xf32, #tpu.memory_space<vmem>> -> memref<1x128x128xf32, #tpu.memory_space<vmem>>
    %dma_start3A_2904 = tpu.memref_squeeze %dma_start3A_2903 : memref<1x128x128xf32, #tpu.memory_space<vmem>> -> memref<128x128xf32, #tpu.memory_space<vmem>>
    %dma_start3A_2905 = arith.constant 0 : i32
    %dma_start3A_2906 = tpu.memref_slice %arg5[%add3A_2898, %dma_start3A_2905] : memref<204800x128xf32, #tpu.memory_space<hbm>> -> memref<128x128xf32, #tpu.memory_space<hbm>>
    %dma_start3A_2907 = tpu.memref_slice %arg11[%dma_start3A_2900] : memref<6x!tpu.dma_semaphore, #tpu.memory_space<semaphore_mem>> -> memref<1x!tpu.dma_semaphore, #tpu.memory_space<semaphore_mem>>
    %dma_start3A_2908 = tpu.memref_squeeze %dma_start3A_2907 : memref<1x!tpu.dma_semaphore, #tpu.memory_space<semaphore_mem>> -> memref<!tpu.dma_semaphore, #tpu.memory_space<semaphore_mem>>
    %dma_start3A_2909 = arith.constant 0 : i32
    %dma_start3A_2910 = tpu.memref_slice %arg5[%add3A_2898, %dma_start3A_2909] : memref<204800x128xf32, #tpu.memory_space<hbm>> -> memref<128x128xf32, #tpu.memory_space<hbm>>
    %dma_start3A_2911 = arith.constant 0 : i32
    %dma_start3A_2912 = arith.constant 0 : i32
    %dma_start3A_2913 = tpu.memref_slice %arg9[%dma_start3A_2899, %dma_start3A_2911, %dma_start3A_2912] : memref<6x128x128xf32, #tpu.memory_space<vmem>> -> memref<1x128x128xf32, #tpu.memory_space<vmem>>
    %dma_start3A_2914 = tpu.memref_squeeze %dma_start3A_2913 : memref<1x128x128xf32, #tpu.memory_space<vmem>> -> memref<128x128xf32, #tpu.memory_space<vmem>>
    tpu.enqueue_dma source(%dma_start3A_2914 : memref<128x128xf32, #tpu.memory_space<vmem>>) target(%dma_start3A_2910 : memref<128x128xf32, #tpu.memory_space<hbm>>) target_semaphore(%dma_start3A_2908 : memref<!tpu.dma_semaphore, #tpu.memory_space<semaphore_mem>>)
    %dma_wait3A_2915 = arith.constant 1 : i32
    %dma_wait3A_2916 = arith.constant 1 : i32
    %dma_wait3A_2917 = arith.constant 0 : i32
    %dma_wait3A_2918 = arith.constant 0 : i32
    %dma_wait3A_2919 = tpu.memref_slice %arg9[%dma_wait3A_2915, %dma_wait3A_2917, %dma_wait3A_2918] : memref<6x128x128xf32, #tpu.memory_space<vmem>> -> memref<1x128x128xf32, #tpu.memory_space<vmem>>
    %dma_wait3A_2920 = tpu.memref_squeeze %dma_wait3A_2919 : memref<1x128x128xf32, #tpu.memory_space<vmem>> -> memref<128x128xf32, #tpu.memory_space<vmem>>
    %dma_wait3A_2921 = arith.constant 0 : i32
    %dma_wait3A_2922 = tpu.memref_slice %arg5[%add3A_2834, %dma_wait3A_2921] : memref<204800x128xf32, #tpu.memory_space<hbm>> -> memref<128x128xf32, #tpu.memory_space<hbm>>
    %dma_wait3A_2923 = tpu.memref_slice %arg11[%dma_wait3A_2916] : memref<6x!tpu.dma_semaphore, #tpu.memory_space<semaphore_mem>> -> memref<1x!tpu.dma_semaphore, #tpu.memory_space<semaphore_mem>>
    %dma_wait3A_2924 = tpu.memref_squeeze %dma_wait3A_2923 : memref<1x!tpu.dma_semaphore, #tpu.memory_space<semaphore_mem>> -> memref<!tpu.dma_semaphore, #tpu.memory_space<semaphore_mem>>
    %dma_wait3A_2925 = arith.constant 0 : i32
    %dma_wait3A_2926 = tpu.memref_slice %arg5[%add3A_2834, %dma_wait3A_2925] : memref<204800x128xf32, #tpu.memory_space<hbm>> -> memref<128x128xf32, #tpu.memory_space<hbm>>
    %dma_wait3A_2927 = arith.constant 0 : i32
    %dma_wait3A_2928 = arith.constant 0 : i32
    %dma_wait3A_2929 = tpu.memref_slice %arg9[%dma_wait3A_2915, %dma_wait3A_2927, %dma_wait3A_2928] : memref<6x128x128xf32, #tpu.memory_space<vmem>> -> memref<1x128x128xf32, #tpu.memory_space<vmem>>
    %dma_wait3A_2930 = tpu.memref_squeeze %dma_wait3A_2929 : memref<1x128x128xf32, #tpu.memory_space<vmem>> -> memref<128x128xf32, #tpu.memory_space<vmem>>
    tpu.wait_dma2 semaphore(%dma_wait3A_2924 : memref<!tpu.dma_semaphore, #tpu.memory_space<semaphore_mem>>) src(%dma_wait3A_2930 : memref<128x128xf32, #tpu.memory_space<vmem>>) dst(%dma_wait3A_2926 : memref<128x128xf32, #tpu.memory_space<hbm>>)
    %dma_start3A_2931 = arith.constant 49 : i32
    %dma_start3A_2932 = arith.constant 1 : i32
    %dma_start3A_2933 = arith.constant 1 : i32
    %dma_start3A_2934 = arith.constant 0 : i32
    %dma_start3A_2935 = arith.constant 0 : i32
    %dma_start3A_2936 = tpu.memref_slice %arg9[%dma_start3A_2932, %dma_start3A_2934, %dma_start3A_2935] : memref<6x128x128xf32, #tpu.memory_space<vmem>> -> memref<1x128x128xf32, #tpu.memory_space<vmem>>
    %dma_start3A_2937 = tpu.memref_squeeze %dma_start3A_2936 : memref<1x128x128xf32, #tpu.memory_space<vmem>> -> memref<128x128xf32, #tpu.memory_space<vmem>>
    %dma_start3A_2938 = arith.constant 0 : i32
    %dma_start3A_2939 = tpu.memref_slice %arg8[%dma_start3A_2931, %dma_start3A_2938] : memref<50x128xi32, #tpu.memory_space<vmem>> -> memref<1x128xi32, #tpu.memory_space<vmem>>
    %dma_start3A_2940 = tpu.memref_squeeze %dma_start3A_2939 : memref<1x128xi32, #tpu.memory_space<vmem>> -> memref<128xi32, #tpu.memory_space<vmem>>
    %dma_start3A_2941 = arith.constant 0 : i32
    %dma_start3A_2942 = arith.constant 0 : i32
    %dma_start3A_2943 = tpu.memref_slice %arg2[%dma_start3A_2941, %dma_start3A_2942] : memref<14600x128xf32, #tpu.memory_space<hbm>> -> memref<14600x128xf32, #tpu.memory_space<hbm>>
    %dma_start3A_2944 = tpu.memref_slice %arg10[%dma_start3A_2933] : memref<6x!tpu.dma_semaphore, #tpu.memory_space<semaphore_mem>> -> memref<1x!tpu.dma_semaphore, #tpu.memory_space<semaphore_mem>>
    %dma_start3A_2945 = tpu.memref_squeeze %dma_start3A_2944 : memref<1x!tpu.dma_semaphore, #tpu.memory_space<semaphore_mem>> -> memref<!tpu.dma_semaphore, #tpu.memory_space<semaphore_mem>>
    tpu.enqueue_indirect_dma source(%dma_start3A_2943 : memref<14600x128xf32, #tpu.memory_space<hbm>>) target(%dma_start3A_2937 : memref<128x128xf32, #tpu.memory_space<vmem>>) offsets(%dma_start3A_2940 : memref<128xi32, #tpu.memory_space<vmem>>) semaphore(%dma_start3A_2945 : memref<!tpu.dma_semaphore, #tpu.memory_space<semaphore_mem>>)
    %dma_wait3A_2946 = arith.constant 45 : i32
    %dma_wait3A_2947 = arith.constant 3 : i32
    %dma_wait3A_2948 = arith.constant 3 : i32
    %dma_wait3A_2949 = arith.constant 0 : i32
    %dma_wait3A_2950 = arith.constant 0 : i32
    %dma_wait3A_2951 = tpu.memref_slice %arg9[%dma_wait3A_2947, %dma_wait3A_2949, %dma_wait3A_2950] : memref<6x128x128xf32, #tpu.memory_space<vmem>> -> memref<1x128x128xf32, #tpu.memory_space<vmem>>
    %dma_wait3A_2952 = tpu.memref_squeeze %dma_wait3A_2951 : memref<1x128x128xf32, #tpu.memory_space<vmem>> -> memref<128x128xf32, #tpu.memory_space<vmem>>
    %dma_wait3A_2953 = arith.constant 0 : i32
    %dma_wait3A_2954 = tpu.memref_slice %arg8[%dma_wait3A_2946, %dma_wait3A_2953] : memref<50x128xi32, #tpu.memory_space<vmem>> -> memref<1x128xi32, #tpu.memory_space<vmem>>
    %dma_wait3A_2955 = tpu.memref_squeeze %dma_wait3A_2954 : memref<1x128xi32, #tpu.memory_space<vmem>> -> memref<128xi32, #tpu.memory_space<vmem>>
    %dma_wait3A_2956 = arith.constant 0 : i32
    %dma_wait3A_2957 = arith.constant 0 : i32
    %dma_wait3A_2958 = tpu.memref_slice %arg2[%dma_wait3A_2956, %dma_wait3A_2957] : memref<14600x128xf32, #tpu.memory_space<hbm>> -> memref<14600x128xf32, #tpu.memory_space<hbm>>
    %dma_wait3A_2959 = tpu.memref_slice %arg10[%dma_wait3A_2948] : memref<6x!tpu.dma_semaphore, #tpu.memory_space<semaphore_mem>> -> memref<1x!tpu.dma_semaphore, #tpu.memory_space<semaphore_mem>>
    %dma_wait3A_2960 = tpu.memref_squeeze %dma_wait3A_2959 : memref<1x!tpu.dma_semaphore, #tpu.memory_space<semaphore_mem>> -> memref<!tpu.dma_semaphore, #tpu.memory_space<semaphore_mem>>
    tpu.wait_indirect_dma semaphore(%dma_wait3A_2960 : memref<!tpu.dma_semaphore, #tpu.memory_space<semaphore_mem>>) src(%dma_wait3A_2958 : memref<14600x128xf32, #tpu.memory_space<hbm>>) dst(%dma_wait3A_2952 : memref<128x128xf32, #tpu.memory_space<vmem>>)
    %add3A_2961 = arith.constant 5760 : i32
    %add3A_2962 = arith.addi %mul3A_2, %add3A_2961 : i32
    %dma_start3A_2963 = arith.constant 3 : i32
    %dma_start3A_2964 = arith.constant 3 : i32
    %dma_start3A_2965 = arith.constant 0 : i32
    %dma_start3A_2966 = arith.constant 0 : i32
    %dma_start3A_2967 = tpu.memref_slice %arg9[%dma_start3A_2963, %dma_start3A_2965, %dma_start3A_2966] : memref<6x128x128xf32, #tpu.memory_space<vmem>> -> memref<1x128x128xf32, #tpu.memory_space<vmem>>
    %dma_start3A_2968 = tpu.memref_squeeze %dma_start3A_2967 : memref<1x128x128xf32, #tpu.memory_space<vmem>> -> memref<128x128xf32, #tpu.memory_space<vmem>>
    %dma_start3A_2969 = arith.constant 0 : i32
    %dma_start3A_2970 = tpu.memref_slice %arg5[%add3A_2962, %dma_start3A_2969] : memref<204800x128xf32, #tpu.memory_space<hbm>> -> memref<128x128xf32, #tpu.memory_space<hbm>>
    %dma_start3A_2971 = tpu.memref_slice %arg11[%dma_start3A_2964] : memref<6x!tpu.dma_semaphore, #tpu.memory_space<semaphore_mem>> -> memref<1x!tpu.dma_semaphore, #tpu.memory_space<semaphore_mem>>
    %dma_start3A_2972 = tpu.memref_squeeze %dma_start3A_2971 : memref<1x!tpu.dma_semaphore, #tpu.memory_space<semaphore_mem>> -> memref<!tpu.dma_semaphore, #tpu.memory_space<semaphore_mem>>
    %dma_start3A_2973 = arith.constant 0 : i32
    %dma_start3A_2974 = tpu.memref_slice %arg5[%add3A_2962, %dma_start3A_2973] : memref<204800x128xf32, #tpu.memory_space<hbm>> -> memref<128x128xf32, #tpu.memory_space<hbm>>
    %dma_start3A_2975 = arith.constant 0 : i32
    %dma_start3A_2976 = arith.constant 0 : i32
    %dma_start3A_2977 = tpu.memref_slice %arg9[%dma_start3A_2963, %dma_start3A_2975, %dma_start3A_2976] : memref<6x128x128xf32, #tpu.memory_space<vmem>> -> memref<1x128x128xf32, #tpu.memory_space<vmem>>
    %dma_start3A_2978 = tpu.memref_squeeze %dma_start3A_2977 : memref<1x128x128xf32, #tpu.memory_space<vmem>> -> memref<128x128xf32, #tpu.memory_space<vmem>>
    tpu.enqueue_dma source(%dma_start3A_2978 : memref<128x128xf32, #tpu.memory_space<vmem>>) target(%dma_start3A_2974 : memref<128x128xf32, #tpu.memory_space<hbm>>) target_semaphore(%dma_start3A_2972 : memref<!tpu.dma_semaphore, #tpu.memory_space<semaphore_mem>>)
    %dma_wait3A_2979 = arith.constant 46 : i32
    %dma_wait3A_2980 = arith.constant 4 : i32
    %dma_wait3A_2981 = arith.constant 4 : i32
    %dma_wait3A_2982 = arith.constant 0 : i32
    %dma_wait3A_2983 = arith.constant 0 : i32
    %dma_wait3A_2984 = tpu.memref_slice %arg9[%dma_wait3A_2980, %dma_wait3A_2982, %dma_wait3A_2983] : memref<6x128x128xf32, #tpu.memory_space<vmem>> -> memref<1x128x128xf32, #tpu.memory_space<vmem>>
    %dma_wait3A_2985 = tpu.memref_squeeze %dma_wait3A_2984 : memref<1x128x128xf32, #tpu.memory_space<vmem>> -> memref<128x128xf32, #tpu.memory_space<vmem>>
    %dma_wait3A_2986 = arith.constant 0 : i32
    %dma_wait3A_2987 = tpu.memref_slice %arg8[%dma_wait3A_2979, %dma_wait3A_2986] : memref<50x128xi32, #tpu.memory_space<vmem>> -> memref<1x128xi32, #tpu.memory_space<vmem>>
    %dma_wait3A_2988 = tpu.memref_squeeze %dma_wait3A_2987 : memref<1x128xi32, #tpu.memory_space<vmem>> -> memref<128xi32, #tpu.memory_space<vmem>>
    %dma_wait3A_2989 = arith.constant 0 : i32
    %dma_wait3A_2990 = arith.constant 0 : i32
    %dma_wait3A_2991 = tpu.memref_slice %arg2[%dma_wait3A_2989, %dma_wait3A_2990] : memref<14600x128xf32, #tpu.memory_space<hbm>> -> memref<14600x128xf32, #tpu.memory_space<hbm>>
    %dma_wait3A_2992 = tpu.memref_slice %arg10[%dma_wait3A_2981] : memref<6x!tpu.dma_semaphore, #tpu.memory_space<semaphore_mem>> -> memref<1x!tpu.dma_semaphore, #tpu.memory_space<semaphore_mem>>
    %dma_wait3A_2993 = tpu.memref_squeeze %dma_wait3A_2992 : memref<1x!tpu.dma_semaphore, #tpu.memory_space<semaphore_mem>> -> memref<!tpu.dma_semaphore, #tpu.memory_space<semaphore_mem>>
    tpu.wait_indirect_dma semaphore(%dma_wait3A_2993 : memref<!tpu.dma_semaphore, #tpu.memory_space<semaphore_mem>>) src(%dma_wait3A_2991 : memref<14600x128xf32, #tpu.memory_space<hbm>>) dst(%dma_wait3A_2985 : memref<128x128xf32, #tpu.memory_space<vmem>>)
    %add3A_2994 = arith.constant 5888 : i32
    %add3A_2995 = arith.addi %mul3A_2, %add3A_2994 : i32
    %dma_start3A_2996 = arith.constant 4 : i32
    %dma_start3A_2997 = arith.constant 4 : i32
    %dma_start3A_2998 = arith.constant 0 : i32
    %dma_start3A_2999 = arith.constant 0 : i32
    %dma_start3A_3000 = tpu.memref_slice %arg9[%dma_start3A_2996, %dma_start3A_2998, %dma_start3A_2999] : memref<6x128x128xf32, #tpu.memory_space<vmem>> -> memref<1x128x128xf32, #tpu.memory_space<vmem>>
    %dma_start3A_3001 = tpu.memref_squeeze %dma_start3A_3000 : memref<1x128x128xf32, #tpu.memory_space<vmem>> -> memref<128x128xf32, #tpu.memory_space<vmem>>
    %dma_start3A_3002 = arith.constant 0 : i32
    %dma_start3A_3003 = tpu.memref_slice %arg5[%add3A_2995, %dma_start3A_3002] : memref<204800x128xf32, #tpu.memory_space<hbm>> -> memref<128x128xf32, #tpu.memory_space<hbm>>
    %dma_start3A_3004 = tpu.memref_slice %arg11[%dma_start3A_2997] : memref<6x!tpu.dma_semaphore, #tpu.memory_space<semaphore_mem>> -> memref<1x!tpu.dma_semaphore, #tpu.memory_space<semaphore_mem>>
    %dma_start3A_3005 = tpu.memref_squeeze %dma_start3A_3004 : memref<1x!tpu.dma_semaphore, #tpu.memory_space<semaphore_mem>> -> memref<!tpu.dma_semaphore, #tpu.memory_space<semaphore_mem>>
    %dma_start3A_3006 = arith.constant 0 : i32
    %dma_start3A_3007 = tpu.memref_slice %arg5[%add3A_2995, %dma_start3A_3006] : memref<204800x128xf32, #tpu.memory_space<hbm>> -> memref<128x128xf32, #tpu.memory_space<hbm>>
    %dma_start3A_3008 = arith.constant 0 : i32
    %dma_start3A_3009 = arith.constant 0 : i32
    %dma_start3A_3010 = tpu.memref_slice %arg9[%dma_start3A_2996, %dma_start3A_3008, %dma_start3A_3009] : memref<6x128x128xf32, #tpu.memory_space<vmem>> -> memref<1x128x128xf32, #tpu.memory_space<vmem>>
    %dma_start3A_3011 = tpu.memref_squeeze %dma_start3A_3010 : memref<1x128x128xf32, #tpu.memory_space<vmem>> -> memref<128x128xf32, #tpu.memory_space<vmem>>
    tpu.enqueue_dma source(%dma_start3A_3011 : memref<128x128xf32, #tpu.memory_space<vmem>>) target(%dma_start3A_3007 : memref<128x128xf32, #tpu.memory_space<hbm>>) target_semaphore(%dma_start3A_3005 : memref<!tpu.dma_semaphore, #tpu.memory_space<semaphore_mem>>)
    %dma_wait3A_3012 = arith.constant 47 : i32
    %dma_wait3A_3013 = arith.constant 5 : i32
    %dma_wait3A_3014 = arith.constant 5 : i32
    %dma_wait3A_3015 = arith.constant 0 : i32
    %dma_wait3A_3016 = arith.constant 0 : i32
    %dma_wait3A_3017 = tpu.memref_slice %arg9[%dma_wait3A_3013, %dma_wait3A_3015, %dma_wait3A_3016] : memref<6x128x128xf32, #tpu.memory_space<vmem>> -> memref<1x128x128xf32, #tpu.memory_space<vmem>>
    %dma_wait3A_3018 = tpu.memref_squeeze %dma_wait3A_3017 : memref<1x128x128xf32, #tpu.memory_space<vmem>> -> memref<128x128xf32, #tpu.memory_space<vmem>>
    %dma_wait3A_3019 = arith.constant 0 : i32
    %dma_wait3A_3020 = tpu.memref_slice %arg8[%dma_wait3A_3012, %dma_wait3A_3019] : memref<50x128xi32, #tpu.memory_space<vmem>> -> memref<1x128xi32, #tpu.memory_space<vmem>>
    %dma_wait3A_3021 = tpu.memref_squeeze %dma_wait3A_3020 : memref<1x128xi32, #tpu.memory_space<vmem>> -> memref<128xi32, #tpu.memory_space<vmem>>
    %dma_wait3A_3022 = arith.constant 0 : i32
    %dma_wait3A_3023 = arith.constant 0 : i32
    %dma_wait3A_3024 = tpu.memref_slice %arg2[%dma_wait3A_3022, %dma_wait3A_3023] : memref<14600x128xf32, #tpu.memory_space<hbm>> -> memref<14600x128xf32, #tpu.memory_space<hbm>>
    %dma_wait3A_3025 = tpu.memref_slice %arg10[%dma_wait3A_3014] : memref<6x!tpu.dma_semaphore, #tpu.memory_space<semaphore_mem>> -> memref<1x!tpu.dma_semaphore, #tpu.memory_space<semaphore_mem>>
    %dma_wait3A_3026 = tpu.memref_squeeze %dma_wait3A_3025 : memref<1x!tpu.dma_semaphore, #tpu.memory_space<semaphore_mem>> -> memref<!tpu.dma_semaphore, #tpu.memory_space<semaphore_mem>>
    tpu.wait_indirect_dma semaphore(%dma_wait3A_3026 : memref<!tpu.dma_semaphore, #tpu.memory_space<semaphore_mem>>) src(%dma_wait3A_3024 : memref<14600x128xf32, #tpu.memory_space<hbm>>) dst(%dma_wait3A_3018 : memref<128x128xf32, #tpu.memory_space<vmem>>)
    %add3A_3027 = arith.constant 6016 : i32
    %add3A_3028 = arith.addi %mul3A_2, %add3A_3027 : i32
    %dma_start3A_3029 = arith.constant 5 : i32
    %dma_start3A_3030 = arith.constant 5 : i32
    %dma_start3A_3031 = arith.constant 0 : i32
    %dma_start3A_3032 = arith.constant 0 : i32
    %dma_start3A_3033 = tpu.memref_slice %arg9[%dma_start3A_3029, %dma_start3A_3031, %dma_start3A_3032] : memref<6x128x128xf32, #tpu.memory_space<vmem>> -> memref<1x128x128xf32, #tpu.memory_space<vmem>>
    %dma_start3A_3034 = tpu.memref_squeeze %dma_start3A_3033 : memref<1x128x128xf32, #tpu.memory_space<vmem>> -> memref<128x128xf32, #tpu.memory_space<vmem>>
    %dma_start3A_3035 = arith.constant 0 : i32
    %dma_start3A_3036 = tpu.memref_slice %arg5[%add3A_3028, %dma_start3A_3035] : memref<204800x128xf32, #tpu.memory_space<hbm>> -> memref<128x128xf32, #tpu.memory_space<hbm>>
    %dma_start3A_3037 = tpu.memref_slice %arg11[%dma_start3A_3030] : memref<6x!tpu.dma_semaphore, #tpu.memory_space<semaphore_mem>> -> memref<1x!tpu.dma_semaphore, #tpu.memory_space<semaphore_mem>>
    %dma_start3A_3038 = tpu.memref_squeeze %dma_start3A_3037 : memref<1x!tpu.dma_semaphore, #tpu.memory_space<semaphore_mem>> -> memref<!tpu.dma_semaphore, #tpu.memory_space<semaphore_mem>>
    %dma_start3A_3039 = arith.constant 0 : i32
    %dma_start3A_3040 = tpu.memref_slice %arg5[%add3A_3028, %dma_start3A_3039] : memref<204800x128xf32, #tpu.memory_space<hbm>> -> memref<128x128xf32, #tpu.memory_space<hbm>>
    %dma_start3A_3041 = arith.constant 0 : i32
    %dma_start3A_3042 = arith.constant 0 : i32
    %dma_start3A_3043 = tpu.memref_slice %arg9[%dma_start3A_3029, %dma_start3A_3041, %dma_start3A_3042] : memref<6x128x128xf32, #tpu.memory_space<vmem>> -> memref<1x128x128xf32, #tpu.memory_space<vmem>>
    %dma_start3A_3044 = tpu.memref_squeeze %dma_start3A_3043 : memref<1x128x128xf32, #tpu.memory_space<vmem>> -> memref<128x128xf32, #tpu.memory_space<vmem>>
    tpu.enqueue_dma source(%dma_start3A_3044 : memref<128x128xf32, #tpu.memory_space<vmem>>) target(%dma_start3A_3040 : memref<128x128xf32, #tpu.memory_space<hbm>>) target_semaphore(%dma_start3A_3038 : memref<!tpu.dma_semaphore, #tpu.memory_space<semaphore_mem>>)
    %dma_wait3A_3045 = arith.constant 48 : i32
    %dma_wait3A_3046 = arith.constant 0 : i32
    %dma_wait3A_3047 = arith.constant 0 : i32
    %dma_wait3A_3048 = arith.constant 0 : i32
    %dma_wait3A_3049 = arith.constant 0 : i32
    %dma_wait3A_3050 = tpu.memref_slice %arg9[%dma_wait3A_3046, %dma_wait3A_3048, %dma_wait3A_3049] : memref<6x128x128xf32, #tpu.memory_space<vmem>> -> memref<1x128x128xf32, #tpu.memory_space<vmem>>
    %dma_wait3A_3051 = tpu.memref_squeeze %dma_wait3A_3050 : memref<1x128x128xf32, #tpu.memory_space<vmem>> -> memref<128x128xf32, #tpu.memory_space<vmem>>
    %dma_wait3A_3052 = arith.constant 0 : i32
    %dma_wait3A_3053 = tpu.memref_slice %arg8[%dma_wait3A_3045, %dma_wait3A_3052] : memref<50x128xi32, #tpu.memory_space<vmem>> -> memref<1x128xi32, #tpu.memory_space<vmem>>
    %dma_wait3A_3054 = tpu.memref_squeeze %dma_wait3A_3053 : memref<1x128xi32, #tpu.memory_space<vmem>> -> memref<128xi32, #tpu.memory_space<vmem>>
    %dma_wait3A_3055 = arith.constant 0 : i32
    %dma_wait3A_3056 = arith.constant 0 : i32
    %dma_wait3A_3057 = tpu.memref_slice %arg2[%dma_wait3A_3055, %dma_wait3A_3056] : memref<14600x128xf32, #tpu.memory_space<hbm>> -> memref<14600x128xf32, #tpu.memory_space<hbm>>
    %dma_wait3A_3058 = tpu.memref_slice %arg10[%dma_wait3A_3047] : memref<6x!tpu.dma_semaphore, #tpu.memory_space<semaphore_mem>> -> memref<1x!tpu.dma_semaphore, #tpu.memory_space<semaphore_mem>>
    %dma_wait3A_3059 = tpu.memref_squeeze %dma_wait3A_3058 : memref<1x!tpu.dma_semaphore, #tpu.memory_space<semaphore_mem>> -> memref<!tpu.dma_semaphore, #tpu.memory_space<semaphore_mem>>
    tpu.wait_indirect_dma semaphore(%dma_wait3A_3059 : memref<!tpu.dma_semaphore, #tpu.memory_space<semaphore_mem>>) src(%dma_wait3A_3057 : memref<14600x128xf32, #tpu.memory_space<hbm>>) dst(%dma_wait3A_3051 : memref<128x128xf32, #tpu.memory_space<vmem>>)
    %add3A_3060 = arith.constant 6144 : i32
    %add3A_3061 = arith.addi %mul3A_2, %add3A_3060 : i32
    %dma_start3A_3062 = arith.constant 0 : i32
    %dma_start3A_3063 = arith.constant 0 : i32
    %dma_start3A_3064 = arith.constant 0 : i32
    %dma_start3A_3065 = arith.constant 0 : i32
    %dma_start3A_3066 = tpu.memref_slice %arg9[%dma_start3A_3062, %dma_start3A_3064, %dma_start3A_3065] : memref<6x128x128xf32, #tpu.memory_space<vmem>> -> memref<1x128x128xf32, #tpu.memory_space<vmem>>
    %dma_start3A_3067 = tpu.memref_squeeze %dma_start3A_3066 : memref<1x128x128xf32, #tpu.memory_space<vmem>> -> memref<128x128xf32, #tpu.memory_space<vmem>>
    %dma_start3A_3068 = arith.constant 0 : i32
    %dma_start3A_3069 = tpu.memref_slice %arg5[%add3A_3061, %dma_start3A_3068] : memref<204800x128xf32, #tpu.memory_space<hbm>> -> memref<128x128xf32, #tpu.memory_space<hbm>>
    %dma_start3A_3070 = tpu.memref_slice %arg11[%dma_start3A_3063] : memref<6x!tpu.dma_semaphore, #tpu.memory_space<semaphore_mem>> -> memref<1x!tpu.dma_semaphore, #tpu.memory_space<semaphore_mem>>
    %dma_start3A_3071 = tpu.memref_squeeze %dma_start3A_3070 : memref<1x!tpu.dma_semaphore, #tpu.memory_space<semaphore_mem>> -> memref<!tpu.dma_semaphore, #tpu.memory_space<semaphore_mem>>
    %dma_start3A_3072 = arith.constant 0 : i32
    %dma_start3A_3073 = tpu.memref_slice %arg5[%add3A_3061, %dma_start3A_3072] : memref<204800x128xf32, #tpu.memory_space<hbm>> -> memref<128x128xf32, #tpu.memory_space<hbm>>
    %dma_start3A_3074 = arith.constant 0 : i32
    %dma_start3A_3075 = arith.constant 0 : i32
    %dma_start3A_3076 = tpu.memref_slice %arg9[%dma_start3A_3062, %dma_start3A_3074, %dma_start3A_3075] : memref<6x128x128xf32, #tpu.memory_space<vmem>> -> memref<1x128x128xf32, #tpu.memory_space<vmem>>
    %dma_start3A_3077 = tpu.memref_squeeze %dma_start3A_3076 : memref<1x128x128xf32, #tpu.memory_space<vmem>> -> memref<128x128xf32, #tpu.memory_space<vmem>>
    tpu.enqueue_dma source(%dma_start3A_3077 : memref<128x128xf32, #tpu.memory_space<vmem>>) target(%dma_start3A_3073 : memref<128x128xf32, #tpu.memory_space<hbm>>) target_semaphore(%dma_start3A_3071 : memref<!tpu.dma_semaphore, #tpu.memory_space<semaphore_mem>>)
    %dma_wait3A_3078 = arith.constant 49 : i32
    %dma_wait3A_3079 = arith.constant 1 : i32
    %dma_wait3A_3080 = arith.constant 1 : i32
    %dma_wait3A_3081 = arith.constant 0 : i32
    %dma_wait3A_3082 = arith.constant 0 : i32
    %dma_wait3A_3083 = tpu.memref_slice %arg9[%dma_wait3A_3079, %dma_wait3A_3081, %dma_wait3A_3082] : memref<6x128x128xf32, #tpu.memory_space<vmem>> -> memref<1x128x128xf32, #tpu.memory_space<vmem>>
    %dma_wait3A_3084 = tpu.memref_squeeze %dma_wait3A_3083 : memref<1x128x128xf32, #tpu.memory_space<vmem>> -> memref<128x128xf32, #tpu.memory_space<vmem>>
    %dma_wait3A_3085 = arith.constant 0 : i32
    %dma_wait3A_3086 = tpu.memref_slice %arg8[%dma_wait3A_3078, %dma_wait3A_3085] : memref<50x128xi32, #tpu.memory_space<vmem>> -> memref<1x128xi32, #tpu.memory_space<vmem>>
    %dma_wait3A_3087 = tpu.memref_squeeze %dma_wait3A_3086 : memref<1x128xi32, #tpu.memory_space<vmem>> -> memref<128xi32, #tpu.memory_space<vmem>>
    %dma_wait3A_3088 = arith.constant 0 : i32
    %dma_wait3A_3089 = arith.constant 0 : i32
    %dma_wait3A_3090 = tpu.memref_slice %arg2[%dma_wait3A_3088, %dma_wait3A_3089] : memref<14600x128xf32, #tpu.memory_space<hbm>> -> memref<14600x128xf32, #tpu.memory_space<hbm>>
    %dma_wait3A_3091 = tpu.memref_slice %arg10[%dma_wait3A_3080] : memref<6x!tpu.dma_semaphore, #tpu.memory_space<semaphore_mem>> -> memref<1x!tpu.dma_semaphore, #tpu.memory_space<semaphore_mem>>
    %dma_wait3A_3092 = tpu.memref_squeeze %dma_wait3A_3091 : memref<1x!tpu.dma_semaphore, #tpu.memory_space<semaphore_mem>> -> memref<!tpu.dma_semaphore, #tpu.memory_space<semaphore_mem>>
    tpu.wait_indirect_dma semaphore(%dma_wait3A_3092 : memref<!tpu.dma_semaphore, #tpu.memory_space<semaphore_mem>>) src(%dma_wait3A_3090 : memref<14600x128xf32, #tpu.memory_space<hbm>>) dst(%dma_wait3A_3084 : memref<128x128xf32, #tpu.memory_space<vmem>>)
    %add3A_3093 = arith.constant 6272 : i32
    %add3A_3094 = arith.addi %mul3A_2, %add3A_3093 : i32
    %dma_start3A_3095 = arith.constant 1 : i32
    %dma_start3A_3096 = arith.constant 1 : i32
    %dma_start3A_3097 = arith.constant 0 : i32
    %dma_start3A_3098 = arith.constant 0 : i32
    %dma_start3A_3099 = tpu.memref_slice %arg9[%dma_start3A_3095, %dma_start3A_3097, %dma_start3A_3098] : memref<6x128x128xf32, #tpu.memory_space<vmem>> -> memref<1x128x128xf32, #tpu.memory_space<vmem>>
    %dma_start3A_3100 = tpu.memref_squeeze %dma_start3A_3099 : memref<1x128x128xf32, #tpu.memory_space<vmem>> -> memref<128x128xf32, #tpu.memory_space<vmem>>
    %dma_start3A_3101 = arith.constant 0 : i32
    %dma_start3A_3102 = tpu.memref_slice %arg5[%add3A_3094, %dma_start3A_3101] : memref<204800x128xf32, #tpu.memory_space<hbm>> -> memref<128x128xf32, #tpu.memory_space<hbm>>
    %dma_start3A_3103 = tpu.memref_slice %arg11[%dma_start3A_3096] : memref<6x!tpu.dma_semaphore, #tpu.memory_space<semaphore_mem>> -> memref<1x!tpu.dma_semaphore, #tpu.memory_space<semaphore_mem>>
    %dma_start3A_3104 = tpu.memref_squeeze %dma_start3A_3103 : memref<1x!tpu.dma_semaphore, #tpu.memory_space<semaphore_mem>> -> memref<!tpu.dma_semaphore, #tpu.memory_space<semaphore_mem>>
    %dma_start3A_3105 = arith.constant 0 : i32
    %dma_start3A_3106 = tpu.memref_slice %arg5[%add3A_3094, %dma_start3A_3105] : memref<204800x128xf32, #tpu.memory_space<hbm>> -> memref<128x128xf32, #tpu.memory_space<hbm>>
    %dma_start3A_3107 = arith.constant 0 : i32
    %dma_start3A_3108 = arith.constant 0 : i32
    %dma_start3A_3109 = tpu.memref_slice %arg9[%dma_start3A_3095, %dma_start3A_3107, %dma_start3A_3108] : memref<6x128x128xf32, #tpu.memory_space<vmem>> -> memref<1x128x128xf32, #tpu.memory_space<vmem>>
    %dma_start3A_3110 = tpu.memref_squeeze %dma_start3A_3109 : memref<1x128x128xf32, #tpu.memory_space<vmem>> -> memref<128x128xf32, #tpu.memory_space<vmem>>
    tpu.enqueue_dma source(%dma_start3A_3110 : memref<128x128xf32, #tpu.memory_space<vmem>>) target(%dma_start3A_3106 : memref<128x128xf32, #tpu.memory_space<hbm>>) target_semaphore(%dma_start3A_3104 : memref<!tpu.dma_semaphore, #tpu.memory_space<semaphore_mem>>)
    %dma_wait3A_3111 = arith.constant 2 : i32
    %dma_wait3A_3112 = arith.constant 2 : i32
    %dma_wait3A_3113 = arith.constant 0 : i32
    %dma_wait3A_3114 = arith.constant 0 : i32
    %dma_wait3A_3115 = tpu.memref_slice %arg9[%dma_wait3A_3111, %dma_wait3A_3113, %dma_wait3A_3114] : memref<6x128x128xf32, #tpu.memory_space<vmem>> -> memref<1x128x128xf32, #tpu.memory_space<vmem>>
    %dma_wait3A_3116 = tpu.memref_squeeze %dma_wait3A_3115 : memref<1x128x128xf32, #tpu.memory_space<vmem>> -> memref<128x128xf32, #tpu.memory_space<vmem>>
    %dma_wait3A_3117 = arith.constant 0 : i32
    %dma_wait3A_3118 = tpu.memref_slice %arg5[%add3A_2898, %dma_wait3A_3117] : memref<204800x128xf32, #tpu.memory_space<hbm>> -> memref<128x128xf32, #tpu.memory_space<hbm>>
    %dma_wait3A_3119 = tpu.memref_slice %arg11[%dma_wait3A_3112] : memref<6x!tpu.dma_semaphore, #tpu.memory_space<semaphore_mem>> -> memref<1x!tpu.dma_semaphore, #tpu.memory_space<semaphore_mem>>
    %dma_wait3A_3120 = tpu.memref_squeeze %dma_wait3A_3119 : memref<1x!tpu.dma_semaphore, #tpu.memory_space<semaphore_mem>> -> memref<!tpu.dma_semaphore, #tpu.memory_space<semaphore_mem>>
    %dma_wait3A_3121 = arith.constant 0 : i32
    %dma_wait3A_3122 = tpu.memref_slice %arg5[%add3A_2898, %dma_wait3A_3121] : memref<204800x128xf32, #tpu.memory_space<hbm>> -> memref<128x128xf32, #tpu.memory_space<hbm>>
    %dma_wait3A_3123 = arith.constant 0 : i32
    %dma_wait3A_3124 = arith.constant 0 : i32
    %dma_wait3A_3125 = tpu.memref_slice %arg9[%dma_wait3A_3111, %dma_wait3A_3123, %dma_wait3A_3124] : memref<6x128x128xf32, #tpu.memory_space<vmem>> -> memref<1x128x128xf32, #tpu.memory_space<vmem>>
    %dma_wait3A_3126 = tpu.memref_squeeze %dma_wait3A_3125 : memref<1x128x128xf32, #tpu.memory_space<vmem>> -> memref<128x128xf32, #tpu.memory_space<vmem>>
    tpu.wait_dma2 semaphore(%dma_wait3A_3120 : memref<!tpu.dma_semaphore, #tpu.memory_space<semaphore_mem>>) src(%dma_wait3A_3126 : memref<128x128xf32, #tpu.memory_space<vmem>>) dst(%dma_wait3A_3122 : memref<128x128xf32, #tpu.memory_space<hbm>>)
    %dma_wait3A_3127 = arith.constant 3 : i32
    %dma_wait3A_3128 = arith.constant 3 : i32
    %dma_wait3A_3129 = arith.constant 0 : i32
    %dma_wait3A_3130 = arith.constant 0 : i32
    %dma_wait3A_3131 = tpu.memref_slice %arg9[%dma_wait3A_3127, %dma_wait3A_3129, %dma_wait3A_3130] : memref<6x128x128xf32, #tpu.memory_space<vmem>> -> memref<1x128x128xf32, #tpu.memory_space<vmem>>
    %dma_wait3A_3132 = tpu.memref_squeeze %dma_wait3A_3131 : memref<1x128x128xf32, #tpu.memory_space<vmem>> -> memref<128x128xf32, #tpu.memory_space<vmem>>
    %dma_wait3A_3133 = arith.constant 0 : i32
    %dma_wait3A_3134 = tpu.memref_slice %arg5[%add3A_2962, %dma_wait3A_3133] : memref<204800x128xf32, #tpu.memory_space<hbm>> -> memref<128x128xf32, #tpu.memory_space<hbm>>
    %dma_wait3A_3135 = tpu.memref_slice %arg11[%dma_wait3A_3128] : memref<6x!tpu.dma_semaphore, #tpu.memory_space<semaphore_mem>> -> memref<1x!tpu.dma_semaphore, #tpu.memory_space<semaphore_mem>>
    %dma_wait3A_3136 = tpu.memref_squeeze %dma_wait3A_3135 : memref<1x!tpu.dma_semaphore, #tpu.memory_space<semaphore_mem>> -> memref<!tpu.dma_semaphore, #tpu.memory_space<semaphore_mem>>
    %dma_wait3A_3137 = arith.constant 0 : i32
    %dma_wait3A_3138 = tpu.memref_slice %arg5[%add3A_2962, %dma_wait3A_3137] : memref<204800x128xf32, #tpu.memory_space<hbm>> -> memref<128x128xf32, #tpu.memory_space<hbm>>
    %dma_wait3A_3139 = arith.constant 0 : i32
    %dma_wait3A_3140 = arith.constant 0 : i32
    %dma_wait3A_3141 = tpu.memref_slice %arg9[%dma_wait3A_3127, %dma_wait3A_3139, %dma_wait3A_3140] : memref<6x128x128xf32, #tpu.memory_space<vmem>> -> memref<1x128x128xf32, #tpu.memory_space<vmem>>
    %dma_wait3A_3142 = tpu.memref_squeeze %dma_wait3A_3141 : memref<1x128x128xf32, #tpu.memory_space<vmem>> -> memref<128x128xf32, #tpu.memory_space<vmem>>
    tpu.wait_dma2 semaphore(%dma_wait3A_3136 : memref<!tpu.dma_semaphore, #tpu.memory_space<semaphore_mem>>) src(%dma_wait3A_3142 : memref<128x128xf32, #tpu.memory_space<vmem>>) dst(%dma_wait3A_3138 : memref<128x128xf32, #tpu.memory_space<hbm>>)
    %dma_wait3A_3143 = arith.constant 4 : i32
    %dma_wait3A_3144 = arith.constant 4 : i32
    %dma_wait3A_3145 = arith.constant 0 : i32
    %dma_wait3A_3146 = arith.constant 0 : i32
    %dma_wait3A_3147 = tpu.memref_slice %arg9[%dma_wait3A_3143, %dma_wait3A_3145, %dma_wait3A_3146] : memref<6x128x128xf32, #tpu.memory_space<vmem>> -> memref<1x128x128xf32, #tpu.memory_space<vmem>>
    %dma_wait3A_3148 = tpu.memref_squeeze %dma_wait3A_3147 : memref<1x128x128xf32, #tpu.memory_space<vmem>> -> memref<128x128xf32, #tpu.memory_space<vmem>>
    %dma_wait3A_3149 = arith.constant 0 : i32
    %dma_wait3A_3150 = tpu.memref_slice %arg5[%add3A_2995, %dma_wait3A_3149] : memref<204800x128xf32, #tpu.memory_space<hbm>> -> memref<128x128xf32, #tpu.memory_space<hbm>>
    %dma_wait3A_3151 = tpu.memref_slice %arg11[%dma_wait3A_3144] : memref<6x!tpu.dma_semaphore, #tpu.memory_space<semaphore_mem>> -> memref<1x!tpu.dma_semaphore, #tpu.memory_space<semaphore_mem>>
    %dma_wait3A_3152 = tpu.memref_squeeze %dma_wait3A_3151 : memref<1x!tpu.dma_semaphore, #tpu.memory_space<semaphore_mem>> -> memref<!tpu.dma_semaphore, #tpu.memory_space<semaphore_mem>>
    %dma_wait3A_3153 = arith.constant 0 : i32
    %dma_wait3A_3154 = tpu.memref_slice %arg5[%add3A_2995, %dma_wait3A_3153] : memref<204800x128xf32, #tpu.memory_space<hbm>> -> memref<128x128xf32, #tpu.memory_space<hbm>>
    %dma_wait3A_3155 = arith.constant 0 : i32
    %dma_wait3A_3156 = arith.constant 0 : i32
    %dma_wait3A_3157 = tpu.memref_slice %arg9[%dma_wait3A_3143, %dma_wait3A_3155, %dma_wait3A_3156] : memref<6x128x128xf32, #tpu.memory_space<vmem>> -> memref<1x128x128xf32, #tpu.memory_space<vmem>>
    %dma_wait3A_3158 = tpu.memref_squeeze %dma_wait3A_3157 : memref<1x128x128xf32, #tpu.memory_space<vmem>> -> memref<128x128xf32, #tpu.memory_space<vmem>>
    tpu.wait_dma2 semaphore(%dma_wait3A_3152 : memref<!tpu.dma_semaphore, #tpu.memory_space<semaphore_mem>>) src(%dma_wait3A_3158 : memref<128x128xf32, #tpu.memory_space<vmem>>) dst(%dma_wait3A_3154 : memref<128x128xf32, #tpu.memory_space<hbm>>)
    %dma_wait3A_3159 = arith.constant 5 : i32
    %dma_wait3A_3160 = arith.constant 5 : i32
    %dma_wait3A_3161 = arith.constant 0 : i32
    %dma_wait3A_3162 = arith.constant 0 : i32
    %dma_wait3A_3163 = tpu.memref_slice %arg9[%dma_wait3A_3159, %dma_wait3A_3161, %dma_wait3A_3162] : memref<6x128x128xf32, #tpu.memory_space<vmem>> -> memref<1x128x128xf32, #tpu.memory_space<vmem>>
    %dma_wait3A_3164 = tpu.memref_squeeze %dma_wait3A_3163 : memref<1x128x128xf32, #tpu.memory_space<vmem>> -> memref<128x128xf32, #tpu.memory_space<vmem>>
    %dma_wait3A_3165 = arith.constant 0 : i32
    %dma_wait3A_3166 = tpu.memref_slice %arg5[%add3A_3028, %dma_wait3A_3165] : memref<204800x128xf32, #tpu.memory_space<hbm>> -> memref<128x128xf32, #tpu.memory_space<hbm>>
    %dma_wait3A_3167 = tpu.memref_slice %arg11[%dma_wait3A_3160] : memref<6x!tpu.dma_semaphore, #tpu.memory_space<semaphore_mem>> -> memref<1x!tpu.dma_semaphore, #tpu.memory_space<semaphore_mem>>
    %dma_wait3A_3168 = tpu.memref_squeeze %dma_wait3A_3167 : memref<1x!tpu.dma_semaphore, #tpu.memory_space<semaphore_mem>> -> memref<!tpu.dma_semaphore, #tpu.memory_space<semaphore_mem>>
    %dma_wait3A_3169 = arith.constant 0 : i32
    %dma_wait3A_3170 = tpu.memref_slice %arg5[%add3A_3028, %dma_wait3A_3169] : memref<204800x128xf32, #tpu.memory_space<hbm>> -> memref<128x128xf32, #tpu.memory_space<hbm>>
    %dma_wait3A_3171 = arith.constant 0 : i32
    %dma_wait3A_3172 = arith.constant 0 : i32
    %dma_wait3A_3173 = tpu.memref_slice %arg9[%dma_wait3A_3159, %dma_wait3A_3171, %dma_wait3A_3172] : memref<6x128x128xf32, #tpu.memory_space<vmem>> -> memref<1x128x128xf32, #tpu.memory_space<vmem>>
    %dma_wait3A_3174 = tpu.memref_squeeze %dma_wait3A_3173 : memref<1x128x128xf32, #tpu.memory_space<vmem>> -> memref<128x128xf32, #tpu.memory_space<vmem>>
    tpu.wait_dma2 semaphore(%dma_wait3A_3168 : memref<!tpu.dma_semaphore, #tpu.memory_space<semaphore_mem>>) src(%dma_wait3A_3174 : memref<128x128xf32, #tpu.memory_space<vmem>>) dst(%dma_wait3A_3170 : memref<128x128xf32, #tpu.memory_space<hbm>>)
    %dma_wait3A_3175 = arith.constant 0 : i32
    %dma_wait3A_3176 = arith.constant 0 : i32
    %dma_wait3A_3177 = arith.constant 0 : i32
    %dma_wait3A_3178 = arith.constant 0 : i32
    %dma_wait3A_3179 = tpu.memref_slice %arg9[%dma_wait3A_3175, %dma_wait3A_3177, %dma_wait3A_3178] : memref<6x128x128xf32, #tpu.memory_space<vmem>> -> memref<1x128x128xf32, #tpu.memory_space<vmem>>
    %dma_wait3A_3180 = tpu.memref_squeeze %dma_wait3A_3179 : memref<1x128x128xf32, #tpu.memory_space<vmem>> -> memref<128x128xf32, #tpu.memory_space<vmem>>
    %dma_wait3A_3181 = arith.constant 0 : i32
    %dma_wait3A_3182 = tpu.memref_slice %arg5[%add3A_3061, %dma_wait3A_3181] : memref<204800x128xf32, #tpu.memory_space<hbm>> -> memref<128x128xf32, #tpu.memory_space<hbm>>
    %dma_wait3A_3183 = tpu.memref_slice %arg11[%dma_wait3A_3176] : memref<6x!tpu.dma_semaphore, #tpu.memory_space<semaphore_mem>> -> memref<1x!tpu.dma_semaphore, #tpu.memory_space<semaphore_mem>>
    %dma_wait3A_3184 = tpu.memref_squeeze %dma_wait3A_3183 : memref<1x!tpu.dma_semaphore, #tpu.memory_space<semaphore_mem>> -> memref<!tpu.dma_semaphore, #tpu.memory_space<semaphore_mem>>
    %dma_wait3A_3185 = arith.constant 0 : i32
    %dma_wait3A_3186 = tpu.memref_slice %arg5[%add3A_3061, %dma_wait3A_3185] : memref<204800x128xf32, #tpu.memory_space<hbm>> -> memref<128x128xf32, #tpu.memory_space<hbm>>
    %dma_wait3A_3187 = arith.constant 0 : i32
    %dma_wait3A_3188 = arith.constant 0 : i32
    %dma_wait3A_3189 = tpu.memref_slice %arg9[%dma_wait3A_3175, %dma_wait3A_3187, %dma_wait3A_3188] : memref<6x128x128xf32, #tpu.memory_space<vmem>> -> memref<1x128x128xf32, #tpu.memory_space<vmem>>
    %dma_wait3A_3190 = tpu.memref_squeeze %dma_wait3A_3189 : memref<1x128x128xf32, #tpu.memory_space<vmem>> -> memref<128x128xf32, #tpu.memory_space<vmem>>
    tpu.wait_dma2 semaphore(%dma_wait3A_3184 : memref<!tpu.dma_semaphore, #tpu.memory_space<semaphore_mem>>) src(%dma_wait3A_3190 : memref<128x128xf32, #tpu.memory_space<vmem>>) dst(%dma_wait3A_3186 : memref<128x128xf32, #tpu.memory_space<hbm>>)
    %dma_wait3A_3191 = arith.constant 1 : i32
    %dma_wait3A_3192 = arith.constant 1 : i32
    %dma_wait3A_3193 = arith.constant 0 : i32
    %dma_wait3A_3194 = arith.constant 0 : i32
    %dma_wait3A_3195 = tpu.memref_slice %arg9[%dma_wait3A_3191, %dma_wait3A_3193, %dma_wait3A_3194] : memref<6x128x128xf32, #tpu.memory_space<vmem>> -> memref<1x128x128xf32, #tpu.memory_space<vmem>>
    %dma_wait3A_3196 = tpu.memref_squeeze %dma_wait3A_3195 : memref<1x128x128xf32, #tpu.memory_space<vmem>> -> memref<128x128xf32, #tpu.memory_space<vmem>>
    %dma_wait3A_3197 = arith.constant 0 : i32
    %dma_wait3A_3198 = tpu.memref_slice %arg5[%add3A_3094, %dma_wait3A_3197] : memref<204800x128xf32, #tpu.memory_space<hbm>> -> memref<128x128xf32, #tpu.memory_space<hbm>>
    %dma_wait3A_3199 = tpu.memref_slice %arg11[%dma_wait3A_3192] : memref<6x!tpu.dma_semaphore, #tpu.memory_space<semaphore_mem>> -> memref<1x!tpu.dma_semaphore, #tpu.memory_space<semaphore_mem>>
    %dma_wait3A_3200 = tpu.memref_squeeze %dma_wait3A_3199 : memref<1x!tpu.dma_semaphore, #tpu.memory_space<semaphore_mem>> -> memref<!tpu.dma_semaphore, #tpu.memory_space<semaphore_mem>>
    %dma_wait3A_3201 = arith.constant 0 : i32
    %dma_wait3A_3202 = tpu.memref_slice %arg5[%add3A_3094, %dma_wait3A_3201] : memref<204800x128xf32, #tpu.memory_space<hbm>> -> memref<128x128xf32, #tpu.memory_space<hbm>>
    %dma_wait3A_3203 = arith.constant 0 : i32
    %dma_wait3A_3204 = arith.constant 0 : i32
    %dma_wait3A_3205 = tpu.memref_slice %arg9[%dma_wait3A_3191, %dma_wait3A_3203, %dma_wait3A_3204] : memref<6x128x128xf32, #tpu.memory_space<vmem>> -> memref<1x128x128xf32, #tpu.memory_space<vmem>>
    %dma_wait3A_3206 = tpu.memref_squeeze %dma_wait3A_3205 : memref<1x128x128xf32, #tpu.memory_space<vmem>> -> memref<128x128xf32, #tpu.memory_space<vmem>>
    tpu.wait_dma2 semaphore(%dma_wait3A_3200 : memref<!tpu.dma_semaphore, #tpu.memory_space<semaphore_mem>>) src(%dma_wait3A_3206 : memref<128x128xf32, #tpu.memory_space<vmem>>) dst(%dma_wait3A_3202 : memref<128x128xf32, #tpu.memory_space<hbm>>)
    return
  }
}

</mosaic_0001>

<sc_bundles>
// kernel: _run.3.cloned.1.call-start
scs
__scs_entry_jumppad:
0x0: {  	(pc) =	sbr.rel $0x88, $3  }
0x1: {  	(tag) =	ssettag $0x0;
	lr =	simm.s32 $0x1  }
0x2: {  	[smem:$0x3F9E] =	sst lr;
	_ =	strace $0xD0000000  }
0x3: {  	_ = 	snop  }
0x4: {  	_ = 	snop  }
0x5: {  	_ = 	snop  }
0x6: {  	_ = 	snop  }
0x7: {  	_ = 	snop  }
__scs_overlays_trampoline_lowered:
0x8: {  	[smem:$0x3FAD] =	sst s0  }
0x9: {  	[smem:$0x3FAE] =	sst s1  }
0xa: {  	[smem:$0x3FAF] =	sst s2  }
0xb: {  	[smem:$0x3FB0] =	sst s3  }
0xc: {  	[smem:$0x3FB1] =	sst s4  }
0xd: {  	[smem:$0x3FB2] =	sst s5  }
0xe: {  	[smem:$0x3FB3] =	sst s6  }
0xf: {  	[smem:$0x3FB4] =	sst s7  }
0x10: {  	[smem:$0x3FB5] =	sst s8  }
0x11: {  	[smem:$0x3FB6] =	sst s9;
	s0 =	simm.s32 @!p0 $0x0  }
0x12: {  	s1 =	sld [smem:$0x3F9C];
	s0 =	simm.s32 @p0 $0x1  }
0x13: {  	[smem:$0x3FB7] =	sst s0;
	s0 =	simm.s32 @!p1 $0x0  }
0x14: {  	s2 =	sld [smem:$0x3F9B];
	s0 =	simm.s32 @p1 $0x1  }
0x15: {  	[smem:$0x3FB8] =	sst s0;
	s0 =	simm.s32 @!p2 $0x0  }
0x16: {  	s3 =	sld [smem:$0x3FDB];
	s0 =	simm.s32 @p2 $0x1  }
0x17: {  	s4 =	simm.s32 $0x1BF5;
	[smem:$0x3FBA] =	sst s0  }
0x18: {  	s0 =	sld [smem:$0x3F9D];
	_ =	swait.ge [sflag:s4], $0x0  }
0x19: {  	s7 =	sld [smem:$0x3F9E]  }
0x1a: {  	s8 =	sadd.s32 $0xFFFFE003, lr  }
0x1b: {  	s9 =	sadd.s32 $0xFFFFFEF7, lr;
	s5 =	simm.s32 $0xFFFFFFFF;
	p2 =	slt.u32 s8, $0xFFFFF086  }
0x1c: {  	p1 =	slt.u32 s9, $0xF7A;
	s5 =	simm.s32 @!p2 $0x0  }
0x1d: {  	s5 =	simm.s32 @p1 $0x1;
	p0 =	seq.s32 s7, s2  }
0x1e: {  	s7 =	smul.u32 @!p0 $0xF7A, s2;
	p2 =	seq.s32 @!p0 s5, $0x0  }
0x1f: {  	s9 =	smul.u32 $0xF7A, s1;
	s8 =	simm.s32 @!p0 $0x1BF5;
	p2 =	por !p2, p0  }
0x20: {  	[sflag:s8] =	ssyncset.s32 @!p0 $0xFFFFF086;
	s6 =	sadd.s32 @!p0 s3, s7;
	s7 =	simm.s32 @!p0 $0x108  }
0x21: {  	s3 =	sadd.s32 s3, s9;
	s6 =	sadd.s32 @!p0 $0x88, s6;
	s7 =	simm.s32 @p2 $0x1082  }
0x22: {  	[simem:s7], [sflag:s8] =	dma.local @!p0 [hbm:s6], $0xF7A  }
0x23: {  	s9 =	sor.u32 $0xD0000000, s2;
	s6 =	simm.s32 $0x108;
	_ =	swait.ge @!p0 [sflag:s8], $0x0  }
0x24: {  	s3 =	sadd.s32 $0x88, s3;
	s6 =	simm.s32 @!p1 $0x1082;
	[sflag:s4] =	ssyncset.s32 $0xFFFFF086  }
0x25: {  	[simem:s6], [sflag:s4] =	dma.local [hbm:s3], $0xF7A  }
0x26: {  	[smem:$0x3F9E] =	sst s1;
	(tag) =	ssettag s2;
	_ =	strace s9  }
0x27: {  	s1 =	sld [smem:$0x3FAE]  }
0x28: {  	s2 =	sld [smem:$0x3FAF]  }
0x29: {  	s4 =	sld [smem:$0x3FB1]  }
0x2a: {  	p0 =	seq.s32 s5, $0x0;
	s5 =	sld [smem:$0x3FB2]  }
0x2b: {  	s6 =	sld [smem:$0x3FB3]  }
0x2c: {  	s7 =	sld [smem:$0x3FB4]  }
0x2d: {  	s3 =	simm.s32 $0x108;
	s8 =	sld [smem:$0x3FB5]  }
0x2e: {  	s3 =	simm.s32 @!p0 $0x1082;
	s9 =	sld [smem:$0x3FB6]  }
0x2f: {  	lr =	sadd.s32 s0, s3;
	s0 =	sld [smem:$0x3FAD]  }
0x30: {  	s3 =	sld [smem:$0x3FB0]  }
0x31: {  	[smem:$0x3FB9] =	sst s10  }
0x32: {  	s10 =	sld [smem:$0x3FB7];
	_ =	sdelay $0x3  }
0x33: {  	p0 =	seq.s32 s10, $0x1;
	s10 =	sld [smem:$0x3FB9];
	_ =	sdelay $0x3  }
0x34: {  	[smem:$0x3FB9] =	sst s10  }
0x35: {  	s10 =	sld [smem:$0x3FB8];
	_ =	sdelay $0x3  }
0x36: {  	p1 =	seq.s32 s10, $0x1;
	s10 =	sld [smem:$0x3FB9];
	_ =	sdelay $0x3  }
0x37: {  	[smem:$0x3FB9] =	sst s10  }
0x38: {  	s10 =	sld [smem:$0x3FBA]  }
0x39: {  	_ = 	snop;
	(pc) =	sbr.ind lr, $3  }
0x3a: {  	_ = 	snop  }
0x3b: {  	_ = 	snop  }
0x3c: {  	p2 =	seq.s32 s10, $0x1;
	s10 =	sld [smem:$0x3FB9]  }
0x3d: {  	_ =	shalt  }
0x3e: {  	_ =	shalt  }
0x3f: {  	_ =	shalt  }
0x40: {  	_ =	shalt  }
0x41: {  	_ =	shalt  }
0x42: {  	_ =	shalt  }
0x43: {  	_ =	shalt  }
0x44: {  	_ =	shalt  }
0x45: {  	_ =	shalt  }
0x46: {  	_ =	shalt  }
0x47: {  	_ =	shalt  }
0x48: {  	_ =	shalt  }
0x49: {  	_ =	shalt  }
0x4a: {  	_ =	shalt  }
0x4b: {  	_ =	shalt  }
0x4c: {  	_ =	shalt  }
0x4d: {  	_ =	shalt  }
0x4e: {  	_ =	shalt  }
0x4f: {  	_ =	shalt  }
0x50: {  	_ =	shalt  }
0x51: {  	_ =	shalt  }
0x52: {  	_ =	shalt  }
0x53: {  	_ =	shalt  }
0x54: {  	_ =	shalt  }
0x55: {  	_ =	shalt  }
0x56: {  	_ =	shalt  }
0x57: {  	_ =	shalt  }
0x58: {  	_ =	shalt  }
0x59: {  	_ =	shalt  }
0x5a: {  	_ =	shalt  }
0x5b: {  	_ =	shalt  }
0x5c: {  	_ =	shalt  }
0x5d: {  	_ =	shalt  }
0x5e: {  	_ =	shalt  }
0x5f: {  	_ =	shalt  }
0x60: {  	_ =	shalt  }
0x61: {  	_ =	shalt  }
0x62: {  	_ =	shalt  }
0x63: {  	_ =	shalt  }
0x64: {  	_ =	shalt  }
0x65: {  	_ =	shalt  }
0x66: {  	_ =	shalt  }
0x67: {  	_ =	shalt  }
0x68: {  	_ =	shalt  }
0x69: {  	_ =	shalt  }
0x6a: {  	_ =	shalt  }
0x6b: {  	_ =	shalt  }
0x6c: {  	_ =	shalt  }
0x6d: {  	_ =	shalt  }
0x6e: {  	_ =	shalt  }
0x6f: {  	_ =	shalt  }
0x70: {  	_ =	shalt  }
0x71: {  	_ =	shalt  }
0x72: {  	_ =	shalt  }
0x73: {  	_ =	shalt  }
0x74: {  	_ =	shalt  }
0x75: {  	_ =	shalt  }
0x76: {  	_ =	shalt  }
0x77: {  	_ =	shalt  }
0x78: {  	_ =	shalt  }
0x79: {  	_ =	shalt  }
0x7a: {  	_ =	shalt  }
0x7b: {  	_ =	shalt  }
0x7c: {  	_ =	shalt  }
0x7d: {  	_ =	shalt  }
0x7e: {  	_ =	shalt  }
0x7f: {  	_ =	shalt  }
0x80: {  	_ =	shalt  }
0x81: {  	_ =	shalt  }
0x82: {  	_ =	shalt  }
0x83: {  	_ =	shalt  }
0x84: {  	_ =	shalt  }
0x85: {  	_ =	shalt  }
0x86: {  	_ =	shalt  }
0x87: {  	_ =	shalt  }
.Lfunc_end0:
.L_simem_size_0:
called_computation_lowered:
.L_overlay_start_0:
0x88: {  	s2 =	sld [smem:$0x3FD9]  }
0x89: {  	s3 =	sld [smem:$0x3FFE];
	_ =	sdelay $0x1  }
0x8a: {  	s1 =	srdreg.scid  }
0x8b: {  	s0 =	sand.u32 $0x1, s1  }
0x8c: {  	s18 =	sshll.u32 s0, $0xA;
	s2 =	sadd.s32 s3, s2  }
0x8d: {  	s2 =	sadd.s32 s2, s18  }
0x8e: {  	[smem:$0x3FC5] =	sst s2  }
0x8f: {  	_ = 	snop  }
0x90: {  	s2 =	sld [smem:$0x3FC9]  }
0x91: {  	s19 =	sld [smem:$0x3FC8]  }
0x92: {  	s4 =	sld [smem:$0x3FC7]  }
0x93: {  	s5 =	sld [smem:$0x3FD0];
	(tm) =	ssettm $0x1  }
0x94: {  	s6 =	sld [smem:$0x3FFB];
	_ =	sdelay $0x3  }
0x95: {  	_ =	strace s6  }
0x96: {  	s6 =	sld [smem:$0x3FFC];
	_ =	sdelay $0x3  }
0x97: {  	_ =	strace s6  }
0x98: {  	s6 =	sld [smem:$0x3FFD];
	_ =	sdelay $0x3  }
0x99: {  	_ =	strace s6  }
0x9a: {  	_ =	strace $0x8FFFFFFF  }
0x9b: {  	s20 =	sld [smem:$0x3FDB];
	_ =	sdelay $0x1  }
0x9c: {  	s7 =	simm.s32 $_scs_section_size  }
0x9d: {  	s8 =	simm.s32 $_size__tile_overlayer_lowered;
	s9 =	simm.s32 $_tile_overlayer_lowered  }
0x9e: {  	s23 =	simm.s32 $0x1BFF;
	s22 =	sshll.u32 s9, $0x1;
	s6 =	sadd.s32 s7, s20  }
0x9f: {  	s10 =	simm.s32 $0x0;
	s21 =	sshll.u32 s8, $0x1;
	s8 =	sadd.s32 s22, s6  }
0xa0: {  	[timem:s10], [sflag:s23] =	dma.local [hbm:s8], s21  }
0xa1: {  	_ =	swait.ge [sflag:s23], s21  }
0xa2: {  	s7 =	ssub.s32 $0x0, s21;
	[sflag:s23] =	ssyncset.done $0x0  }
0xa3: {  	[sflag:s23] =	ssyncadd.s32 s7;
	_ =	sdelay $0x1  }
0xa4: {  	s24 =	simm.s32 $0x1B8B  }
0xa5: {  	_ =	swait.ge [sflag:s24], $0x1  }
0xa6: {  	[sflag:s24] =	ssyncset.done $0x0  }
0xa7: {  	s25 =	simm.s32 $0x1B8E;
	[sflag:s24] =	ssyncadd.s32 $0xFFFFFFFF  }
0xa8: {  	s26 =	simm.s32 $execute0_lowered;
	[smem:$0x3FD2] =	sst s25  }
0xa9: {  	s7 =	sshll.u32 s26, $0x1;
	_ =	strace $0x80000046;
	[dreg:$0x1] =	wrdreg $0xFFFFFFFF  }
0xaa: {  	s28 =	simm.s32 $_size_execute0_lowered;
	s6 =	sadd.s32 s6, s7;
	[dreg:$0x0] =	wrdreg $0x0  }
0xab: {  	s7 =	sshll.u32 s28, $0x1;
	[dreg:$0x2] =	wrdreg s6  }
0xac: {  	[dreg:$0x3] =	wrdreg s7  }
0xad: {  	[dreg:$0x4] =	wrdreg $0xC0  }
0xae: {  	_ =	task [dreg:s10], $0x5FFFF  }
0xaf: {  	[dreg:$0x1] =	wrdreg $0xFFFFFFFF  }
0xb0: {  	[dreg:$0x0] =	wrdreg $0x60  }
0xb1: {  	[dreg:$0x2] =	wrdreg s19  }
0xb2: {  	[dreg:$0x3] =	wrdreg s2  }
0xb3: {  	[dreg:$0x4] =	wrdreg s4  }
0xb4: {  	[dreg:$0x5] =	wrdreg s5  }
0xb5: {  	[dreg:$0x6] =	wrdreg $0x9  }
0xb6: {  	_ =	task.clear_ibuf [dreg:s10], $0x7FFFF;
	_ =	strace $0x90000046  }
0xb7: {  	s29 =	simm.s32 $0x9;
	_ =	strace $0x80000048  }
0xb8: {  	_ =	swait.ge [sflag:s29], $0x1  }
0xb9: {  	[sflag:s29] =	ssyncadd.s32 $0xFFFFFFFF  }
0xba: {  	_ =	strace $0x90000048  }
0xbb: {  	_ =	sfence  }
0xbc: {  	s30 =	sld [smem:$0x0];
	_ =	sdelay $0x2  }
0xbd: {  	s31 =	sshll.u32 s1, $0xD;
	s1 =	sshrl.u32 s1, $0x2  }
0xbe: {  	s3 =	sand.u32 $0x4000, s31;
	s1 =	sadd.s32 s1, s30  }
0xbf: {  	s0 =	sor.u32 s3, s0;
	s1 =	sshll.u32 s1, $0x11  }
0xc0: {  	s0 =	sor.u32 s1, s0  }
0xc1: {  	s0 =	sadd.s32 $0x8F2B, s0  }
0xc2: {  	[sflag:s0] =	ssyncadd.remote.s32 $0x1  }
0xc3: {  	_ =	sfence.sel $0xFFFF  }
0xc4: {  	[dreg:$0x0] =	wrdreg $0xFFFFFFFF;
	(pc) =	sbr.abs _section_cstart, $3  }
0xc5: {  	[dreg:$0x1] =	wrdreg $0xFFFFFFFF  }
0xc6: {  	_ =	task.clear_ibuf [dreg:s10], $0x2FFFF;
	_ =	strace $0x9FFFFFFF  }
0xc7: {  	(tm) =	ssettm $0x7FFFFFFF  }
tec
execute0_lowered:
.L_overlay_start_1:
0x0: {  	(tag) =	ssettag $0x1  }
0x1: {  	s2 =	srdreg.scid;
	s4 =	stileid.u32  }
0x2: {  	s2 =	sand.u32 $0x1, s2;
	s5 =	sshll.u32 s4, $0x1  }
0x3: {  	s5 =	sor.u32 s2, s5  }
0x4: {  	s1 =	rddreg [dreg:$0x0];
	s6 =	smul.u32 $0xC8000, s5  }
0x5: {  	s0 =	rddreg [dreg:$0x1];
	s7 =	smul.u32 $0x320, s5  }
0x6: {  	s3 =	rddreg [dreg:$0x3];
	s4 =	simm.s32 $0x0  }
0x7: {  	[smem:$0x7FF] =	sst s4;
	s6 =	sshrl.u32 s6, $0x3;
	s0 =	sadd.s32 s0, s7  }
0x8: {  	_ =	strace $0x80000047;
	[dreg:$0x5] =	wrdreg s0;
	s0 =	sadd.s32 s3, s6  }
0x9: {  	s23 =	sadd.s32 $0x1000, s0  }
0xa: {  	s24 =	sadd.s32 $0x1800, s0;
	[dreg:$0x6] =	wrdreg s23  }
0xb: {  	s25 =	sadd.s32 $0x2000, s0;
	[dreg:$0x7] =	wrdreg s24  }
0xc: {  	s26 =	sadd.s32 $0x2800, s0;
	[dreg:$0x8] =	wrdreg s25  }
0xd: {  	s2 =	ssub.s32 $0x2, s2;
	s6 =	sadd.s32 $0x3000, s0;
	[dreg:$0x9] =	wrdreg s26  }
0xe: {  	s8 =	sshrl.u32 s2, $0x1;
	s7 =	sadd.s32 $0x3800, s0;
	[dreg:$0xa] =	wrdreg s6  }
0xf: {  	s2 =	ssub.s32 s2, s8;
	s8 =	sadd.s32 $0x4000, s0;
	[dreg:$0xb] =	wrdreg s7  }
0x10: {  	s9 =	sadd.s32 $0x4800, s0;
	[dreg:$0xc] =	wrdreg s8  }
0x11: {  	s10 =	sadd.s32 $0x5000, s0;
	[dreg:$0xd] =	wrdreg s9  }
0x12: {  	s11 =	sadd.s32 $0x5800, s0;
	[dreg:$0xe] =	wrdreg s10  }
0x13: {  	s12 =	sadd.s32 $0x6000, s0;
	[dreg:$0xf] =	wrdreg s11  }
0x14: {  	s13 =	sadd.s32 $0x6800, s0;
	[dreg:$0x10] =	wrdreg s12  }
0x15: {  	s14 =	sadd.s32 $0x7000, s0;
	[dreg:$0x11] =	wrdreg s13  }
0x16: {  	s15 =	sadd.s32 $0x7800, s0;
	[dreg:$0x12] =	wrdreg s14  }
0x17: {  	s16 =	sadd.s32 $0x8000, s0;
	[dreg:$0x13] =	wrdreg s15  }
0x18: {  	s17 =	sadd.s32 $0x8800, s0;
	[dreg:$0x14] =	wrdreg s16  }
0x19: {  	s18 =	sadd.s32 $0x9000, s0;
	[dreg:$0x15] =	wrdreg s17  }
0x1a: {  	s19 =	sadd.s32 $0x9800, s0;
	[dreg:$0x16] =	wrdreg s18  }
0x1b: {  	s20 =	sadd.s32 $0xA000, s0;
	[dreg:$0x17] =	wrdreg s19  }
0x1c: {  	s21 =	sadd.s32 $0xA800, s0;
	[dreg:$0x18] =	wrdreg s20  }
0x1d: {  	s22 =	sadd.s32 $0xB000, s0;
	[dreg:$0x19] =	wrdreg s21  }
0x1e: {  	[dreg:$0x1a] =	wrdreg s22;
	s23 =	sadd.s32 $0xB800, s0  }
0x1f: {  	s24 =	sadd.s32 $0xC000, s0;
	[dreg:$0x1b] =	wrdreg s23  }
0x20: {  	s25 =	sadd.s32 $0xC800, s0;
	[dreg:$0x1c] =	wrdreg s24  }
0x21: {  	s26 =	sadd.s32 $0xD000, s0;
	[dreg:$0x1d] =	wrdreg s25  }
0x22: {  	s6 =	sadd.s32 $0xD800, s0;
	[dreg:$0x1e] =	wrdreg s26  }
0x23: {  	s7 =	sadd.s32 $0xE000, s0;
	[dreg:$0x1f] =	wrdreg s6  }
0x24: {  	s8 =	sadd.s32 $0xE800, s0;
	[smem:$0x7EA] =	sst s7  }
0x25: {  	s9 =	sadd.s32 $0xF000, s0;
	[smem:$0x7EB] =	sst s8  }
0x26: {  	s10 =	sadd.s32 $0xF800, s0;
	[smem:$0x7EC] =	sst s9  }
0x27: {  	s11 =	sadd.s32 $0x10000, s0;
	[smem:$0x7ED] =	sst s10  }
0x28: {  	s12 =	sadd.s32 $0x10800, s0;
	[smem:$0x7EE] =	sst s11  }
0x29: {  	s13 =	sadd.s32 $0x11000, s0;
	[smem:$0x7EF] =	sst s12  }
0x2a: {  	s14 =	sadd.s32 $0x11800, s0;
	[smem:$0x7F0] =	sst s13  }
0x2b: {  	s15 =	sadd.s32 $0x12000, s0;
	[smem:$0x7F1] =	sst s14  }
0x2c: {  	s29 =	simm.s32 $0xD;
	s16 =	sadd.s32 $0x12800, s0;
	[smem:$0x7F2] =	sst s15  }
0x2d: {  	s30 =	simm.s32 $0x80;
	s17 =	sadd.s32 $0x13000, s0;
	[smem:$0x7F3] =	sst s16  }
0x2e: {  	s5 =	smul.u32 $0x19000, s5;
	s18 =	sadd.s32 $0x13800, s0;
	[smem:$0x7F4] =	sst s17  }
0x2f: {  	s31 =	simm.s32 $0x4E00;
	s19 =	sadd.s32 $0x14000, s0;
	[smem:$0x7F5] =	sst s18  }
0x30: {  	s3 =	sadd.s32 s3, s5;
	s20 =	sadd.s32 $0x14800, s0;
	[smem:$0x7F6] =	sst s19  }
0x31: {  	s5 =	simm.s32 $0x14E00;
	s21 =	sadd.s32 $0x15000, s0;
	[smem:$0x7F7] =	sst s20  }
0x32: {  	s28 =	sadd.s32 $0x800, s3;
	s22 =	sadd.s32 $0x15800, s0;
	[smem:$0x7F8] =	sst s21  }
0x33: {  	[smem:$0x7F9] =	sst s22;
	s23 =	sadd.s32 $0x16000, s0;
	s24 =	sadd.s32 $0x16800, s0  }
0x34: {  	s25 =	sadd.s32 $0x17000, s0;
	s26 =	sadd.s32 $0x17800, s0;
	s6 =	smax.u32 s2, $0x1  }
0x35: {  	s2 =	simm.s32 $0x8E00;
	s7 =	simm.s32 $0x1;
	s8 =	simm.s32 $0x18E00  }
0x36: {  	s9 =	simm.s32 $0x2;
	s10 =	simm.s32 $0x7;
	s11 =	simm.s32 $0x3  }
0x37: {  	s12 =	simm.s32 $0x8;
	s13 =	simm.s32 $0x4;
	s14 =	simm.s32 $0x9  }
0x38: {  	s15 =	simm.s32 $0x5;
	s16 =	simm.s32 $0xA;
	[smem:$0x7FA] =	sst s23  }
0x39: {  	s17 =	simm.s32 $0x6;
	s18 =	simm.s32 $0xB;
	[smem:$0x7FB] =	sst s24  }
0x3a: {  	s19 =	simm.s32 $0xC;
	s20 =	simm.s32 $0x0;
	[smem:$0x7FC] =	sst s25  }
0x3b: {  	[smem:$0x7FD] =	sst s26;
	s25 =	sadd.s32 $0x18000, s0;
	s26 =	sadd.s32 $0x18800, s0  }
0x3c: {  	s24 =	smov.u32 s3;
	s0 =	simm.s32 $0xCE00;
	s3 =	simm.s32 $0x10E00  }
.LBB2_1:
0x3d: {  	s21 =	rddreg [dreg:$0x5]  }
0x3e: {  	[tilespmem:s4], [sflag:$0xD] =	stream.linear.gather [hbm4b:s21+s4], $0x1900, $0x38;
	[tilespmem:$0x1CE00] =	vst v63  }
0x3f: {  	_ =	swait.ge [sflag:s29], $0x1900  }
0x40: {  	[sflag:s29] =	ssyncset.done $0x0  }
0x41: {  	[sflag:s29] =	ssyncadd.s32 $0xFFFFE700  }
0x42: {  	s22 =	simm.s32 $0x1900;
	s23 =	rddreg [dreg:$0x2]  }
0x43: {  	[tilespmem:s22], [sflag:$0xD] =	stream.linear.gather [hbm4b:s23+s4], $0x1900, $0x38;
	[tilespmem:$0x1CE00] =	vst v63  }
0x44: {  	_ =	swait.ge [sflag:s29], $0x1900  }
0x45: {  	[sflag:s29] =	ssyncset.done $0x0  }
0x46: {  	s21 =	simm.s32 $0x0;
	[sflag:s29] =	ssyncadd.s32 $0xFFFFE700  }
0x47: {  	v0 =	vld [tilespmem:s21+$0x70]  }
0x48: {  	v1 =	vld [tilespmem:s21+$0x1970]  }
0x49: {  	v2 =	vld [tilespmem:s21+$0x0]  }
0x4a: {  	v3 =	vld [tilespmem:s21+$0x1900]  }
0x4b: {  	v4 =	vld [tilespmem:s21+$0x10]  }
0x4c: {  	v5 =	vld [tilespmem:s21+$0x1910]  }
0x4d: {  	v6 =	vld [tilespmem:s21+$0x20]  }
0x4e: {  	v0 =	vadd.s32 v0, v1;
	v1 =	vld [tilespmem:s21+$0x1920]  }
0x4f: {  	[tilespmem:s21+$0x3270] =	vst v0;
	v0 =	vadd.s32 v2, v3;
	v2 =	vld [tilespmem:s21+$0x30]  }
0x50: {  	[tilespmem:s21+$0x3200] =	vst v0;
	v0 =	vld [tilespmem:s21+$0x1930]  }
0x51: {  	v7 =	vld [tilespmem:s21+$0x1940]  }
0x52: {  	v3 =	vadd.s32 v4, v5;
	v5 =	vld [tilespmem:s21+$0x40]  }
0x53: {  	[tilespmem:s21+$0x3210] =	vst v3;
	v3 =	vadd.s32 v6, v1;
	v1 =	vld [tilespmem:s21+$0x50]  }
0x54: {  	[tilespmem:s21+$0x3220] =	vst v3;
	v3 =	vld [tilespmem:s21+$0x1950]  }
0x55: {  	v4 =	vld [tilespmem:s21+$0x1960];
	v0 =	vadd.s32 v2, v0  }
0x56: {  	s22 =	simm.s32 $0x80;
	v2 =	vld [tilespmem:s21+$0x60];
	[tilespmem:s21+$0x3230] =	vst v0  }
0x57: {  	s23 =	simm.s32 $0x400;
	v5 =	vadd.s32 v5, v7;
	v0 =	vld [tilespmem:s22+$0x70]  }
.LBB2_2:
0x58: {  	p0 =	sne.s32 s23, $0x6200;
	v6 =	vld [tilespmem:s22+$0x1970];
	[tilespmem:s21+$0x3240] =	vst v5  }
0x59: {  	v5 =	vld [tilespmem:s22+$0x0];
	v1 =	vadd.s32 v1, v3  }
0x5a: {  	v3 =	vld [tilespmem:s22+$0x1900];
	[tilespmem:s21+$0x3250] =	vst v1  }
0x5b: {  	v1 =	vld [tilespmem:s22+$0x10];
	v2 =	vadd.s32 v2, v4  }
0x5c: {  	v4 =	vld [tilespmem:s22+$0x1910];
	[tilespmem:s21+$0x3260] =	vst v2;
	s21 =	smov.u32 s22  }
0x5d: {  	v2 =	vld [tilespmem:s21+$0x20];
	v0 =	vadd.s32 v0, v6  }
0x5e: {  	v6 =	vld [tilespmem:s21+$0x1920];
	[tilespmem:s21+$0x3270] =	vst v0  }
0x5f: {  	v0 =	vadd.s32 v5, v3;
	v5 =	vld [tilespmem:s21+$0x30]  }
0x60: {  	[tilespmem:s21+$0x3200] =	vst v0;
	v0 =	vld [tilespmem:s21+$0x1930]  }
0x61: {  	v1 =	vadd.s32 v1, v4;
	v7 =	vld [tilespmem:s21+$0x40]  }
0x62: {  	[tilespmem:s21+$0x3210] =	vst v1;
	v8 =	vld [tilespmem:s21+$0x1940]  }
.Ltmp0:
0x63: {  	v2 =	vadd.s32 v2, v6;
	v1 =	vld [tilespmem:s21+$0x50];
	(pc) =	sbr.rel @p0 .LBB2_2-.Ltmp0, $4  }
0x64: {  	[tilespmem:s21+$0x3220] =	vst v2;
	v3 =	vld [tilespmem:s21+$0x1950]  }
0x65: {  	v0 =	vadd.s32 v5, v0;
	v2 =	vld [tilespmem:s21+$0x60]  }
0x66: {  	s22 =	sshra.s32 s23, $0x2;
	[tilespmem:s21+$0x3230] =	vst v0;
	v4 =	vld [tilespmem:s21+$0x1960]  }
0x67: {  	s23 =	sadd.s32 $0x200, s23;
	v0 =	vld [tilespmem:s22+$0x70];
	v5 =	vadd.s32 v7, v8  }
0x68: {  	v6 =	vld [tilespmem:s22+$0x1970];
	[tilespmem:s21+$0x3240] =	vst v5  }
0x69: {  	v5 =	vld [tilespmem:s22+$0x0];
	v1 =	vadd.s32 v1, v3  }
0x6a: {  	v51 =	vld [tilespmem:s22+$0x1900];
	[tilespmem:s21+$0x3250] =	vst v1  }
0x6b: {  	v1 =	vld [tilespmem:s22+$0x10];
	v2 =	vadd.s32 v2, v4  }
0x6c: {  	v52 =	vld [tilespmem:s22+$0x1910];
	[tilespmem:s21+$0x3260] =	vst v2  }
0x6d: {  	v2 =	vld [tilespmem:s22+$0x20]  }
0x6e: {  	v53 =	vld [tilespmem:s22+$0x1920]  }
0x6f: {  	v55 =	vld [tilespmem:s22+$0x30]  }
0x70: {  	v56 =	vld [tilespmem:s22+$0x1930]  }
0x71: {  	v57 =	vld [tilespmem:s22+$0x40]  }
0x72: {  	v58 =	vld [tilespmem:s22+$0x1940]  }
0x73: {  	v59 =	vld [tilespmem:s22+$0x50]  }
0x74: {  	v0 =	vadd.s32 v0, v6;
	v60 =	vld [tilespmem:s22+$0x1950]  }
0x75: {  	v61 =	vld [tilespmem:s22+$0x60];
	[tilespmem:s22+$0x3270] =	vst v0;
	v54 =	vadd.s32 v5, v51  }
0x76: {  	v62 =	vld [tilespmem:s22+$0x1960];
	[tilespmem:s22+$0x3200] =	vst v54;
	v1 =	vadd.s32 v1, v52  }
0x77: {  	[tilespmem:s22+$0x3210] =	vst v1;
	v2 =	vadd.s32 v2, v53  }
0x78: {  	v0 =	vadd.s32 v55, v56;
	[tilespmem:s22+$0x3220] =	vst v2  }
0x79: {  	v1 =	vadd.s32 v57, v58;
	[tilespmem:s22+$0x3230] =	vst v0  }
0x7a: {  	v63 =	vadd.s32 v59, v60;
	[tilespmem:s22+$0x3240] =	vst v1  }
0x7b: {  	[tilespmem:s22+$0x3250] =	vst v63;
	v0 =	vadd.s32 v61, v62  }
0x7c: {  	[tilespmem:s22+$0x3260] =	vst v0;
	s22 =	simm.s32 $0x3200  }
0x7d: {  	[tilespmem:s31], [sflag:$0x1] =	stream.indirect.gather [hbm4b:s1+s30], $0x80, s22, s30, $0xb8;
	[tilespmem:$0x1CE00] =	vst v63  }
0x7e: {  	s23 =	simm.s32 $0x3280  }
0x7f: {  	[tilespmem:s2], [sflag:$0x2] =	stream.indirect.gather [hbm4b:s1+s30], $0x80, s23, s30, $0xb8;
	[tilespmem:$0x1CE00] =	vst v63  }
0x80: {  	s22 =	simm.s32 $0x3300  }
0x81: {  	[tilespmem:s0], [sflag:$0x3] =	stream.indirect.gather [hbm4b:s1+s30], $0x80, s22, s30, $0xb8;
	[tilespmem:$0x1CE00] =	vst v63  }
0x82: {  	s23 =	simm.s32 $0x3380  }
0x83: {  	[tilespmem:s3], [sflag:$0x4] =	stream.indirect.gather [hbm4b:s1+s30], $0x80, s23, s30, $0xb8;
	[tilespmem:$0x1CE00] =	vst v63  }
0x84: {  	s22 =	simm.s32 $0x3400  }
0x85: {  	[tilespmem:s5], [sflag:$0x5] =	stream.indirect.gather [hbm4b:s1+s30], $0x80, s22, s30, $0xb8;
	[tilespmem:$0x1CE00] =	vst v63  }
0x86: {  	_ =	swait.ge [sflag:s7], $0x4000  }
0x87: {  	[sflag:s7] =	ssyncset.done $0x0  }
0x88: {  	[sflag:s7] =	ssyncadd.s32 $0xFFFFC000  }
0x89: {  	[hbm4b:s24+s4] =	stream.linear.scatter [tilespmem:s31], [sflag:$0x7], $0x4000, $0x38;
	[tilespmem:$0x1CE00] =	vst v63  }
0x8a: {  	s23 =	simm.s32 $0x3480  }
0x8b: {  	[tilespmem:s8], [sflag:$0x6] =	stream.indirect.gather [hbm4b:s1+s30], $0x80, s23, s30, $0xb8;
	[tilespmem:$0x1CE00] =	vst v63  }
0x8c: {  	_ =	swait.ge [sflag:s9], $0x4000  }
0x8d: {  	[sflag:s9] =	ssyncset.done $0x0  }
0x8e: {  	[sflag:s9] =	ssyncadd.s32 $0xFFFFC000  }
0x8f: {  	[hbm4b:s28+s4] =	stream.linear.scatter [tilespmem:s2], [sflag:$0x8], $0x4000, $0x38;
	[tilespmem:$0x1CE00] =	vst v63  }
0x90: {  	_ =	swait.ge [sflag:s10], $0x4000  }
0x91: {  	[sflag:s10] =	ssyncset.done $0x0  }
0x92: {  	s22 =	simm.s32 $0x3500;
	[sflag:s10] =	ssyncadd.s32 $0xFFFFC000  }
0x93: {  	[tilespmem:s31], [sflag:$0x1] =	stream.indirect.gather [hbm4b:s1+s30], $0x80, s22, s30, $0xb8;
	[tilespmem:$0x1CE00] =	vst v63  }
0x94: {  	_ =	swait.ge [sflag:s11], $0x4000  }
0x95: {  	[sflag:s11] =	ssyncset.done $0x0  }
0x96: {  	s23 =	rddreg [dreg:$0x6];
	[sflag:s11] =	ssyncadd.s32 $0xFFFFC000  }
0x97: {  	[hbm4b:s23+s4] =	stream.linear.scatter [tilespmem:s0], [sflag:$0x9], $0x4000, $0x38;
	[tilespmem:$0x1CE00] =	vst v63  }
0x98: {  	_ =	swait.ge [sflag:s12], $0x4000  }
0x99: {  	[sflag:s12] =	ssyncset.done $0x0  }
0x9a: {  	s22 =	simm.s32 $0x3580;
	[sflag:s12] =	ssyncadd.s32 $0xFFFFC000  }
0x9b: {  	[tilespmem:s2], [sflag:$0x2] =	stream.indirect.gather [hbm4b:s1+s30], $0x80, s22, s30, $0xb8;
	[tilespmem:$0x1CE00] =	vst v63  }
0x9c: {  	_ =	swait.ge [sflag:s13], $0x4000  }
0x9d: {  	[sflag:s13] =	ssyncset.done $0x0  }
0x9e: {  	s23 =	rddreg [dreg:$0x7];
	[sflag:s13] =	ssyncadd.s32 $0xFFFFC000  }
0x9f: {  	[hbm4b:s23+s4] =	stream.linear.scatter [tilespmem:s3], [sflag:$0xA], $0x4000, $0x38;
	[tilespmem:$0x1CE00] =	vst v63  }
0xa0: {  	_ =	swait.ge [sflag:s14], $0x4000  }
0xa1: {  	[sflag:s14] =	ssyncset.done $0x0  }
0xa2: {  	s22 =	simm.s32 $0x3600;
	[sflag:s14] =	ssyncadd.s32 $0xFFFFC000  }
0xa3: {  	[tilespmem:s0], [sflag:$0x3] =	stream.indirect.gather [hbm4b:s1+s30], $0x80, s22, s30, $0xb8;
	[tilespmem:$0x1CE00] =	vst v63  }
0xa4: {  	_ =	swait.ge [sflag:s15], $0x4000  }
0xa5: {  	[sflag:s15] =	ssyncset.done $0x0  }
0xa6: {  	s23 =	rddreg [dreg:$0x8];
	[sflag:s15] =	ssyncadd.s32 $0xFFFFC000  }
0xa7: {  	[hbm4b:s23+s4] =	stream.linear.scatter [tilespmem:s5], [sflag:$0xB], $0x4000, $0x38;
	[tilespmem:$0x1CE00] =	vst v63  }
0xa8: {  	_ =	swait.ge [sflag:s16], $0x4000  }
0xa9: {  	[sflag:s16] =	ssyncset.done $0x0  }
0xaa: {  	s22 =	simm.s32 $0x3680;
	[sflag:s16] =	ssyncadd.s32 $0xFFFFC000  }
0xab: {  	[tilespmem:s3], [sflag:$0x4] =	stream.indirect.gather [hbm4b:s1+s30], $0x80, s22, s30, $0xb8;
	[tilespmem:$0x1CE00] =	vst v63  }
0xac: {  	_ =	swait.ge [sflag:s17], $0x4000  }
0xad: {  	[sflag:s17] =	ssyncset.done $0x0  }
0xae: {  	s23 =	rddreg [dreg:$0x9];
	[sflag:s17] =	ssyncadd.s32 $0xFFFFC000  }
0xaf: {  	[hbm4b:s23+s4] =	stream.linear.scatter [tilespmem:s8], [sflag:$0xC], $0x4000, $0x38;
	[tilespmem:$0x1CE00] =	vst v63  }
0xb0: {  	_ =	swait.ge [sflag:s18], $0x4000  }
0xb1: {  	[sflag:s18] =	ssyncset.done $0x0  }
0xb2: {  	s22 =	simm.s32 $0x3700;
	[sflag:s18] =	ssyncadd.s32 $0xFFFFC000  }
0xb3: {  	[tilespmem:s5], [sflag:$0x5] =	stream.indirect.gather [hbm4b:s1+s30], $0x80, s22, s30, $0xb8;
	[tilespmem:$0x1CE00] =	vst v63  }
0xb4: {  	_ =	swait.ge [sflag:s7], $0x4000  }
0xb5: {  	[sflag:s7] =	ssyncset.done $0x0  }
0xb6: {  	s23 =	rddreg [dreg:$0xa];
	[sflag:s7] =	ssyncadd.s32 $0xFFFFC000  }
0xb7: {  	[hbm4b:s23+s4] =	stream.linear.scatter [tilespmem:s31], [sflag:$0x7], $0x4000, $0x38;
	[tilespmem:$0x1CE00] =	vst v63  }
0xb8: {  	_ =	swait.ge [sflag:s19], $0x4000  }
0xb9: {  	[sflag:s19] =	ssyncset.done $0x0  }
0xba: {  	s22 =	simm.s32 $0x3780;
	[sflag:s19] =	ssyncadd.s32 $0xFFFFC000  }
0xbb: {  	[tilespmem:s8], [sflag:$0x6] =	stream.indirect.gather [hbm4b:s1+s30], $0x80, s22, s30, $0xb8;
	[tilespmem:$0x1CE00] =	vst v63  }
0xbc: {  	_ =	swait.ge [sflag:s9], $0x4000  }
0xbd: {  	[sflag:s9] =	ssyncset.done $0x0  }
0xbe: {  	s23 =	rddreg [dreg:$0xb];
	[sflag:s9] =	ssyncadd.s32 $0xFFFFC000  }
0xbf: {  	[hbm4b:s23+s4] =	stream.linear.scatter [tilespmem:s2], [sflag:$0x8], $0x4000, $0x38;
	[tilespmem:$0x1CE00] =	vst v63  }
0xc0: {  	_ =	swait.ge [sflag:s10], $0x4000  }
0xc1: {  	[sflag:s10] =	ssyncset.done $0x0  }
0xc2: {  	s22 =	simm.s32 $0x3800;
	[sflag:s10] =	ssyncadd.s32 $0xFFFFC000  }
0xc3: {  	[tilespmem:s31], [sflag:$0x1] =	stream.indirect.gather [hbm4b:s1+s30], $0x80, s22, s30, $0xb8;
	[tilespmem:$0x1CE00] =	vst v63  }
0xc4: {  	_ =	swait.ge [sflag:s11], $0x4000  }
0xc5: {  	[sflag:s11] =	ssyncset.done $0x0  }
0xc6: {  	s23 =	rddreg [dreg:$0xc];
	[sflag:s11] =	ssyncadd.s32 $0xFFFFC000  }
0xc7: {  	[hbm4b:s23+s4] =	stream.linear.scatter [tilespmem:s0], [sflag:$0x9], $0x4000, $0x38;
	[tilespmem:$0x1CE00] =	vst v63  }
0xc8: {  	_ =	swait.ge [sflag:s12], $0x4000  }
0xc9: {  	[sflag:s12] =	ssyncset.done $0x0  }
0xca: {  	s22 =	simm.s32 $0x3880;
	[sflag:s12] =	ssyncadd.s32 $0xFFFFC000  }
0xcb: {  	[tilespmem:s2], [sflag:$0x2] =	stream.indirect.gather [hbm4b:s1+s30], $0x80, s22, s30, $0xb8;
	[tilespmem:$0x1CE00] =	vst v63  }
0xcc: {  	_ =	swait.ge [sflag:s13], $0x4000  }
0xcd: {  	[sflag:s13] =	ssyncset.done $0x0  }
0xce: {  	s23 =	rddreg [dreg:$0xd];
	[sflag:s13] =	ssyncadd.s32 $0xFFFFC000  }
0xcf: {  	[hbm4b:s23+s4] =	stream.linear.scatter [tilespmem:s3], [sflag:$0xA], $0x4000, $0x38;
	[tilespmem:$0x1CE00] =	vst v63  }
0xd0: {  	_ =	swait.ge [sflag:s14], $0x4000  }
0xd1: {  	[sflag:s14] =	ssyncset.done $0x0  }
0xd2: {  	s22 =	simm.s32 $0x3900;
	[sflag:s14] =	ssyncadd.s32 $0xFFFFC000  }
0xd3: {  	[tilespmem:s0], [sflag:$0x3] =	stream.indirect.gather [hbm4b:s1+s30], $0x80, s22, s30, $0xb8;
	[tilespmem:$0x1CE00] =	vst v63  }
0xd4: {  	_ =	swait.ge [sflag:s15], $0x4000  }
0xd5: {  	[sflag:s15] =	ssyncset.done $0x0  }
0xd6: {  	s23 =	rddreg [dreg:$0xe];
	[sflag:s15] =	ssyncadd.s32 $0xFFFFC000  }
0xd7: {  	[hbm4b:s23+s4] =	stream.linear.scatter [tilespmem:s5], [sflag:$0xB], $0x4000, $0x38;
	[tilespmem:$0x1CE00] =	vst v63  }
0xd8: {  	_ =	swait.ge [sflag:s16], $0x4000  }
0xd9: {  	[sflag:s16] =	ssyncset.done $0x0  }
0xda: {  	s22 =	simm.s32 $0x3980;
	[sflag:s16] =	ssyncadd.s32 $0xFFFFC000  }
0xdb: {  	[tilespmem:s3], [sflag:$0x4] =	stream.indirect.gather [hbm4b:s1+s30], $0x80, s22, s30, $0xb8;
	[tilespmem:$0x1CE00] =	vst v63  }
0xdc: {  	_ =	swait.ge [sflag:s17], $0x4000  }
0xdd: {  	[sflag:s17] =	ssyncset.done $0x0  }
0xde: {  	s23 =	rddreg [dreg:$0xf];
	[sflag:s17] =	ssyncadd.s32 $0xFFFFC000  }
0xdf: {  	[hbm4b:s23+s4] =	stream.linear.scatter [tilespmem:s8], [sflag:$0xC], $0x4000, $0x38;
	[tilespmem:$0x1CE00] =	vst v63  }
0xe0: {  	_ =	swait.ge [sflag:s18], $0x4000  }
0xe1: {  	[sflag:s18] =	ssyncset.done $0x0  }
0xe2: {  	s22 =	simm.s32 $0x3A00;
	[sflag:s18] =	ssyncadd.s32 $0xFFFFC000  }
0xe3: {  	[tilespmem:s5], [sflag:$0x5] =	stream.indirect.gather [hbm4b:s1+s30], $0x80, s22, s30, $0xb8;
	[tilespmem:$0x1CE00] =	vst v63  }
0xe4: {  	_ =	swait.ge [sflag:s7], $0x4000  }
0xe5: {  	[sflag:s7] =	ssyncset.done $0x0  }
0xe6: {  	s23 =	rddreg [dreg:$0x10];
	[sflag:s7] =	ssyncadd.s32 $0xFFFFC000  }
0xe7: {  	[hbm4b:s23+s4] =	stream.linear.scatter [tilespmem:s31], [sflag:$0x7], $0x4000, $0x38;
	[tilespmem:$0x1CE00] =	vst v63  }
0xe8: {  	_ =	swait.ge [sflag:s19], $0x4000  }
0xe9: {  	[sflag:s19] =	ssyncset.done $0x0  }
0xea: {  	s22 =	simm.s32 $0x3A80;
	[sflag:s19] =	ssyncadd.s32 $0xFFFFC000  }
0xeb: {  	[tilespmem:s8], [sflag:$0x6] =	stream.indirect.gather [hbm4b:s1+s30], $0x80, s22, s30, $0xb8;
	[tilespmem:$0x1CE00] =	vst v63  }
0xec: {  	_ =	swait.ge [sflag:s9], $0x4000  }
0xed: {  	[sflag:s9] =	ssyncset.done $0x0  }
0xee: {  	s23 =	rddreg [dreg:$0x11];
	[sflag:s9] =	ssyncadd.s32 $0xFFFFC000  }
0xef: {  	[hbm4b:s23+s4] =	stream.linear.scatter [tilespmem:s2], [sflag:$0x8], $0x4000, $0x38;
	[tilespmem:$0x1CE00] =	vst v63  }
0xf0: {  	_ =	swait.ge [sflag:s10], $0x4000  }
0xf1: {  	[sflag:s10] =	ssyncset.done $0x0  }
0xf2: {  	s22 =	simm.s32 $0x3B00;
	[sflag:s10] =	ssyncadd.s32 $0xFFFFC000  }
0xf3: {  	[tilespmem:s31], [sflag:$0x1] =	stream.indirect.gather [hbm4b:s1+s30], $0x80, s22, s30, $0xb8;
	[tilespmem:$0x1CE00] =	vst v63  }
0xf4: {  	_ =	swait.ge [sflag:s11], $0x4000  }
0xf5: {  	[sflag:s11] =	ssyncset.done $0x0  }
0xf6: {  	s23 =	rddreg [dreg:$0x12];
	[sflag:s11] =	ssyncadd.s32 $0xFFFFC000  }
0xf7: {  	[hbm4b:s23+s4] =	stream.linear.scatter [tilespmem:s0], [sflag:$0x9], $0x4000, $0x38;
	[tilespmem:$0x1CE00] =	vst v63  }
0xf8: {  	_ =	swait.ge [sflag:s12], $0x4000  }
0xf9: {  	[sflag:s12] =	ssyncset.done $0x0  }
0xfa: {  	s22 =	simm.s32 $0x3B80;
	[sflag:s12] =	ssyncadd.s32 $0xFFFFC000  }
0xfb: {  	[tilespmem:s2], [sflag:$0x2] =	stream.indirect.gather [hbm4b:s1+s30], $0x80, s22, s30, $0xb8;
	[tilespmem:$0x1CE00] =	vst v63  }
0xfc: {  	_ =	swait.ge [sflag:s13], $0x4000  }
0xfd: {  	[sflag:s13] =	ssyncset.done $0x0  }
0xfe: {  	s23 =	rddreg [dreg:$0x13];
	[sflag:s13] =	ssyncadd.s32 $0xFFFFC000  }
0xff: {  	[hbm4b:s23+s4] =	stream.linear.scatter [tilespmem:s3], [sflag:$0xA], $0x4000, $0x38;
	[tilespmem:$0x1CE00] =	vst v63  }
0x100: {  	_ =	swait.ge [sflag:s14], $0x4000  }
0x101: {  	[sflag:s14] =	ssyncset.done $0x0  }
0x102: {  	s22 =	simm.s32 $0x3C00;
	[sflag:s14] =	ssyncadd.s32 $0xFFFFC000  }
0x103: {  	[tilespmem:s0], [sflag:$0x3] =	stream.indirect.gather [hbm4b:s1+s30], $0x80, s22, s30, $0xb8;
	[tilespmem:$0x1CE00] =	vst v63  }
0x104: {  	_ =	swait.ge [sflag:s15], $0x4000  }
0x105: {  	[sflag:s15] =	ssyncset.done $0x0  }
0x106: {  	s23 =	rddreg [dreg:$0x14];
	[sflag:s15] =	ssyncadd.s32 $0xFFFFC000  }
0x107: {  	[hbm4b:s23+s4] =	stream.linear.scatter [tilespmem:s5], [sflag:$0xB], $0x4000, $0x38;
	[tilespmem:$0x1CE00] =	vst v63  }
0x108: {  	_ =	swait.ge [sflag:s16], $0x4000  }
0x109: {  	[sflag:s16] =	ssyncset.done $0x0  }
0x10a: {  	s22 =	simm.s32 $0x3C80;
	[sflag:s16] =	ssyncadd.s32 $0xFFFFC000  }
0x10b: {  	[tilespmem:s3], [sflag:$0x4] =	stream.indirect.gather [hbm4b:s1+s30], $0x80, s22, s30, $0xb8;
	[tilespmem:$0x1CE00] =	vst v63  }
0x10c: {  	_ =	swait.ge [sflag:s17], $0x4000  }
0x10d: {  	[sflag:s17] =	ssyncset.done $0x0  }
0x10e: {  	s23 =	rddreg [dreg:$0x15];
	[sflag:s17] =	ssyncadd.s32 $0xFFFFC000  }
0x10f: {  	[hbm4b:s23+s4] =	stream.linear.scatter [tilespmem:s8], [sflag:$0xC], $0x4000, $0x38;
	[tilespmem:$0x1CE00] =	vst v63  }
0x110: {  	_ =	swait.ge [sflag:s18], $0x4000  }
0x111: {  	[sflag:s18] =	ssyncset.done $0x0  }
0x112: {  	s22 =	simm.s32 $0x3D00;
	[sflag:s18] =	ssyncadd.s32 $0xFFFFC000  }
0x113: {  	[tilespmem:s5], [sflag:$0x5] =	stream.indirect.gather [hbm4b:s1+s30], $0x80, s22, s30, $0xb8;
	[tilespmem:$0x1CE00] =	vst v63  }
0x114: {  	_ =	swait.ge [sflag:s7], $0x4000  }
0x115: {  	[sflag:s7] =	ssyncset.done $0x0  }
0x116: {  	s23 =	rddreg [dreg:$0x16];
	[sflag:s7] =	ssyncadd.s32 $0xFFFFC000  }
0x117: {  	[hbm4b:s23+s4] =	stream.linear.scatter [tilespmem:s31], [sflag:$0x7], $0x4000, $0x38;
	[tilespmem:$0x1CE00] =	vst v63  }
0x118: {  	_ =	swait.ge [sflag:s19], $0x4000  }
0x119: {  	[sflag:s19] =	ssyncset.done $0x0  }
0x11a: {  	s22 =	simm.s32 $0x3D80;
	[sflag:s19] =	ssyncadd.s32 $0xFFFFC000  }
0x11b: {  	[tilespmem:s8], [sflag:$0x6] =	stream.indirect.gather [hbm4b:s1+s30], $0x80, s22, s30, $0xb8;
	[tilespmem:$0x1CE00] =	vst v63  }
0x11c: {  	_ =	swait.ge [sflag:s9], $0x4000  }
0x11d: {  	[sflag:s9] =	ssyncset.done $0x0  }
0x11e: {  	s23 =	rddreg [dreg:$0x17];
	[sflag:s9] =	ssyncadd.s32 $0xFFFFC000  }
0x11f: {  	[hbm4b:s23+s4] =	stream.linear.scatter [tilespmem:s2], [sflag:$0x8], $0x4000, $0x38;
	[tilespmem:$0x1CE00] =	vst v63  }
0x120: {  	_ =	swait.ge [sflag:s10], $0x4000  }
0x121: {  	[sflag:s10] =	ssyncset.done $0x0  }
0x122: {  	s22 =	simm.s32 $0x3E00;
	[sflag:s10] =	ssyncadd.s32 $0xFFFFC000  }
0x123: {  	[tilespmem:s31], [sflag:$0x1] =	stream.indirect.gather [hbm4b:s1+s30], $0x80, s22, s30, $0xb8;
	[tilespmem:$0x1CE00] =	vst v63  }
0x124: {  	_ =	swait.ge [sflag:s11], $0x4000  }
0x125: {  	[sflag:s11] =	ssyncset.done $0x0  }
0x126: {  	s23 =	rddreg [dreg:$0x18];
	[sflag:s11] =	ssyncadd.s32 $0xFFFFC000  }
0x127: {  	[hbm4b:s23+s4] =	stream.linear.scatter [tilespmem:s0], [sflag:$0x9], $0x4000, $0x38;
	[tilespmem:$0x1CE00] =	vst v63  }
0x128: {  	_ =	swait.ge [sflag:s12], $0x4000  }
0x129: {  	[sflag:s12] =	ssyncset.done $0x0  }
0x12a: {  	s22 =	simm.s32 $0x3E80;
	[sflag:s12] =	ssyncadd.s32 $0xFFFFC000  }
0x12b: {  	[tilespmem:s2], [sflag:$0x2] =	stream.indirect.gather [hbm4b:s1+s30], $0x80, s22, s30, $0xb8;
	[tilespmem:$0x1CE00] =	vst v63  }
0x12c: {  	_ =	swait.ge [sflag:s13], $0x4000  }
0x12d: {  	[sflag:s13] =	ssyncset.done $0x0  }
0x12e: {  	s23 =	rddreg [dreg:$0x19];
	[sflag:s13] =	ssyncadd.s32 $0xFFFFC000  }
0x12f: {  	[hbm4b:s23+s4] =	stream.linear.scatter [tilespmem:s3], [sflag:$0xA], $0x4000, $0x38;
	[tilespmem:$0x1CE00] =	vst v63  }
0x130: {  	_ =	swait.ge [sflag:s14], $0x4000  }
0x131: {  	[sflag:s14] =	ssyncset.done $0x0  }
0x132: {  	s22 =	simm.s32 $0x3F00;
	[sflag:s14] =	ssyncadd.s32 $0xFFFFC000  }
0x133: {  	[tilespmem:s0], [sflag:$0x3] =	stream.indirect.gather [hbm4b:s1+s30], $0x80, s22, s30, $0xb8;
	[tilespmem:$0x1CE00] =	vst v63  }
0x134: {  	_ =	swait.ge [sflag:s15], $0x4000  }
0x135: {  	[sflag:s15] =	ssyncset.done $0x0  }
0x136: {  	s23 =	rddreg [dreg:$0x1a];
	[sflag:s15] =	ssyncadd.s32 $0xFFFFC000  }
0x137: {  	[hbm4b:s23+s4] =	stream.linear.scatter [tilespmem:s5], [sflag:$0xB], $0x4000, $0x38;
	[tilespmem:$0x1CE00] =	vst v63  }
0x138: {  	_ =	swait.ge [sflag:s16], $0x4000  }
0x139: {  	[sflag:s16] =	ssyncset.done $0x0  }
0x13a: {  	s22 =	simm.s32 $0x3F80;
	[sflag:s16] =	ssyncadd.s32 $0xFFFFC000  }
0x13b: {  	[tilespmem:s3], [sflag:$0x4] =	stream.indirect.gather [hbm4b:s1+s30], $0x80, s22, s30, $0xb8;
	[tilespmem:$0x1CE00] =	vst v63  }
0x13c: {  	_ =	swait.ge [sflag:s17], $0x4000  }
0x13d: {  	[sflag:s17] =	ssyncset.done $0x0  }
0x13e: {  	s23 =	rddreg [dreg:$0x1b];
	[sflag:s17] =	ssyncadd.s32 $0xFFFFC000  }
0x13f: {  	[hbm4b:s23+s4] =	stream.linear.scatter [tilespmem:s8], [sflag:$0xC], $0x4000, $0x38;
	[tilespmem:$0x1CE00] =	vst v63  }
0x140: {  	_ =	swait.ge [sflag:s18], $0x4000  }
0x141: {  	[sflag:s18] =	ssyncset.done $0x0  }
0x142: {  	s22 =	simm.s32 $0x4000;
	[sflag:s18] =	ssyncadd.s32 $0xFFFFC000  }
0x143: {  	[tilespmem:s5], [sflag:$0x5] =	stream.indirect.gather [hbm4b:s1+s30], $0x80, s22, s30, $0xb8;
	[tilespmem:$0x1CE00] =	vst v63  }
0x144: {  	_ =	swait.ge [sflag:s7], $0x4000  }
0x145: {  	[sflag:s7] =	ssyncset.done $0x0  }
0x146: {  	s23 =	rddreg [dreg:$0x1c];
	[sflag:s7] =	ssyncadd.s32 $0xFFFFC000  }
0x147: {  	[hbm4b:s23+s4] =	stream.linear.scatter [tilespmem:s31], [sflag:$0x7], $0x4000, $0x38;
	[tilespmem:$0x1CE00] =	vst v63  }
0x148: {  	_ =	swait.ge [sflag:s19], $0x4000  }
0x149: {  	[sflag:s19] =	ssyncset.done $0x0  }
0x14a: {  	s22 =	simm.s32 $0x4080;
	[sflag:s19] =	ssyncadd.s32 $0xFFFFC000  }
0x14b: {  	[tilespmem:s8], [sflag:$0x6] =	stream.indirect.gather [hbm4b:s1+s30], $0x80, s22, s30, $0xb8;
	[tilespmem:$0x1CE00] =	vst v63  }
0x14c: {  	_ =	swait.ge [sflag:s9], $0x4000  }
0x14d: {  	[sflag:s9] =	ssyncset.done $0x0  }
0x14e: {  	s23 =	rddreg [dreg:$0x1d];
	[sflag:s9] =	ssyncadd.s32 $0xFFFFC000  }
0x14f: {  	[hbm4b:s23+s4] =	stream.linear.scatter [tilespmem:s2], [sflag:$0x8], $0x4000, $0x38;
	[tilespmem:$0x1CE00] =	vst v63  }
0x150: {  	_ =	swait.ge [sflag:s10], $0x4000  }
0x151: {  	[sflag:s10] =	ssyncset.done $0x0  }
0x152: {  	s22 =	simm.s32 $0x4100;
	[sflag:s10] =	ssyncadd.s32 $0xFFFFC000  }
0x153: {  	[tilespmem:s31], [sflag:$0x1] =	stream.indirect.gather [hbm4b:s1+s30], $0x80, s22, s30, $0xb8;
	[tilespmem:$0x1CE00] =	vst v63  }
0x154: {  	_ =	swait.ge [sflag:s11], $0x4000  }
0x155: {  	[sflag:s11] =	ssyncset.done $0x0  }
0x156: {  	s23 =	rddreg [dreg:$0x1e];
	[sflag:s11] =	ssyncadd.s32 $0xFFFFC000  }
0x157: {  	[hbm4b:s23+s4] =	stream.linear.scatter [tilespmem:s0], [sflag:$0x9], $0x4000, $0x38;
	[tilespmem:$0x1CE00] =	vst v63  }
0x158: {  	_ =	swait.ge [sflag:s12], $0x4000  }
0x159: {  	[sflag:s12] =	ssyncset.done $0x0  }
0x15a: {  	s22 =	simm.s32 $0x4180;
	[sflag:s12] =	ssyncadd.s32 $0xFFFFC000  }
0x15b: {  	[tilespmem:s2], [sflag:$0x2] =	stream.indirect.gather [hbm4b:s1+s30], $0x80, s22, s30, $0xb8;
	[tilespmem:$0x1CE00] =	vst v63  }
0x15c: {  	_ =	swait.ge [sflag:s13], $0x4000  }
0x15d: {  	[sflag:s13] =	ssyncset.done $0x0  }
0x15e: {  	s23 =	rddreg [dreg:$0x1f];
	[sflag:s13] =	ssyncadd.s32 $0xFFFFC000  }
0x15f: {  	[hbm4b:s23+s4] =	stream.linear.scatter [tilespmem:s3], [sflag:$0xA], $0x4000, $0x38;
	[tilespmem:$0x1CE00] =	vst v63  }
0x160: {  	_ =	swait.ge [sflag:s14], $0x4000  }
0x161: {  	[sflag:s14] =	ssyncset.done $0x0  }
0x162: {  	s22 =	simm.s32 $0x4200;
	[sflag:s14] =	ssyncadd.s32 $0xFFFFC000  }
0x163: {  	[tilespmem:s0], [sflag:$0x3] =	stream.indirect.gather [hbm4b:s1+s30], $0x80, s22, s30, $0xb8;
	[tilespmem:$0x1CE00] =	vst v63  }
0x164: {  	_ =	swait.ge [sflag:s15], $0x4000  }
0x165: {  	s23 =	sld [smem:$0x7EA]  }
0x166: {  	[sflag:s15] =	ssyncset.done $0x0  }
0x167: {  	[sflag:s15] =	ssyncadd.s32 $0xFFFFC000  }
0x168: {  	[hbm4b:s23+s4] =	stream.linear.scatter [tilespmem:s5], [sflag:$0xB], $0x4000, $0x38;
	[tilespmem:$0x1CE00] =	vst v63  }
0x169: {  	_ =	swait.ge [sflag:s16], $0x4000  }
0x16a: {  	[sflag:s16] =	ssyncset.done $0x0  }
0x16b: {  	s22 =	simm.s32 $0x4280;
	[sflag:s16] =	ssyncadd.s32 $0xFFFFC000  }
0x16c: {  	[tilespmem:s3], [sflag:$0x4] =	stream.indirect.gather [hbm4b:s1+s30], $0x80, s22, s30, $0xb8;
	[tilespmem:$0x1CE00] =	vst v63  }
0x16d: {  	_ =	swait.ge [sflag:s17], $0x4000  }
0x16e: {  	s23 =	sld [smem:$0x7EB]  }
0x16f: {  	[sflag:s17] =	ssyncset.done $0x0  }
0x170: {  	[sflag:s17] =	ssyncadd.s32 $0xFFFFC000  }
0x171: {  	[hbm4b:s23+s4] =	stream.linear.scatter [tilespmem:s8], [sflag:$0xC], $0x4000, $0x38;
	[tilespmem:$0x1CE00] =	vst v63  }
0x172: {  	_ =	swait.ge [sflag:s18], $0x4000  }
0x173: {  	[sflag:s18] =	ssyncset.done $0x0  }
0x174: {  	s22 =	simm.s32 $0x4300;
	[sflag:s18] =	ssyncadd.s32 $0xFFFFC000  }
0x175: {  	[tilespmem:s5], [sflag:$0x5] =	stream.indirect.gather [hbm4b:s1+s30], $0x80, s22, s30, $0xb8;
	[tilespmem:$0x1CE00] =	vst v63  }
0x176: {  	_ =	swait.ge [sflag:s7], $0x4000  }
0x177: {  	s23 =	sld [smem:$0x7EC]  }
0x178: {  	[sflag:s7] =	ssyncset.done $0x0  }
0x179: {  	[sflag:s7] =	ssyncadd.s32 $0xFFFFC000  }
0x17a: {  	[hbm4b:s23+s4] =	stream.linear.scatter [tilespmem:s31], [sflag:$0x7], $0x4000, $0x38;
	[tilespmem:$0x1CE00] =	vst v63  }
0x17b: {  	_ =	swait.ge [sflag:s19], $0x4000  }
0x17c: {  	[sflag:s19] =	ssyncset.done $0x0  }
0x17d: {  	s22 =	simm.s32 $0x4380;
	[sflag:s19] =	ssyncadd.s32 $0xFFFFC000  }
0x17e: {  	[tilespmem:s8], [sflag:$0x6] =	stream.indirect.gather [hbm4b:s1+s30], $0x80, s22, s30, $0xb8;
	[tilespmem:$0x1CE00] =	vst v63  }
0x17f: {  	_ =	swait.ge [sflag:s9], $0x4000  }
0x180: {  	s23 =	sld [smem:$0x7ED]  }
0x181: {  	[sflag:s9] =	ssyncset.done $0x0  }
0x182: {  	[sflag:s9] =	ssyncadd.s32 $0xFFFFC000  }
0x183: {  	[hbm4b:s23+s4] =	stream.linear.scatter [tilespmem:s2], [sflag:$0x8], $0x4000, $0x38;
	[tilespmem:$0x1CE00] =	vst v63  }
0x184: {  	_ =	swait.ge [sflag:s10], $0x4000  }
0x185: {  	[sflag:s10] =	ssyncset.done $0x0  }
0x186: {  	s22 =	simm.s32 $0x4400;
	[sflag:s10] =	ssyncadd.s32 $0xFFFFC000  }
0x187: {  	[tilespmem:s31], [sflag:$0x1] =	stream.indirect.gather [hbm4b:s1+s30], $0x80, s22, s30, $0xb8;
	[tilespmem:$0x1CE00] =	vst v63  }
0x188: {  	_ =	swait.ge [sflag:s11], $0x4000  }
0x189: {  	s23 =	sld [smem:$0x7EE]  }
0x18a: {  	[sflag:s11] =	ssyncset.done $0x0  }
0x18b: {  	[sflag:s11] =	ssyncadd.s32 $0xFFFFC000  }
0x18c: {  	[hbm4b:s23+s4] =	stream.linear.scatter [tilespmem:s0], [sflag:$0x9], $0x4000, $0x38;
	[tilespmem:$0x1CE00] =	vst v63  }
0x18d: {  	_ =	swait.ge [sflag:s12], $0x4000  }
0x18e: {  	[sflag:s12] =	ssyncset.done $0x0  }
0x18f: {  	s22 =	simm.s32 $0x4480;
	[sflag:s12] =	ssyncadd.s32 $0xFFFFC000  }
0x190: {  	[tilespmem:s2], [sflag:$0x2] =	stream.indirect.gather [hbm4b:s1+s30], $0x80, s22, s30, $0xb8;
	[tilespmem:$0x1CE00] =	vst v63  }
0x191: {  	_ =	swait.ge [sflag:s13], $0x4000  }
0x192: {  	s23 =	sld [smem:$0x7EF]  }
0x193: {  	[sflag:s13] =	ssyncset.done $0x0  }
0x194: {  	[sflag:s13] =	ssyncadd.s32 $0xFFFFC000  }
0x195: {  	[hbm4b:s23+s4] =	stream.linear.scatter [tilespmem:s3], [sflag:$0xA], $0x4000, $0x38;
	[tilespmem:$0x1CE00] =	vst v63  }
0x196: {  	_ =	swait.ge [sflag:s14], $0x4000  }
0x197: {  	[sflag:s14] =	ssyncset.done $0x0  }
0x198: {  	s22 =	simm.s32 $0x4500;
	[sflag:s14] =	ssyncadd.s32 $0xFFFFC000  }
0x199: {  	[tilespmem:s0], [sflag:$0x3] =	stream.indirect.gather [hbm4b:s1+s30], $0x80, s22, s30, $0xb8;
	[tilespmem:$0x1CE00] =	vst v63  }
0x19a: {  	_ =	swait.ge [sflag:s15], $0x4000  }
0x19b: {  	s23 =	sld [smem:$0x7F0]  }
0x19c: {  	[sflag:s15] =	ssyncset.done $0x0  }
0x19d: {  	[sflag:s15] =	ssyncadd.s32 $0xFFFFC000  }
0x19e: {  	[hbm4b:s23+s4] =	stream.linear.scatter [tilespmem:s5], [sflag:$0xB], $0x4000, $0x38;
	[tilespmem:$0x1CE00] =	vst v63  }
0x19f: {  	_ =	swait.ge [sflag:s16], $0x4000  }
0x1a0: {  	[sflag:s16] =	ssyncset.done $0x0  }
0x1a1: {  	s22 =	simm.s32 $0x4580;
	[sflag:s16] =	ssyncadd.s32 $0xFFFFC000  }
0x1a2: {  	[tilespmem:s3], [sflag:$0x4] =	stream.indirect.gather [hbm4b:s1+s30], $0x80, s22, s30, $0xb8;
	[tilespmem:$0x1CE00] =	vst v63  }
0x1a3: {  	_ =	swait.ge [sflag:s17], $0x4000  }
0x1a4: {  	s23 =	sld [smem:$0x7F1]  }
0x1a5: {  	[sflag:s17] =	ssyncset.done $0x0  }
0x1a6: {  	[sflag:s17] =	ssyncadd.s32 $0xFFFFC000  }
0x1a7: {  	[hbm4b:s23+s4] =	stream.linear.scatter [tilespmem:s8], [sflag:$0xC], $0x4000, $0x38;
	[tilespmem:$0x1CE00] =	vst v63  }
0x1a8: {  	_ =	swait.ge [sflag:s18], $0x4000  }
0x1a9: {  	[sflag:s18] =	ssyncset.done $0x0  }
0x1aa: {  	s22 =	simm.s32 $0x4600;
	[sflag:s18] =	ssyncadd.s32 $0xFFFFC000  }
0x1ab: {  	[tilespmem:s5], [sflag:$0x5] =	stream.indirect.gather [hbm4b:s1+s30], $0x80, s22, s30, $0xb8;
	[tilespmem:$0x1CE00] =	vst v63  }
0x1ac: {  	_ =	swait.ge [sflag:s7], $0x4000  }
0x1ad: {  	s23 =	sld [smem:$0x7F2]  }
0x1ae: {  	[sflag:s7] =	ssyncset.done $0x0  }
0x1af: {  	[sflag:s7] =	ssyncadd.s32 $0xFFFFC000  }
0x1b0: {  	[hbm4b:s23+s4] =	stream.linear.scatter [tilespmem:s31], [sflag:$0x7], $0x4000, $0x38;
	[tilespmem:$0x1CE00] =	vst v63  }
0x1b1: {  	_ =	swait.ge [sflag:s19], $0x4000  }
0x1b2: {  	[sflag:s19] =	ssyncset.done $0x0  }
0x1b3: {  	s22 =	simm.s32 $0x4680;
	[sflag:s19] =	ssyncadd.s32 $0xFFFFC000  }
0x1b4: {  	[tilespmem:s8], [sflag:$0x6] =	stream.indirect.gather [hbm4b:s1+s30], $0x80, s22, s30, $0xb8;
	[tilespmem:$0x1CE00] =	vst v63  }
0x1b5: {  	_ =	swait.ge [sflag:s9], $0x4000  }
0x1b6: {  	s23 =	sld [smem:$0x7F3]  }
0x1b7: {  	[sflag:s9] =	ssyncset.done $0x0  }
0x1b8: {  	[sflag:s9] =	ssyncadd.s32 $0xFFFFC000  }
0x1b9: {  	[hbm4b:s23+s4] =	stream.linear.scatter [tilespmem:s2], [sflag:$0x8], $0x4000, $0x38;
	[tilespmem:$0x1CE00] =	vst v63  }
0x1ba: {  	_ =	swait.ge [sflag:s10], $0x4000  }
0x1bb: {  	[sflag:s10] =	ssyncset.done $0x0  }
0x1bc: {  	s22 =	simm.s32 $0x4700;
	[sflag:s10] =	ssyncadd.s32 $0xFFFFC000  }
0x1bd: {  	[tilespmem:s31], [sflag:$0x1] =	stream.indirect.gather [hbm4b:s1+s30], $0x80, s22, s30, $0xb8;
	[tilespmem:$0x1CE00] =	vst v63  }
0x1be: {  	_ =	swait.ge [sflag:s11], $0x4000  }
0x1bf: {  	s23 =	sld [smem:$0x7F4]  }
0x1c0: {  	[sflag:s11] =	ssyncset.done $0x0  }
0x1c1: {  	[sflag:s11] =	ssyncadd.s32 $0xFFFFC000  }
0x1c2: {  	[hbm4b:s23+s4] =	stream.linear.scatter [tilespmem:s0], [sflag:$0x9], $0x4000, $0x38;
	[tilespmem:$0x1CE00] =	vst v63  }
0x1c3: {  	_ =	swait.ge [sflag:s12], $0x4000  }
0x1c4: {  	[sflag:s12] =	ssyncset.done $0x0  }
0x1c5: {  	s22 =	simm.s32 $0x4780;
	[sflag:s12] =	ssyncadd.s32 $0xFFFFC000  }
0x1c6: {  	[tilespmem:s2], [sflag:$0x2] =	stream.indirect.gather [hbm4b:s1+s30], $0x80, s22, s30, $0xb8;
	[tilespmem:$0x1CE00] =	vst v63  }
0x1c7: {  	_ =	swait.ge [sflag:s13], $0x4000  }
0x1c8: {  	s23 =	sld [smem:$0x7F5]  }
0x1c9: {  	[sflag:s13] =	ssyncset.done $0x0  }
0x1ca: {  	[sflag:s13] =	ssyncadd.s32 $0xFFFFC000  }
0x1cb: {  	[hbm4b:s23+s4] =	stream.linear.scatter [tilespmem:s3], [sflag:$0xA], $0x4000, $0x38;
	[tilespmem:$0x1CE00] =	vst v63  }
0x1cc: {  	_ =	swait.ge [sflag:s14], $0x4000  }
0x1cd: {  	[sflag:s14] =	ssyncset.done $0x0  }
0x1ce: {  	s22 =	simm.s32 $0x4800;
	[sflag:s14] =	ssyncadd.s32 $0xFFFFC000  }
0x1cf: {  	[tilespmem:s0], [sflag:$0x3] =	stream.indirect.gather [hbm4b:s1+s30], $0x80, s22, s30, $0xb8;
	[tilespmem:$0x1CE00] =	vst v63  }
0x1d0: {  	_ =	swait.ge [sflag:s15], $0x4000  }
0x1d1: {  	s23 =	sld [smem:$0x7F6]  }
0x1d2: {  	[sflag:s15] =	ssyncset.done $0x0  }
0x1d3: {  	[sflag:s15] =	ssyncadd.s32 $0xFFFFC000  }
0x1d4: {  	[hbm4b:s23+s4] =	stream.linear.scatter [tilespmem:s5], [sflag:$0xB], $0x4000, $0x38;
	[tilespmem:$0x1CE00] =	vst v63  }
0x1d5: {  	_ =	swait.ge [sflag:s16], $0x4000  }
0x1d6: {  	[sflag:s16] =	ssyncset.done $0x0  }
0x1d7: {  	s22 =	simm.s32 $0x4880;
	[sflag:s16] =	ssyncadd.s32 $0xFFFFC000  }
0x1d8: {  	[tilespmem:s3], [sflag:$0x4] =	stream.indirect.gather [hbm4b:s1+s30], $0x80, s22, s30, $0xb8;
	[tilespmem:$0x1CE00] =	vst v63  }
0x1d9: {  	_ =	swait.ge [sflag:s17], $0x4000  }
0x1da: {  	s23 =	sld [smem:$0x7F7]  }
0x1db: {  	[sflag:s17] =	ssyncset.done $0x0  }
0x1dc: {  	[sflag:s17] =	ssyncadd.s32 $0xFFFFC000  }
0x1dd: {  	[hbm4b:s23+s4] =	stream.linear.scatter [tilespmem:s8], [sflag:$0xC], $0x4000, $0x38;
	[tilespmem:$0x1CE00] =	vst v63  }
0x1de: {  	_ =	swait.ge [sflag:s18], $0x4000  }
0x1df: {  	[sflag:s18] =	ssyncset.done $0x0  }
0x1e0: {  	s22 =	simm.s32 $0x4900;
	[sflag:s18] =	ssyncadd.s32 $0xFFFFC000  }
0x1e1: {  	[tilespmem:s5], [sflag:$0x5] =	stream.indirect.gather [hbm4b:s1+s30], $0x80, s22, s30, $0xb8;
	[tilespmem:$0x1CE00] =	vst v63  }
0x1e2: {  	_ =	swait.ge [sflag:s7], $0x4000  }
0x1e3: {  	s23 =	sld [smem:$0x7F8]  }
0x1e4: {  	[sflag:s7] =	ssyncset.done $0x0  }
0x1e5: {  	[sflag:s7] =	ssyncadd.s32 $0xFFFFC000  }
0x1e6: {  	[hbm4b:s23+s4] =	stream.linear.scatter [tilespmem:s31], [sflag:$0x7], $0x4000, $0x38;
	[tilespmem:$0x1CE00] =	vst v63  }
0x1e7: {  	_ =	swait.ge [sflag:s19], $0x4000  }
0x1e8: {  	[sflag:s19] =	ssyncset.done $0x0  }
0x1e9: {  	s22 =	simm.s32 $0x4980;
	[sflag:s19] =	ssyncadd.s32 $0xFFFFC000  }
0x1ea: {  	[tilespmem:s8], [sflag:$0x6] =	stream.indirect.gather [hbm4b:s1+s30], $0x80, s22, s30, $0xb8;
	[tilespmem:$0x1CE00] =	vst v63  }
0x1eb: {  	_ =	swait.ge [sflag:s9], $0x4000  }
0x1ec: {  	s23 =	sld [smem:$0x7F9]  }
0x1ed: {  	[sflag:s9] =	ssyncset.done $0x0  }
0x1ee: {  	[sflag:s9] =	ssyncadd.s32 $0xFFFFC000  }
0x1ef: {  	[hbm4b:s23+s4] =	stream.linear.scatter [tilespmem:s2], [sflag:$0x8], $0x4000, $0x38;
	[tilespmem:$0x1CE00] =	vst v63  }
0x1f0: {  	_ =	swait.ge [sflag:s10], $0x4000  }
0x1f1: {  	[sflag:s10] =	ssyncset.done $0x0  }
0x1f2: {  	s22 =	simm.s32 $0x4A00;
	[sflag:s10] =	ssyncadd.s32 $0xFFFFC000  }
0x1f3: {  	[tilespmem:s31], [sflag:$0x1] =	stream.indirect.gather [hbm4b:s1+s30], $0x80, s22, s30, $0xb8;
	[tilespmem:$0x1CE00] =	vst v63  }
0x1f4: {  	_ =	swait.ge [sflag:s11], $0x4000  }
0x1f5: {  	s23 =	sld [smem:$0x7FA]  }
0x1f6: {  	[sflag:s11] =	ssyncset.done $0x0  }
0x1f7: {  	[sflag:s11] =	ssyncadd.s32 $0xFFFFC000  }
0x1f8: {  	[hbm4b:s23+s4] =	stream.linear.scatter [tilespmem:s0], [sflag:$0x9], $0x4000, $0x38;
	[tilespmem:$0x1CE00] =	vst v63  }
0x1f9: {  	_ =	swait.ge [sflag:s12], $0x4000  }
0x1fa: {  	[sflag:s12] =	ssyncset.done $0x0  }
0x1fb: {  	s22 =	simm.s32 $0x4A80;
	[sflag:s12] =	ssyncadd.s32 $0xFFFFC000  }
0x1fc: {  	[tilespmem:s2], [sflag:$0x2] =	stream.indirect.gather [hbm4b:s1+s30], $0x80, s22, s30, $0xb8;
	[tilespmem:$0x1CE00] =	vst v63  }
0x1fd: {  	_ =	swait.ge [sflag:s13], $0x4000  }
0x1fe: {  	s23 =	sld [smem:$0x7FB]  }
0x1ff: {  	[sflag:s13] =	ssyncset.done $0x0  }
0x200: {  	[sflag:s13] =	ssyncadd.s32 $0xFFFFC000  }
0x201: {  	[hbm4b:s23+s4] =	stream.linear.scatter [tilespmem:s3], [sflag:$0xA], $0x4000, $0x38;
	[tilespmem:$0x1CE00] =	vst v63  }
0x202: {  	_ =	swait.ge [sflag:s15], $0x4000  }
0x203: {  	s22 =	sld [smem:$0x7FC]  }
0x204: {  	[sflag:s15] =	ssyncset.done $0x0  }
0x205: {  	[sflag:s15] =	ssyncadd.s32 $0xFFFFC000  }
0x206: {  	[hbm4b:s22+s4] =	stream.linear.scatter [tilespmem:s5], [sflag:$0xB], $0x4000, $0x38;
	[tilespmem:$0x1CE00] =	vst v63  }
0x207: {  	_ =	swait.ge [sflag:s17], $0x4000  }
0x208: {  	s23 =	sld [smem:$0x7FD]  }
0x209: {  	[sflag:s17] =	ssyncset.done $0x0  }
0x20a: {  	[sflag:s17] =	ssyncadd.s32 $0xFFFFC000  }
0x20b: {  	[hbm4b:s23+s4] =	stream.linear.scatter [tilespmem:s8], [sflag:$0xC], $0x4000, $0x38;
	[tilespmem:$0x1CE00] =	vst v63  }
0x20c: {  	_ =	swait.ge [sflag:s7], $0x4000  }
0x20d: {  	[sflag:s7] =	ssyncset.done $0x0  }
0x20e: {  	[sflag:s7] =	ssyncadd.s32 $0xFFFFC000  }
0x20f: {  	[hbm4b:s25+s4] =	stream.linear.scatter [tilespmem:s31], [sflag:$0x7], $0x4000, $0x38;
	[tilespmem:$0x1CE00] =	vst v63  }
0x210: {  	_ =	swait.ge [sflag:s9], $0x4000  }
0x211: {  	[sflag:s9] =	ssyncset.done $0x0  }
0x212: {  	[sflag:s9] =	ssyncadd.s32 $0xFFFFC000  }
0x213: {  	[hbm4b:s26+s4] =	stream.linear.scatter [tilespmem:s2], [sflag:$0x8], $0x4000, $0x38;
	[tilespmem:$0x1CE00] =	vst v63  }
0x214: {  	_ =	swait.ge [sflag:s14], $0x4000  }
0x215: {  	[sflag:s14] =	ssyncset.done $0x0  }
0x216: {  	[sflag:s14] =	ssyncadd.s32 $0xFFFFC000  }
0x217: {  	_ =	swait.ge [sflag:s16], $0x4000  }
0x218: {  	[sflag:s16] =	ssyncset.done $0x0  }
0x219: {  	[sflag:s16] =	ssyncadd.s32 $0xFFFFC000  }
0x21a: {  	_ =	swait.ge [sflag:s18], $0x4000  }
0x21b: {  	[sflag:s18] =	ssyncset.done $0x0  }
0x21c: {  	[sflag:s18] =	ssyncadd.s32 $0xFFFFC000  }
0x21d: {  	_ =	swait.ge [sflag:s19], $0x4000  }
0x21e: {  	[sflag:s19] =	ssyncset.done $0x0  }
0x21f: {  	s20 =	sadd.s32 $0x1, s20;
	[sflag:s19] =	ssyncadd.s32 $0xFFFFC000  }
0x220: {  	p0 =	sne.s32 s20, s6;
	_ =	swait.ge [sflag:s10], $0x4000  }
.Ltmp1:
0x221: {  	[sflag:s10] =	ssyncset.done $0x0;
	(pc) =	sbr.rel @p0 .LBB2_1-.Ltmp1, $4  }
0x222: {  	[sflag:s10] =	ssyncadd.s32 $0xFFFFC000  }
0x223: {  	_ =	swait.ge [sflag:s12], $0x4000  }
0x224: {  	[sflag:s12] =	ssyncset.done $0x0  }
0x225: {  	[sflag:s12] =	ssyncadd.s32 $0xFFFFC000  }
0x226: {  	_ =	sfence.sel $0x180000  }
0x227: {  	[bflag:$0x0] =	sbarrier.arrive $0xFFFF  }
0x228: {  	_ =	strace $0x90000047  }
0x229: {  	s0 =	stileid.u32;
	[bflag:$0x2] =	sbarrier.arrive $0xFFFF  }
0x22a: {  	p0 =	sne.s32 s0, $0x0;
	s0 =	rddreg [dreg:$0x4]  }
0x22b: {  	s0 =	sadd.s32 @!p0 $0x100000, s0  }
0x22c: {  	[sflag:s0] =	ssyncadd.tile.s32 @!p0 $0x1;
	_ =	shalt  }
.Lfunc_end2:
_tile_overlayer_lowered:
.L_overlay_start_2:
0x22d: {  	(tag) =	ssettag $0x2  }
0x22e: {  	s0 =	rddreg [dreg:$0x0];
	s2 =	stileid.u32  }
0x22f: {  	s1 =	rddreg [dreg:$0x1];
	p0 =	sne.s32 s2, $0x0  }
0x230: {  	s3 =	rddreg [dreg:$0x2];
	[bflag:$0x3] =	sbarrier.arrive $0xFFFF;
	s2 =	simm.s32 @!p0 $0x1C0D  }
0x231: {  	[timem:s3], [sflag:s2] =	dma.local @!p0 [hbm:s0], s1  }
0x232: {  	s0 =	simm.s32 @!p0 $0xD  }
0x233: {  	_ =	swait.ge @!p0 [sflag:s0], s1  }
0x234: {  	s1 =	ssub.s32 @!p0 $0x0, s1;
	[sflag:s0] =	ssyncset.done @!p0 $0x0  }
0x235: {  	[sflag:s0] =	ssyncadd.s32 @!p0 s1  }
0x236: {  	[bflag:$0x3] =	sbarrier.arrive $0xFFFF  }
0x237: {  	_ =	shalt  }

</sc_bundles>
